<compile_context>
chip_gen: v7x
topology: tpu7x:2x2x1
jax: 0.10.2.dev20260603
libtpu: 0.0.44.dev20260713+nightly
codegen_flags: <defaults>
</compile_context>

<pallas_src>
import functools

import jax
import jax.numpy as jnp
from jax import lax
from jax.experimental import pallas as pl
from jax.experimental.pallas import tpu as pltpu
from jax.experimental.pallas import tpu_sc as plsc

B, N, IN_DIM, OUT_DIM, K = 8, 4096, 3, 64, 16
MID = OUT_DIM // 2
S = N // 2
EPS = 1e-5
BN_TOT = B * N
BS_TOT = B * S
TW = 128
FOFF = 16
SQ = 256

NW = 32
QPW = BS_TOT // NW
IPW = QPW * K
QPC = 8
IPC = QPC * K
NCHUNK = QPW // QPC



def _mlp1_body(x_ref, w1_ref, b1_ref, g1_ref, bt1_ref, w2_ref, b2_ref,
               out_ref):
    xc = x_ref[...]
    h = lax.dot_general(w1_ref[...], xc, (((1,), (0,)), ((), ())),
                        preferred_element_type=jnp.float32)
    h = h + b1_ref[...]
    m = jnp.mean(h, axis=1, keepdims=True)
    v = jnp.mean((h - m) ** 2, axis=1, keepdims=True)
    h = (h - m) / jnp.sqrt(v + EPS) * g1_ref[...] + bt1_ref[...]
    h = jnp.maximum(h, 0.0)
    f = lax.dot_general(w2_ref[...], h, (((1,), (0,)), ((), ())),
                        preferred_element_type=jnp.float32)
    f = f + b2_ref[...]
    z = jnp.zeros((BN_TOT, FOFF - 3), jnp.float32)
    z2 = jnp.zeros((BN_TOT, TW - FOFF - OUT_DIM), jnp.float32)
    out_ref[...] = jnp.concatenate([xc.T, z, f.T, z2], axis=1)


def _mlp1(xc, W1, b1, g1, bt1, W2, b2):
    return pl.pallas_call(
        _mlp1_body,
        out_shape=jax.ShapeDtypeStruct((BN_TOT, TW), jnp.float32),
    )(xc, W1, b1.reshape(MID, 1), g1.reshape(MID, 1), bt1.reshape(MID, 1),
      W2, b2.reshape(OUT_DIM, 1))



def _fps_body(xt_ref, nx_ref):
    x0 = xt_ref[0]
    x1 = xt_ref[1]
    x2 = xt_ref[2]
    lanesf = lax.broadcasted_iota(jnp.int32, (B, N), 1).astype(jnp.float32)

    def body(i, carry):
        dist, c0, c1, c2 = carry
        nx_ref[pl.ds(i, 1), :, :] = jnp.concatenate(
            [c0, c1, c2], axis=1)[None]
        d = ((x0 - c0) ** 2 + (x1 - c1) ** 2) + (x2 - c2) ** 2
        dist = jnp.minimum(dist, d)
        mx = jnp.max(dist, axis=1, keepdims=True)
        jf = jnp.min(jnp.where(dist == mx, lanesf, float(N)),
                     axis=1, keepdims=True)
        sel = lanesf == jf
        c0 = jnp.sum(jnp.where(sel, x0, 0.0), axis=1, keepdims=True)
        c1 = jnp.sum(jnp.where(sel, x1, 0.0), axis=1, keepdims=True)
        c2 = jnp.sum(jnp.where(sel, x2, 0.0), axis=1, keepdims=True)
        return dist, c0, c1, c2

    dist0 = jnp.full((B, N), 1e10, jnp.float32)
    lax.fori_loop(0, S, body,
                  (dist0, x0[:, 0:1], x1[:, 0:1], x2[:, 0:1]))


def _fps(xt):
    return pl.pallas_call(
        _fps_body,
        out_shape=jax.ShapeDtypeStruct((S, B, 3), jnp.float32),
    )(xt)



def _knn_body(nx_ref, x_ref, xt_ref, idx_ref):
    b = pl.program_id(0)
    q = nx_ref[0]
    xb = x_ref[0]
    xt = xt_ref[0]
    ab = lax.dot_general(q, xb, (((1,), (1,)), ((), ())),
                         preferred_element_type=jnp.float32)
    qsq = jnp.sum(q * q, axis=1, keepdims=True)
    xsq = jnp.sum(xt * xt, axis=0, keepdims=True)
    sq = (-2.0 * ab + qsq) + xsq
    lanesf = lax.broadcasted_iota(jnp.int32, (SQ, N), 1).astype(jnp.float32)
    boff = b * N
    for k in range(K):
        mn = jnp.min(sq, axis=1, keepdims=True)
        jf = jnp.min(jnp.where(sq == mn, lanesf, float(N)),
                     axis=1, keepdims=True)
        idx_ref[0, :, pl.ds(k, 1)] = jf.astype(jnp.int32) + boff
        sq = jnp.where(lanesf == jf, jnp.inf, sq)


def _knn(new_xyz, x_in, xtb):
    return pl.pallas_call(
        _knn_body,
        grid=(B, S // SQ),
        in_specs=[
            pl.BlockSpec((1, SQ, 3), lambda b, t: (b, t, 0)),
            pl.BlockSpec((1, N, 3), lambda b, t: (b, 0, 0)),
            pl.BlockSpec((1, 3, N), lambda b, t: (b, 0, 0)),
        ],
        out_specs=pl.BlockSpec((1, SQ, K), lambda b, t: (b, t, 0)),
        out_shape=jax.ShapeDtypeStruct((B, S, K), jnp.int32),
        compiler_params=pltpu.CompilerParams(
            dimension_semantics=("parallel", "parallel")),
    )(new_xyz, x_in, xtb)



def _scpool_body(tab_hbm, idx_hbm, out_hbm, idx_v, gt, ot, sem):
    wid = lax.axis_index("s") * 2 + lax.axis_index("c")
    base_q = wid * QPW
    pltpu.sync_copy(idx_hbm.at[pl.ds(wid * NCHUNK, NCHUNK)], idx_v)

    def chunk(ck, carry):
        irow = idx_v.at[ck]
        pltpu.async_copy(tab_hbm.at[irow], gt, sem).wait()
        for q in range(QPC):
            orow = ck * QPC + q
            for cc in range((FOFF + OUT_DIM) // 16):
                m = gt[q * K, pl.ds(cc * 16, 16)]
                for r in range(1, K):
                    m = jnp.maximum(m, gt[q * K + r, pl.ds(cc * 16, 16)])
                ot[orow, pl.ds(cc * 16, 16)] = m
        return carry

    lax.fori_loop(0, NCHUNK, chunk, 0)
    pltpu.sync_copy(ot, out_hbm.at[pl.ds(base_q, QPW)])


@functools.cache
def _scpool_build():
    return pl.kernel(
        _scpool_body,
        out_type=jax.ShapeDtypeStruct((BS_TOT, TW), jnp.float32),
        mesh=plsc.VectorSubcoreMesh(core_axis_name="c", subcore_axis_name="s"),
        scratch_types=[
            pltpu.VMEM((NCHUNK, IPC), jnp.int32),
            pltpu.VMEM((IPC, TW), jnp.float32),
            pltpu.VMEM((QPW, TW), jnp.float32),
            pltpu.SemaphoreType.DMA,
        ],
    )


def _scpool(tab, idxf):
    return _scpool_build()(tab, idxf)



def _mlp2_body(pool_ref, nx_ref, w3_ref, b3_ref, g2_ref, bt2_ref,
               w4_ref, b4_ref, out_ref):
    xyz = pool_ref[:, 0:3] - nx_ref[...]
    xm = jnp.concatenate([xyz, pool_ref[:, FOFF:FOFF + OUT_DIM]], axis=1)
    h = lax.dot_general(xm, w3_ref[...], (((1,), (1,)), ((), ())),
                        preferred_element_type=jnp.float32)
    h = h + b3_ref[...]
    m = jnp.mean(h, axis=0, keepdims=True)
    v = jnp.mean((h - m) ** 2, axis=0, keepdims=True)
    h = (h - m) / jnp.sqrt(v + EPS) * g2_ref[...] + bt2_ref[...]
    h = jnp.maximum(h, 0.0)
    o = lax.dot_general(h, w4_ref[...], (((1,), (1,)), ((), ())),
                        preferred_element_type=jnp.float32)
    out_ref[...] = o + b4_ref[...]


def _mlp2(pool, nx, W3, b3, g2, bt2, W4, b4):
    return pl.pallas_call(
        _mlp2_body,
        out_shape=jax.ShapeDtypeStruct((BS_TOT, OUT_DIM), jnp.float32),
    )(pool, nx, W3, b3.reshape(1, OUT_DIM), g2.reshape(1, OUT_DIM),
      bt2.reshape(1, OUT_DIM), W4, b4.reshape(1, OUT_DIM))



def kernel(x_in, W1, b1, g1, bt1, W2, b2, W3, b3, g2, bt2, W4, b4):
    xt = jnp.transpose(x_in, (2, 0, 1))
    tab = _mlp1(xt.reshape(3, BN_TOT), W1, b1, g1, bt1, W2, b2)
    nxt = _fps(xt)
    new_xyz = jnp.transpose(nxt, (1, 0, 2))
    idx = _knn(new_xyz, x_in, jnp.transpose(x_in, (0, 2, 1)))
    pool = _scpool(tab, idx.reshape(NW * NCHUNK, IPC))
    out = _mlp2(pool, new_xyz.reshape(BS_TOT, 3),
                W3, b3, g2, bt2, W4, b4)
    return out.reshape(B, S, OUT_DIM)

# --- scband reference (transcript-rebuilt; emitter-appended) ---
"""Pipeline reference for scband-pcdown-62792421868384 (READ-ONLY COPY).

The authoritative reference and input builder live on the scoring server;
editing this copy changes nothing except your own understanding.
"""

import jax, jax.numpy as jnp
import numpy as np

B, N, IN_DIM, OUT_DIM, K = 8, 4096, 3, 64, 16
MID = OUT_DIM // 2
S = N // 2
EPS = 1e-5


def conv1x1(x, W, b):
    return jnp.einsum('oc,bcl->bol', W, x) + b[None, :, None]


def batchnorm(x, g, bt):
    m = jnp.mean(x, axis=(0, 2), keepdims=True)
    v = jnp.var(x, axis=(0, 2), keepdims=True)
    return (x - m) / jnp.sqrt(v + EPS) * g[None, :, None] + bt[None, :, None]


def fps(xyz, npoint):
    Bb, Nn, C = xyz.shape

    def body(i, state):
        dist, far, idxs = state
        idxs = idxs.at[:, i].set(far)
        centroid = jnp.take_along_axis(xyz, far[:, None, None], axis=1)
        d = jnp.sum((xyz - centroid) ** 2, axis=-1)
        dist = jnp.minimum(dist, d)
        far = jnp.argmax(dist, axis=-1).astype(jnp.int32)
        return (dist, far, idxs)

    dist0 = jnp.full((Bb, Nn), 1e10, jnp.float32)
    far0 = jnp.zeros((Bb,), jnp.int32)
    idxs0 = jnp.zeros((Bb, npoint), jnp.int32)
    _, _, idxs = jax.lax.fori_loop(0, npoint, body, (dist0, far0, idxs0))
    return idxs


def setup_inputs(seed: int = 0):
    key = jax.random.key(seed)
    ks = jax.random.split(key, 14)

    def w(k, shape, fan_in):
        return jax.random.normal(k, shape, jnp.float32) / np.sqrt(fan_in)

    return {
        'x_in': jax.random.normal(ks[0], (B, N, IN_DIM), jnp.float32),
        'W1': w(ks[1], (MID, IN_DIM), IN_DIM),
        'b1': jnp.zeros((MID,), jnp.float32),
        'g1': jnp.ones((MID,), jnp.float32),
        'bt1': jnp.zeros((MID,), jnp.float32),
        'W2': w(ks[2], (OUT_DIM, MID), MID),
        'b2': jnp.zeros((OUT_DIM,), jnp.float32),
        'W3': w(ks[3], (OUT_DIM, OUT_DIM + IN_DIM), OUT_DIM + IN_DIM),
        'b3': jnp.zeros((OUT_DIM,), jnp.float32),
        'g2': jnp.ones((OUT_DIM,), jnp.float32),
        'bt2': jnp.zeros((OUT_DIM,), jnp.float32),
        'W4': w(ks[3], (OUT_DIM, OUT_DIM), OUT_DIM),
        'b4': jnp.zeros((OUT_DIM,), jnp.float32),
    }


def reference(x_in, W1, b1, g1, bt1, W2, b2, W3, b3, g2, bt2, W4, b4):
    # first_mlp: conv1x1 -> BN (training-mode batch stats) -> ReLU -> conv1x1
    xT = jnp.transpose(x_in, (0, 2, 1))
    h = conv1x1(xT, W1, b1)
    h = jax.nn.relu(batchnorm(h, g1, bt1))
    h = conv1x1(h, W2, b2)
    feats = jnp.transpose(h, (0, 2, 1))  # [B, N, OUT_DIM]

    # sample_and_group(npoint=N//2, nsample=K, xyz=x_in, points=feats)
    fps_idx = fps(jax.lax.stop_gradient(x_in), S)  # [B, S]
    new_xyz = jnp.take_along_axis(x_in, fps_idx[:, :, None].astype(jnp.int32), axis=1)  # [B, S, 3]
    sq = -2.0 * jnp.matmul(new_xyz, jnp.transpose(x_in, (0, 2, 1)))
    sq = sq + jnp.sum(new_xyz ** 2, axis=-1)[:, :, None] + jnp.sum(x_in ** 2, axis=-1)[:, None, :]
    idx = jax.lax.top_k(-jax.lax.stop_gradient(sq), K)[1]  # smallest-K distances, [B, S, K]
    bidx = jnp.arange(B)[:, None, None]
    grouped_xyz = x_in[bidx, idx]  # [B, S, K, 3]
    grouped_norm = grouped_xyz - new_xyz[:, :, None, :]
    grouped_pts = feats[bidx, idx]  # [B, S, K, OUT_DIM]
    new_points = jnp.concatenate([grouped_norm, grouped_pts], axis=-1)  # [B, S, K, 3+OUT_DIM]

    xm = jnp.max(new_points, axis=-2)  # [B, S, 3+OUT_DIM]
    xm = jnp.transpose(xm, (0, 2, 1))
    h2 = conv1x1(xm, W3, b3)
    h2 = jax.nn.relu(batchnorm(h2, g2, bt2))
    h2 = conv1x1(h2, W4, b4)
    return jnp.transpose(h2, (0, 2, 1))  # [B, S, OUT_DIM]

if __name__ == "__main__":
    import jax
    _d = setup_inputs()
    print(jax.jit(kernel)(*tuple(_d.values())))

</pallas_src>

<mosaic_0001>
#map = affine_map<(d0, d1) -> (0, 0)>
module attributes {stable_mosaic.version = 14 : i64} {
  func.func @_scpool_body(%arg0: i32, %arg1: i32, %arg2: memref<32768x128xf32, #tpu.memory_space<hbm>>, %arg3: memref<2048x128xi32, #tpu.memory_space<hbm>>, %arg4: memref<16384x128xf32, #tpu.memory_space<hbm>>, %arg5: memref<64x128xi32, #tpu.memory_space<vmem>>, %arg6: memref<128x128xf32, #tpu.memory_space<vmem>>, %arg7: memref<512x128xf32, #tpu.memory_space<vmem>>, %arg8: memref<!tpu.dma_semaphore, #tpu.memory_space<semaphore_mem>>) attributes {dimension_semantics = [#tpu.dimension_semantics<core_parallel>, #tpu.dimension_semantics<subcore_parallel>], iteration_bounds = array<i64: 2, 16>, scalar_prefetch = 0 : i64, scratch_operands = 4 : i64, tpu.core_type = #tpu.core_type<sc_vector_subcore>, window_params = [{transform_indices = #map}, {transform_indices = #map}, {transform_indices = #map}]} {
    %mul3A = arith.constant 2 : i32
    %mul3A_0 = arith.muli %arg1, %mul3A : i32
    %add3A = arith.addi %mul3A_0, %arg0 : i32
    %mul3A_1 = arith.constant 512 : i32
    %mul3A_2 = arith.muli %add3A, %mul3A_1 : i32
    %mul3A_3 = arith.constant 64 : i32
    %mul3A_4 = arith.muli %add3A, %mul3A_3 : i32
    "tpu.region"() ({
      %run_scoped3A = tpu.sem_alloc : memref<!tpu.dma_semaphore, #tpu.memory_space<semaphore_mem>>
      %dma_start3A = arith.constant 0 : i32
      %dma_start3A_10 = tpu.memref_slice %arg3[%mul3A_4, %dma_start3A] : memref<2048x128xi32, #tpu.memory_space<hbm>> -> memref<64x128xi32, #tpu.memory_space<hbm>>
      %dma_start3A_11 = arith.constant 0 : i32
      %dma_start3A_12 = tpu.memref_slice %arg3[%mul3A_4, %dma_start3A_11] : memref<2048x128xi32, #tpu.memory_space<hbm>> -> memref<64x128xi32, #tpu.memory_space<hbm>>
      tpu.enqueue_dma source(%dma_start3A_12 : memref<64x128xi32, #tpu.memory_space<hbm>>) target(%arg5 : memref<64x128xi32, #tpu.memory_space<vmem>>) target_semaphore(%run_scoped3A : memref<!tpu.dma_semaphore, #tpu.memory_space<semaphore_mem>>)
      %dma_wait3A = arith.constant 0 : i32
      %dma_wait3A_13 = tpu.memref_slice %arg3[%mul3A_4, %dma_wait3A] : memref<2048x128xi32, #tpu.memory_space<hbm>> -> memref<64x128xi32, #tpu.memory_space<hbm>>
      %dma_wait3A_14 = arith.constant 0 : i32
      %dma_wait3A_15 = tpu.memref_slice %arg3[%mul3A_4, %dma_wait3A_14] : memref<2048x128xi32, #tpu.memory_space<hbm>> -> memref<64x128xi32, #tpu.memory_space<hbm>>
      tpu.wait_dma2 semaphore(%run_scoped3A : memref<!tpu.dma_semaphore, #tpu.memory_space<semaphore_mem>>) src(%dma_wait3A_15 : memref<64x128xi32, #tpu.memory_space<hbm>>) dst(%arg5 : memref<64x128xi32, #tpu.memory_space<vmem>>)
      tpu.yield
    }) : () -> ()
    %scan3A = arith.constant 0 : i32
    %scan3A_5 = arith.constant 0 : i32
    %scan3A_6 = arith.constant 64 : i32
    %scan3A_7 = arith.addi %scan3A_5, %scan3A_6 : i32
    %scan3A_8 = arith.constant 1 : i32
    scf.for %scan3A_10 = %scan3A_5 to %scan3A_7 step %scan3A_8  : i32 {
      %dma_start3A = arith.constant 0 : i32
      %dma_start3A_11 = tpu.memref_slice %arg5[%scan3A_10, %dma_start3A] : memref<64x128xi32, #tpu.memory_space<vmem>> -> memref<1x128xi32, #tpu.memory_space<vmem>>
      %dma_start3A_12 = tpu.memref_squeeze %dma_start3A_11 : memref<1x128xi32, #tpu.memory_space<vmem>> -> memref<128xi32, #tpu.memory_space<vmem>>
      %dma_start3A_13 = arith.constant 0 : i32
      %dma_start3A_14 = arith.constant 0 : i32
      %dma_start3A_15 = tpu.memref_slice %arg2[%dma_start3A_13, %dma_start3A_14] : memref<32768x128xf32, #tpu.memory_space<hbm>> -> memref<32768x128xf32, #tpu.memory_space<hbm>>
      tpu.enqueue_indirect_dma source(%dma_start3A_15 : memref<32768x128xf32, #tpu.memory_space<hbm>>) target(%arg6 : memref<128x128xf32, #tpu.memory_space<vmem>>) offsets(%dma_start3A_12 : memref<128xi32, #tpu.memory_space<vmem>>) semaphore(%arg8 : memref<!tpu.dma_semaphore, #tpu.memory_space<semaphore_mem>>)
      %dma_wait3A = arith.constant 0 : i32
      %dma_wait3A_16 = tpu.memref_slice %arg5[%scan3A_10, %dma_wait3A] : memref<64x128xi32, #tpu.memory_space<vmem>> -> memref<1x128xi32, #tpu.memory_space<vmem>>
      %dma_wait3A_17 = tpu.memref_squeeze %dma_wait3A_16 : memref<1x128xi32, #tpu.memory_space<vmem>> -> memref<128xi32, #tpu.memory_space<vmem>>
      %dma_wait3A_18 = arith.constant 0 : i32
      %dma_wait3A_19 = arith.constant 0 : i32
      %dma_wait3A_20 = tpu.memref_slice %arg2[%dma_wait3A_18, %dma_wait3A_19] : memref<32768x128xf32, #tpu.memory_space<hbm>> -> memref<32768x128xf32, #tpu.memory_space<hbm>>
      tpu.wait_indirect_dma semaphore(%arg8 : memref<!tpu.dma_semaphore, #tpu.memory_space<semaphore_mem>>) src(%dma_wait3A_20 : memref<32768x128xf32, #tpu.memory_space<hbm>>) dst(%arg6 : memref<128x128xf32, #tpu.memory_space<vmem>>)
      %mul3A_21 = arith.constant 8 : i32
      %mul3A_22 = arith.muli %scan3A_10, %mul3A_21 : i32
      %add3A_23 = arith.constant 0 : i32
      %add3A_24 = arith.addi %mul3A_22, %add3A_23 : i32
      %get3A = arith.constant 0 : i32
      %get3A_25 = arith.index_cast %get3A : i32 to index
      %get3A_26 = arith.constant 0 : index
      %get3A_27 = tpu.vector_load %arg6[%get3A_25, %get3A_26] {strides = array<i32>} : memref<128x128xf32, #tpu.memory_space<vmem>>, vector<1x16xf32>,
      %get3A_28 = vector.shape_cast %get3A_27 : vector<1x16xf32> to vector<16xf32>
      %get3A_29 = arith.constant 1 : i32
      %get3A_30 = arith.index_cast %get3A_29 : i32 to index
      %get3A_31 = arith.constant 0 : index
      %get3A_32 = tpu.vector_load %arg6[%get3A_30, %get3A_31] {strides = array<i32>} : memref<128x128xf32, #tpu.memory_space<vmem>>, vector<1x16xf32>,
      %get3A_33 = vector.shape_cast %get3A_32 : vector<1x16xf32> to vector<16xf32>
      %max3A = arith.maximumf %get3A_28, %get3A_33 : vector<16xf32>
      %get3A_34 = arith.constant 2 : i32
      %get3A_35 = arith.index_cast %get3A_34 : i32 to index
      %get3A_36 = arith.constant 0 : index
      %get3A_37 = tpu.vector_load %arg6[%get3A_35, %get3A_36] {strides = array<i32>} : memref<128x128xf32, #tpu.memory_space<vmem>>, vector<1x16xf32>,
      %get3A_38 = vector.shape_cast %get3A_37 : vector<1x16xf32> to vector<16xf32>
      %max3A_39 = arith.maximumf %max3A, %get3A_38 : vector<16xf32>
      %get3A_40 = arith.constant 3 : i32
      %get3A_41 = arith.index_cast %get3A_40 : i32 to index
      %get3A_42 = arith.constant 0 : index
      %get3A_43 = tpu.vector_load %arg6[%get3A_41, %get3A_42] {strides = array<i32>} : memref<128x128xf32, #tpu.memory_space<vmem>>, vector<1x16xf32>,
      %get3A_44 = vector.shape_cast %get3A_43 : vector<1x16xf32> to vector<16xf32>
      %max3A_45 = arith.maximumf %max3A_39, %get3A_44 : vector<16xf32>
      %get3A_46 = arith.constant 4 : i32
      %get3A_47 = arith.index_cast %get3A_46 : i32 to index
      %get3A_48 = arith.constant 0 : index
      %get3A_49 = tpu.vector_load %arg6[%get3A_47, %get3A_48] {strides = array<i32>} : memref<128x128xf32, #tpu.memory_space<vmem>>, vector<1x16xf32>,
      %get3A_50 = vector.shape_cast %get3A_49 : vector<1x16xf32> to vector<16xf32>
      %max3A_51 = arith.maximumf %max3A_45, %get3A_50 : vector<16xf32>
      %get3A_52 = arith.constant 5 : i32
      %get3A_53 = arith.index_cast %get3A_52 : i32 to index
      %get3A_54 = arith.constant 0 : index
      %get3A_55 = tpu.vector_load %arg6[%get3A_53, %get3A_54] {strides = array<i32>} : memref<128x128xf32, #tpu.memory_space<vmem>>, vector<1x16xf32>,
      %get3A_56 = vector.shape_cast %get3A_55 : vector<1x16xf32> to vector<16xf32>
      %max3A_57 = arith.maximumf %max3A_51, %get3A_56 : vector<16xf32>
      %get3A_58 = arith.constant 6 : i32
      %get3A_59 = arith.index_cast %get3A_58 : i32 to index
      %get3A_60 = arith.constant 0 : index
      %get3A_61 = tpu.vector_load %arg6[%get3A_59, %get3A_60] {strides = array<i32>} : memref<128x128xf32, #tpu.memory_space<vmem>>, vector<1x16xf32>,
      %get3A_62 = vector.shape_cast %get3A_61 : vector<1x16xf32> to vector<16xf32>
      %max3A_63 = arith.maximumf %max3A_57, %get3A_62 : vector<16xf32>
      %get3A_64 = arith.constant 7 : i32
      %get3A_65 = arith.index_cast %get3A_64 : i32 to index
      %get3A_66 = arith.constant 0 : index
      %get3A_67 = tpu.vector_load %arg6[%get3A_65, %get3A_66] {strides = array<i32>} : memref<128x128xf32, #tpu.memory_space<vmem>>, vector<1x16xf32>,
      %get3A_68 = vector.shape_cast %get3A_67 : vector<1x16xf32> to vector<16xf32>
      %max3A_69 = arith.maximumf %max3A_63, %get3A_68 : vector<16xf32>
      %get3A_70 = arith.constant 8 : i32
      %get3A_71 = arith.index_cast %get3A_70 : i32 to index
      %get3A_72 = arith.constant 0 : index
      %get3A_73 = tpu.vector_load %arg6[%get3A_71, %get3A_72] {strides = array<i32>} : memref<128x128xf32, #tpu.memory_space<vmem>>, vector<1x16xf32>,
      %get3A_74 = vector.shape_cast %get3A_73 : vector<1x16xf32> to vector<16xf32>
      %max3A_75 = arith.maximumf %max3A_69, %get3A_74 : vector<16xf32>
      %get3A_76 = arith.constant 9 : i32
      %get3A_77 = arith.index_cast %get3A_76 : i32 to index
      %get3A_78 = arith.constant 0 : index
      %get3A_79 = tpu.vector_load %arg6[%get3A_77, %get3A_78] {strides = array<i32>} : memref<128x128xf32, #tpu.memory_space<vmem>>, vector<1x16xf32>,
      %get3A_80 = vector.shape_cast %get3A_79 : vector<1x16xf32> to vector<16xf32>
      %max3A_81 = arith.maximumf %max3A_75, %get3A_80 : vector<16xf32>
      %get3A_82 = arith.constant 10 : i32
      %get3A_83 = arith.index_cast %get3A_82 : i32 to index
      %get3A_84 = arith.constant 0 : index
      %get3A_85 = tpu.vector_load %arg6[%get3A_83, %get3A_84] {strides = array<i32>} : memref<128x128xf32, #tpu.memory_space<vmem>>, vector<1x16xf32>,
      %get3A_86 = vector.shape_cast %get3A_85 : vector<1x16xf32> to vector<16xf32>
      %max3A_87 = arith.maximumf %max3A_81, %get3A_86 : vector<16xf32>
      %get3A_88 = arith.constant 11 : i32
      %get3A_89 = arith.index_cast %get3A_88 : i32 to index
      %get3A_90 = arith.constant 0 : index
      %get3A_91 = tpu.vector_load %arg6[%get3A_89, %get3A_90] {strides = array<i32>} : memref<128x128xf32, #tpu.memory_space<vmem>>, vector<1x16xf32>,
      %get3A_92 = vector.shape_cast %get3A_91 : vector<1x16xf32> to vector<16xf32>
      %max3A_93 = arith.maximumf %max3A_87, %get3A_92 : vector<16xf32>
      %get3A_94 = arith.constant 12 : i32
      %get3A_95 = arith.index_cast %get3A_94 : i32 to index
      %get3A_96 = arith.constant 0 : index
      %get3A_97 = tpu.vector_load %arg6[%get3A_95, %get3A_96] {strides = array<i32>} : memref<128x128xf32, #tpu.memory_space<vmem>>, vector<1x16xf32>,
      %get3A_98 = vector.shape_cast %get3A_97 : vector<1x16xf32> to vector<16xf32>
      %max3A_99 = arith.maximumf %max3A_93, %get3A_98 : vector<16xf32>
      %get3A_100 = arith.constant 13 : i32
      %get3A_101 = arith.index_cast %get3A_100 : i32 to index
      %get3A_102 = arith.constant 0 : index
      %get3A_103 = tpu.vector_load %arg6[%get3A_101, %get3A_102] {strides = array<i32>} : memref<128x128xf32, #tpu.memory_space<vmem>>, vector<1x16xf32>,
      %get3A_104 = vector.shape_cast %get3A_103 : vector<1x16xf32> to vector<16xf32>
      %max3A_105 = arith.maximumf %max3A_99, %get3A_104 : vector<16xf32>
      %get3A_106 = arith.constant 14 : i32
      %get3A_107 = arith.index_cast %get3A_106 : i32 to index
      %get3A_108 = arith.constant 0 : index
      %get3A_109 = tpu.vector_load %arg6[%get3A_107, %get3A_108] {strides = array<i32>} : memref<128x128xf32, #tpu.memory_space<vmem>>, vector<1x16xf32>,
      %get3A_110 = vector.shape_cast %get3A_109 : vector<1x16xf32> to vector<16xf32>
      %max3A_111 = arith.maximumf %max3A_105, %get3A_110 : vector<16xf32>
      %get3A_112 = arith.constant 15 : i32
      %get3A_113 = arith.index_cast %get3A_112 : i32 to index
      %get3A_114 = arith.constant 0 : index
      %get3A_115 = tpu.vector_load %arg6[%get3A_113, %get3A_114] {strides = array<i32>} : memref<128x128xf32, #tpu.memory_space<vmem>>, vector<1x16xf32>,
      %get3A_116 = vector.shape_cast %get3A_115 : vector<1x16xf32> to vector<16xf32>
      %max3A_117 = arith.maximumf %max3A_111, %get3A_116 : vector<16xf32>
      %swap3A = arith.index_cast %add3A_24 : i32 to index
      %swap3A_118 = arith.constant 0 : index
      %swap3A_119 = tpu.vector_load %arg7[%swap3A, %swap3A_118] {strides = array<i32>} : memref<512x128xf32, #tpu.memory_space<vmem>>, vector<1x16xf32>,
      %swap3A_120 = vector.shape_cast %swap3A_119 : vector<1x16xf32> to vector<16xf32>
      %swap3A_121 = vector.shape_cast %max3A_117 : vector<16xf32> to vector<1x16xf32>
      tpu.vector_store %arg7[%swap3A, %swap3A_118], %swap3A_121 {strides = array<i32>} : memref<512x128xf32, #tpu.memory_space<vmem>>, vector<1x16xf32>,
      %get3A_122 = arith.constant 0 : i32
      %get3A_123 = arith.index_cast %get3A_122 : i32 to index
      %get3A_124 = arith.constant 16 : index
      %get3A_125 = tpu.vector_load %arg6[%get3A_123, %get3A_124] {strides = array<i32>} : memref<128x128xf32, #tpu.memory_space<vmem>>, vector<1x16xf32>,
      %get3A_126 = vector.shape_cast %get3A_125 : vector<1x16xf32> to vector<16xf32>
      %get3A_127 = arith.constant 1 : i32
      %get3A_128 = arith.index_cast %get3A_127 : i32 to index
      %get3A_129 = arith.constant 16 : index
      %get3A_130 = tpu.vector_load %arg6[%get3A_128, %get3A_129] {strides = array<i32>} : memref<128x128xf32, #tpu.memory_space<vmem>>, vector<1x16xf32>,
      %get3A_131 = vector.shape_cast %get3A_130 : vector<1x16xf32> to vector<16xf32>
      %max3A_132 = arith.maximumf %get3A_126, %get3A_131 : vector<16xf32>
      %get3A_133 = arith.constant 2 : i32
      %get3A_134 = arith.index_cast %get3A_133 : i32 to index
      %get3A_135 = arith.constant 16 : index
      %get3A_136 = tpu.vector_load %arg6[%get3A_134, %get3A_135] {strides = array<i32>} : memref<128x128xf32, #tpu.memory_space<vmem>>, vector<1x16xf32>,
      %get3A_137 = vector.shape_cast %get3A_136 : vector<1x16xf32> to vector<16xf32>
      %max3A_138 = arith.maximumf %max3A_132, %get3A_137 : vector<16xf32>
      %get3A_139 = arith.constant 3 : i32
      %get3A_140 = arith.index_cast %get3A_139 : i32 to index
      %get3A_141 = arith.constant 16 : index
      %get3A_142 = tpu.vector_load %arg6[%get3A_140, %get3A_141] {strides = array<i32>} : memref<128x128xf32, #tpu.memory_space<vmem>>, vector<1x16xf32>,
      %get3A_143 = vector.shape_cast %get3A_142 : vector<1x16xf32> to vector<16xf32>
      %max3A_144 = arith.maximumf %max3A_138, %get3A_143 : vector<16xf32>
      %get3A_145 = arith.constant 4 : i32
      %get3A_146 = arith.index_cast %get3A_145 : i32 to index
      %get3A_147 = arith.constant 16 : index
      %get3A_148 = tpu.vector_load %arg6[%get3A_146, %get3A_147] {strides = array<i32>} : memref<128x128xf32, #tpu.memory_space<vmem>>, vector<1x16xf32>,
      %get3A_149 = vector.shape_cast %get3A_148 : vector<1x16xf32> to vector<16xf32>
      %max3A_150 = arith.maximumf %max3A_144, %get3A_149 : vector<16xf32>
      %get3A_151 = arith.constant 5 : i32
      %get3A_152 = arith.index_cast %get3A_151 : i32 to index
      %get3A_153 = arith.constant 16 : index
      %get3A_154 = tpu.vector_load %arg6[%get3A_152, %get3A_153] {strides = array<i32>} : memref<128x128xf32, #tpu.memory_space<vmem>>, vector<1x16xf32>,
      %get3A_155 = vector.shape_cast %get3A_154 : vector<1x16xf32> to vector<16xf32>
      %max3A_156 = arith.maximumf %max3A_150, %get3A_155 : vector<16xf32>
      %get3A_157 = arith.constant 6 : i32
      %get3A_158 = arith.index_cast %get3A_157 : i32 to index
      %get3A_159 = arith.constant 16 : index
      %get3A_160 = tpu.vector_load %arg6[%get3A_158, %get3A_159] {strides = array<i32>} : memref<128x128xf32, #tpu.memory_space<vmem>>, vector<1x16xf32>,
      %get3A_161 = vector.shape_cast %get3A_160 : vector<1x16xf32> to vector<16xf32>
      %max3A_162 = arith.maximumf %max3A_156, %get3A_161 : vector<16xf32>
      %get3A_163 = arith.constant 7 : i32
      %get3A_164 = arith.index_cast %get3A_163 : i32 to index
      %get3A_165 = arith.constant 16 : index
      %get3A_166 = tpu.vector_load %arg6[%get3A_164, %get3A_165] {strides = array<i32>} : memref<128x128xf32, #tpu.memory_space<vmem>>, vector<1x16xf32>,
      %get3A_167 = vector.shape_cast %get3A_166 : vector<1x16xf32> to vector<16xf32>
      %max3A_168 = arith.maximumf %max3A_162, %get3A_167 : vector<16xf32>
      %get3A_169 = arith.constant 8 : i32
      %get3A_170 = arith.index_cast %get3A_169 : i32 to index
      %get3A_171 = arith.constant 16 : index
      %get3A_172 = tpu.vector_load %arg6[%get3A_170, %get3A_171] {strides = array<i32>} : memref<128x128xf32, #tpu.memory_space<vmem>>, vector<1x16xf32>,
      %get3A_173 = vector.shape_cast %get3A_172 : vector<1x16xf32> to vector<16xf32>
      %max3A_174 = arith.maximumf %max3A_168, %get3A_173 : vector<16xf32>
      %get3A_175 = arith.constant 9 : i32
      %get3A_176 = arith.index_cast %get3A_175 : i32 to index
      %get3A_177 = arith.constant 16 : index
      %get3A_178 = tpu.vector_load %arg6[%get3A_176, %get3A_177] {strides = array<i32>} : memref<128x128xf32, #tpu.memory_space<vmem>>, vector<1x16xf32>,
      %get3A_179 = vector.shape_cast %get3A_178 : vector<1x16xf32> to vector<16xf32>
      %max3A_180 = arith.maximumf %max3A_174, %get3A_179 : vector<16xf32>
      %get3A_181 = arith.constant 10 : i32
      %get3A_182 = arith.index_cast %get3A_181 : i32 to index
      %get3A_183 = arith.constant 16 : index
      %get3A_184 = tpu.vector_load %arg6[%get3A_182, %get3A_183] {strides = array<i32>} : memref<128x128xf32, #tpu.memory_space<vmem>>, vector<1x16xf32>,
      %get3A_185 = vector.shape_cast %get3A_184 : vector<1x16xf32> to vector<16xf32>
      %max3A_186 = arith.maximumf %max3A_180, %get3A_185 : vector<16xf32>
      %get3A_187 = arith.constant 11 : i32
      %get3A_188 = arith.index_cast %get3A_187 : i32 to index
      %get3A_189 = arith.constant 16 : index
      %get3A_190 = tpu.vector_load %arg6[%get3A_188, %get3A_189] {strides = array<i32>} : memref<128x128xf32, #tpu.memory_space<vmem>>, vector<1x16xf32>,
      %get3A_191 = vector.shape_cast %get3A_190 : vector<1x16xf32> to vector<16xf32>
      %max3A_192 = arith.maximumf %max3A_186, %get3A_191 : vector<16xf32>
      %get3A_193 = arith.constant 12 : i32
      %get3A_194 = arith.index_cast %get3A_193 : i32 to index
      %get3A_195 = arith.constant 16 : index
      %get3A_196 = tpu.vector_load %arg6[%get3A_194, %get3A_195] {strides = array<i32>} : memref<128x128xf32, #tpu.memory_space<vmem>>, vector<1x16xf32>,
      %get3A_197 = vector.shape_cast %get3A_196 : vector<1x16xf32> to vector<16xf32>
      %max3A_198 = arith.maximumf %max3A_192, %get3A_197 : vector<16xf32>
      %get3A_199 = arith.constant 13 : i32
      %get3A_200 = arith.index_cast %get3A_199 : i32 to index
      %get3A_201 = arith.constant 16 : index
      %get3A_202 = tpu.vector_load %arg6[%get3A_200, %get3A_201] {strides = array<i32>} : memref<128x128xf32, #tpu.memory_space<vmem>>, vector<1x16xf32>,
      %get3A_203 = vector.shape_cast %get3A_202 : vector<1x16xf32> to vector<16xf32>
      %max3A_204 = arith.maximumf %max3A_198, %get3A_203 : vector<16xf32>
      %get3A_205 = arith.constant 14 : i32
      %get3A_206 = arith.index_cast %get3A_205 : i32 to index
      %get3A_207 = arith.constant 16 : index
      %get3A_208 = tpu.vector_load %arg6[%get3A_206, %get3A_207] {strides = array<i32>} : memref<128x128xf32, #tpu.memory_space<vmem>>, vector<1x16xf32>,
      %get3A_209 = vector.shape_cast %get3A_208 : vector<1x16xf32> to vector<16xf32>
      %max3A_210 = arith.maximumf %max3A_204, %get3A_209 : vector<16xf32>
      %get3A_211 = arith.constant 15 : i32
      %get3A_212 = arith.index_cast %get3A_211 : i32 to index
      %get3A_213 = arith.constant 16 : index
      %get3A_214 = tpu.vector_load %arg6[%get3A_212, %get3A_213] {strides = array<i32>} : memref<128x128xf32, #tpu.memory_space<vmem>>, vector<1x16xf32>,
      %get3A_215 = vector.shape_cast %get3A_214 : vector<1x16xf32> to vector<16xf32>
      %max3A_216 = arith.maximumf %max3A_210, %get3A_215 : vector<16xf32>
      %swap3A_217 = arith.index_cast %add3A_24 : i32 to index
      %swap3A_218 = arith.constant 16 : index
      %swap3A_219 = tpu.vector_load %arg7[%swap3A_217, %swap3A_218] {strides = array<i32>} : memref<512x128xf32, #tpu.memory_space<vmem>>, vector<1x16xf32>,
      %swap3A_220 = vector.shape_cast %swap3A_219 : vector<1x16xf32> to vector<16xf32>
      %swap3A_221 = vector.shape_cast %max3A_216 : vector<16xf32> to vector<1x16xf32>
      tpu.vector_store %arg7[%swap3A_217, %swap3A_218], %swap3A_221 {strides = array<i32>} : memref<512x128xf32, #tpu.memory_space<vmem>>, vector<1x16xf32>,
      %get3A_222 = arith.constant 0 : i32
      %get3A_223 = arith.index_cast %get3A_222 : i32 to index
      %get3A_224 = arith.constant 32 : index
      %get3A_225 = tpu.vector_load %arg6[%get3A_223, %get3A_224] {strides = array<i32>} : memref<128x128xf32, #tpu.memory_space<vmem>>, vector<1x16xf32>,
      %get3A_226 = vector.shape_cast %get3A_225 : vector<1x16xf32> to vector<16xf32>
      %get3A_227 = arith.constant 1 : i32
      %get3A_228 = arith.index_cast %get3A_227 : i32 to index
      %get3A_229 = arith.constant 32 : index
      %get3A_230 = tpu.vector_load %arg6[%get3A_228, %get3A_229] {strides = array<i32>} : memref<128x128xf32, #tpu.memory_space<vmem>>, vector<1x16xf32>,
      %get3A_231 = vector.shape_cast %get3A_230 : vector<1x16xf32> to vector<16xf32>
      %max3A_232 = arith.maximumf %get3A_226, %get3A_231 : vector<16xf32>
      %get3A_233 = arith.constant 2 : i32
      %get3A_234 = arith.index_cast %get3A_233 : i32 to index
      %get3A_235 = arith.constant 32 : index
      %get3A_236 = tpu.vector_load %arg6[%get3A_234, %get3A_235] {strides = array<i32>} : memref<128x128xf32, #tpu.memory_space<vmem>>, vector<1x16xf32>,
      %get3A_237 = vector.shape_cast %get3A_236 : vector<1x16xf32> to vector<16xf32>
      %max3A_238 = arith.maximumf %max3A_232, %get3A_237 : vector<16xf32>
      %get3A_239 = arith.constant 3 : i32
      %get3A_240 = arith.index_cast %get3A_239 : i32 to index
      %get3A_241 = arith.constant 32 : index
      %get3A_242 = tpu.vector_load %arg6[%get3A_240, %get3A_241] {strides = array<i32>} : memref<128x128xf32, #tpu.memory_space<vmem>>, vector<1x16xf32>,
      %get3A_243 = vector.shape_cast %get3A_242 : vector<1x16xf32> to vector<16xf32>
      %max3A_244 = arith.maximumf %max3A_238, %get3A_243 : vector<16xf32>
      %get3A_245 = arith.constant 4 : i32
      %get3A_246 = arith.index_cast %get3A_245 : i32 to index
      %get3A_247 = arith.constant 32 : index
      %get3A_248 = tpu.vector_load %arg6[%get3A_246, %get3A_247] {strides = array<i32>} : memref<128x128xf32, #tpu.memory_space<vmem>>, vector<1x16xf32>,
      %get3A_249 = vector.shape_cast %get3A_248 : vector<1x16xf32> to vector<16xf32>
      %max3A_250 = arith.maximumf %max3A_244, %get3A_249 : vector<16xf32>
      %get3A_251 = arith.constant 5 : i32
      %get3A_252 = arith.index_cast %get3A_251 : i32 to index
      %get3A_253 = arith.constant 32 : index
      %get3A_254 = tpu.vector_load %arg6[%get3A_252, %get3A_253] {strides = array<i32>} : memref<128x128xf32, #tpu.memory_space<vmem>>, vector<1x16xf32>,
      %get3A_255 = vector.shape_cast %get3A_254 : vector<1x16xf32> to vector<16xf32>
      %max3A_256 = arith.maximumf %max3A_250, %get3A_255 : vector<16xf32>
      %get3A_257 = arith.constant 6 : i32
      %get3A_258 = arith.index_cast %get3A_257 : i32 to index
      %get3A_259 = arith.constant 32 : index
      %get3A_260 = tpu.vector_load %arg6[%get3A_258, %get3A_259] {strides = array<i32>} : memref<128x128xf32, #tpu.memory_space<vmem>>, vector<1x16xf32>,
      %get3A_261 = vector.shape_cast %get3A_260 : vector<1x16xf32> to vector<16xf32>
      %max3A_262 = arith.maximumf %max3A_256, %get3A_261 : vector<16xf32>
      %get3A_263 = arith.constant 7 : i32
      %get3A_264 = arith.index_cast %get3A_263 : i32 to index
      %get3A_265 = arith.constant 32 : index
      %get3A_266 = tpu.vector_load %arg6[%get3A_264, %get3A_265] {strides = array<i32>} : memref<128x128xf32, #tpu.memory_space<vmem>>, vector<1x16xf32>,
      %get3A_267 = vector.shape_cast %get3A_266 : vector<1x16xf32> to vector<16xf32>
      %max3A_268 = arith.maximumf %max3A_262, %get3A_267 : vector<16xf32>
      %get3A_269 = arith.constant 8 : i32
      %get3A_270 = arith.index_cast %get3A_269 : i32 to index
      %get3A_271 = arith.constant 32 : index
      %get3A_272 = tpu.vector_load %arg6[%get3A_270, %get3A_271] {strides = array<i32>} : memref<128x128xf32, #tpu.memory_space<vmem>>, vector<1x16xf32>,
      %get3A_273 = vector.shape_cast %get3A_272 : vector<1x16xf32> to vector<16xf32>
      %max3A_274 = arith.maximumf %max3A_268, %get3A_273 : vector<16xf32>
      %get3A_275 = arith.constant 9 : i32
      %get3A_276 = arith.index_cast %get3A_275 : i32 to index
      %get3A_277 = arith.constant 32 : index
      %get3A_278 = tpu.vector_load %arg6[%get3A_276, %get3A_277] {strides = array<i32>} : memref<128x128xf32, #tpu.memory_space<vmem>>, vector<1x16xf32>,
      %get3A_279 = vector.shape_cast %get3A_278 : vector<1x16xf32> to vector<16xf32>
      %max3A_280 = arith.maximumf %max3A_274, %get3A_279 : vector<16xf32>
      %get3A_281 = arith.constant 10 : i32
      %get3A_282 = arith.index_cast %get3A_281 : i32 to index
      %get3A_283 = arith.constant 32 : index
      %get3A_284 = tpu.vector_load %arg6[%get3A_282, %get3A_283] {strides = array<i32>} : memref<128x128xf32, #tpu.memory_space<vmem>>, vector<1x16xf32>,
      %get3A_285 = vector.shape_cast %get3A_284 : vector<1x16xf32> to vector<16xf32>
      %max3A_286 = arith.maximumf %max3A_280, %get3A_285 : vector<16xf32>
      %get3A_287 = arith.constant 11 : i32
      %get3A_288 = arith.index_cast %get3A_287 : i32 to index
      %get3A_289 = arith.constant 32 : index
      %get3A_290 = tpu.vector_load %arg6[%get3A_288, %get3A_289] {strides = array<i32>} : memref<128x128xf32, #tpu.memory_space<vmem>>, vector<1x16xf32>,
      %get3A_291 = vector.shape_cast %get3A_290 : vector<1x16xf32> to vector<16xf32>
      %max3A_292 = arith.maximumf %max3A_286, %get3A_291 : vector<16xf32>
      %get3A_293 = arith.constant 12 : i32
      %get3A_294 = arith.index_cast %get3A_293 : i32 to index
      %get3A_295 = arith.constant 32 : index
      %get3A_296 = tpu.vector_load %arg6[%get3A_294, %get3A_295] {strides = array<i32>} : memref<128x128xf32, #tpu.memory_space<vmem>>, vector<1x16xf32>,
      %get3A_297 = vector.shape_cast %get3A_296 : vector<1x16xf32> to vector<16xf32>
      %max3A_298 = arith.maximumf %max3A_292, %get3A_297 : vector<16xf32>
      %get3A_299 = arith.constant 13 : i32
      %get3A_300 = arith.index_cast %get3A_299 : i32 to index
      %get3A_301 = arith.constant 32 : index
      %get3A_302 = tpu.vector_load %arg6[%get3A_300, %get3A_301] {strides = array<i32>} : memref<128x128xf32, #tpu.memory_space<vmem>>, vector<1x16xf32>,
      %get3A_303 = vector.shape_cast %get3A_302 : vector<1x16xf32> to vector<16xf32>
      %max3A_304 = arith.maximumf %max3A_298, %get3A_303 : vector<16xf32>
      %get3A_305 = arith.constant 14 : i32
      %get3A_306 = arith.index_cast %get3A_305 : i32 to index
      %get3A_307 = arith.constant 32 : index
      %get3A_308 = tpu.vector_load %arg6[%get3A_306, %get3A_307] {strides = array<i32>} : memref<128x128xf32, #tpu.memory_space<vmem>>, vector<1x16xf32>,
      %get3A_309 = vector.shape_cast %get3A_308 : vector<1x16xf32> to vector<16xf32>
      %max3A_310 = arith.maximumf %max3A_304, %get3A_309 : vector<16xf32>
      %get3A_311 = arith.constant 15 : i32
      %get3A_312 = arith.index_cast %get3A_311 : i32 to index
      %get3A_313 = arith.constant 32 : index
      %get3A_314 = tpu.vector_load %arg6[%get3A_312, %get3A_313] {strides = array<i32>} : memref<128x128xf32, #tpu.memory_space<vmem>>, vector<1x16xf32>,
      %get3A_315 = vector.shape_cast %get3A_314 : vector<1x16xf32> to vector<16xf32>
      %max3A_316 = arith.maximumf %max3A_310, %get3A_315 : vector<16xf32>
      %swap3A_317 = arith.index_cast %add3A_24 : i32 to index
      %swap3A_318 = arith.constant 32 : index
      %swap3A_319 = tpu.vector_load %arg7[%swap3A_317, %swap3A_318] {strides = array<i32>} : memref<512x128xf32, #tpu.memory_space<vmem>>, vector<1x16xf32>,
      %swap3A_320 = vector.shape_cast %swap3A_319 : vector<1x16xf32> to vector<16xf32>
      %swap3A_321 = vector.shape_cast %max3A_316 : vector<16xf32> to vector<1x16xf32>
      tpu.vector_store %arg7[%swap3A_317, %swap3A_318], %swap3A_321 {strides = array<i32>} : memref<512x128xf32, #tpu.memory_space<vmem>>, vector<1x16xf32>,
      %get3A_322 = arith.constant 0 : i32
      %get3A_323 = arith.index_cast %get3A_322 : i32 to index
      %get3A_324 = arith.constant 48 : index
      %get3A_325 = tpu.vector_load %arg6[%get3A_323, %get3A_324] {strides = array<i32>} : memref<128x128xf32, #tpu.memory_space<vmem>>, vector<1x16xf32>,
      %get3A_326 = vector.shape_cast %get3A_325 : vector<1x16xf32> to vector<16xf32>
      %get3A_327 = arith.constant 1 : i32
      %get3A_328 = arith.index_cast %get3A_327 : i32 to index
      %get3A_329 = arith.constant 48 : index
      %get3A_330 = tpu.vector_load %arg6[%get3A_328, %get3A_329] {strides = array<i32>} : memref<128x128xf32, #tpu.memory_space<vmem>>, vector<1x16xf32>,
      %get3A_331 = vector.shape_cast %get3A_330 : vector<1x16xf32> to vector<16xf32>
      %max3A_332 = arith.maximumf %get3A_326, %get3A_331 : vector<16xf32>
      %get3A_333 = arith.constant 2 : i32
      %get3A_334 = arith.index_cast %get3A_333 : i32 to index
      %get3A_335 = arith.constant 48 : index
      %get3A_336 = tpu.vector_load %arg6[%get3A_334, %get3A_335] {strides = array<i32>} : memref<128x128xf32, #tpu.memory_space<vmem>>, vector<1x16xf32>,
      %get3A_337 = vector.shape_cast %get3A_336 : vector<1x16xf32> to vector<16xf32>
      %max3A_338 = arith.maximumf %max3A_332, %get3A_337 : vector<16xf32>
      %get3A_339 = arith.constant 3 : i32
      %get3A_340 = arith.index_cast %get3A_339 : i32 to index
      %get3A_341 = arith.constant 48 : index
      %get3A_342 = tpu.vector_load %arg6[%get3A_340, %get3A_341] {strides = array<i32>} : memref<128x128xf32, #tpu.memory_space<vmem>>, vector<1x16xf32>,
      %get3A_343 = vector.shape_cast %get3A_342 : vector<1x16xf32> to vector<16xf32>
      %max3A_344 = arith.maximumf %max3A_338, %get3A_343 : vector<16xf32>
      %get3A_345 = arith.constant 4 : i32
      %get3A_346 = arith.index_cast %get3A_345 : i32 to index
      %get3A_347 = arith.constant 48 : index
      %get3A_348 = tpu.vector_load %arg6[%get3A_346, %get3A_347] {strides = array<i32>} : memref<128x128xf32, #tpu.memory_space<vmem>>, vector<1x16xf32>,
      %get3A_349 = vector.shape_cast %get3A_348 : vector<1x16xf32> to vector<16xf32>
      %max3A_350 = arith.maximumf %max3A_344, %get3A_349 : vector<16xf32>
      %get3A_351 = arith.constant 5 : i32
      %get3A_352 = arith.index_cast %get3A_351 : i32 to index
      %get3A_353 = arith.constant 48 : index
      %get3A_354 = tpu.vector_load %arg6[%get3A_352, %get3A_353] {strides = array<i32>} : memref<128x128xf32, #tpu.memory_space<vmem>>, vector<1x16xf32>,
      %get3A_355 = vector.shape_cast %get3A_354 : vector<1x16xf32> to vector<16xf32>
      %max3A_356 = arith.maximumf %max3A_350, %get3A_355 : vector<16xf32>
      %get3A_357 = arith.constant 6 : i32
      %get3A_358 = arith.index_cast %get3A_357 : i32 to index
      %get3A_359 = arith.constant 48 : index
      %get3A_360 = tpu.vector_load %arg6[%get3A_358, %get3A_359] {strides = array<i32>} : memref<128x128xf32, #tpu.memory_space<vmem>>, vector<1x16xf32>,
      %get3A_361 = vector.shape_cast %get3A_360 : vector<1x16xf32> to vector<16xf32>
      %max3A_362 = arith.maximumf %max3A_356, %get3A_361 : vector<16xf32>
      %get3A_363 = arith.constant 7 : i32
      %get3A_364 = arith.index_cast %get3A_363 : i32 to index
      %get3A_365 = arith.constant 48 : index
      %get3A_366 = tpu.vector_load %arg6[%get3A_364, %get3A_365] {strides = array<i32>} : memref<128x128xf32, #tpu.memory_space<vmem>>, vector<1x16xf32>,
      %get3A_367 = vector.shape_cast %get3A_366 : vector<1x16xf32> to vector<16xf32>
      %max3A_368 = arith.maximumf %max3A_362, %get3A_367 : vector<16xf32>
      %get3A_369 = arith.constant 8 : i32
      %get3A_370 = arith.index_cast %get3A_369 : i32 to index
      %get3A_371 = arith.constant 48 : index
      %get3A_372 = tpu.vector_load %arg6[%get3A_370, %get3A_371] {strides = array<i32>} : memref<128x128xf32, #tpu.memory_space<vmem>>, vector<1x16xf32>,
      %get3A_373 = vector.shape_cast %get3A_372 : vector<1x16xf32> to vector<16xf32>
      %max3A_374 = arith.maximumf %max3A_368, %get3A_373 : vector<16xf32>
      %get3A_375 = arith.constant 9 : i32
      %get3A_376 = arith.index_cast %get3A_375 : i32 to index
      %get3A_377 = arith.constant 48 : index
      %get3A_378 = tpu.vector_load %arg6[%get3A_376, %get3A_377] {strides = array<i32>} : memref<128x128xf32, #tpu.memory_space<vmem>>, vector<1x16xf32>,
      %get3A_379 = vector.shape_cast %get3A_378 : vector<1x16xf32> to vector<16xf32>
      %max3A_380 = arith.maximumf %max3A_374, %get3A_379 : vector<16xf32>
      %get3A_381 = arith.constant 10 : i32
      %get3A_382 = arith.index_cast %get3A_381 : i32 to index
      %get3A_383 = arith.constant 48 : index
      %get3A_384 = tpu.vector_load %arg6[%get3A_382, %get3A_383] {strides = array<i32>} : memref<128x128xf32, #tpu.memory_space<vmem>>, vector<1x16xf32>,
      %get3A_385 = vector.shape_cast %get3A_384 : vector<1x16xf32> to vector<16xf32>
      %max3A_386 = arith.maximumf %max3A_380, %get3A_385 : vector<16xf32>
      %get3A_387 = arith.constant 11 : i32
      %get3A_388 = arith.index_cast %get3A_387 : i32 to index
      %get3A_389 = arith.constant 48 : index
      %get3A_390 = tpu.vector_load %arg6[%get3A_388, %get3A_389] {strides = array<i32>} : memref<128x128xf32, #tpu.memory_space<vmem>>, vector<1x16xf32>,
      %get3A_391 = vector.shape_cast %get3A_390 : vector<1x16xf32> to vector<16xf32>
      %max3A_392 = arith.maximumf %max3A_386, %get3A_391 : vector<16xf32>
      %get3A_393 = arith.constant 12 : i32
      %get3A_394 = arith.index_cast %get3A_393 : i32 to index
      %get3A_395 = arith.constant 48 : index
      %get3A_396 = tpu.vector_load %arg6[%get3A_394, %get3A_395] {strides = array<i32>} : memref<128x128xf32, #tpu.memory_space<vmem>>, vector<1x16xf32>,
      %get3A_397 = vector.shape_cast %get3A_396 : vector<1x16xf32> to vector<16xf32>
      %max3A_398 = arith.maximumf %max3A_392, %get3A_397 : vector<16xf32>
      %get3A_399 = arith.constant 13 : i32
      %get3A_400 = arith.index_cast %get3A_399 : i32 to index
      %get3A_401 = arith.constant 48 : index
      %get3A_402 = tpu.vector_load %arg6[%get3A_400, %get3A_401] {strides = array<i32>} : memref<128x128xf32, #tpu.memory_space<vmem>>, vector<1x16xf32>,
      %get3A_403 = vector.shape_cast %get3A_402 : vector<1x16xf32> to vector<16xf32>
      %max3A_404 = arith.maximumf %max3A_398, %get3A_403 : vector<16xf32>
      %get3A_405 = arith.constant 14 : i32
      %get3A_406 = arith.index_cast %get3A_405 : i32 to index
      %get3A_407 = arith.constant 48 : index
      %get3A_408 = tpu.vector_load %arg6[%get3A_406, %get3A_407] {strides = array<i32>} : memref<128x128xf32, #tpu.memory_space<vmem>>, vector<1x16xf32>,
      %get3A_409 = vector.shape_cast %get3A_408 : vector<1x16xf32> to vector<16xf32>
      %max3A_410 = arith.maximumf %max3A_404, %get3A_409 : vector<16xf32>
      %get3A_411 = arith.constant 15 : i32
      %get3A_412 = arith.index_cast %get3A_411 : i32 to index
      %get3A_413 = arith.constant 48 : index
      %get3A_414 = tpu.vector_load %arg6[%get3A_412, %get3A_413] {strides = array<i32>} : memref<128x128xf32, #tpu.memory_space<vmem>>, vector<1x16xf32>,
      %get3A_415 = vector.shape_cast %get3A_414 : vector<1x16xf32> to vector<16xf32>
      %max3A_416 = arith.maximumf %max3A_410, %get3A_415 : vector<16xf32>
      %swap3A_417 = arith.index_cast %add3A_24 : i32 to index
      %swap3A_418 = arith.constant 48 : index
      %swap3A_419 = tpu.vector_load %arg7[%swap3A_417, %swap3A_418] {strides = array<i32>} : memref<512x128xf32, #tpu.memory_space<vmem>>, vector<1x16xf32>,
      %swap3A_420 = vector.shape_cast %swap3A_419 : vector<1x16xf32> to vector<16xf32>
      %swap3A_421 = vector.shape_cast %max3A_416 : vector<16xf32> to vector<1x16xf32>
      tpu.vector_store %arg7[%swap3A_417, %swap3A_418], %swap3A_421 {strides = array<i32>} : memref<512x128xf32, #tpu.memory_space<vmem>>, vector<1x16xf32>,
      %get3A_422 = arith.constant 0 : i32
      %get3A_423 = arith.index_cast %get3A_422 : i32 to index
      %get3A_424 = arith.constant 64 : index
      %get3A_425 = tpu.vector_load %arg6[%get3A_423, %get3A_424] {strides = array<i32>} : memref<128x128xf32, #tpu.memory_space<vmem>>, vector<1x16xf32>,
      %get3A_426 = vector.shape_cast %get3A_425 : vector<1x16xf32> to vector<16xf32>
      %get3A_427 = arith.constant 1 : i32
      %get3A_428 = arith.index_cast %get3A_427 : i32 to index
      %get3A_429 = arith.constant 64 : index
      %get3A_430 = tpu.vector_load %arg6[%get3A_428, %get3A_429] {strides = array<i32>} : memref<128x128xf32, #tpu.memory_space<vmem>>, vector<1x16xf32>,
      %get3A_431 = vector.shape_cast %get3A_430 : vector<1x16xf32> to vector<16xf32>
      %max3A_432 = arith.maximumf %get3A_426, %get3A_431 : vector<16xf32>
      %get3A_433 = arith.constant 2 : i32
      %get3A_434 = arith.index_cast %get3A_433 : i32 to index
      %get3A_435 = arith.constant 64 : index
      %get3A_436 = tpu.vector_load %arg6[%get3A_434, %get3A_435] {strides = array<i32>} : memref<128x128xf32, #tpu.memory_space<vmem>>, vector<1x16xf32>,
      %get3A_437 = vector.shape_cast %get3A_436 : vector<1x16xf32> to vector<16xf32>
      %max3A_438 = arith.maximumf %max3A_432, %get3A_437 : vector<16xf32>
      %get3A_439 = arith.constant 3 : i32
      %get3A_440 = arith.index_cast %get3A_439 : i32 to index
      %get3A_441 = arith.constant 64 : index
      %get3A_442 = tpu.vector_load %arg6[%get3A_440, %get3A_441] {strides = array<i32>} : memref<128x128xf32, #tpu.memory_space<vmem>>, vector<1x16xf32>,
      %get3A_443 = vector.shape_cast %get3A_442 : vector<1x16xf32> to vector<16xf32>
      %max3A_444 = arith.maximumf %max3A_438, %get3A_443 : vector<16xf32>
      %get3A_445 = arith.constant 4 : i32
      %get3A_446 = arith.index_cast %get3A_445 : i32 to index
      %get3A_447 = arith.constant 64 : index
      %get3A_448 = tpu.vector_load %arg6[%get3A_446, %get3A_447] {strides = array<i32>} : memref<128x128xf32, #tpu.memory_space<vmem>>, vector<1x16xf32>,
      %get3A_449 = vector.shape_cast %get3A_448 : vector<1x16xf32> to vector<16xf32>
      %max3A_450 = arith.maximumf %max3A_444, %get3A_449 : vector<16xf32>
      %get3A_451 = arith.constant 5 : i32
      %get3A_452 = arith.index_cast %get3A_451 : i32 to index
      %get3A_453 = arith.constant 64 : index
      %get3A_454 = tpu.vector_load %arg6[%get3A_452, %get3A_453] {strides = array<i32>} : memref<128x128xf32, #tpu.memory_space<vmem>>, vector<1x16xf32>,
      %get3A_455 = vector.shape_cast %get3A_454 : vector<1x16xf32> to vector<16xf32>
      %max3A_456 = arith.maximumf %max3A_450, %get3A_455 : vector<16xf32>
      %get3A_457 = arith.constant 6 : i32
      %get3A_458 = arith.index_cast %get3A_457 : i32 to index
      %get3A_459 = arith.constant 64 : index
      %get3A_460 = tpu.vector_load %arg6[%get3A_458, %get3A_459] {strides = array<i32>} : memref<128x128xf32, #tpu.memory_space<vmem>>, vector<1x16xf32>,
      %get3A_461 = vector.shape_cast %get3A_460 : vector<1x16xf32> to vector<16xf32>
      %max3A_462 = arith.maximumf %max3A_456, %get3A_461 : vector<16xf32>
      %get3A_463 = arith.constant 7 : i32
      %get3A_464 = arith.index_cast %get3A_463 : i32 to index
      %get3A_465 = arith.constant 64 : index
      %get3A_466 = tpu.vector_load %arg6[%get3A_464, %get3A_465] {strides = array<i32>} : memref<128x128xf32, #tpu.memory_space<vmem>>, vector<1x16xf32>,
      %get3A_467 = vector.shape_cast %get3A_466 : vector<1x16xf32> to vector<16xf32>
      %max3A_468 = arith.maximumf %max3A_462, %get3A_467 : vector<16xf32>
      %get3A_469 = arith.constant 8 : i32
      %get3A_470 = arith.index_cast %get3A_469 : i32 to index
      %get3A_471 = arith.constant 64 : index
      %get3A_472 = tpu.vector_load %arg6[%get3A_470, %get3A_471] {strides = array<i32>} : memref<128x128xf32, #tpu.memory_space<vmem>>, vector<1x16xf32>,
      %get3A_473 = vector.shape_cast %get3A_472 : vector<1x16xf32> to vector<16xf32>
      %max3A_474 = arith.maximumf %max3A_468, %get3A_473 : vector<16xf32>
      %get3A_475 = arith.constant 9 : i32
      %get3A_476 = arith.index_cast %get3A_475 : i32 to index
      %get3A_477 = arith.constant 64 : index
      %get3A_478 = tpu.vector_load %arg6[%get3A_476, %get3A_477] {strides = array<i32>} : memref<128x128xf32, #tpu.memory_space<vmem>>, vector<1x16xf32>,
      %get3A_479 = vector.shape_cast %get3A_478 : vector<1x16xf32> to vector<16xf32>
      %max3A_480 = arith.maximumf %max3A_474, %get3A_479 : vector<16xf32>
      %get3A_481 = arith.constant 10 : i32
      %get3A_482 = arith.index_cast %get3A_481 : i32 to index
      %get3A_483 = arith.constant 64 : index
      %get3A_484 = tpu.vector_load %arg6[%get3A_482, %get3A_483] {strides = array<i32>} : memref<128x128xf32, #tpu.memory_space<vmem>>, vector<1x16xf32>,
      %get3A_485 = vector.shape_cast %get3A_484 : vector<1x16xf32> to vector<16xf32>
      %max3A_486 = arith.maximumf %max3A_480, %get3A_485 : vector<16xf32>
      %get3A_487 = arith.constant 11 : i32
      %get3A_488 = arith.index_cast %get3A_487 : i32 to index
      %get3A_489 = arith.constant 64 : index
      %get3A_490 = tpu.vector_load %arg6[%get3A_488, %get3A_489] {strides = array<i32>} : memref<128x128xf32, #tpu.memory_space<vmem>>, vector<1x16xf32>,
      %get3A_491 = vector.shape_cast %get3A_490 : vector<1x16xf32> to vector<16xf32>
      %max3A_492 = arith.maximumf %max3A_486, %get3A_491 : vector<16xf32>
      %get3A_493 = arith.constant 12 : i32
      %get3A_494 = arith.index_cast %get3A_493 : i32 to index
      %get3A_495 = arith.constant 64 : index
      %get3A_496 = tpu.vector_load %arg6[%get3A_494, %get3A_495] {strides = array<i32>} : memref<128x128xf32, #tpu.memory_space<vmem>>, vector<1x16xf32>,
      %get3A_497 = vector.shape_cast %get3A_496 : vector<1x16xf32> to vector<16xf32>
      %max3A_498 = arith.maximumf %max3A_492, %get3A_497 : vector<16xf32>
      %get3A_499 = arith.constant 13 : i32
      %get3A_500 = arith.index_cast %get3A_499 : i32 to index
      %get3A_501 = arith.constant 64 : index
      %get3A_502 = tpu.vector_load %arg6[%get3A_500, %get3A_501] {strides = array<i32>} : memref<128x128xf32, #tpu.memory_space<vmem>>, vector<1x16xf32>,
      %get3A_503 = vector.shape_cast %get3A_502 : vector<1x16xf32> to vector<16xf32>
      %max3A_504 = arith.maximumf %max3A_498, %get3A_503 : vector<16xf32>
      %get3A_505 = arith.constant 14 : i32
      %get3A_506 = arith.index_cast %get3A_505 : i32 to index
      %get3A_507 = arith.constant 64 : index
      %get3A_508 = tpu.vector_load %arg6[%get3A_506, %get3A_507] {strides = array<i32>} : memref<128x128xf32, #tpu.memory_space<vmem>>, vector<1x16xf32>,
      %get3A_509 = vector.shape_cast %get3A_508 : vector<1x16xf32> to vector<16xf32>
      %max3A_510 = arith.maximumf %max3A_504, %get3A_509 : vector<16xf32>
      %get3A_511 = arith.constant 15 : i32
      %get3A_512 = arith.index_cast %get3A_511 : i32 to index
      %get3A_513 = arith.constant 64 : index
      %get3A_514 = tpu.vector_load %arg6[%get3A_512, %get3A_513] {strides = array<i32>} : memref<128x128xf32, #tpu.memory_space<vmem>>, vector<1x16xf32>,
      %get3A_515 = vector.shape_cast %get3A_514 : vector<1x16xf32> to vector<16xf32>
      %max3A_516 = arith.maximumf %max3A_510, %get3A_515 : vector<16xf32>
      %swap3A_517 = arith.index_cast %add3A_24 : i32 to index
      %swap3A_518 = arith.constant 64 : index
      %swap3A_519 = tpu.vector_load %arg7[%swap3A_517, %swap3A_518] {strides = array<i32>} : memref<512x128xf32, #tpu.memory_space<vmem>>, vector<1x16xf32>,
      %swap3A_520 = vector.shape_cast %swap3A_519 : vector<1x16xf32> to vector<16xf32>
      %swap3A_521 = vector.shape_cast %max3A_516 : vector<16xf32> to vector<1x16xf32>
      tpu.vector_store %arg7[%swap3A_517, %swap3A_518], %swap3A_521 {strides = array<i32>} : memref<512x128xf32, #tpu.memory_space<vmem>>, vector<1x16xf32>,
      %mul3A_522 = arith.constant 8 : i32
      %mul3A_523 = arith.muli %scan3A_10, %mul3A_522 : i32
      %add3A_524 = arith.constant 1 : i32
      %add3A_525 = arith.addi %mul3A_523, %add3A_524 : i32
      %get3A_526 = arith.constant 16 : i32
      %get3A_527 = arith.index_cast %get3A_526 : i32 to index
      %get3A_528 = arith.constant 0 : index
      %get3A_529 = tpu.vector_load %arg6[%get3A_527, %get3A_528] {strides = array<i32>} : memref<128x128xf32, #tpu.memory_space<vmem>>, vector<1x16xf32>,
      %get3A_530 = vector.shape_cast %get3A_529 : vector<1x16xf32> to vector<16xf32>
      %get3A_531 = arith.constant 17 : i32
      %get3A_532 = arith.index_cast %get3A_531 : i32 to index
      %get3A_533 = arith.constant 0 : index
      %get3A_534 = tpu.vector_load %arg6[%get3A_532, %get3A_533] {strides = array<i32>} : memref<128x128xf32, #tpu.memory_space<vmem>>, vector<1x16xf32>,
      %get3A_535 = vector.shape_cast %get3A_534 : vector<1x16xf32> to vector<16xf32>
      %max3A_536 = arith.maximumf %get3A_530, %get3A_535 : vector<16xf32>
      %get3A_537 = arith.constant 18 : i32
      %get3A_538 = arith.index_cast %get3A_537 : i32 to index
      %get3A_539 = arith.constant 0 : index
      %get3A_540 = tpu.vector_load %arg6[%get3A_538, %get3A_539] {strides = array<i32>} : memref<128x128xf32, #tpu.memory_space<vmem>>, vector<1x16xf32>,
      %get3A_541 = vector.shape_cast %get3A_540 : vector<1x16xf32> to vector<16xf32>
      %max3A_542 = arith.maximumf %max3A_536, %get3A_541 : vector<16xf32>
      %get3A_543 = arith.constant 19 : i32
      %get3A_544 = arith.index_cast %get3A_543 : i32 to index
      %get3A_545 = arith.constant 0 : index
      %get3A_546 = tpu.vector_load %arg6[%get3A_544, %get3A_545] {strides = array<i32>} : memref<128x128xf32, #tpu.memory_space<vmem>>, vector<1x16xf32>,
      %get3A_547 = vector.shape_cast %get3A_546 : vector<1x16xf32> to vector<16xf32>
      %max3A_548 = arith.maximumf %max3A_542, %get3A_547 : vector<16xf32>
      %get3A_549 = arith.constant 20 : i32
      %get3A_550 = arith.index_cast %get3A_549 : i32 to index
      %get3A_551 = arith.constant 0 : index
      %get3A_552 = tpu.vector_load %arg6[%get3A_550, %get3A_551] {strides = array<i32>} : memref<128x128xf32, #tpu.memory_space<vmem>>, vector<1x16xf32>,
      %get3A_553 = vector.shape_cast %get3A_552 : vector<1x16xf32> to vector<16xf32>
      %max3A_554 = arith.maximumf %max3A_548, %get3A_553 : vector<16xf32>
      %get3A_555 = arith.constant 21 : i32
      %get3A_556 = arith.index_cast %get3A_555 : i32 to index
      %get3A_557 = arith.constant 0 : index
      %get3A_558 = tpu.vector_load %arg6[%get3A_556, %get3A_557] {strides = array<i32>} : memref<128x128xf32, #tpu.memory_space<vmem>>, vector<1x16xf32>,
      %get3A_559 = vector.shape_cast %get3A_558 : vector<1x16xf32> to vector<16xf32>
      %max3A_560 = arith.maximumf %max3A_554, %get3A_559 : vector<16xf32>
      %get3A_561 = arith.constant 22 : i32
      %get3A_562 = arith.index_cast %get3A_561 : i32 to index
      %get3A_563 = arith.constant 0 : index
      %get3A_564 = tpu.vector_load %arg6[%get3A_562, %get3A_563] {strides = array<i32>} : memref<128x128xf32, #tpu.memory_space<vmem>>, vector<1x16xf32>,
      %get3A_565 = vector.shape_cast %get3A_564 : vector<1x16xf32> to vector<16xf32>
      %max3A_566 = arith.maximumf %max3A_560, %get3A_565 : vector<16xf32>
      %get3A_567 = arith.constant 23 : i32
      %get3A_568 = arith.index_cast %get3A_567 : i32 to index
      %get3A_569 = arith.constant 0 : index
      %get3A_570 = tpu.vector_load %arg6[%get3A_568, %get3A_569] {strides = array<i32>} : memref<128x128xf32, #tpu.memory_space<vmem>>, vector<1x16xf32>,
      %get3A_571 = vector.shape_cast %get3A_570 : vector<1x16xf32> to vector<16xf32>
      %max3A_572 = arith.maximumf %max3A_566, %get3A_571 : vector<16xf32>
      %get3A_573 = arith.constant 24 : i32
      %get3A_574 = arith.index_cast %get3A_573 : i32 to index
      %get3A_575 = arith.constant 0 : index
      %get3A_576 = tpu.vector_load %arg6[%get3A_574, %get3A_575] {strides = array<i32>} : memref<128x128xf32, #tpu.memory_space<vmem>>, vector<1x16xf32>,
      %get3A_577 = vector.shape_cast %get3A_576 : vector<1x16xf32> to vector<16xf32>
      %max3A_578 = arith.maximumf %max3A_572, %get3A_577 : vector<16xf32>
      %get3A_579 = arith.constant 25 : i32
      %get3A_580 = arith.index_cast %get3A_579 : i32 to index
      %get3A_581 = arith.constant 0 : index
      %get3A_582 = tpu.vector_load %arg6[%get3A_580, %get3A_581] {strides = array<i32>} : memref<128x128xf32, #tpu.memory_space<vmem>>, vector<1x16xf32>,
      %get3A_583 = vector.shape_cast %get3A_582 : vector<1x16xf32> to vector<16xf32>
      %max3A_584 = arith.maximumf %max3A_578, %get3A_583 : vector<16xf32>
      %get3A_585 = arith.constant 26 : i32
      %get3A_586 = arith.index_cast %get3A_585 : i32 to index
      %get3A_587 = arith.constant 0 : index
      %get3A_588 = tpu.vector_load %arg6[%get3A_586, %get3A_587] {strides = array<i32>} : memref<128x128xf32, #tpu.memory_space<vmem>>, vector<1x16xf32>,
      %get3A_589 = vector.shape_cast %get3A_588 : vector<1x16xf32> to vector<16xf32>
      %max3A_590 = arith.maximumf %max3A_584, %get3A_589 : vector<16xf32>
      %get3A_591 = arith.constant 27 : i32
      %get3A_592 = arith.index_cast %get3A_591 : i32 to index
      %get3A_593 = arith.constant 0 : index
      %get3A_594 = tpu.vector_load %arg6[%get3A_592, %get3A_593] {strides = array<i32>} : memref<128x128xf32, #tpu.memory_space<vmem>>, vector<1x16xf32>,
      %get3A_595 = vector.shape_cast %get3A_594 : vector<1x16xf32> to vector<16xf32>
      %max3A_596 = arith.maximumf %max3A_590, %get3A_595 : vector<16xf32>
      %get3A_597 = arith.constant 28 : i32
      %get3A_598 = arith.index_cast %get3A_597 : i32 to index
      %get3A_599 = arith.constant 0 : index
      %get3A_600 = tpu.vector_load %arg6[%get3A_598, %get3A_599] {strides = array<i32>} : memref<128x128xf32, #tpu.memory_space<vmem>>, vector<1x16xf32>,
      %get3A_601 = vector.shape_cast %get3A_600 : vector<1x16xf32> to vector<16xf32>
      %max3A_602 = arith.maximumf %max3A_596, %get3A_601 : vector<16xf32>
      %get3A_603 = arith.constant 29 : i32
      %get3A_604 = arith.index_cast %get3A_603 : i32 to index
      %get3A_605 = arith.constant 0 : index
      %get3A_606 = tpu.vector_load %arg6[%get3A_604, %get3A_605] {strides = array<i32>} : memref<128x128xf32, #tpu.memory_space<vmem>>, vector<1x16xf32>,
      %get3A_607 = vector.shape_cast %get3A_606 : vector<1x16xf32> to vector<16xf32>
      %max3A_608 = arith.maximumf %max3A_602, %get3A_607 : vector<16xf32>
      %get3A_609 = arith.constant 30 : i32
      %get3A_610 = arith.index_cast %get3A_609 : i32 to index
      %get3A_611 = arith.constant 0 : index
      %get3A_612 = tpu.vector_load %arg6[%get3A_610, %get3A_611] {strides = array<i32>} : memref<128x128xf32, #tpu.memory_space<vmem>>, vector<1x16xf32>,
      %get3A_613 = vector.shape_cast %get3A_612 : vector<1x16xf32> to vector<16xf32>
      %max3A_614 = arith.maximumf %max3A_608, %get3A_613 : vector<16xf32>
      %get3A_615 = arith.constant 31 : i32
      %get3A_616 = arith.index_cast %get3A_615 : i32 to index
      %get3A_617 = arith.constant 0 : index
      %get3A_618 = tpu.vector_load %arg6[%get3A_616, %get3A_617] {strides = array<i32>} : memref<128x128xf32, #tpu.memory_space<vmem>>, vector<1x16xf32>,
      %get3A_619 = vector.shape_cast %get3A_618 : vector<1x16xf32> to vector<16xf32>
      %max3A_620 = arith.maximumf %max3A_614, %get3A_619 : vector<16xf32>
      %swap3A_621 = arith.index_cast %add3A_525 : i32 to index
      %swap3A_622 = arith.constant 0 : index
      %swap3A_623 = tpu.vector_load %arg7[%swap3A_621, %swap3A_622] {strides = array<i32>} : memref<512x128xf32, #tpu.memory_space<vmem>>, vector<1x16xf32>,
      %swap3A_624 = vector.shape_cast %swap3A_623 : vector<1x16xf32> to vector<16xf32>
      %swap3A_625 = vector.shape_cast %max3A_620 : vector<16xf32> to vector<1x16xf32>
      tpu.vector_store %arg7[%swap3A_621, %swap3A_622], %swap3A_625 {strides = array<i32>} : memref<512x128xf32, #tpu.memory_space<vmem>>, vector<1x16xf32>,
      %get3A_626 = arith.constant 16 : i32
      %get3A_627 = arith.index_cast %get3A_626 : i32 to index
      %get3A_628 = arith.constant 16 : index
      %get3A_629 = tpu.vector_load %arg6[%get3A_627, %get3A_628] {strides = array<i32>} : memref<128x128xf32, #tpu.memory_space<vmem>>, vector<1x16xf32>,
      %get3A_630 = vector.shape_cast %get3A_629 : vector<1x16xf32> to vector<16xf32>
      %get3A_631 = arith.constant 17 : i32
      %get3A_632 = arith.index_cast %get3A_631 : i32 to index
      %get3A_633 = arith.constant 16 : index
      %get3A_634 = tpu.vector_load %arg6[%get3A_632, %get3A_633] {strides = array<i32>} : memref<128x128xf32, #tpu.memory_space<vmem>>, vector<1x16xf32>,
      %get3A_635 = vector.shape_cast %get3A_634 : vector<1x16xf32> to vector<16xf32>
      %max3A_636 = arith.maximumf %get3A_630, %get3A_635 : vector<16xf32>
      %get3A_637 = arith.constant 18 : i32
      %get3A_638 = arith.index_cast %get3A_637 : i32 to index
      %get3A_639 = arith.constant 16 : index
      %get3A_640 = tpu.vector_load %arg6[%get3A_638, %get3A_639] {strides = array<i32>} : memref<128x128xf32, #tpu.memory_space<vmem>>, vector<1x16xf32>,
      %get3A_641 = vector.shape_cast %get3A_640 : vector<1x16xf32> to vector<16xf32>
      %max3A_642 = arith.maximumf %max3A_636, %get3A_641 : vector<16xf32>
      %get3A_643 = arith.constant 19 : i32
      %get3A_644 = arith.index_cast %get3A_643 : i32 to index
      %get3A_645 = arith.constant 16 : index
      %get3A_646 = tpu.vector_load %arg6[%get3A_644, %get3A_645] {strides = array<i32>} : memref<128x128xf32, #tpu.memory_space<vmem>>, vector<1x16xf32>,
      %get3A_647 = vector.shape_cast %get3A_646 : vector<1x16xf32> to vector<16xf32>
      %max3A_648 = arith.maximumf %max3A_642, %get3A_647 : vector<16xf32>
      %get3A_649 = arith.constant 20 : i32
      %get3A_650 = arith.index_cast %get3A_649 : i32 to index
      %get3A_651 = arith.constant 16 : index
      %get3A_652 = tpu.vector_load %arg6[%get3A_650, %get3A_651] {strides = array<i32>} : memref<128x128xf32, #tpu.memory_space<vmem>>, vector<1x16xf32>,
      %get3A_653 = vector.shape_cast %get3A_652 : vector<1x16xf32> to vector<16xf32>
      %max3A_654 = arith.maximumf %max3A_648, %get3A_653 : vector<16xf32>
      %get3A_655 = arith.constant 21 : i32
      %get3A_656 = arith.index_cast %get3A_655 : i32 to index
      %get3A_657 = arith.constant 16 : index
      %get3A_658 = tpu.vector_load %arg6[%get3A_656, %get3A_657] {strides = array<i32>} : memref<128x128xf32, #tpu.memory_space<vmem>>, vector<1x16xf32>,
      %get3A_659 = vector.shape_cast %get3A_658 : vector<1x16xf32> to vector<16xf32>
      %max3A_660 = arith.maximumf %max3A_654, %get3A_659 : vector<16xf32>
      %get3A_661 = arith.constant 22 : i32
      %get3A_662 = arith.index_cast %get3A_661 : i32 to index
      %get3A_663 = arith.constant 16 : index
      %get3A_664 = tpu.vector_load %arg6[%get3A_662, %get3A_663] {strides = array<i32>} : memref<128x128xf32, #tpu.memory_space<vmem>>, vector<1x16xf32>,
      %get3A_665 = vector.shape_cast %get3A_664 : vector<1x16xf32> to vector<16xf32>
      %max3A_666 = arith.maximumf %max3A_660, %get3A_665 : vector<16xf32>
      %get3A_667 = arith.constant 23 : i32
      %get3A_668 = arith.index_cast %get3A_667 : i32 to index
      %get3A_669 = arith.constant 16 : index
      %get3A_670 = tpu.vector_load %arg6[%get3A_668, %get3A_669] {strides = array<i32>} : memref<128x128xf32, #tpu.memory_space<vmem>>, vector<1x16xf32>,
      %get3A_671 = vector.shape_cast %get3A_670 : vector<1x16xf32> to vector<16xf32>
      %max3A_672 = arith.maximumf %max3A_666, %get3A_671 : vector<16xf32>
      %get3A_673 = arith.constant 24 : i32
      %get3A_674 = arith.index_cast %get3A_673 : i32 to index
      %get3A_675 = arith.constant 16 : index
      %get3A_676 = tpu.vector_load %arg6[%get3A_674, %get3A_675] {strides = array<i32>} : memref<128x128xf32, #tpu.memory_space<vmem>>, vector<1x16xf32>,
      %get3A_677 = vector.shape_cast %get3A_676 : vector<1x16xf32> to vector<16xf32>
      %max3A_678 = arith.maximumf %max3A_672, %get3A_677 : vector<16xf32>
      %get3A_679 = arith.constant 25 : i32
      %get3A_680 = arith.index_cast %get3A_679 : i32 to index
      %get3A_681 = arith.constant 16 : index
      %get3A_682 = tpu.vector_load %arg6[%get3A_680, %get3A_681] {strides = array<i32>} : memref<128x128xf32, #tpu.memory_space<vmem>>, vector<1x16xf32>,
      %get3A_683 = vector.shape_cast %get3A_682 : vector<1x16xf32> to vector<16xf32>
      %max3A_684 = arith.maximumf %max3A_678, %get3A_683 : vector<16xf32>
      %get3A_685 = arith.constant 26 : i32
      %get3A_686 = arith.index_cast %get3A_685 : i32 to index
      %get3A_687 = arith.constant 16 : index
      %get3A_688 = tpu.vector_load %arg6[%get3A_686, %get3A_687] {strides = array<i32>} : memref<128x128xf32, #tpu.memory_space<vmem>>, vector<1x16xf32>,
      %get3A_689 = vector.shape_cast %get3A_688 : vector<1x16xf32> to vector<16xf32>
      %max3A_690 = arith.maximumf %max3A_684, %get3A_689 : vector<16xf32>
      %get3A_691 = arith.constant 27 : i32
      %get3A_692 = arith.index_cast %get3A_691 : i32 to index
      %get3A_693 = arith.constant 16 : index
      %get3A_694 = tpu.vector_load %arg6[%get3A_692, %get3A_693] {strides = array<i32>} : memref<128x128xf32, #tpu.memory_space<vmem>>, vector<1x16xf32>,
      %get3A_695 = vector.shape_cast %get3A_694 : vector<1x16xf32> to vector<16xf32>
      %max3A_696 = arith.maximumf %max3A_690, %get3A_695 : vector<16xf32>
      %get3A_697 = arith.constant 28 : i32
      %get3A_698 = arith.index_cast %get3A_697 : i32 to index
      %get3A_699 = arith.constant 16 : index
      %get3A_700 = tpu.vector_load %arg6[%get3A_698, %get3A_699] {strides = array<i32>} : memref<128x128xf32, #tpu.memory_space<vmem>>, vector<1x16xf32>,
      %get3A_701 = vector.shape_cast %get3A_700 : vector<1x16xf32> to vector<16xf32>
      %max3A_702 = arith.maximumf %max3A_696, %get3A_701 : vector<16xf32>
      %get3A_703 = arith.constant 29 : i32
      %get3A_704 = arith.index_cast %get3A_703 : i32 to index
      %get3A_705 = arith.constant 16 : index
      %get3A_706 = tpu.vector_load %arg6[%get3A_704, %get3A_705] {strides = array<i32>} : memref<128x128xf32, #tpu.memory_space<vmem>>, vector<1x16xf32>,
      %get3A_707 = vector.shape_cast %get3A_706 : vector<1x16xf32> to vector<16xf32>
      %max3A_708 = arith.maximumf %max3A_702, %get3A_707 : vector<16xf32>
      %get3A_709 = arith.constant 30 : i32
      %get3A_710 = arith.index_cast %get3A_709 : i32 to index
      %get3A_711 = arith.constant 16 : index
      %get3A_712 = tpu.vector_load %arg6[%get3A_710, %get3A_711] {strides = array<i32>} : memref<128x128xf32, #tpu.memory_space<vmem>>, vector<1x16xf32>,
      %get3A_713 = vector.shape_cast %get3A_712 : vector<1x16xf32> to vector<16xf32>
      %max3A_714 = arith.maximumf %max3A_708, %get3A_713 : vector<16xf32>
      %get3A_715 = arith.constant 31 : i32
      %get3A_716 = arith.index_cast %get3A_715 : i32 to index
      %get3A_717 = arith.constant 16 : index
      %get3A_718 = tpu.vector_load %arg6[%get3A_716, %get3A_717] {strides = array<i32>} : memref<128x128xf32, #tpu.memory_space<vmem>>, vector<1x16xf32>,
      %get3A_719 = vector.shape_cast %get3A_718 : vector<1x16xf32> to vector<16xf32>
      %max3A_720 = arith.maximumf %max3A_714, %get3A_719 : vector<16xf32>
      %swap3A_721 = arith.index_cast %add3A_525 : i32 to index
      %swap3A_722 = arith.constant 16 : index
      %swap3A_723 = tpu.vector_load %arg7[%swap3A_721, %swap3A_722] {strides = array<i32>} : memref<512x128xf32, #tpu.memory_space<vmem>>, vector<1x16xf32>,
      %swap3A_724 = vector.shape_cast %swap3A_723 : vector<1x16xf32> to vector<16xf32>
      %swap3A_725 = vector.shape_cast %max3A_720 : vector<16xf32> to vector<1x16xf32>
      tpu.vector_store %arg7[%swap3A_721, %swap3A_722], %swap3A_725 {strides = array<i32>} : memref<512x128xf32, #tpu.memory_space<vmem>>, vector<1x16xf32>,
      %get3A_726 = arith.constant 16 : i32
      %get3A_727 = arith.index_cast %get3A_726 : i32 to index
      %get3A_728 = arith.constant 32 : index
      %get3A_729 = tpu.vector_load %arg6[%get3A_727, %get3A_728] {strides = array<i32>} : memref<128x128xf32, #tpu.memory_space<vmem>>, vector<1x16xf32>,
      %get3A_730 = vector.shape_cast %get3A_729 : vector<1x16xf32> to vector<16xf32>
      %get3A_731 = arith.constant 17 : i32
      %get3A_732 = arith.index_cast %get3A_731 : i32 to index
      %get3A_733 = arith.constant 32 : index
      %get3A_734 = tpu.vector_load %arg6[%get3A_732, %get3A_733] {strides = array<i32>} : memref<128x128xf32, #tpu.memory_space<vmem>>, vector<1x16xf32>,
      %get3A_735 = vector.shape_cast %get3A_734 : vector<1x16xf32> to vector<16xf32>
      %max3A_736 = arith.maximumf %get3A_730, %get3A_735 : vector<16xf32>
      %get3A_737 = arith.constant 18 : i32
      %get3A_738 = arith.index_cast %get3A_737 : i32 to index
      %get3A_739 = arith.constant 32 : index
      %get3A_740 = tpu.vector_load %arg6[%get3A_738, %get3A_739] {strides = array<i32>} : memref<128x128xf32, #tpu.memory_space<vmem>>, vector<1x16xf32>,
      %get3A_741 = vector.shape_cast %get3A_740 : vector<1x16xf32> to vector<16xf32>
      %max3A_742 = arith.maximumf %max3A_736, %get3A_741 : vector<16xf32>
      %get3A_743 = arith.constant 19 : i32
      %get3A_744 = arith.index_cast %get3A_743 : i32 to index
      %get3A_745 = arith.constant 32 : index
      %get3A_746 = tpu.vector_load %arg6[%get3A_744, %get3A_745] {strides = array<i32>} : memref<128x128xf32, #tpu.memory_space<vmem>>, vector<1x16xf32>,
      %get3A_747 = vector.shape_cast %get3A_746 : vector<1x16xf32> to vector<16xf32>
      %max3A_748 = arith.maximumf %max3A_742, %get3A_747 : vector<16xf32>
      %get3A_749 = arith.constant 20 : i32
      %get3A_750 = arith.index_cast %get3A_749 : i32 to index
      %get3A_751 = arith.constant 32 : index
      %get3A_752 = tpu.vector_load %arg6[%get3A_750, %get3A_751] {strides = array<i32>} : memref<128x128xf32, #tpu.memory_space<vmem>>, vector<1x16xf32>,
      %get3A_753 = vector.shape_cast %get3A_752 : vector<1x16xf32> to vector<16xf32>
      %max3A_754 = arith.maximumf %max3A_748, %get3A_753 : vector<16xf32>
      %get3A_755 = arith.constant 21 : i32
      %get3A_756 = arith.index_cast %get3A_755 : i32 to index
      %get3A_757 = arith.constant 32 : index
      %get3A_758 = tpu.vector_load %arg6[%get3A_756, %get3A_757] {strides = array<i32>} : memref<128x128xf32, #tpu.memory_space<vmem>>, vector<1x16xf32>,
      %get3A_759 = vector.shape_cast %get3A_758 : vector<1x16xf32> to vector<16xf32>
      %max3A_760 = arith.maximumf %max3A_754, %get3A_759 : vector<16xf32>
      %get3A_761 = arith.constant 22 : i32
      %get3A_762 = arith.index_cast %get3A_761 : i32 to index
      %get3A_763 = arith.constant 32 : index
      %get3A_764 = tpu.vector_load %arg6[%get3A_762, %get3A_763] {strides = array<i32>} : memref<128x128xf32, #tpu.memory_space<vmem>>, vector<1x16xf32>,
      %get3A_765 = vector.shape_cast %get3A_764 : vector<1x16xf32> to vector<16xf32>
      %max3A_766 = arith.maximumf %max3A_760, %get3A_765 : vector<16xf32>
      %get3A_767 = arith.constant 23 : i32
      %get3A_768 = arith.index_cast %get3A_767 : i32 to index
      %get3A_769 = arith.constant 32 : index
      %get3A_770 = tpu.vector_load %arg6[%get3A_768, %get3A_769] {strides = array<i32>} : memref<128x128xf32, #tpu.memory_space<vmem>>, vector<1x16xf32>,
      %get3A_771 = vector.shape_cast %get3A_770 : vector<1x16xf32> to vector<16xf32>
      %max3A_772 = arith.maximumf %max3A_766, %get3A_771 : vector<16xf32>
      %get3A_773 = arith.constant 24 : i32
      %get3A_774 = arith.index_cast %get3A_773 : i32 to index
      %get3A_775 = arith.constant 32 : index
      %get3A_776 = tpu.vector_load %arg6[%get3A_774, %get3A_775] {strides = array<i32>} : memref<128x128xf32, #tpu.memory_space<vmem>>, vector<1x16xf32>,
      %get3A_777 = vector.shape_cast %get3A_776 : vector<1x16xf32> to vector<16xf32>
      %max3A_778 = arith.maximumf %max3A_772, %get3A_777 : vector<16xf32>
      %get3A_779 = arith.constant 25 : i32
      %get3A_780 = arith.index_cast %get3A_779 : i32 to index
      %get3A_781 = arith.constant 32 : index
      %get3A_782 = tpu.vector_load %arg6[%get3A_780, %get3A_781] {strides = array<i32>} : memref<128x128xf32, #tpu.memory_space<vmem>>, vector<1x16xf32>,
      %get3A_783 = vector.shape_cast %get3A_782 : vector<1x16xf32> to vector<16xf32>
      %max3A_784 = arith.maximumf %max3A_778, %get3A_783 : vector<16xf32>
      %get3A_785 = arith.constant 26 : i32
      %get3A_786 = arith.index_cast %get3A_785 : i32 to index
      %get3A_787 = arith.constant 32 : index
      %get3A_788 = tpu.vector_load %arg6[%get3A_786, %get3A_787] {strides = array<i32>} : memref<128x128xf32, #tpu.memory_space<vmem>>, vector<1x16xf32>,
      %get3A_789 = vector.shape_cast %get3A_788 : vector<1x16xf32> to vector<16xf32>
      %max3A_790 = arith.maximumf %max3A_784, %get3A_789 : vector<16xf32>
      %get3A_791 = arith.constant 27 : i32
      %get3A_792 = arith.index_cast %get3A_791 : i32 to index
      %get3A_793 = arith.constant 32 : index
      %get3A_794 = tpu.vector_load %arg6[%get3A_792, %get3A_793] {strides = array<i32>} : memref<128x128xf32, #tpu.memory_space<vmem>>, vector<1x16xf32>,
      %get3A_795 = vector.shape_cast %get3A_794 : vector<1x16xf32> to vector<16xf32>
      %max3A_796 = arith.maximumf %max3A_790, %get3A_795 : vector<16xf32>
      %get3A_797 = arith.constant 28 : i32
      %get3A_798 = arith.index_cast %get3A_797 : i32 to index
      %get3A_799 = arith.constant 32 : index
      %get3A_800 = tpu.vector_load %arg6[%get3A_798, %get3A_799] {strides = array<i32>} : memref<128x128xf32, #tpu.memory_space<vmem>>, vector<1x16xf32>,
      %get3A_801 = vector.shape_cast %get3A_800 : vector<1x16xf32> to vector<16xf32>
      %max3A_802 = arith.maximumf %max3A_796, %get3A_801 : vector<16xf32>
      %get3A_803 = arith.constant 29 : i32
      %get3A_804 = arith.index_cast %get3A_803 : i32 to index
      %get3A_805 = arith.constant 32 : index
      %get3A_806 = tpu.vector_load %arg6[%get3A_804, %get3A_805] {strides = array<i32>} : memref<128x128xf32, #tpu.memory_space<vmem>>, vector<1x16xf32>,
      %get3A_807 = vector.shape_cast %get3A_806 : vector<1x16xf32> to vector<16xf32>
      %max3A_808 = arith.maximumf %max3A_802, %get3A_807 : vector<16xf32>
      %get3A_809 = arith.constant 30 : i32
      %get3A_810 = arith.index_cast %get3A_809 : i32 to index
      %get3A_811 = arith.constant 32 : index
      %get3A_812 = tpu.vector_load %arg6[%get3A_810, %get3A_811] {strides = array<i32>} : memref<128x128xf32, #tpu.memory_space<vmem>>, vector<1x16xf32>,
      %get3A_813 = vector.shape_cast %get3A_812 : vector<1x16xf32> to vector<16xf32>
      %max3A_814 = arith.maximumf %max3A_808, %get3A_813 : vector<16xf32>
      %get3A_815 = arith.constant 31 : i32
      %get3A_816 = arith.index_cast %get3A_815 : i32 to index
      %get3A_817 = arith.constant 32 : index
      %get3A_818 = tpu.vector_load %arg6[%get3A_816, %get3A_817] {strides = array<i32>} : memref<128x128xf32, #tpu.memory_space<vmem>>, vector<1x16xf32>,
      %get3A_819 = vector.shape_cast %get3A_818 : vector<1x16xf32> to vector<16xf32>
      %max3A_820 = arith.maximumf %max3A_814, %get3A_819 : vector<16xf32>
      %swap3A_821 = arith.index_cast %add3A_525 : i32 to index
      %swap3A_822 = arith.constant 32 : index
      %swap3A_823 = tpu.vector_load %arg7[%swap3A_821, %swap3A_822] {strides = array<i32>} : memref<512x128xf32, #tpu.memory_space<vmem>>, vector<1x16xf32>,
      %swap3A_824 = vector.shape_cast %swap3A_823 : vector<1x16xf32> to vector<16xf32>
      %swap3A_825 = vector.shape_cast %max3A_820 : vector<16xf32> to vector<1x16xf32>
      tpu.vector_store %arg7[%swap3A_821, %swap3A_822], %swap3A_825 {strides = array<i32>} : memref<512x128xf32, #tpu.memory_space<vmem>>, vector<1x16xf32>,
      %get3A_826 = arith.constant 16 : i32
      %get3A_827 = arith.index_cast %get3A_826 : i32 to index
      %get3A_828 = arith.constant 48 : index
      %get3A_829 = tpu.vector_load %arg6[%get3A_827, %get3A_828] {strides = array<i32>} : memref<128x128xf32, #tpu.memory_space<vmem>>, vector<1x16xf32>,
      %get3A_830 = vector.shape_cast %get3A_829 : vector<1x16xf32> to vector<16xf32>
      %get3A_831 = arith.constant 17 : i32
      %get3A_832 = arith.index_cast %get3A_831 : i32 to index
      %get3A_833 = arith.constant 48 : index
      %get3A_834 = tpu.vector_load %arg6[%get3A_832, %get3A_833] {strides = array<i32>} : memref<128x128xf32, #tpu.memory_space<vmem>>, vector<1x16xf32>,
      %get3A_835 = vector.shape_cast %get3A_834 : vector<1x16xf32> to vector<16xf32>
      %max3A_836 = arith.maximumf %get3A_830, %get3A_835 : vector<16xf32>
      %get3A_837 = arith.constant 18 : i32
      %get3A_838 = arith.index_cast %get3A_837 : i32 to index
      %get3A_839 = arith.constant 48 : index
      %get3A_840 = tpu.vector_load %arg6[%get3A_838, %get3A_839] {strides = array<i32>} : memref<128x128xf32, #tpu.memory_space<vmem>>, vector<1x16xf32>,
      %get3A_841 = vector.shape_cast %get3A_840 : vector<1x16xf32> to vector<16xf32>
      %max3A_842 = arith.maximumf %max3A_836, %get3A_841 : vector<16xf32>
      %get3A_843 = arith.constant 19 : i32
      %get3A_844 = arith.index_cast %get3A_843 : i32 to index
      %get3A_845 = arith.constant 48 : index
      %get3A_846 = tpu.vector_load %arg6[%get3A_844, %get3A_845] {strides = array<i32>} : memref<128x128xf32, #tpu.memory_space<vmem>>, vector<1x16xf32>,
      %get3A_847 = vector.shape_cast %get3A_846 : vector<1x16xf32> to vector<16xf32>
      %max3A_848 = arith.maximumf %max3A_842, %get3A_847 : vector<16xf32>
      %get3A_849 = arith.constant 20 : i32
      %get3A_850 = arith.index_cast %get3A_849 : i32 to index
      %get3A_851 = arith.constant 48 : index
      %get3A_852 = tpu.vector_load %arg6[%get3A_850, %get3A_851] {strides = array<i32>} : memref<128x128xf32, #tpu.memory_space<vmem>>, vector<1x16xf32>,
      %get3A_853 = vector.shape_cast %get3A_852 : vector<1x16xf32> to vector<16xf32>
      %max3A_854 = arith.maximumf %max3A_848, %get3A_853 : vector<16xf32>
      %get3A_855 = arith.constant 21 : i32
      %get3A_856 = arith.index_cast %get3A_855 : i32 to index
      %get3A_857 = arith.constant 48 : index
      %get3A_858 = tpu.vector_load %arg6[%get3A_856, %get3A_857] {strides = array<i32>} : memref<128x128xf32, #tpu.memory_space<vmem>>, vector<1x16xf32>,
      %get3A_859 = vector.shape_cast %get3A_858 : vector<1x16xf32> to vector<16xf32>
      %max3A_860 = arith.maximumf %max3A_854, %get3A_859 : vector<16xf32>
      %get3A_861 = arith.constant 22 : i32
      %get3A_862 = arith.index_cast %get3A_861 : i32 to index
      %get3A_863 = arith.constant 48 : index
      %get3A_864 = tpu.vector_load %arg6[%get3A_862, %get3A_863] {strides = array<i32>} : memref<128x128xf32, #tpu.memory_space<vmem>>, vector<1x16xf32>,
      %get3A_865 = vector.shape_cast %get3A_864 : vector<1x16xf32> to vector<16xf32>
      %max3A_866 = arith.maximumf %max3A_860, %get3A_865 : vector<16xf32>
      %get3A_867 = arith.constant 23 : i32
      %get3A_868 = arith.index_cast %get3A_867 : i32 to index
      %get3A_869 = arith.constant 48 : index
      %get3A_870 = tpu.vector_load %arg6[%get3A_868, %get3A_869] {strides = array<i32>} : memref<128x128xf32, #tpu.memory_space<vmem>>, vector<1x16xf32>,
      %get3A_871 = vector.shape_cast %get3A_870 : vector<1x16xf32> to vector<16xf32>
      %max3A_872 = arith.maximumf %max3A_866, %get3A_871 : vector<16xf32>
      %get3A_873 = arith.constant 24 : i32
      %get3A_874 = arith.index_cast %get3A_873 : i32 to index
      %get3A_875 = arith.constant 48 : index
      %get3A_876 = tpu.vector_load %arg6[%get3A_874, %get3A_875] {strides = array<i32>} : memref<128x128xf32, #tpu.memory_space<vmem>>, vector<1x16xf32>,
      %get3A_877 = vector.shape_cast %get3A_876 : vector<1x16xf32> to vector<16xf32>
      %max3A_878 = arith.maximumf %max3A_872, %get3A_877 : vector<16xf32>
      %get3A_879 = arith.constant 25 : i32
      %get3A_880 = arith.index_cast %get3A_879 : i32 to index
      %get3A_881 = arith.constant 48 : index
      %get3A_882 = tpu.vector_load %arg6[%get3A_880, %get3A_881] {strides = array<i32>} : memref<128x128xf32, #tpu.memory_space<vmem>>, vector<1x16xf32>,
      %get3A_883 = vector.shape_cast %get3A_882 : vector<1x16xf32> to vector<16xf32>
      %max3A_884 = arith.maximumf %max3A_878, %get3A_883 : vector<16xf32>
      %get3A_885 = arith.constant 26 : i32
      %get3A_886 = arith.index_cast %get3A_885 : i32 to index
      %get3A_887 = arith.constant 48 : index
      %get3A_888 = tpu.vector_load %arg6[%get3A_886, %get3A_887] {strides = array<i32>} : memref<128x128xf32, #tpu.memory_space<vmem>>, vector<1x16xf32>,
      %get3A_889 = vector.shape_cast %get3A_888 : vector<1x16xf32> to vector<16xf32>
      %max3A_890 = arith.maximumf %max3A_884, %get3A_889 : vector<16xf32>
      %get3A_891 = arith.constant 27 : i32
      %get3A_892 = arith.index_cast %get3A_891 : i32 to index
      %get3A_893 = arith.constant 48 : index
      %get3A_894 = tpu.vector_load %arg6[%get3A_892, %get3A_893] {strides = array<i32>} : memref<128x128xf32, #tpu.memory_space<vmem>>, vector<1x16xf32>,
      %get3A_895 = vector.shape_cast %get3A_894 : vector<1x16xf32> to vector<16xf32>
      %max3A_896 = arith.maximumf %max3A_890, %get3A_895 : vector<16xf32>
      %get3A_897 = arith.constant 28 : i32
      %get3A_898 = arith.index_cast %get3A_897 : i32 to index
      %get3A_899 = arith.constant 48 : index
      %get3A_900 = tpu.vector_load %arg6[%get3A_898, %get3A_899] {strides = array<i32>} : memref<128x128xf32, #tpu.memory_space<vmem>>, vector<1x16xf32>,
      %get3A_901 = vector.shape_cast %get3A_900 : vector<1x16xf32> to vector<16xf32>
      %max3A_902 = arith.maximumf %max3A_896, %get3A_901 : vector<16xf32>
      %get3A_903 = arith.constant 29 : i32
      %get3A_904 = arith.index_cast %get3A_903 : i32 to index
      %get3A_905 = arith.constant 48 : index
      %get3A_906 = tpu.vector_load %arg6[%get3A_904, %get3A_905] {strides = array<i32>} : memref<128x128xf32, #tpu.memory_space<vmem>>, vector<1x16xf32>,
      %get3A_907 = vector.shape_cast %get3A_906 : vector<1x16xf32> to vector<16xf32>
      %max3A_908 = arith.maximumf %max3A_902, %get3A_907 : vector<16xf32>
      %get3A_909 = arith.constant 30 : i32
      %get3A_910 = arith.index_cast %get3A_909 : i32 to index
      %get3A_911 = arith.constant 48 : index
      %get3A_912 = tpu.vector_load %arg6[%get3A_910, %get3A_911] {strides = array<i32>} : memref<128x128xf32, #tpu.memory_space<vmem>>, vector<1x16xf32>,
      %get3A_913 = vector.shape_cast %get3A_912 : vector<1x16xf32> to vector<16xf32>
      %max3A_914 = arith.maximumf %max3A_908, %get3A_913 : vector<16xf32>
      %get3A_915 = arith.constant 31 : i32
      %get3A_916 = arith.index_cast %get3A_915 : i32 to index
      %get3A_917 = arith.constant 48 : index
      %get3A_918 = tpu.vector_load %arg6[%get3A_916, %get3A_917] {strides = array<i32>} : memref<128x128xf32, #tpu.memory_space<vmem>>, vector<1x16xf32>,
      %get3A_919 = vector.shape_cast %get3A_918 : vector<1x16xf32> to vector<16xf32>
      %max3A_920 = arith.maximumf %max3A_914, %get3A_919 : vector<16xf32>
      %swap3A_921 = arith.index_cast %add3A_525 : i32 to index
      %swap3A_922 = arith.constant 48 : index
      %swap3A_923 = tpu.vector_load %arg7[%swap3A_921, %swap3A_922] {strides = array<i32>} : memref<512x128xf32, #tpu.memory_space<vmem>>, vector<1x16xf32>,
      %swap3A_924 = vector.shape_cast %swap3A_923 : vector<1x16xf32> to vector<16xf32>
      %swap3A_925 = vector.shape_cast %max3A_920 : vector<16xf32> to vector<1x16xf32>
      tpu.vector_store %arg7[%swap3A_921, %swap3A_922], %swap3A_925 {strides = array<i32>} : memref<512x128xf32, #tpu.memory_space<vmem>>, vector<1x16xf32>,
      %get3A_926 = arith.constant 16 : i32
      %get3A_927 = arith.index_cast %get3A_926 : i32 to index
      %get3A_928 = arith.constant 64 : index
      %get3A_929 = tpu.vector_load %arg6[%get3A_927, %get3A_928] {strides = array<i32>} : memref<128x128xf32, #tpu.memory_space<vmem>>, vector<1x16xf32>,
      %get3A_930 = vector.shape_cast %get3A_929 : vector<1x16xf32> to vector<16xf32>
      %get3A_931 = arith.constant 17 : i32
      %get3A_932 = arith.index_cast %get3A_931 : i32 to index
      %get3A_933 = arith.constant 64 : index
      %get3A_934 = tpu.vector_load %arg6[%get3A_932, %get3A_933] {strides = array<i32>} : memref<128x128xf32, #tpu.memory_space<vmem>>, vector<1x16xf32>,
      %get3A_935 = vector.shape_cast %get3A_934 : vector<1x16xf32> to vector<16xf32>
      %max3A_936 = arith.maximumf %get3A_930, %get3A_935 : vector<16xf32>
      %get3A_937 = arith.constant 18 : i32
      %get3A_938 = arith.index_cast %get3A_937 : i32 to index
      %get3A_939 = arith.constant 64 : index
      %get3A_940 = tpu.vector_load %arg6[%get3A_938, %get3A_939] {strides = array<i32>} : memref<128x128xf32, #tpu.memory_space<vmem>>, vector<1x16xf32>,
      %get3A_941 = vector.shape_cast %get3A_940 : vector<1x16xf32> to vector<16xf32>
      %max3A_942 = arith.maximumf %max3A_936, %get3A_941 : vector<16xf32>
      %get3A_943 = arith.constant 19 : i32
      %get3A_944 = arith.index_cast %get3A_943 : i32 to index
      %get3A_945 = arith.constant 64 : index
      %get3A_946 = tpu.vector_load %arg6[%get3A_944, %get3A_945] {strides = array<i32>} : memref<128x128xf32, #tpu.memory_space<vmem>>, vector<1x16xf32>,
      %get3A_947 = vector.shape_cast %get3A_946 : vector<1x16xf32> to vector<16xf32>
      %max3A_948 = arith.maximumf %max3A_942, %get3A_947 : vector<16xf32>
      %get3A_949 = arith.constant 20 : i32
      %get3A_950 = arith.index_cast %get3A_949 : i32 to index
      %get3A_951 = arith.constant 64 : index
      %get3A_952 = tpu.vector_load %arg6[%get3A_950, %get3A_951] {strides = array<i32>} : memref<128x128xf32, #tpu.memory_space<vmem>>, vector<1x16xf32>,
      %get3A_953 = vector.shape_cast %get3A_952 : vector<1x16xf32> to vector<16xf32>
      %max3A_954 = arith.maximumf %max3A_948, %get3A_953 : vector<16xf32>
      %get3A_955 = arith.constant 21 : i32
      %get3A_956 = arith.index_cast %get3A_955 : i32 to index
      %get3A_957 = arith.constant 64 : index
      %get3A_958 = tpu.vector_load %arg6[%get3A_956, %get3A_957] {strides = array<i32>} : memref<128x128xf32, #tpu.memory_space<vmem>>, vector<1x16xf32>,
      %get3A_959 = vector.shape_cast %get3A_958 : vector<1x16xf32> to vector<16xf32>
      %max3A_960 = arith.maximumf %max3A_954, %get3A_959 : vector<16xf32>
      %get3A_961 = arith.constant 22 : i32
      %get3A_962 = arith.index_cast %get3A_961 : i32 to index
      %get3A_963 = arith.constant 64 : index
      %get3A_964 = tpu.vector_load %arg6[%get3A_962, %get3A_963] {strides = array<i32>} : memref<128x128xf32, #tpu.memory_space<vmem>>, vector<1x16xf32>,
      %get3A_965 = vector.shape_cast %get3A_964 : vector<1x16xf32> to vector<16xf32>
      %max3A_966 = arith.maximumf %max3A_960, %get3A_965 : vector<16xf32>
      %get3A_967 = arith.constant 23 : i32
      %get3A_968 = arith.index_cast %get3A_967 : i32 to index
      %get3A_969 = arith.constant 64 : index
      %get3A_970 = tpu.vector_load %arg6[%get3A_968, %get3A_969] {strides = array<i32>} : memref<128x128xf32, #tpu.memory_space<vmem>>, vector<1x16xf32>,
      %get3A_971 = vector.shape_cast %get3A_970 : vector<1x16xf32> to vector<16xf32>
      %max3A_972 = arith.maximumf %max3A_966, %get3A_971 : vector<16xf32>
      %get3A_973 = arith.constant 24 : i32
      %get3A_974 = arith.index_cast %get3A_973 : i32 to index
      %get3A_975 = arith.constant 64 : index
      %get3A_976 = tpu.vector_load %arg6[%get3A_974, %get3A_975] {strides = array<i32>} : memref<128x128xf32, #tpu.memory_space<vmem>>, vector<1x16xf32>,
      %get3A_977 = vector.shape_cast %get3A_976 : vector<1x16xf32> to vector<16xf32>
      %max3A_978 = arith.maximumf %max3A_972, %get3A_977 : vector<16xf32>
      %get3A_979 = arith.constant 25 : i32
      %get3A_980 = arith.index_cast %get3A_979 : i32 to index
      %get3A_981 = arith.constant 64 : index
      %get3A_982 = tpu.vector_load %arg6[%get3A_980, %get3A_981] {strides = array<i32>} : memref<128x128xf32, #tpu.memory_space<vmem>>, vector<1x16xf32>,
      %get3A_983 = vector.shape_cast %get3A_982 : vector<1x16xf32> to vector<16xf32>
      %max3A_984 = arith.maximumf %max3A_978, %get3A_983 : vector<16xf32>
      %get3A_985 = arith.constant 26 : i32
      %get3A_986 = arith.index_cast %get3A_985 : i32 to index
      %get3A_987 = arith.constant 64 : index
      %get3A_988 = tpu.vector_load %arg6[%get3A_986, %get3A_987] {strides = array<i32>} : memref<128x128xf32, #tpu.memory_space<vmem>>, vector<1x16xf32>,
      %get3A_989 = vector.shape_cast %get3A_988 : vector<1x16xf32> to vector<16xf32>
      %max3A_990 = arith.maximumf %max3A_984, %get3A_989 : vector<16xf32>
      %get3A_991 = arith.constant 27 : i32
      %get3A_992 = arith.index_cast %get3A_991 : i32 to index
      %get3A_993 = arith.constant 64 : index
      %get3A_994 = tpu.vector_load %arg6[%get3A_992, %get3A_993] {strides = array<i32>} : memref<128x128xf32, #tpu.memory_space<vmem>>, vector<1x16xf32>,
      %get3A_995 = vector.shape_cast %get3A_994 : vector<1x16xf32> to vector<16xf32>
      %max3A_996 = arith.maximumf %max3A_990, %get3A_995 : vector<16xf32>
      %get3A_997 = arith.constant 28 : i32
      %get3A_998 = arith.index_cast %get3A_997 : i32 to index
      %get3A_999 = arith.constant 64 : index
      %get3A_1000 = tpu.vector_load %arg6[%get3A_998, %get3A_999] {strides = array<i32>} : memref<128x128xf32, #tpu.memory_space<vmem>>, vector<1x16xf32>,
      %get3A_1001 = vector.shape_cast %get3A_1000 : vector<1x16xf32> to vector<16xf32>
      %max3A_1002 = arith.maximumf %max3A_996, %get3A_1001 : vector<16xf32>
      %get3A_1003 = arith.constant 29 : i32
      %get3A_1004 = arith.index_cast %get3A_1003 : i32 to index
      %get3A_1005 = arith.constant 64 : index
      %get3A_1006 = tpu.vector_load %arg6[%get3A_1004, %get3A_1005] {strides = array<i32>} : memref<128x128xf32, #tpu.memory_space<vmem>>, vector<1x16xf32>,
      %get3A_1007 = vector.shape_cast %get3A_1006 : vector<1x16xf32> to vector<16xf32>
      %max3A_1008 = arith.maximumf %max3A_1002, %get3A_1007 : vector<16xf32>
      %get3A_1009 = arith.constant 30 : i32
      %get3A_1010 = arith.index_cast %get3A_1009 : i32 to index
      %get3A_1011 = arith.constant 64 : index
      %get3A_1012 = tpu.vector_load %arg6[%get3A_1010, %get3A_1011] {strides = array<i32>} : memref<128x128xf32, #tpu.memory_space<vmem>>, vector<1x16xf32>,
      %get3A_1013 = vector.shape_cast %get3A_1012 : vector<1x16xf32> to vector<16xf32>
      %max3A_1014 = arith.maximumf %max3A_1008, %get3A_1013 : vector<16xf32>
      %get3A_1015 = arith.constant 31 : i32
      %get3A_1016 = arith.index_cast %get3A_1015 : i32 to index
      %get3A_1017 = arith.constant 64 : index
      %get3A_1018 = tpu.vector_load %arg6[%get3A_1016, %get3A_1017] {strides = array<i32>} : memref<128x128xf32, #tpu.memory_space<vmem>>, vector<1x16xf32>,
      %get3A_1019 = vector.shape_cast %get3A_1018 : vector<1x16xf32> to vector<16xf32>
      %max3A_1020 = arith.maximumf %max3A_1014, %get3A_1019 : vector<16xf32>
      %swap3A_1021 = arith.index_cast %add3A_525 : i32 to index
      %swap3A_1022 = arith.constant 64 : index
      %swap3A_1023 = tpu.vector_load %arg7[%swap3A_1021, %swap3A_1022] {strides = array<i32>} : memref<512x128xf32, #tpu.memory_space<vmem>>, vector<1x16xf32>,
      %swap3A_1024 = vector.shape_cast %swap3A_1023 : vector<1x16xf32> to vector<16xf32>
      %swap3A_1025 = vector.shape_cast %max3A_1020 : vector<16xf32> to vector<1x16xf32>
      tpu.vector_store %arg7[%swap3A_1021, %swap3A_1022], %swap3A_1025 {strides = array<i32>} : memref<512x128xf32, #tpu.memory_space<vmem>>, vector<1x16xf32>,
      %mul3A_1026 = arith.constant 8 : i32
      %mul3A_1027 = arith.muli %scan3A_10, %mul3A_1026 : i32
      %add3A_1028 = arith.constant 2 : i32
      %add3A_1029 = arith.addi %mul3A_1027, %add3A_1028 : i32
      %get3A_1030 = arith.constant 32 : i32
      %get3A_1031 = arith.index_cast %get3A_1030 : i32 to index
      %get3A_1032 = arith.constant 0 : index
      %get3A_1033 = tpu.vector_load %arg6[%get3A_1031, %get3A_1032] {strides = array<i32>} : memref<128x128xf32, #tpu.memory_space<vmem>>, vector<1x16xf32>,
      %get3A_1034 = vector.shape_cast %get3A_1033 : vector<1x16xf32> to vector<16xf32>
      %get3A_1035 = arith.constant 33 : i32
      %get3A_1036 = arith.index_cast %get3A_1035 : i32 to index
      %get3A_1037 = arith.constant 0 : index
      %get3A_1038 = tpu.vector_load %arg6[%get3A_1036, %get3A_1037] {strides = array<i32>} : memref<128x128xf32, #tpu.memory_space<vmem>>, vector<1x16xf32>,
      %get3A_1039 = vector.shape_cast %get3A_1038 : vector<1x16xf32> to vector<16xf32>
      %max3A_1040 = arith.maximumf %get3A_1034, %get3A_1039 : vector<16xf32>
      %get3A_1041 = arith.constant 34 : i32
      %get3A_1042 = arith.index_cast %get3A_1041 : i32 to index
      %get3A_1043 = arith.constant 0 : index
      %get3A_1044 = tpu.vector_load %arg6[%get3A_1042, %get3A_1043] {strides = array<i32>} : memref<128x128xf32, #tpu.memory_space<vmem>>, vector<1x16xf32>,
      %get3A_1045 = vector.shape_cast %get3A_1044 : vector<1x16xf32> to vector<16xf32>
      %max3A_1046 = arith.maximumf %max3A_1040, %get3A_1045 : vector<16xf32>
      %get3A_1047 = arith.constant 35 : i32
      %get3A_1048 = arith.index_cast %get3A_1047 : i32 to index
      %get3A_1049 = arith.constant 0 : index
      %get3A_1050 = tpu.vector_load %arg6[%get3A_1048, %get3A_1049] {strides = array<i32>} : memref<128x128xf32, #tpu.memory_space<vmem>>, vector<1x16xf32>,
      %get3A_1051 = vector.shape_cast %get3A_1050 : vector<1x16xf32> to vector<16xf32>
      %max3A_1052 = arith.maximumf %max3A_1046, %get3A_1051 : vector<16xf32>
      %get3A_1053 = arith.constant 36 : i32
      %get3A_1054 = arith.index_cast %get3A_1053 : i32 to index
      %get3A_1055 = arith.constant 0 : index
      %get3A_1056 = tpu.vector_load %arg6[%get3A_1054, %get3A_1055] {strides = array<i32>} : memref<128x128xf32, #tpu.memory_space<vmem>>, vector<1x16xf32>,
      %get3A_1057 = vector.shape_cast %get3A_1056 : vector<1x16xf32> to vector<16xf32>
      %max3A_1058 = arith.maximumf %max3A_1052, %get3A_1057 : vector<16xf32>
      %get3A_1059 = arith.constant 37 : i32
      %get3A_1060 = arith.index_cast %get3A_1059 : i32 to index
      %get3A_1061 = arith.constant 0 : index
      %get3A_1062 = tpu.vector_load %arg6[%get3A_1060, %get3A_1061] {strides = array<i32>} : memref<128x128xf32, #tpu.memory_space<vmem>>, vector<1x16xf32>,
      %get3A_1063 = vector.shape_cast %get3A_1062 : vector<1x16xf32> to vector<16xf32>
      %max3A_1064 = arith.maximumf %max3A_1058, %get3A_1063 : vector<16xf32>
      %get3A_1065 = arith.constant 38 : i32
      %get3A_1066 = arith.index_cast %get3A_1065 : i32 to index
      %get3A_1067 = arith.constant 0 : index
      %get3A_1068 = tpu.vector_load %arg6[%get3A_1066, %get3A_1067] {strides = array<i32>} : memref<128x128xf32, #tpu.memory_space<vmem>>, vector<1x16xf32>,
      %get3A_1069 = vector.shape_cast %get3A_1068 : vector<1x16xf32> to vector<16xf32>
      %max3A_1070 = arith.maximumf %max3A_1064, %get3A_1069 : vector<16xf32>
      %get3A_1071 = arith.constant 39 : i32
      %get3A_1072 = arith.index_cast %get3A_1071 : i32 to index
      %get3A_1073 = arith.constant 0 : index
      %get3A_1074 = tpu.vector_load %arg6[%get3A_1072, %get3A_1073] {strides = array<i32>} : memref<128x128xf32, #tpu.memory_space<vmem>>, vector<1x16xf32>,
      %get3A_1075 = vector.shape_cast %get3A_1074 : vector<1x16xf32> to vector<16xf32>
      %max3A_1076 = arith.maximumf %max3A_1070, %get3A_1075 : vector<16xf32>
      %get3A_1077 = arith.constant 40 : i32
      %get3A_1078 = arith.index_cast %get3A_1077 : i32 to index
      %get3A_1079 = arith.constant 0 : index
      %get3A_1080 = tpu.vector_load %arg6[%get3A_1078, %get3A_1079] {strides = array<i32>} : memref<128x128xf32, #tpu.memory_space<vmem>>, vector<1x16xf32>,
      %get3A_1081 = vector.shape_cast %get3A_1080 : vector<1x16xf32> to vector<16xf32>
      %max3A_1082 = arith.maximumf %max3A_1076, %get3A_1081 : vector<16xf32>
      %get3A_1083 = arith.constant 41 : i32
      %get3A_1084 = arith.index_cast %get3A_1083 : i32 to index
      %get3A_1085 = arith.constant 0 : index
      %get3A_1086 = tpu.vector_load %arg6[%get3A_1084, %get3A_1085] {strides = array<i32>} : memref<128x128xf32, #tpu.memory_space<vmem>>, vector<1x16xf32>,
      %get3A_1087 = vector.shape_cast %get3A_1086 : vector<1x16xf32> to vector<16xf32>
      %max3A_1088 = arith.maximumf %max3A_1082, %get3A_1087 : vector<16xf32>
      %get3A_1089 = arith.constant 42 : i32
      %get3A_1090 = arith.index_cast %get3A_1089 : i32 to index
      %get3A_1091 = arith.constant 0 : index
      %get3A_1092 = tpu.vector_load %arg6[%get3A_1090, %get3A_1091] {strides = array<i32>} : memref<128x128xf32, #tpu.memory_space<vmem>>, vector<1x16xf32>,
      %get3A_1093 = vector.shape_cast %get3A_1092 : vector<1x16xf32> to vector<16xf32>
      %max3A_1094 = arith.maximumf %max3A_1088, %get3A_1093 : vector<16xf32>
      %get3A_1095 = arith.constant 43 : i32
      %get3A_1096 = arith.index_cast %get3A_1095 : i32 to index
      %get3A_1097 = arith.constant 0 : index
      %get3A_1098 = tpu.vector_load %arg6[%get3A_1096, %get3A_1097] {strides = array<i32>} : memref<128x128xf32, #tpu.memory_space<vmem>>, vector<1x16xf32>,
      %get3A_1099 = vector.shape_cast %get3A_1098 : vector<1x16xf32> to vector<16xf32>
      %max3A_1100 = arith.maximumf %max3A_1094, %get3A_1099 : vector<16xf32>
      %get3A_1101 = arith.constant 44 : i32
      %get3A_1102 = arith.index_cast %get3A_1101 : i32 to index
      %get3A_1103 = arith.constant 0 : index
      %get3A_1104 = tpu.vector_load %arg6[%get3A_1102, %get3A_1103] {strides = array<i32>} : memref<128x128xf32, #tpu.memory_space<vmem>>, vector<1x16xf32>,
      %get3A_1105 = vector.shape_cast %get3A_1104 : vector<1x16xf32> to vector<16xf32>
      %max3A_1106 = arith.maximumf %max3A_1100, %get3A_1105 : vector<16xf32>
      %get3A_1107 = arith.constant 45 : i32
      %get3A_1108 = arith.index_cast %get3A_1107 : i32 to index
      %get3A_1109 = arith.constant 0 : index
      %get3A_1110 = tpu.vector_load %arg6[%get3A_1108, %get3A_1109] {strides = array<i32>} : memref<128x128xf32, #tpu.memory_space<vmem>>, vector<1x16xf32>,
      %get3A_1111 = vector.shape_cast %get3A_1110 : vector<1x16xf32> to vector<16xf32>
      %max3A_1112 = arith.maximumf %max3A_1106, %get3A_1111 : vector<16xf32>
      %get3A_1113 = arith.constant 46 : i32
      %get3A_1114 = arith.index_cast %get3A_1113 : i32 to index
      %get3A_1115 = arith.constant 0 : index
      %get3A_1116 = tpu.vector_load %arg6[%get3A_1114, %get3A_1115] {strides = array<i32>} : memref<128x128xf32, #tpu.memory_space<vmem>>, vector<1x16xf32>,
      %get3A_1117 = vector.shape_cast %get3A_1116 : vector<1x16xf32> to vector<16xf32>
      %max3A_1118 = arith.maximumf %max3A_1112, %get3A_1117 : vector<16xf32>
      %get3A_1119 = arith.constant 47 : i32
      %get3A_1120 = arith.index_cast %get3A_1119 : i32 to index
      %get3A_1121 = arith.constant 0 : index
      %get3A_1122 = tpu.vector_load %arg6[%get3A_1120, %get3A_1121] {strides = array<i32>} : memref<128x128xf32, #tpu.memory_space<vmem>>, vector<1x16xf32>,
      %get3A_1123 = vector.shape_cast %get3A_1122 : vector<1x16xf32> to vector<16xf32>
      %max3A_1124 = arith.maximumf %max3A_1118, %get3A_1123 : vector<16xf32>
      %swap3A_1125 = arith.index_cast %add3A_1029 : i32 to index
      %swap3A_1126 = arith.constant 0 : index
      %swap3A_1127 = tpu.vector_load %arg7[%swap3A_1125, %swap3A_1126] {strides = array<i32>} : memref<512x128xf32, #tpu.memory_space<vmem>>, vector<1x16xf32>,
      %swap3A_1128 = vector.shape_cast %swap3A_1127 : vector<1x16xf32> to vector<16xf32>
      %swap3A_1129 = vector.shape_cast %max3A_1124 : vector<16xf32> to vector<1x16xf32>
      tpu.vector_store %arg7[%swap3A_1125, %swap3A_1126], %swap3A_1129 {strides = array<i32>} : memref<512x128xf32, #tpu.memory_space<vmem>>, vector<1x16xf32>,
      %get3A_1130 = arith.constant 32 : i32
      %get3A_1131 = arith.index_cast %get3A_1130 : i32 to index
      %get3A_1132 = arith.constant 16 : index
      %get3A_1133 = tpu.vector_load %arg6[%get3A_1131, %get3A_1132] {strides = array<i32>} : memref<128x128xf32, #tpu.memory_space<vmem>>, vector<1x16xf32>,
      %get3A_1134 = vector.shape_cast %get3A_1133 : vector<1x16xf32> to vector<16xf32>
      %get3A_1135 = arith.constant 33 : i32
      %get3A_1136 = arith.index_cast %get3A_1135 : i32 to index
      %get3A_1137 = arith.constant 16 : index
      %get3A_1138 = tpu.vector_load %arg6[%get3A_1136, %get3A_1137] {strides = array<i32>} : memref<128x128xf32, #tpu.memory_space<vmem>>, vector<1x16xf32>,
      %get3A_1139 = vector.shape_cast %get3A_1138 : vector<1x16xf32> to vector<16xf32>
      %max3A_1140 = arith.maximumf %get3A_1134, %get3A_1139 : vector<16xf32>
      %get3A_1141 = arith.constant 34 : i32
      %get3A_1142 = arith.index_cast %get3A_1141 : i32 to index
      %get3A_1143 = arith.constant 16 : index
      %get3A_1144 = tpu.vector_load %arg6[%get3A_1142, %get3A_1143] {strides = array<i32>} : memref<128x128xf32, #tpu.memory_space<vmem>>, vector<1x16xf32>,
      %get3A_1145 = vector.shape_cast %get3A_1144 : vector<1x16xf32> to vector<16xf32>
      %max3A_1146 = arith.maximumf %max3A_1140, %get3A_1145 : vector<16xf32>
      %get3A_1147 = arith.constant 35 : i32
      %get3A_1148 = arith.index_cast %get3A_1147 : i32 to index
      %get3A_1149 = arith.constant 16 : index
      %get3A_1150 = tpu.vector_load %arg6[%get3A_1148, %get3A_1149] {strides = array<i32>} : memref<128x128xf32, #tpu.memory_space<vmem>>, vector<1x16xf32>,
      %get3A_1151 = vector.shape_cast %get3A_1150 : vector<1x16xf32> to vector<16xf32>
      %max3A_1152 = arith.maximumf %max3A_1146, %get3A_1151 : vector<16xf32>
      %get3A_1153 = arith.constant 36 : i32
      %get3A_1154 = arith.index_cast %get3A_1153 : i32 to index
      %get3A_1155 = arith.constant 16 : index
      %get3A_1156 = tpu.vector_load %arg6[%get3A_1154, %get3A_1155] {strides = array<i32>} : memref<128x128xf32, #tpu.memory_space<vmem>>, vector<1x16xf32>,
      %get3A_1157 = vector.shape_cast %get3A_1156 : vector<1x16xf32> to vector<16xf32>
      %max3A_1158 = arith.maximumf %max3A_1152, %get3A_1157 : vector<16xf32>
      %get3A_1159 = arith.constant 37 : i32
      %get3A_1160 = arith.index_cast %get3A_1159 : i32 to index
      %get3A_1161 = arith.constant 16 : index
      %get3A_1162 = tpu.vector_load %arg6[%get3A_1160, %get3A_1161] {strides = array<i32>} : memref<128x128xf32, #tpu.memory_space<vmem>>, vector<1x16xf32>,
      %get3A_1163 = vector.shape_cast %get3A_1162 : vector<1x16xf32> to vector<16xf32>
      %max3A_1164 = arith.maximumf %max3A_1158, %get3A_1163 : vector<16xf32>
      %get3A_1165 = arith.constant 38 : i32
      %get3A_1166 = arith.index_cast %get3A_1165 : i32 to index
      %get3A_1167 = arith.constant 16 : index
      %get3A_1168 = tpu.vector_load %arg6[%get3A_1166, %get3A_1167] {strides = array<i32>} : memref<128x128xf32, #tpu.memory_space<vmem>>, vector<1x16xf32>,
      %get3A_1169 = vector.shape_cast %get3A_1168 : vector<1x16xf32> to vector<16xf32>
      %max3A_1170 = arith.maximumf %max3A_1164, %get3A_1169 : vector<16xf32>
      %get3A_1171 = arith.constant 39 : i32
      %get3A_1172 = arith.index_cast %get3A_1171 : i32 to index
      %get3A_1173 = arith.constant 16 : index
      %get3A_1174 = tpu.vector_load %arg6[%get3A_1172, %get3A_1173] {strides = array<i32>} : memref<128x128xf32, #tpu.memory_space<vmem>>, vector<1x16xf32>,
      %get3A_1175 = vector.shape_cast %get3A_1174 : vector<1x16xf32> to vector<16xf32>
      %max3A_1176 = arith.maximumf %max3A_1170, %get3A_1175 : vector<16xf32>
      %get3A_1177 = arith.constant 40 : i32
      %get3A_1178 = arith.index_cast %get3A_1177 : i32 to index
      %get3A_1179 = arith.constant 16 : index
      %get3A_1180 = tpu.vector_load %arg6[%get3A_1178, %get3A_1179] {strides = array<i32>} : memref<128x128xf32, #tpu.memory_space<vmem>>, vector<1x16xf32>,
      %get3A_1181 = vector.shape_cast %get3A_1180 : vector<1x16xf32> to vector<16xf32>
      %max3A_1182 = arith.maximumf %max3A_1176, %get3A_1181 : vector<16xf32>
      %get3A_1183 = arith.constant 41 : i32
      %get3A_1184 = arith.index_cast %get3A_1183 : i32 to index
      %get3A_1185 = arith.constant 16 : index
      %get3A_1186 = tpu.vector_load %arg6[%get3A_1184, %get3A_1185] {strides = array<i32>} : memref<128x128xf32, #tpu.memory_space<vmem>>, vector<1x16xf32>,
      %get3A_1187 = vector.shape_cast %get3A_1186 : vector<1x16xf32> to vector<16xf32>
      %max3A_1188 = arith.maximumf %max3A_1182, %get3A_1187 : vector<16xf32>
      %get3A_1189 = arith.constant 42 : i32
      %get3A_1190 = arith.index_cast %get3A_1189 : i32 to index
      %get3A_1191 = arith.constant 16 : index
      %get3A_1192 = tpu.vector_load %arg6[%get3A_1190, %get3A_1191] {strides = array<i32>} : memref<128x128xf32, #tpu.memory_space<vmem>>, vector<1x16xf32>,
      %get3A_1193 = vector.shape_cast %get3A_1192 : vector<1x16xf32> to vector<16xf32>
      %max3A_1194 = arith.maximumf %max3A_1188, %get3A_1193 : vector<16xf32>
      %get3A_1195 = arith.constant 43 : i32
      %get3A_1196 = arith.index_cast %get3A_1195 : i32 to index
      %get3A_1197 = arith.constant 16 : index
      %get3A_1198 = tpu.vector_load %arg6[%get3A_1196, %get3A_1197] {strides = array<i32>} : memref<128x128xf32, #tpu.memory_space<vmem>>, vector<1x16xf32>,
      %get3A_1199 = vector.shape_cast %get3A_1198 : vector<1x16xf32> to vector<16xf32>
      %max3A_1200 = arith.maximumf %max3A_1194, %get3A_1199 : vector<16xf32>
      %get3A_1201 = arith.constant 44 : i32
      %get3A_1202 = arith.index_cast %get3A_1201 : i32 to index
      %get3A_1203 = arith.constant 16 : index
      %get3A_1204 = tpu.vector_load %arg6[%get3A_1202, %get3A_1203] {strides = array<i32>} : memref<128x128xf32, #tpu.memory_space<vmem>>, vector<1x16xf32>,
      %get3A_1205 = vector.shape_cast %get3A_1204 : vector<1x16xf32> to vector<16xf32>
      %max3A_1206 = arith.maximumf %max3A_1200, %get3A_1205 : vector<16xf32>
      %get3A_1207 = arith.constant 45 : i32
      %get3A_1208 = arith.index_cast %get3A_1207 : i32 to index
      %get3A_1209 = arith.constant 16 : index
      %get3A_1210 = tpu.vector_load %arg6[%get3A_1208, %get3A_1209] {strides = array<i32>} : memref<128x128xf32, #tpu.memory_space<vmem>>, vector<1x16xf32>,
      %get3A_1211 = vector.shape_cast %get3A_1210 : vector<1x16xf32> to vector<16xf32>
      %max3A_1212 = arith.maximumf %max3A_1206, %get3A_1211 : vector<16xf32>
      %get3A_1213 = arith.constant 46 : i32
      %get3A_1214 = arith.index_cast %get3A_1213 : i32 to index
      %get3A_1215 = arith.constant 16 : index
      %get3A_1216 = tpu.vector_load %arg6[%get3A_1214, %get3A_1215] {strides = array<i32>} : memref<128x128xf32, #tpu.memory_space<vmem>>, vector<1x16xf32>,
      %get3A_1217 = vector.shape_cast %get3A_1216 : vector<1x16xf32> to vector<16xf32>
      %max3A_1218 = arith.maximumf %max3A_1212, %get3A_1217 : vector<16xf32>
      %get3A_1219 = arith.constant 47 : i32
      %get3A_1220 = arith.index_cast %get3A_1219 : i32 to index
      %get3A_1221 = arith.constant 16 : index
      %get3A_1222 = tpu.vector_load %arg6[%get3A_1220, %get3A_1221] {strides = array<i32>} : memref<128x128xf32, #tpu.memory_space<vmem>>, vector<1x16xf32>,
      %get3A_1223 = vector.shape_cast %get3A_1222 : vector<1x16xf32> to vector<16xf32>
      %max3A_1224 = arith.maximumf %max3A_1218, %get3A_1223 : vector<16xf32>
      %swap3A_1225 = arith.index_cast %add3A_1029 : i32 to index
      %swap3A_1226 = arith.constant 16 : index
      %swap3A_1227 = tpu.vector_load %arg7[%swap3A_1225, %swap3A_1226] {strides = array<i32>} : memref<512x128xf32, #tpu.memory_space<vmem>>, vector<1x16xf32>,
      %swap3A_1228 = vector.shape_cast %swap3A_1227 : vector<1x16xf32> to vector<16xf32>
      %swap3A_1229 = vector.shape_cast %max3A_1224 : vector<16xf32> to vector<1x16xf32>
      tpu.vector_store %arg7[%swap3A_1225, %swap3A_1226], %swap3A_1229 {strides = array<i32>} : memref<512x128xf32, #tpu.memory_space<vmem>>, vector<1x16xf32>,
      %get3A_1230 = arith.constant 32 : i32
      %get3A_1231 = arith.index_cast %get3A_1230 : i32 to index
      %get3A_1232 = arith.constant 32 : index
      %get3A_1233 = tpu.vector_load %arg6[%get3A_1231, %get3A_1232] {strides = array<i32>} : memref<128x128xf32, #tpu.memory_space<vmem>>, vector<1x16xf32>,
      %get3A_1234 = vector.shape_cast %get3A_1233 : vector<1x16xf32> to vector<16xf32>
      %get3A_1235 = arith.constant 33 : i32
      %get3A_1236 = arith.index_cast %get3A_1235 : i32 to index
      %get3A_1237 = arith.constant 32 : index
      %get3A_1238 = tpu.vector_load %arg6[%get3A_1236, %get3A_1237] {strides = array<i32>} : memref<128x128xf32, #tpu.memory_space<vmem>>, vector<1x16xf32>,
      %get3A_1239 = vector.shape_cast %get3A_1238 : vector<1x16xf32> to vector<16xf32>
      %max3A_1240 = arith.maximumf %get3A_1234, %get3A_1239 : vector<16xf32>
      %get3A_1241 = arith.constant 34 : i32
      %get3A_1242 = arith.index_cast %get3A_1241 : i32 to index
      %get3A_1243 = arith.constant 32 : index
      %get3A_1244 = tpu.vector_load %arg6[%get3A_1242, %get3A_1243] {strides = array<i32>} : memref<128x128xf32, #tpu.memory_space<vmem>>, vector<1x16xf32>,
      %get3A_1245 = vector.shape_cast %get3A_1244 : vector<1x16xf32> to vector<16xf32>
      %max3A_1246 = arith.maximumf %max3A_1240, %get3A_1245 : vector<16xf32>
      %get3A_1247 = arith.constant 35 : i32
      %get3A_1248 = arith.index_cast %get3A_1247 : i32 to index
      %get3A_1249 = arith.constant 32 : index
      %get3A_1250 = tpu.vector_load %arg6[%get3A_1248, %get3A_1249] {strides = array<i32>} : memref<128x128xf32, #tpu.memory_space<vmem>>, vector<1x16xf32>,
      %get3A_1251 = vector.shape_cast %get3A_1250 : vector<1x16xf32> to vector<16xf32>
      %max3A_1252 = arith.maximumf %max3A_1246, %get3A_1251 : vector<16xf32>
      %get3A_1253 = arith.constant 36 : i32
      %get3A_1254 = arith.index_cast %get3A_1253 : i32 to index
      %get3A_1255 = arith.constant 32 : index
      %get3A_1256 = tpu.vector_load %arg6[%get3A_1254, %get3A_1255] {strides = array<i32>} : memref<128x128xf32, #tpu.memory_space<vmem>>, vector<1x16xf32>,
      %get3A_1257 = vector.shape_cast %get3A_1256 : vector<1x16xf32> to vector<16xf32>
      %max3A_1258 = arith.maximumf %max3A_1252, %get3A_1257 : vector<16xf32>
      %get3A_1259 = arith.constant 37 : i32
      %get3A_1260 = arith.index_cast %get3A_1259 : i32 to index
      %get3A_1261 = arith.constant 32 : index
      %get3A_1262 = tpu.vector_load %arg6[%get3A_1260, %get3A_1261] {strides = array<i32>} : memref<128x128xf32, #tpu.memory_space<vmem>>, vector<1x16xf32>,
      %get3A_1263 = vector.shape_cast %get3A_1262 : vector<1x16xf32> to vector<16xf32>
      %max3A_1264 = arith.maximumf %max3A_1258, %get3A_1263 : vector<16xf32>
      %get3A_1265 = arith.constant 38 : i32
      %get3A_1266 = arith.index_cast %get3A_1265 : i32 to index
      %get3A_1267 = arith.constant 32 : index
      %get3A_1268 = tpu.vector_load %arg6[%get3A_1266, %get3A_1267] {strides = array<i32>} : memref<128x128xf32, #tpu.memory_space<vmem>>, vector<1x16xf32>,
      %get3A_1269 = vector.shape_cast %get3A_1268 : vector<1x16xf32> to vector<16xf32>
      %max3A_1270 = arith.maximumf %max3A_1264, %get3A_1269 : vector<16xf32>
      %get3A_1271 = arith.constant 39 : i32
      %get3A_1272 = arith.index_cast %get3A_1271 : i32 to index
      %get3A_1273 = arith.constant 32 : index
      %get3A_1274 = tpu.vector_load %arg6[%get3A_1272, %get3A_1273] {strides = array<i32>} : memref<128x128xf32, #tpu.memory_space<vmem>>, vector<1x16xf32>,
      %get3A_1275 = vector.shape_cast %get3A_1274 : vector<1x16xf32> to vector<16xf32>
      %max3A_1276 = arith.maximumf %max3A_1270, %get3A_1275 : vector<16xf32>
      %get3A_1277 = arith.constant 40 : i32
      %get3A_1278 = arith.index_cast %get3A_1277 : i32 to index
      %get3A_1279 = arith.constant 32 : index
      %get3A_1280 = tpu.vector_load %arg6[%get3A_1278, %get3A_1279] {strides = array<i32>} : memref<128x128xf32, #tpu.memory_space<vmem>>, vector<1x16xf32>,
      %get3A_1281 = vector.shape_cast %get3A_1280 : vector<1x16xf32> to vector<16xf32>
      %max3A_1282 = arith.maximumf %max3A_1276, %get3A_1281 : vector<16xf32>
      %get3A_1283 = arith.constant 41 : i32
      %get3A_1284 = arith.index_cast %get3A_1283 : i32 to index
      %get3A_1285 = arith.constant 32 : index
      %get3A_1286 = tpu.vector_load %arg6[%get3A_1284, %get3A_1285] {strides = array<i32>} : memref<128x128xf32, #tpu.memory_space<vmem>>, vector<1x16xf32>,
      %get3A_1287 = vector.shape_cast %get3A_1286 : vector<1x16xf32> to vector<16xf32>
      %max3A_1288 = arith.maximumf %max3A_1282, %get3A_1287 : vector<16xf32>
      %get3A_1289 = arith.constant 42 : i32
      %get3A_1290 = arith.index_cast %get3A_1289 : i32 to index
      %get3A_1291 = arith.constant 32 : index
      %get3A_1292 = tpu.vector_load %arg6[%get3A_1290, %get3A_1291] {strides = array<i32>} : memref<128x128xf32, #tpu.memory_space<vmem>>, vector<1x16xf32>,
      %get3A_1293 = vector.shape_cast %get3A_1292 : vector<1x16xf32> to vector<16xf32>
      %max3A_1294 = arith.maximumf %max3A_1288, %get3A_1293 : vector<16xf32>
      %get3A_1295 = arith.constant 43 : i32
      %get3A_1296 = arith.index_cast %get3A_1295 : i32 to index
      %get3A_1297 = arith.constant 32 : index
      %get3A_1298 = tpu.vector_load %arg6[%get3A_1296, %get3A_1297] {strides = array<i32>} : memref<128x128xf32, #tpu.memory_space<vmem>>, vector<1x16xf32>,
      %get3A_1299 = vector.shape_cast %get3A_1298 : vector<1x16xf32> to vector<16xf32>
      %max3A_1300 = arith.maximumf %max3A_1294, %get3A_1299 : vector<16xf32>
      %get3A_1301 = arith.constant 44 : i32
      %get3A_1302 = arith.index_cast %get3A_1301 : i32 to index
      %get3A_1303 = arith.constant 32 : index
      %get3A_1304 = tpu.vector_load %arg6[%get3A_1302, %get3A_1303] {strides = array<i32>} : memref<128x128xf32, #tpu.memory_space<vmem>>, vector<1x16xf32>,
      %get3A_1305 = vector.shape_cast %get3A_1304 : vector<1x16xf32> to vector<16xf32>
      %max3A_1306 = arith.maximumf %max3A_1300, %get3A_1305 : vector<16xf32>
      %get3A_1307 = arith.constant 45 : i32
      %get3A_1308 = arith.index_cast %get3A_1307 : i32 to index
      %get3A_1309 = arith.constant 32 : index
      %get3A_1310 = tpu.vector_load %arg6[%get3A_1308, %get3A_1309] {strides = array<i32>} : memref<128x128xf32, #tpu.memory_space<vmem>>, vector<1x16xf32>,
      %get3A_1311 = vector.shape_cast %get3A_1310 : vector<1x16xf32> to vector<16xf32>
      %max3A_1312 = arith.maximumf %max3A_1306, %get3A_1311 : vector<16xf32>
      %get3A_1313 = arith.constant 46 : i32
      %get3A_1314 = arith.index_cast %get3A_1313 : i32 to index
      %get3A_1315 = arith.constant 32 : index
      %get3A_1316 = tpu.vector_load %arg6[%get3A_1314, %get3A_1315] {strides = array<i32>} : memref<128x128xf32, #tpu.memory_space<vmem>>, vector<1x16xf32>,
      %get3A_1317 = vector.shape_cast %get3A_1316 : vector<1x16xf32> to vector<16xf32>
      %max3A_1318 = arith.maximumf %max3A_1312, %get3A_1317 : vector<16xf32>
      %get3A_1319 = arith.constant 47 : i32
      %get3A_1320 = arith.index_cast %get3A_1319 : i32 to index
      %get3A_1321 = arith.constant 32 : index
      %get3A_1322 = tpu.vector_load %arg6[%get3A_1320, %get3A_1321] {strides = array<i32>} : memref<128x128xf32, #tpu.memory_space<vmem>>, vector<1x16xf32>,
      %get3A_1323 = vector.shape_cast %get3A_1322 : vector<1x16xf32> to vector<16xf32>
      %max3A_1324 = arith.maximumf %max3A_1318, %get3A_1323 : vector<16xf32>
      %swap3A_1325 = arith.index_cast %add3A_1029 : i32 to index
      %swap3A_1326 = arith.constant 32 : index
      %swap3A_1327 = tpu.vector_load %arg7[%swap3A_1325, %swap3A_1326] {strides = array<i32>} : memref<512x128xf32, #tpu.memory_space<vmem>>, vector<1x16xf32>,
      %swap3A_1328 = vector.shape_cast %swap3A_1327 : vector<1x16xf32> to vector<16xf32>
      %swap3A_1329 = vector.shape_cast %max3A_1324 : vector<16xf32> to vector<1x16xf32>
      tpu.vector_store %arg7[%swap3A_1325, %swap3A_1326], %swap3A_1329 {strides = array<i32>} : memref<512x128xf32, #tpu.memory_space<vmem>>, vector<1x16xf32>,
      %get3A_1330 = arith.constant 32 : i32
      %get3A_1331 = arith.index_cast %get3A_1330 : i32 to index
      %get3A_1332 = arith.constant 48 : index
      %get3A_1333 = tpu.vector_load %arg6[%get3A_1331, %get3A_1332] {strides = array<i32>} : memref<128x128xf32, #tpu.memory_space<vmem>>, vector<1x16xf32>,
      %get3A_1334 = vector.shape_cast %get3A_1333 : vector<1x16xf32> to vector<16xf32>
      %get3A_1335 = arith.constant 33 : i32
      %get3A_1336 = arith.index_cast %get3A_1335 : i32 to index
      %get3A_1337 = arith.constant 48 : index
      %get3A_1338 = tpu.vector_load %arg6[%get3A_1336, %get3A_1337] {strides = array<i32>} : memref<128x128xf32, #tpu.memory_space<vmem>>, vector<1x16xf32>,
      %get3A_1339 = vector.shape_cast %get3A_1338 : vector<1x16xf32> to vector<16xf32>
      %max3A_1340 = arith.maximumf %get3A_1334, %get3A_1339 : vector<16xf32>
      %get3A_1341 = arith.constant 34 : i32
      %get3A_1342 = arith.index_cast %get3A_1341 : i32 to index
      %get3A_1343 = arith.constant 48 : index
      %get3A_1344 = tpu.vector_load %arg6[%get3A_1342, %get3A_1343] {strides = array<i32>} : memref<128x128xf32, #tpu.memory_space<vmem>>, vector<1x16xf32>,
      %get3A_1345 = vector.shape_cast %get3A_1344 : vector<1x16xf32> to vector<16xf32>
      %max3A_1346 = arith.maximumf %max3A_1340, %get3A_1345 : vector<16xf32>
      %get3A_1347 = arith.constant 35 : i32
      %get3A_1348 = arith.index_cast %get3A_1347 : i32 to index
      %get3A_1349 = arith.constant 48 : index
      %get3A_1350 = tpu.vector_load %arg6[%get3A_1348, %get3A_1349] {strides = array<i32>} : memref<128x128xf32, #tpu.memory_space<vmem>>, vector<1x16xf32>,
      %get3A_1351 = vector.shape_cast %get3A_1350 : vector<1x16xf32> to vector<16xf32>
      %max3A_1352 = arith.maximumf %max3A_1346, %get3A_1351 : vector<16xf32>
      %get3A_1353 = arith.constant 36 : i32
      %get3A_1354 = arith.index_cast %get3A_1353 : i32 to index
      %get3A_1355 = arith.constant 48 : index
      %get3A_1356 = tpu.vector_load %arg6[%get3A_1354, %get3A_1355] {strides = array<i32>} : memref<128x128xf32, #tpu.memory_space<vmem>>, vector<1x16xf32>,
      %get3A_1357 = vector.shape_cast %get3A_1356 : vector<1x16xf32> to vector<16xf32>
      %max3A_1358 = arith.maximumf %max3A_1352, %get3A_1357 : vector<16xf32>
      %get3A_1359 = arith.constant 37 : i32
      %get3A_1360 = arith.index_cast %get3A_1359 : i32 to index
      %get3A_1361 = arith.constant 48 : index
      %get3A_1362 = tpu.vector_load %arg6[%get3A_1360, %get3A_1361] {strides = array<i32>} : memref<128x128xf32, #tpu.memory_space<vmem>>, vector<1x16xf32>,
      %get3A_1363 = vector.shape_cast %get3A_1362 : vector<1x16xf32> to vector<16xf32>
      %max3A_1364 = arith.maximumf %max3A_1358, %get3A_1363 : vector<16xf32>
      %get3A_1365 = arith.constant 38 : i32
      %get3A_1366 = arith.index_cast %get3A_1365 : i32 to index
      %get3A_1367 = arith.constant 48 : index
      %get3A_1368 = tpu.vector_load %arg6[%get3A_1366, %get3A_1367] {strides = array<i32>} : memref<128x128xf32, #tpu.memory_space<vmem>>, vector<1x16xf32>,
      %get3A_1369 = vector.shape_cast %get3A_1368 : vector<1x16xf32> to vector<16xf32>
      %max3A_1370 = arith.maximumf %max3A_1364, %get3A_1369 : vector<16xf32>
      %get3A_1371 = arith.constant 39 : i32
      %get3A_1372 = arith.index_cast %get3A_1371 : i32 to index
      %get3A_1373 = arith.constant 48 : index
      %get3A_1374 = tpu.vector_load %arg6[%get3A_1372, %get3A_1373] {strides = array<i32>} : memref<128x128xf32, #tpu.memory_space<vmem>>, vector<1x16xf32>,
      %get3A_1375 = vector.shape_cast %get3A_1374 : vector<1x16xf32> to vector<16xf32>
      %max3A_1376 = arith.maximumf %max3A_1370, %get3A_1375 : vector<16xf32>
      %get3A_1377 = arith.constant 40 : i32
      %get3A_1378 = arith.index_cast %get3A_1377 : i32 to index
      %get3A_1379 = arith.constant 48 : index
      %get3A_1380 = tpu.vector_load %arg6[%get3A_1378, %get3A_1379] {strides = array<i32>} : memref<128x128xf32, #tpu.memory_space<vmem>>, vector<1x16xf32>,
      %get3A_1381 = vector.shape_cast %get3A_1380 : vector<1x16xf32> to vector<16xf32>
      %max3A_1382 = arith.maximumf %max3A_1376, %get3A_1381 : vector<16xf32>
      %get3A_1383 = arith.constant 41 : i32
      %get3A_1384 = arith.index_cast %get3A_1383 : i32 to index
      %get3A_1385 = arith.constant 48 : index
      %get3A_1386 = tpu.vector_load %arg6[%get3A_1384, %get3A_1385] {strides = array<i32>} : memref<128x128xf32, #tpu.memory_space<vmem>>, vector<1x16xf32>,
      %get3A_1387 = vector.shape_cast %get3A_1386 : vector<1x16xf32> to vector<16xf32>
      %max3A_1388 = arith.maximumf %max3A_1382, %get3A_1387 : vector<16xf32>
      %get3A_1389 = arith.constant 42 : i32
      %get3A_1390 = arith.index_cast %get3A_1389 : i32 to index
      %get3A_1391 = arith.constant 48 : index
      %get3A_1392 = tpu.vector_load %arg6[%get3A_1390, %get3A_1391] {strides = array<i32>} : memref<128x128xf32, #tpu.memory_space<vmem>>, vector<1x16xf32>,
      %get3A_1393 = vector.shape_cast %get3A_1392 : vector<1x16xf32> to vector<16xf32>
      %max3A_1394 = arith.maximumf %max3A_1388, %get3A_1393 : vector<16xf32>
      %get3A_1395 = arith.constant 43 : i32
      %get3A_1396 = arith.index_cast %get3A_1395 : i32 to index
      %get3A_1397 = arith.constant 48 : index
      %get3A_1398 = tpu.vector_load %arg6[%get3A_1396, %get3A_1397] {strides = array<i32>} : memref<128x128xf32, #tpu.memory_space<vmem>>, vector<1x16xf32>,
      %get3A_1399 = vector.shape_cast %get3A_1398 : vector<1x16xf32> to vector<16xf32>
      %max3A_1400 = arith.maximumf %max3A_1394, %get3A_1399 : vector<16xf32>
      %get3A_1401 = arith.constant 44 : i32
      %get3A_1402 = arith.index_cast %get3A_1401 : i32 to index
      %get3A_1403 = arith.constant 48 : index
      %get3A_1404 = tpu.vector_load %arg6[%get3A_1402, %get3A_1403] {strides = array<i32>} : memref<128x128xf32, #tpu.memory_space<vmem>>, vector<1x16xf32>,
      %get3A_1405 = vector.shape_cast %get3A_1404 : vector<1x16xf32> to vector<16xf32>
      %max3A_1406 = arith.maximumf %max3A_1400, %get3A_1405 : vector<16xf32>
      %get3A_1407 = arith.constant 45 : i32
      %get3A_1408 = arith.index_cast %get3A_1407 : i32 to index
      %get3A_1409 = arith.constant 48 : index
      %get3A_1410 = tpu.vector_load %arg6[%get3A_1408, %get3A_1409] {strides = array<i32>} : memref<128x128xf32, #tpu.memory_space<vmem>>, vector<1x16xf32>,
      %get3A_1411 = vector.shape_cast %get3A_1410 : vector<1x16xf32> to vector<16xf32>
      %max3A_1412 = arith.maximumf %max3A_1406, %get3A_1411 : vector<16xf32>
      %get3A_1413 = arith.constant 46 : i32
      %get3A_1414 = arith.index_cast %get3A_1413 : i32 to index
      %get3A_1415 = arith.constant 48 : index
      %get3A_1416 = tpu.vector_load %arg6[%get3A_1414, %get3A_1415] {strides = array<i32>} : memref<128x128xf32, #tpu.memory_space<vmem>>, vector<1x16xf32>,
      %get3A_1417 = vector.shape_cast %get3A_1416 : vector<1x16xf32> to vector<16xf32>
      %max3A_1418 = arith.maximumf %max3A_1412, %get3A_1417 : vector<16xf32>
      %get3A_1419 = arith.constant 47 : i32
      %get3A_1420 = arith.index_cast %get3A_1419 : i32 to index
      %get3A_1421 = arith.constant 48 : index
      %get3A_1422 = tpu.vector_load %arg6[%get3A_1420, %get3A_1421] {strides = array<i32>} : memref<128x128xf32, #tpu.memory_space<vmem>>, vector<1x16xf32>,
      %get3A_1423 = vector.shape_cast %get3A_1422 : vector<1x16xf32> to vector<16xf32>
      %max3A_1424 = arith.maximumf %max3A_1418, %get3A_1423 : vector<16xf32>
      %swap3A_1425 = arith.index_cast %add3A_1029 : i32 to index
      %swap3A_1426 = arith.constant 48 : index
      %swap3A_1427 = tpu.vector_load %arg7[%swap3A_1425, %swap3A_1426] {strides = array<i32>} : memref<512x128xf32, #tpu.memory_space<vmem>>, vector<1x16xf32>,
      %swap3A_1428 = vector.shape_cast %swap3A_1427 : vector<1x16xf32> to vector<16xf32>
      %swap3A_1429 = vector.shape_cast %max3A_1424 : vector<16xf32> to vector<1x16xf32>
      tpu.vector_store %arg7[%swap3A_1425, %swap3A_1426], %swap3A_1429 {strides = array<i32>} : memref<512x128xf32, #tpu.memory_space<vmem>>, vector<1x16xf32>,
      %get3A_1430 = arith.constant 32 : i32
      %get3A_1431 = arith.index_cast %get3A_1430 : i32 to index
      %get3A_1432 = arith.constant 64 : index
      %get3A_1433 = tpu.vector_load %arg6[%get3A_1431, %get3A_1432] {strides = array<i32>} : memref<128x128xf32, #tpu.memory_space<vmem>>, vector<1x16xf32>,
      %get3A_1434 = vector.shape_cast %get3A_1433 : vector<1x16xf32> to vector<16xf32>
      %get3A_1435 = arith.constant 33 : i32
      %get3A_1436 = arith.index_cast %get3A_1435 : i32 to index
      %get3A_1437 = arith.constant 64 : index
      %get3A_1438 = tpu.vector_load %arg6[%get3A_1436, %get3A_1437] {strides = array<i32>} : memref<128x128xf32, #tpu.memory_space<vmem>>, vector<1x16xf32>,
      %get3A_1439 = vector.shape_cast %get3A_1438 : vector<1x16xf32> to vector<16xf32>
      %max3A_1440 = arith.maximumf %get3A_1434, %get3A_1439 : vector<16xf32>
      %get3A_1441 = arith.constant 34 : i32
      %get3A_1442 = arith.index_cast %get3A_1441 : i32 to index
      %get3A_1443 = arith.constant 64 : index
      %get3A_1444 = tpu.vector_load %arg6[%get3A_1442, %get3A_1443] {strides = array<i32>} : memref<128x128xf32, #tpu.memory_space<vmem>>, vector<1x16xf32>,
      %get3A_1445 = vector.shape_cast %get3A_1444 : vector<1x16xf32> to vector<16xf32>
      %max3A_1446 = arith.maximumf %max3A_1440, %get3A_1445 : vector<16xf32>
      %get3A_1447 = arith.constant 35 : i32
      %get3A_1448 = arith.index_cast %get3A_1447 : i32 to index
      %get3A_1449 = arith.constant 64 : index
      %get3A_1450 = tpu.vector_load %arg6[%get3A_1448, %get3A_1449] {strides = array<i32>} : memref<128x128xf32, #tpu.memory_space<vmem>>, vector<1x16xf32>,
      %get3A_1451 = vector.shape_cast %get3A_1450 : vector<1x16xf32> to vector<16xf32>
      %max3A_1452 = arith.maximumf %max3A_1446, %get3A_1451 : vector<16xf32>
      %get3A_1453 = arith.constant 36 : i32
      %get3A_1454 = arith.index_cast %get3A_1453 : i32 to index
      %get3A_1455 = arith.constant 64 : index
      %get3A_1456 = tpu.vector_load %arg6[%get3A_1454, %get3A_1455] {strides = array<i32>} : memref<128x128xf32, #tpu.memory_space<vmem>>, vector<1x16xf32>,
      %get3A_1457 = vector.shape_cast %get3A_1456 : vector<1x16xf32> to vector<16xf32>
      %max3A_1458 = arith.maximumf %max3A_1452, %get3A_1457 : vector<16xf32>
      %get3A_1459 = arith.constant 37 : i32
      %get3A_1460 = arith.index_cast %get3A_1459 : i32 to index
      %get3A_1461 = arith.constant 64 : index
      %get3A_1462 = tpu.vector_load %arg6[%get3A_1460, %get3A_1461] {strides = array<i32>} : memref<128x128xf32, #tpu.memory_space<vmem>>, vector<1x16xf32>,
      %get3A_1463 = vector.shape_cast %get3A_1462 : vector<1x16xf32> to vector<16xf32>
      %max3A_1464 = arith.maximumf %max3A_1458, %get3A_1463 : vector<16xf32>
      %get3A_1465 = arith.constant 38 : i32
      %get3A_1466 = arith.index_cast %get3A_1465 : i32 to index
      %get3A_1467 = arith.constant 64 : index
      %get3A_1468 = tpu.vector_load %arg6[%get3A_1466, %get3A_1467] {strides = array<i32>} : memref<128x128xf32, #tpu.memory_space<vmem>>, vector<1x16xf32>,
      %get3A_1469 = vector.shape_cast %get3A_1468 : vector<1x16xf32> to vector<16xf32>
      %max3A_1470 = arith.maximumf %max3A_1464, %get3A_1469 : vector<16xf32>
      %get3A_1471 = arith.constant 39 : i32
      %get3A_1472 = arith.index_cast %get3A_1471 : i32 to index
      %get3A_1473 = arith.constant 64 : index
      %get3A_1474 = tpu.vector_load %arg6[%get3A_1472, %get3A_1473] {strides = array<i32>} : memref<128x128xf32, #tpu.memory_space<vmem>>, vector<1x16xf32>,
      %get3A_1475 = vector.shape_cast %get3A_1474 : vector<1x16xf32> to vector<16xf32>
      %max3A_1476 = arith.maximumf %max3A_1470, %get3A_1475 : vector<16xf32>
      %get3A_1477 = arith.constant 40 : i32
      %get3A_1478 = arith.index_cast %get3A_1477 : i32 to index
      %get3A_1479 = arith.constant 64 : index
      %get3A_1480 = tpu.vector_load %arg6[%get3A_1478, %get3A_1479] {strides = array<i32>} : memref<128x128xf32, #tpu.memory_space<vmem>>, vector<1x16xf32>,
      %get3A_1481 = vector.shape_cast %get3A_1480 : vector<1x16xf32> to vector<16xf32>
      %max3A_1482 = arith.maximumf %max3A_1476, %get3A_1481 : vector<16xf32>
      %get3A_1483 = arith.constant 41 : i32
      %get3A_1484 = arith.index_cast %get3A_1483 : i32 to index
      %get3A_1485 = arith.constant 64 : index
      %get3A_1486 = tpu.vector_load %arg6[%get3A_1484, %get3A_1485] {strides = array<i32>} : memref<128x128xf32, #tpu.memory_space<vmem>>, vector<1x16xf32>,
      %get3A_1487 = vector.shape_cast %get3A_1486 : vector<1x16xf32> to vector<16xf32>
      %max3A_1488 = arith.maximumf %max3A_1482, %get3A_1487 : vector<16xf32>
      %get3A_1489 = arith.constant 42 : i32
      %get3A_1490 = arith.index_cast %get3A_1489 : i32 to index
      %get3A_1491 = arith.constant 64 : index
      %get3A_1492 = tpu.vector_load %arg6[%get3A_1490, %get3A_1491] {strides = array<i32>} : memref<128x128xf32, #tpu.memory_space<vmem>>, vector<1x16xf32>,
      %get3A_1493 = vector.shape_cast %get3A_1492 : vector<1x16xf32> to vector<16xf32>
      %max3A_1494 = arith.maximumf %max3A_1488, %get3A_1493 : vector<16xf32>
      %get3A_1495 = arith.constant 43 : i32
      %get3A_1496 = arith.index_cast %get3A_1495 : i32 to index
      %get3A_1497 = arith.constant 64 : index
      %get3A_1498 = tpu.vector_load %arg6[%get3A_1496, %get3A_1497] {strides = array<i32>} : memref<128x128xf32, #tpu.memory_space<vmem>>, vector<1x16xf32>,
      %get3A_1499 = vector.shape_cast %get3A_1498 : vector<1x16xf32> to vector<16xf32>
      %max3A_1500 = arith.maximumf %max3A_1494, %get3A_1499 : vector<16xf32>
      %get3A_1501 = arith.constant 44 : i32
      %get3A_1502 = arith.index_cast %get3A_1501 : i32 to index
      %get3A_1503 = arith.constant 64 : index
      %get3A_1504 = tpu.vector_load %arg6[%get3A_1502, %get3A_1503] {strides = array<i32>} : memref<128x128xf32, #tpu.memory_space<vmem>>, vector<1x16xf32>,
      %get3A_1505 = vector.shape_cast %get3A_1504 : vector<1x16xf32> to vector<16xf32>
      %max3A_1506 = arith.maximumf %max3A_1500, %get3A_1505 : vector<16xf32>
      %get3A_1507 = arith.constant 45 : i32
      %get3A_1508 = arith.index_cast %get3A_1507 : i32 to index
      %get3A_1509 = arith.constant 64 : index
      %get3A_1510 = tpu.vector_load %arg6[%get3A_1508, %get3A_1509] {strides = array<i32>} : memref<128x128xf32, #tpu.memory_space<vmem>>, vector<1x16xf32>,
      %get3A_1511 = vector.shape_cast %get3A_1510 : vector<1x16xf32> to vector<16xf32>
      %max3A_1512 = arith.maximumf %max3A_1506, %get3A_1511 : vector<16xf32>
      %get3A_1513 = arith.constant 46 : i32
      %get3A_1514 = arith.index_cast %get3A_1513 : i32 to index
      %get3A_1515 = arith.constant 64 : index
      %get3A_1516 = tpu.vector_load %arg6[%get3A_1514, %get3A_1515] {strides = array<i32>} : memref<128x128xf32, #tpu.memory_space<vmem>>, vector<1x16xf32>,
      %get3A_1517 = vector.shape_cast %get3A_1516 : vector<1x16xf32> to vector<16xf32>
      %max3A_1518 = arith.maximumf %max3A_1512, %get3A_1517 : vector<16xf32>
      %get3A_1519 = arith.constant 47 : i32
      %get3A_1520 = arith.index_cast %get3A_1519 : i32 to index
      %get3A_1521 = arith.constant 64 : index
      %get3A_1522 = tpu.vector_load %arg6[%get3A_1520, %get3A_1521] {strides = array<i32>} : memref<128x128xf32, #tpu.memory_space<vmem>>, vector<1x16xf32>,
      %get3A_1523 = vector.shape_cast %get3A_1522 : vector<1x16xf32> to vector<16xf32>
      %max3A_1524 = arith.maximumf %max3A_1518, %get3A_1523 : vector<16xf32>
      %swap3A_1525 = arith.index_cast %add3A_1029 : i32 to index
      %swap3A_1526 = arith.constant 64 : index
      %swap3A_1527 = tpu.vector_load %arg7[%swap3A_1525, %swap3A_1526] {strides = array<i32>} : memref<512x128xf32, #tpu.memory_space<vmem>>, vector<1x16xf32>,
      %swap3A_1528 = vector.shape_cast %swap3A_1527 : vector<1x16xf32> to vector<16xf32>
      %swap3A_1529 = vector.shape_cast %max3A_1524 : vector<16xf32> to vector<1x16xf32>
      tpu.vector_store %arg7[%swap3A_1525, %swap3A_1526], %swap3A_1529 {strides = array<i32>} : memref<512x128xf32, #tpu.memory_space<vmem>>, vector<1x16xf32>,
      %mul3A_1530 = arith.constant 8 : i32
      %mul3A_1531 = arith.muli %scan3A_10, %mul3A_1530 : i32
      %add3A_1532 = arith.constant 3 : i32
      %add3A_1533 = arith.addi %mul3A_1531, %add3A_1532 : i32
      %get3A_1534 = arith.constant 48 : i32
      %get3A_1535 = arith.index_cast %get3A_1534 : i32 to index
      %get3A_1536 = arith.constant 0 : index
      %get3A_1537 = tpu.vector_load %arg6[%get3A_1535, %get3A_1536] {strides = array<i32>} : memref<128x128xf32, #tpu.memory_space<vmem>>, vector<1x16xf32>,
      %get3A_1538 = vector.shape_cast %get3A_1537 : vector<1x16xf32> to vector<16xf32>
      %get3A_1539 = arith.constant 49 : i32
      %get3A_1540 = arith.index_cast %get3A_1539 : i32 to index
      %get3A_1541 = arith.constant 0 : index
      %get3A_1542 = tpu.vector_load %arg6[%get3A_1540, %get3A_1541] {strides = array<i32>} : memref<128x128xf32, #tpu.memory_space<vmem>>, vector<1x16xf32>,
      %get3A_1543 = vector.shape_cast %get3A_1542 : vector<1x16xf32> to vector<16xf32>
      %max3A_1544 = arith.maximumf %get3A_1538, %get3A_1543 : vector<16xf32>
      %get3A_1545 = arith.constant 50 : i32
      %get3A_1546 = arith.index_cast %get3A_1545 : i32 to index
      %get3A_1547 = arith.constant 0 : index
      %get3A_1548 = tpu.vector_load %arg6[%get3A_1546, %get3A_1547] {strides = array<i32>} : memref<128x128xf32, #tpu.memory_space<vmem>>, vector<1x16xf32>,
      %get3A_1549 = vector.shape_cast %get3A_1548 : vector<1x16xf32> to vector<16xf32>
      %max3A_1550 = arith.maximumf %max3A_1544, %get3A_1549 : vector<16xf32>
      %get3A_1551 = arith.constant 51 : i32
      %get3A_1552 = arith.index_cast %get3A_1551 : i32 to index
      %get3A_1553 = arith.constant 0 : index
      %get3A_1554 = tpu.vector_load %arg6[%get3A_1552, %get3A_1553] {strides = array<i32>} : memref<128x128xf32, #tpu.memory_space<vmem>>, vector<1x16xf32>,
      %get3A_1555 = vector.shape_cast %get3A_1554 : vector<1x16xf32> to vector<16xf32>
      %max3A_1556 = arith.maximumf %max3A_1550, %get3A_1555 : vector<16xf32>
      %get3A_1557 = arith.constant 52 : i32
      %get3A_1558 = arith.index_cast %get3A_1557 : i32 to index
      %get3A_1559 = arith.constant 0 : index
      %get3A_1560 = tpu.vector_load %arg6[%get3A_1558, %get3A_1559] {strides = array<i32>} : memref<128x128xf32, #tpu.memory_space<vmem>>, vector<1x16xf32>,
      %get3A_1561 = vector.shape_cast %get3A_1560 : vector<1x16xf32> to vector<16xf32>
      %max3A_1562 = arith.maximumf %max3A_1556, %get3A_1561 : vector<16xf32>
      %get3A_1563 = arith.constant 53 : i32
      %get3A_1564 = arith.index_cast %get3A_1563 : i32 to index
      %get3A_1565 = arith.constant 0 : index
      %get3A_1566 = tpu.vector_load %arg6[%get3A_1564, %get3A_1565] {strides = array<i32>} : memref<128x128xf32, #tpu.memory_space<vmem>>, vector<1x16xf32>,
      %get3A_1567 = vector.shape_cast %get3A_1566 : vector<1x16xf32> to vector<16xf32>
      %max3A_1568 = arith.maximumf %max3A_1562, %get3A_1567 : vector<16xf32>
      %get3A_1569 = arith.constant 54 : i32
      %get3A_1570 = arith.index_cast %get3A_1569 : i32 to index
      %get3A_1571 = arith.constant 0 : index
      %get3A_1572 = tpu.vector_load %arg6[%get3A_1570, %get3A_1571] {strides = array<i32>} : memref<128x128xf32, #tpu.memory_space<vmem>>, vector<1x16xf32>,
      %get3A_1573 = vector.shape_cast %get3A_1572 : vector<1x16xf32> to vector<16xf32>
      %max3A_1574 = arith.maximumf %max3A_1568, %get3A_1573 : vector<16xf32>
      %get3A_1575 = arith.constant 55 : i32
      %get3A_1576 = arith.index_cast %get3A_1575 : i32 to index
      %get3A_1577 = arith.constant 0 : index
      %get3A_1578 = tpu.vector_load %arg6[%get3A_1576, %get3A_1577] {strides = array<i32>} : memref<128x128xf32, #tpu.memory_space<vmem>>, vector<1x16xf32>,
      %get3A_1579 = vector.shape_cast %get3A_1578 : vector<1x16xf32> to vector<16xf32>
      %max3A_1580 = arith.maximumf %max3A_1574, %get3A_1579 : vector<16xf32>
      %get3A_1581 = arith.constant 56 : i32
      %get3A_1582 = arith.index_cast %get3A_1581 : i32 to index
      %get3A_1583 = arith.constant 0 : index
      %get3A_1584 = tpu.vector_load %arg6[%get3A_1582, %get3A_1583] {strides = array<i32>} : memref<128x128xf32, #tpu.memory_space<vmem>>, vector<1x16xf32>,
      %get3A_1585 = vector.shape_cast %get3A_1584 : vector<1x16xf32> to vector<16xf32>
      %max3A_1586 = arith.maximumf %max3A_1580, %get3A_1585 : vector<16xf32>
      %get3A_1587 = arith.constant 57 : i32
      %get3A_1588 = arith.index_cast %get3A_1587 : i32 to index
      %get3A_1589 = arith.constant 0 : index
      %get3A_1590 = tpu.vector_load %arg6[%get3A_1588, %get3A_1589] {strides = array<i32>} : memref<128x128xf32, #tpu.memory_space<vmem>>, vector<1x16xf32>,
      %get3A_1591 = vector.shape_cast %get3A_1590 : vector<1x16xf32> to vector<16xf32>
      %max3A_1592 = arith.maximumf %max3A_1586, %get3A_1591 : vector<16xf32>
      %get3A_1593 = arith.constant 58 : i32
      %get3A_1594 = arith.index_cast %get3A_1593 : i32 to index
      %get3A_1595 = arith.constant 0 : index
      %get3A_1596 = tpu.vector_load %arg6[%get3A_1594, %get3A_1595] {strides = array<i32>} : memref<128x128xf32, #tpu.memory_space<vmem>>, vector<1x16xf32>,
      %get3A_1597 = vector.shape_cast %get3A_1596 : vector<1x16xf32> to vector<16xf32>
      %max3A_1598 = arith.maximumf %max3A_1592, %get3A_1597 : vector<16xf32>
      %get3A_1599 = arith.constant 59 : i32
      %get3A_1600 = arith.index_cast %get3A_1599 : i32 to index
      %get3A_1601 = arith.constant 0 : index
      %get3A_1602 = tpu.vector_load %arg6[%get3A_1600, %get3A_1601] {strides = array<i32>} : memref<128x128xf32, #tpu.memory_space<vmem>>, vector<1x16xf32>,
      %get3A_1603 = vector.shape_cast %get3A_1602 : vector<1x16xf32> to vector<16xf32>
      %max3A_1604 = arith.maximumf %max3A_1598, %get3A_1603 : vector<16xf32>
      %get3A_1605 = arith.constant 60 : i32
      %get3A_1606 = arith.index_cast %get3A_1605 : i32 to index
      %get3A_1607 = arith.constant 0 : index
      %get3A_1608 = tpu.vector_load %arg6[%get3A_1606, %get3A_1607] {strides = array<i32>} : memref<128x128xf32, #tpu.memory_space<vmem>>, vector<1x16xf32>,
      %get3A_1609 = vector.shape_cast %get3A_1608 : vector<1x16xf32> to vector<16xf32>
      %max3A_1610 = arith.maximumf %max3A_1604, %get3A_1609 : vector<16xf32>
      %get3A_1611 = arith.constant 61 : i32
      %get3A_1612 = arith.index_cast %get3A_1611 : i32 to index
      %get3A_1613 = arith.constant 0 : index
      %get3A_1614 = tpu.vector_load %arg6[%get3A_1612, %get3A_1613] {strides = array<i32>} : memref<128x128xf32, #tpu.memory_space<vmem>>, vector<1x16xf32>,
      %get3A_1615 = vector.shape_cast %get3A_1614 : vector<1x16xf32> to vector<16xf32>
      %max3A_1616 = arith.maximumf %max3A_1610, %get3A_1615 : vector<16xf32>
      %get3A_1617 = arith.constant 62 : i32
      %get3A_1618 = arith.index_cast %get3A_1617 : i32 to index
      %get3A_1619 = arith.constant 0 : index
      %get3A_1620 = tpu.vector_load %arg6[%get3A_1618, %get3A_1619] {strides = array<i32>} : memref<128x128xf32, #tpu.memory_space<vmem>>, vector<1x16xf32>,
      %get3A_1621 = vector.shape_cast %get3A_1620 : vector<1x16xf32> to vector<16xf32>
      %max3A_1622 = arith.maximumf %max3A_1616, %get3A_1621 : vector<16xf32>
      %get3A_1623 = arith.constant 63 : i32
      %get3A_1624 = arith.index_cast %get3A_1623 : i32 to index
      %get3A_1625 = arith.constant 0 : index
      %get3A_1626 = tpu.vector_load %arg6[%get3A_1624, %get3A_1625] {strides = array<i32>} : memref<128x128xf32, #tpu.memory_space<vmem>>, vector<1x16xf32>,
      %get3A_1627 = vector.shape_cast %get3A_1626 : vector<1x16xf32> to vector<16xf32>
      %max3A_1628 = arith.maximumf %max3A_1622, %get3A_1627 : vector<16xf32>
      %swap3A_1629 = arith.index_cast %add3A_1533 : i32 to index
      %swap3A_1630 = arith.constant 0 : index
      %swap3A_1631 = tpu.vector_load %arg7[%swap3A_1629, %swap3A_1630] {strides = array<i32>} : memref<512x128xf32, #tpu.memory_space<vmem>>, vector<1x16xf32>,
      %swap3A_1632 = vector.shape_cast %swap3A_1631 : vector<1x16xf32> to vector<16xf32>
      %swap3A_1633 = vector.shape_cast %max3A_1628 : vector<16xf32> to vector<1x16xf32>
      tpu.vector_store %arg7[%swap3A_1629, %swap3A_1630], %swap3A_1633 {strides = array<i32>} : memref<512x128xf32, #tpu.memory_space<vmem>>, vector<1x16xf32>,
      %get3A_1634 = arith.constant 48 : i32
      %get3A_1635 = arith.index_cast %get3A_1634 : i32 to index
      %get3A_1636 = arith.constant 16 : index
      %get3A_1637 = tpu.vector_load %arg6[%get3A_1635, %get3A_1636] {strides = array<i32>} : memref<128x128xf32, #tpu.memory_space<vmem>>, vector<1x16xf32>,
      %get3A_1638 = vector.shape_cast %get3A_1637 : vector<1x16xf32> to vector<16xf32>
      %get3A_1639 = arith.constant 49 : i32
      %get3A_1640 = arith.index_cast %get3A_1639 : i32 to index
      %get3A_1641 = arith.constant 16 : index
      %get3A_1642 = tpu.vector_load %arg6[%get3A_1640, %get3A_1641] {strides = array<i32>} : memref<128x128xf32, #tpu.memory_space<vmem>>, vector<1x16xf32>,
      %get3A_1643 = vector.shape_cast %get3A_1642 : vector<1x16xf32> to vector<16xf32>
      %max3A_1644 = arith.maximumf %get3A_1638, %get3A_1643 : vector<16xf32>
      %get3A_1645 = arith.constant 50 : i32
      %get3A_1646 = arith.index_cast %get3A_1645 : i32 to index
      %get3A_1647 = arith.constant 16 : index
      %get3A_1648 = tpu.vector_load %arg6[%get3A_1646, %get3A_1647] {strides = array<i32>} : memref<128x128xf32, #tpu.memory_space<vmem>>, vector<1x16xf32>,
      %get3A_1649 = vector.shape_cast %get3A_1648 : vector<1x16xf32> to vector<16xf32>
      %max3A_1650 = arith.maximumf %max3A_1644, %get3A_1649 : vector<16xf32>
      %get3A_1651 = arith.constant 51 : i32
      %get3A_1652 = arith.index_cast %get3A_1651 : i32 to index
      %get3A_1653 = arith.constant 16 : index
      %get3A_1654 = tpu.vector_load %arg6[%get3A_1652, %get3A_1653] {strides = array<i32>} : memref<128x128xf32, #tpu.memory_space<vmem>>, vector<1x16xf32>,
      %get3A_1655 = vector.shape_cast %get3A_1654 : vector<1x16xf32> to vector<16xf32>
      %max3A_1656 = arith.maximumf %max3A_1650, %get3A_1655 : vector<16xf32>
      %get3A_1657 = arith.constant 52 : i32
      %get3A_1658 = arith.index_cast %get3A_1657 : i32 to index
      %get3A_1659 = arith.constant 16 : index
      %get3A_1660 = tpu.vector_load %arg6[%get3A_1658, %get3A_1659] {strides = array<i32>} : memref<128x128xf32, #tpu.memory_space<vmem>>, vector<1x16xf32>,
      %get3A_1661 = vector.shape_cast %get3A_1660 : vector<1x16xf32> to vector<16xf32>
      %max3A_1662 = arith.maximumf %max3A_1656, %get3A_1661 : vector<16xf32>
      %get3A_1663 = arith.constant 53 : i32
      %get3A_1664 = arith.index_cast %get3A_1663 : i32 to index
      %get3A_1665 = arith.constant 16 : index
      %get3A_1666 = tpu.vector_load %arg6[%get3A_1664, %get3A_1665] {strides = array<i32>} : memref<128x128xf32, #tpu.memory_space<vmem>>, vector<1x16xf32>,
      %get3A_1667 = vector.shape_cast %get3A_1666 : vector<1x16xf32> to vector<16xf32>
      %max3A_1668 = arith.maximumf %max3A_1662, %get3A_1667 : vector<16xf32>
      %get3A_1669 = arith.constant 54 : i32
      %get3A_1670 = arith.index_cast %get3A_1669 : i32 to index
      %get3A_1671 = arith.constant 16 : index
      %get3A_1672 = tpu.vector_load %arg6[%get3A_1670, %get3A_1671] {strides = array<i32>} : memref<128x128xf32, #tpu.memory_space<vmem>>, vector<1x16xf32>,
      %get3A_1673 = vector.shape_cast %get3A_1672 : vector<1x16xf32> to vector<16xf32>
      %max3A_1674 = arith.maximumf %max3A_1668, %get3A_1673 : vector<16xf32>
      %get3A_1675 = arith.constant 55 : i32
      %get3A_1676 = arith.index_cast %get3A_1675 : i32 to index
      %get3A_1677 = arith.constant 16 : index
      %get3A_1678 = tpu.vector_load %arg6[%get3A_1676, %get3A_1677] {strides = array<i32>} : memref<128x128xf32, #tpu.memory_space<vmem>>, vector<1x16xf32>,
      %get3A_1679 = vector.shape_cast %get3A_1678 : vector<1x16xf32> to vector<16xf32>
      %max3A_1680 = arith.maximumf %max3A_1674, %get3A_1679 : vector<16xf32>
      %get3A_1681 = arith.constant 56 : i32
      %get3A_1682 = arith.index_cast %get3A_1681 : i32 to index
      %get3A_1683 = arith.constant 16 : index
      %get3A_1684 = tpu.vector_load %arg6[%get3A_1682, %get3A_1683] {strides = array<i32>} : memref<128x128xf32, #tpu.memory_space<vmem>>, vector<1x16xf32>,
      %get3A_1685 = vector.shape_cast %get3A_1684 : vector<1x16xf32> to vector<16xf32>
      %max3A_1686 = arith.maximumf %max3A_1680, %get3A_1685 : vector<16xf32>
      %get3A_1687 = arith.constant 57 : i32
      %get3A_1688 = arith.index_cast %get3A_1687 : i32 to index
      %get3A_1689 = arith.constant 16 : index
      %get3A_1690 = tpu.vector_load %arg6[%get3A_1688, %get3A_1689] {strides = array<i32>} : memref<128x128xf32, #tpu.memory_space<vmem>>, vector<1x16xf32>,
      %get3A_1691 = vector.shape_cast %get3A_1690 : vector<1x16xf32> to vector<16xf32>
      %max3A_1692 = arith.maximumf %max3A_1686, %get3A_1691 : vector<16xf32>
      %get3A_1693 = arith.constant 58 : i32
      %get3A_1694 = arith.index_cast %get3A_1693 : i32 to index
      %get3A_1695 = arith.constant 16 : index
      %get3A_1696 = tpu.vector_load %arg6[%get3A_1694, %get3A_1695] {strides = array<i32>} : memref<128x128xf32, #tpu.memory_space<vmem>>, vector<1x16xf32>,
      %get3A_1697 = vector.shape_cast %get3A_1696 : vector<1x16xf32> to vector<16xf32>
      %max3A_1698 = arith.maximumf %max3A_1692, %get3A_1697 : vector<16xf32>
      %get3A_1699 = arith.constant 59 : i32
      %get3A_1700 = arith.index_cast %get3A_1699 : i32 to index
      %get3A_1701 = arith.constant 16 : index
      %get3A_1702 = tpu.vector_load %arg6[%get3A_1700, %get3A_1701] {strides = array<i32>} : memref<128x128xf32, #tpu.memory_space<vmem>>, vector<1x16xf32>,
      %get3A_1703 = vector.shape_cast %get3A_1702 : vector<1x16xf32> to vector<16xf32>
      %max3A_1704 = arith.maximumf %max3A_1698, %get3A_1703 : vector<16xf32>
      %get3A_1705 = arith.constant 60 : i32
      %get3A_1706 = arith.index_cast %get3A_1705 : i32 to index
      %get3A_1707 = arith.constant 16 : index
      %get3A_1708 = tpu.vector_load %arg6[%get3A_1706, %get3A_1707] {strides = array<i32>} : memref<128x128xf32, #tpu.memory_space<vmem>>, vector<1x16xf32>,
      %get3A_1709 = vector.shape_cast %get3A_1708 : vector<1x16xf32> to vector<16xf32>
      %max3A_1710 = arith.maximumf %max3A_1704, %get3A_1709 : vector<16xf32>
      %get3A_1711 = arith.constant 61 : i32
      %get3A_1712 = arith.index_cast %get3A_1711 : i32 to index
      %get3A_1713 = arith.constant 16 : index
      %get3A_1714 = tpu.vector_load %arg6[%get3A_1712, %get3A_1713] {strides = array<i32>} : memref<128x128xf32, #tpu.memory_space<vmem>>, vector<1x16xf32>,
      %get3A_1715 = vector.shape_cast %get3A_1714 : vector<1x16xf32> to vector<16xf32>
      %max3A_1716 = arith.maximumf %max3A_1710, %get3A_1715 : vector<16xf32>
      %get3A_1717 = arith.constant 62 : i32
      %get3A_1718 = arith.index_cast %get3A_1717 : i32 to index
      %get3A_1719 = arith.constant 16 : index
      %get3A_1720 = tpu.vector_load %arg6[%get3A_1718, %get3A_1719] {strides = array<i32>} : memref<128x128xf32, #tpu.memory_space<vmem>>, vector<1x16xf32>,
      %get3A_1721 = vector.shape_cast %get3A_1720 : vector<1x16xf32> to vector<16xf32>
      %max3A_1722 = arith.maximumf %max3A_1716, %get3A_1721 : vector<16xf32>
      %get3A_1723 = arith.constant 63 : i32
      %get3A_1724 = arith.index_cast %get3A_1723 : i32 to index
      %get3A_1725 = arith.constant 16 : index
      %get3A_1726 = tpu.vector_load %arg6[%get3A_1724, %get3A_1725] {strides = array<i32>} : memref<128x128xf32, #tpu.memory_space<vmem>>, vector<1x16xf32>,
      %get3A_1727 = vector.shape_cast %get3A_1726 : vector<1x16xf32> to vector<16xf32>
      %max3A_1728 = arith.maximumf %max3A_1722, %get3A_1727 : vector<16xf32>
      %swap3A_1729 = arith.index_cast %add3A_1533 : i32 to index
      %swap3A_1730 = arith.constant 16 : index
      %swap3A_1731 = tpu.vector_load %arg7[%swap3A_1729, %swap3A_1730] {strides = array<i32>} : memref<512x128xf32, #tpu.memory_space<vmem>>, vector<1x16xf32>,
      %swap3A_1732 = vector.shape_cast %swap3A_1731 : vector<1x16xf32> to vector<16xf32>
      %swap3A_1733 = vector.shape_cast %max3A_1728 : vector<16xf32> to vector<1x16xf32>
      tpu.vector_store %arg7[%swap3A_1729, %swap3A_1730], %swap3A_1733 {strides = array<i32>} : memref<512x128xf32, #tpu.memory_space<vmem>>, vector<1x16xf32>,
      %get3A_1734 = arith.constant 48 : i32
      %get3A_1735 = arith.index_cast %get3A_1734 : i32 to index
      %get3A_1736 = arith.constant 32 : index
      %get3A_1737 = tpu.vector_load %arg6[%get3A_1735, %get3A_1736] {strides = array<i32>} : memref<128x128xf32, #tpu.memory_space<vmem>>, vector<1x16xf32>,
      %get3A_1738 = vector.shape_cast %get3A_1737 : vector<1x16xf32> to vector<16xf32>
      %get3A_1739 = arith.constant 49 : i32
      %get3A_1740 = arith.index_cast %get3A_1739 : i32 to index
      %get3A_1741 = arith.constant 32 : index
      %get3A_1742 = tpu.vector_load %arg6[%get3A_1740, %get3A_1741] {strides = array<i32>} : memref<128x128xf32, #tpu.memory_space<vmem>>, vector<1x16xf32>,
      %get3A_1743 = vector.shape_cast %get3A_1742 : vector<1x16xf32> to vector<16xf32>
      %max3A_1744 = arith.maximumf %get3A_1738, %get3A_1743 : vector<16xf32>
      %get3A_1745 = arith.constant 50 : i32
      %get3A_1746 = arith.index_cast %get3A_1745 : i32 to index
      %get3A_1747 = arith.constant 32 : index
      %get3A_1748 = tpu.vector_load %arg6[%get3A_1746, %get3A_1747] {strides = array<i32>} : memref<128x128xf32, #tpu.memory_space<vmem>>, vector<1x16xf32>,
      %get3A_1749 = vector.shape_cast %get3A_1748 : vector<1x16xf32> to vector<16xf32>
      %max3A_1750 = arith.maximumf %max3A_1744, %get3A_1749 : vector<16xf32>
      %get3A_1751 = arith.constant 51 : i32
      %get3A_1752 = arith.index_cast %get3A_1751 : i32 to index
      %get3A_1753 = arith.constant 32 : index
      %get3A_1754 = tpu.vector_load %arg6[%get3A_1752, %get3A_1753] {strides = array<i32>} : memref<128x128xf32, #tpu.memory_space<vmem>>, vector<1x16xf32>,
      %get3A_1755 = vector.shape_cast %get3A_1754 : vector<1x16xf32> to vector<16xf32>
      %max3A_1756 = arith.maximumf %max3A_1750, %get3A_1755 : vector<16xf32>
      %get3A_1757 = arith.constant 52 : i32
      %get3A_1758 = arith.index_cast %get3A_1757 : i32 to index
      %get3A_1759 = arith.constant 32 : index
      %get3A_1760 = tpu.vector_load %arg6[%get3A_1758, %get3A_1759] {strides = array<i32>} : memref<128x128xf32, #tpu.memory_space<vmem>>, vector<1x16xf32>,
      %get3A_1761 = vector.shape_cast %get3A_1760 : vector<1x16xf32> to vector<16xf32>
      %max3A_1762 = arith.maximumf %max3A_1756, %get3A_1761 : vector<16xf32>
      %get3A_1763 = arith.constant 53 : i32
      %get3A_1764 = arith.index_cast %get3A_1763 : i32 to index
      %get3A_1765 = arith.constant 32 : index
      %get3A_1766 = tpu.vector_load %arg6[%get3A_1764, %get3A_1765] {strides = array<i32>} : memref<128x128xf32, #tpu.memory_space<vmem>>, vector<1x16xf32>,
      %get3A_1767 = vector.shape_cast %get3A_1766 : vector<1x16xf32> to vector<16xf32>
      %max3A_1768 = arith.maximumf %max3A_1762, %get3A_1767 : vector<16xf32>
      %get3A_1769 = arith.constant 54 : i32
      %get3A_1770 = arith.index_cast %get3A_1769 : i32 to index
      %get3A_1771 = arith.constant 32 : index
      %get3A_1772 = tpu.vector_load %arg6[%get3A_1770, %get3A_1771] {strides = array<i32>} : memref<128x128xf32, #tpu.memory_space<vmem>>, vector<1x16xf32>,
      %get3A_1773 = vector.shape_cast %get3A_1772 : vector<1x16xf32> to vector<16xf32>
      %max3A_1774 = arith.maximumf %max3A_1768, %get3A_1773 : vector<16xf32>
      %get3A_1775 = arith.constant 55 : i32
      %get3A_1776 = arith.index_cast %get3A_1775 : i32 to index
      %get3A_1777 = arith.constant 32 : index
      %get3A_1778 = tpu.vector_load %arg6[%get3A_1776, %get3A_1777] {strides = array<i32>} : memref<128x128xf32, #tpu.memory_space<vmem>>, vector<1x16xf32>,
      %get3A_1779 = vector.shape_cast %get3A_1778 : vector<1x16xf32> to vector<16xf32>
      %max3A_1780 = arith.maximumf %max3A_1774, %get3A_1779 : vector<16xf32>
      %get3A_1781 = arith.constant 56 : i32
      %get3A_1782 = arith.index_cast %get3A_1781 : i32 to index
      %get3A_1783 = arith.constant 32 : index
      %get3A_1784 = tpu.vector_load %arg6[%get3A_1782, %get3A_1783] {strides = array<i32>} : memref<128x128xf32, #tpu.memory_space<vmem>>, vector<1x16xf32>,
      %get3A_1785 = vector.shape_cast %get3A_1784 : vector<1x16xf32> to vector<16xf32>
      %max3A_1786 = arith.maximumf %max3A_1780, %get3A_1785 : vector<16xf32>
      %get3A_1787 = arith.constant 57 : i32
      %get3A_1788 = arith.index_cast %get3A_1787 : i32 to index
      %get3A_1789 = arith.constant 32 : index
      %get3A_1790 = tpu.vector_load %arg6[%get3A_1788, %get3A_1789] {strides = array<i32>} : memref<128x128xf32, #tpu.memory_space<vmem>>, vector<1x16xf32>,
      %get3A_1791 = vector.shape_cast %get3A_1790 : vector<1x16xf32> to vector<16xf32>
      %max3A_1792 = arith.maximumf %max3A_1786, %get3A_1791 : vector<16xf32>
      %get3A_1793 = arith.constant 58 : i32
      %get3A_1794 = arith.index_cast %get3A_1793 : i32 to index
      %get3A_1795 = arith.constant 32 : index
      %get3A_1796 = tpu.vector_load %arg6[%get3A_1794, %get3A_1795] {strides = array<i32>} : memref<128x128xf32, #tpu.memory_space<vmem>>, vector<1x16xf32>,
      %get3A_1797 = vector.shape_cast %get3A_1796 : vector<1x16xf32> to vector<16xf32>
      %max3A_1798 = arith.maximumf %max3A_1792, %get3A_1797 : vector<16xf32>
      %get3A_1799 = arith.constant 59 : i32
      %get3A_1800 = arith.index_cast %get3A_1799 : i32 to index
      %get3A_1801 = arith.constant 32 : index
      %get3A_1802 = tpu.vector_load %arg6[%get3A_1800, %get3A_1801] {strides = array<i32>} : memref<128x128xf32, #tpu.memory_space<vmem>>, vector<1x16xf32>,
      %get3A_1803 = vector.shape_cast %get3A_1802 : vector<1x16xf32> to vector<16xf32>
      %max3A_1804 = arith.maximumf %max3A_1798, %get3A_1803 : vector<16xf32>
      %get3A_1805 = arith.constant 60 : i32
      %get3A_1806 = arith.index_cast %get3A_1805 : i32 to index
      %get3A_1807 = arith.constant 32 : index
      %get3A_1808 = tpu.vector_load %arg6[%get3A_1806, %get3A_1807] {strides = array<i32>} : memref<128x128xf32, #tpu.memory_space<vmem>>, vector<1x16xf32>,
      %get3A_1809 = vector.shape_cast %get3A_1808 : vector<1x16xf32> to vector<16xf32>
      %max3A_1810 = arith.maximumf %max3A_1804, %get3A_1809 : vector<16xf32>
      %get3A_1811 = arith.constant 61 : i32
      %get3A_1812 = arith.index_cast %get3A_1811 : i32 to index
      %get3A_1813 = arith.constant 32 : index
      %get3A_1814 = tpu.vector_load %arg6[%get3A_1812, %get3A_1813] {strides = array<i32>} : memref<128x128xf32, #tpu.memory_space<vmem>>, vector<1x16xf32>,
      %get3A_1815 = vector.shape_cast %get3A_1814 : vector<1x16xf32> to vector<16xf32>
      %max3A_1816 = arith.maximumf %max3A_1810, %get3A_1815 : vector<16xf32>
      %get3A_1817 = arith.constant 62 : i32
      %get3A_1818 = arith.index_cast %get3A_1817 : i32 to index
      %get3A_1819 = arith.constant 32 : index
      %get3A_1820 = tpu.vector_load %arg6[%get3A_1818, %get3A_1819] {strides = array<i32>} : memref<128x128xf32, #tpu.memory_space<vmem>>, vector<1x16xf32>,
      %get3A_1821 = vector.shape_cast %get3A_1820 : vector<1x16xf32> to vector<16xf32>
      %max3A_1822 = arith.maximumf %max3A_1816, %get3A_1821 : vector<16xf32>
      %get3A_1823 = arith.constant 63 : i32
      %get3A_1824 = arith.index_cast %get3A_1823 : i32 to index
      %get3A_1825 = arith.constant 32 : index
      %get3A_1826 = tpu.vector_load %arg6[%get3A_1824, %get3A_1825] {strides = array<i32>} : memref<128x128xf32, #tpu.memory_space<vmem>>, vector<1x16xf32>,
      %get3A_1827 = vector.shape_cast %get3A_1826 : vector<1x16xf32> to vector<16xf32>
      %max3A_1828 = arith.maximumf %max3A_1822, %get3A_1827 : vector<16xf32>
      %swap3A_1829 = arith.index_cast %add3A_1533 : i32 to index
      %swap3A_1830 = arith.constant 32 : index
      %swap3A_1831 = tpu.vector_load %arg7[%swap3A_1829, %swap3A_1830] {strides = array<i32>} : memref<512x128xf32, #tpu.memory_space<vmem>>, vector<1x16xf32>,
      %swap3A_1832 = vector.shape_cast %swap3A_1831 : vector<1x16xf32> to vector<16xf32>
      %swap3A_1833 = vector.shape_cast %max3A_1828 : vector<16xf32> to vector<1x16xf32>
      tpu.vector_store %arg7[%swap3A_1829, %swap3A_1830], %swap3A_1833 {strides = array<i32>} : memref<512x128xf32, #tpu.memory_space<vmem>>, vector<1x16xf32>,
      %get3A_1834 = arith.constant 48 : i32
      %get3A_1835 = arith.index_cast %get3A_1834 : i32 to index
      %get3A_1836 = arith.constant 48 : index
      %get3A_1837 = tpu.vector_load %arg6[%get3A_1835, %get3A_1836] {strides = array<i32>} : memref<128x128xf32, #tpu.memory_space<vmem>>, vector<1x16xf32>,
      %get3A_1838 = vector.shape_cast %get3A_1837 : vector<1x16xf32> to vector<16xf32>
      %get3A_1839 = arith.constant 49 : i32
      %get3A_1840 = arith.index_cast %get3A_1839 : i32 to index
      %get3A_1841 = arith.constant 48 : index
      %get3A_1842 = tpu.vector_load %arg6[%get3A_1840, %get3A_1841] {strides = array<i32>} : memref<128x128xf32, #tpu.memory_space<vmem>>, vector<1x16xf32>,
      %get3A_1843 = vector.shape_cast %get3A_1842 : vector<1x16xf32> to vector<16xf32>
      %max3A_1844 = arith.maximumf %get3A_1838, %get3A_1843 : vector<16xf32>
      %get3A_1845 = arith.constant 50 : i32
      %get3A_1846 = arith.index_cast %get3A_1845 : i32 to index
      %get3A_1847 = arith.constant 48 : index
      %get3A_1848 = tpu.vector_load %arg6[%get3A_1846, %get3A_1847] {strides = array<i32>} : memref<128x128xf32, #tpu.memory_space<vmem>>, vector<1x16xf32>,
      %get3A_1849 = vector.shape_cast %get3A_1848 : vector<1x16xf32> to vector<16xf32>
      %max3A_1850 = arith.maximumf %max3A_1844, %get3A_1849 : vector<16xf32>
      %get3A_1851 = arith.constant 51 : i32
      %get3A_1852 = arith.index_cast %get3A_1851 : i32 to index
      %get3A_1853 = arith.constant 48 : index
      %get3A_1854 = tpu.vector_load %arg6[%get3A_1852, %get3A_1853] {strides = array<i32>} : memref<128x128xf32, #tpu.memory_space<vmem>>, vector<1x16xf32>,
      %get3A_1855 = vector.shape_cast %get3A_1854 : vector<1x16xf32> to vector<16xf32>
      %max3A_1856 = arith.maximumf %max3A_1850, %get3A_1855 : vector<16xf32>
      %get3A_1857 = arith.constant 52 : i32
      %get3A_1858 = arith.index_cast %get3A_1857 : i32 to index
      %get3A_1859 = arith.constant 48 : index
      %get3A_1860 = tpu.vector_load %arg6[%get3A_1858, %get3A_1859] {strides = array<i32>} : memref<128x128xf32, #tpu.memory_space<vmem>>, vector<1x16xf32>,
      %get3A_1861 = vector.shape_cast %get3A_1860 : vector<1x16xf32> to vector<16xf32>
      %max3A_1862 = arith.maximumf %max3A_1856, %get3A_1861 : vector<16xf32>
      %get3A_1863 = arith.constant 53 : i32
      %get3A_1864 = arith.index_cast %get3A_1863 : i32 to index
      %get3A_1865 = arith.constant 48 : index
      %get3A_1866 = tpu.vector_load %arg6[%get3A_1864, %get3A_1865] {strides = array<i32>} : memref<128x128xf32, #tpu.memory_space<vmem>>, vector<1x16xf32>,
      %get3A_1867 = vector.shape_cast %get3A_1866 : vector<1x16xf32> to vector<16xf32>
      %max3A_1868 = arith.maximumf %max3A_1862, %get3A_1867 : vector<16xf32>
      %get3A_1869 = arith.constant 54 : i32
      %get3A_1870 = arith.index_cast %get3A_1869 : i32 to index
      %get3A_1871 = arith.constant 48 : index
      %get3A_1872 = tpu.vector_load %arg6[%get3A_1870, %get3A_1871] {strides = array<i32>} : memref<128x128xf32, #tpu.memory_space<vmem>>, vector<1x16xf32>,
      %get3A_1873 = vector.shape_cast %get3A_1872 : vector<1x16xf32> to vector<16xf32>
      %max3A_1874 = arith.maximumf %max3A_1868, %get3A_1873 : vector<16xf32>
      %get3A_1875 = arith.constant 55 : i32
      %get3A_1876 = arith.index_cast %get3A_1875 : i32 to index
      %get3A_1877 = arith.constant 48 : index
      %get3A_1878 = tpu.vector_load %arg6[%get3A_1876, %get3A_1877] {strides = array<i32>} : memref<128x128xf32, #tpu.memory_space<vmem>>, vector<1x16xf32>,
      %get3A_1879 = vector.shape_cast %get3A_1878 : vector<1x16xf32> to vector<16xf32>
      %max3A_1880 = arith.maximumf %max3A_1874, %get3A_1879 : vector<16xf32>
      %get3A_1881 = arith.constant 56 : i32
      %get3A_1882 = arith.index_cast %get3A_1881 : i32 to index
      %get3A_1883 = arith.constant 48 : index
      %get3A_1884 = tpu.vector_load %arg6[%get3A_1882, %get3A_1883] {strides = array<i32>} : memref<128x128xf32, #tpu.memory_space<vmem>>, vector<1x16xf32>,
      %get3A_1885 = vector.shape_cast %get3A_1884 : vector<1x16xf32> to vector<16xf32>
      %max3A_1886 = arith.maximumf %max3A_1880, %get3A_1885 : vector<16xf32>
      %get3A_1887 = arith.constant 57 : i32
      %get3A_1888 = arith.index_cast %get3A_1887 : i32 to index
      %get3A_1889 = arith.constant 48 : index
      %get3A_1890 = tpu.vector_load %arg6[%get3A_1888, %get3A_1889] {strides = array<i32>} : memref<128x128xf32, #tpu.memory_space<vmem>>, vector<1x16xf32>,
      %get3A_1891 = vector.shape_cast %get3A_1890 : vector<1x16xf32> to vector<16xf32>
      %max3A_1892 = arith.maximumf %max3A_1886, %get3A_1891 : vector<16xf32>
      %get3A_1893 = arith.constant 58 : i32
      %get3A_1894 = arith.index_cast %get3A_1893 : i32 to index
      %get3A_1895 = arith.constant 48 : index
      %get3A_1896 = tpu.vector_load %arg6[%get3A_1894, %get3A_1895] {strides = array<i32>} : memref<128x128xf32, #tpu.memory_space<vmem>>, vector<1x16xf32>,
      %get3A_1897 = vector.shape_cast %get3A_1896 : vector<1x16xf32> to vector<16xf32>
      %max3A_1898 = arith.maximumf %max3A_1892, %get3A_1897 : vector<16xf32>
      %get3A_1899 = arith.constant 59 : i32
      %get3A_1900 = arith.index_cast %get3A_1899 : i32 to index
      %get3A_1901 = arith.constant 48 : index
      %get3A_1902 = tpu.vector_load %arg6[%get3A_1900, %get3A_1901] {strides = array<i32>} : memref<128x128xf32, #tpu.memory_space<vmem>>, vector<1x16xf32>,
      %get3A_1903 = vector.shape_cast %get3A_1902 : vector<1x16xf32> to vector<16xf32>
      %max3A_1904 = arith.maximumf %max3A_1898, %get3A_1903 : vector<16xf32>
      %get3A_1905 = arith.constant 60 : i32
      %get3A_1906 = arith.index_cast %get3A_1905 : i32 to index
      %get3A_1907 = arith.constant 48 : index
      %get3A_1908 = tpu.vector_load %arg6[%get3A_1906, %get3A_1907] {strides = array<i32>} : memref<128x128xf32, #tpu.memory_space<vmem>>, vector<1x16xf32>,
      %get3A_1909 = vector.shape_cast %get3A_1908 : vector<1x16xf32> to vector<16xf32>
      %max3A_1910 = arith.maximumf %max3A_1904, %get3A_1909 : vector<16xf32>
      %get3A_1911 = arith.constant 61 : i32
      %get3A_1912 = arith.index_cast %get3A_1911 : i32 to index
      %get3A_1913 = arith.constant 48 : index
      %get3A_1914 = tpu.vector_load %arg6[%get3A_1912, %get3A_1913] {strides = array<i32>} : memref<128x128xf32, #tpu.memory_space<vmem>>, vector<1x16xf32>,
      %get3A_1915 = vector.shape_cast %get3A_1914 : vector<1x16xf32> to vector<16xf32>
      %max3A_1916 = arith.maximumf %max3A_1910, %get3A_1915 : vector<16xf32>
      %get3A_1917 = arith.constant 62 : i32
      %get3A_1918 = arith.index_cast %get3A_1917 : i32 to index
      %get3A_1919 = arith.constant 48 : index
      %get3A_1920 = tpu.vector_load %arg6[%get3A_1918, %get3A_1919] {strides = array<i32>} : memref<128x128xf32, #tpu.memory_space<vmem>>, vector<1x16xf32>,
      %get3A_1921 = vector.shape_cast %get3A_1920 : vector<1x16xf32> to vector<16xf32>
      %max3A_1922 = arith.maximumf %max3A_1916, %get3A_1921 : vector<16xf32>
      %get3A_1923 = arith.constant 63 : i32
      %get3A_1924 = arith.index_cast %get3A_1923 : i32 to index
      %get3A_1925 = arith.constant 48 : index
      %get3A_1926 = tpu.vector_load %arg6[%get3A_1924, %get3A_1925] {strides = array<i32>} : memref<128x128xf32, #tpu.memory_space<vmem>>, vector<1x16xf32>,
      %get3A_1927 = vector.shape_cast %get3A_1926 : vector<1x16xf32> to vector<16xf32>
      %max3A_1928 = arith.maximumf %max3A_1922, %get3A_1927 : vector<16xf32>
      %swap3A_1929 = arith.index_cast %add3A_1533 : i32 to index
      %swap3A_1930 = arith.constant 48 : index
      %swap3A_1931 = tpu.vector_load %arg7[%swap3A_1929, %swap3A_1930] {strides = array<i32>} : memref<512x128xf32, #tpu.memory_space<vmem>>, vector<1x16xf32>,
      %swap3A_1932 = vector.shape_cast %swap3A_1931 : vector<1x16xf32> to vector<16xf32>
      %swap3A_1933 = vector.shape_cast %max3A_1928 : vector<16xf32> to vector<1x16xf32>
      tpu.vector_store %arg7[%swap3A_1929, %swap3A_1930], %swap3A_1933 {strides = array<i32>} : memref<512x128xf32, #tpu.memory_space<vmem>>, vector<1x16xf32>,
      %get3A_1934 = arith.constant 48 : i32
      %get3A_1935 = arith.index_cast %get3A_1934 : i32 to index
      %get3A_1936 = arith.constant 64 : index
      %get3A_1937 = tpu.vector_load %arg6[%get3A_1935, %get3A_1936] {strides = array<i32>} : memref<128x128xf32, #tpu.memory_space<vmem>>, vector<1x16xf32>,
      %get3A_1938 = vector.shape_cast %get3A_1937 : vector<1x16xf32> to vector<16xf32>
      %get3A_1939 = arith.constant 49 : i32
      %get3A_1940 = arith.index_cast %get3A_1939 : i32 to index
      %get3A_1941 = arith.constant 64 : index
      %get3A_1942 = tpu.vector_load %arg6[%get3A_1940, %get3A_1941] {strides = array<i32>} : memref<128x128xf32, #tpu.memory_space<vmem>>, vector<1x16xf32>,
      %get3A_1943 = vector.shape_cast %get3A_1942 : vector<1x16xf32> to vector<16xf32>
      %max3A_1944 = arith.maximumf %get3A_1938, %get3A_1943 : vector<16xf32>
      %get3A_1945 = arith.constant 50 : i32
      %get3A_1946 = arith.index_cast %get3A_1945 : i32 to index
      %get3A_1947 = arith.constant 64 : index
      %get3A_1948 = tpu.vector_load %arg6[%get3A_1946, %get3A_1947] {strides = array<i32>} : memref<128x128xf32, #tpu.memory_space<vmem>>, vector<1x16xf32>,
      %get3A_1949 = vector.shape_cast %get3A_1948 : vector<1x16xf32> to vector<16xf32>
      %max3A_1950 = arith.maximumf %max3A_1944, %get3A_1949 : vector<16xf32>
      %get3A_1951 = arith.constant 51 : i32
      %get3A_1952 = arith.index_cast %get3A_1951 : i32 to index
      %get3A_1953 = arith.constant 64 : index
      %get3A_1954 = tpu.vector_load %arg6[%get3A_1952, %get3A_1953] {strides = array<i32>} : memref<128x128xf32, #tpu.memory_space<vmem>>, vector<1x16xf32>,
      %get3A_1955 = vector.shape_cast %get3A_1954 : vector<1x16xf32> to vector<16xf32>
      %max3A_1956 = arith.maximumf %max3A_1950, %get3A_1955 : vector<16xf32>
      %get3A_1957 = arith.constant 52 : i32
      %get3A_1958 = arith.index_cast %get3A_1957 : i32 to index
      %get3A_1959 = arith.constant 64 : index
      %get3A_1960 = tpu.vector_load %arg6[%get3A_1958, %get3A_1959] {strides = array<i32>} : memref<128x128xf32, #tpu.memory_space<vmem>>, vector<1x16xf32>,
      %get3A_1961 = vector.shape_cast %get3A_1960 : vector<1x16xf32> to vector<16xf32>
      %max3A_1962 = arith.maximumf %max3A_1956, %get3A_1961 : vector<16xf32>
      %get3A_1963 = arith.constant 53 : i32
      %get3A_1964 = arith.index_cast %get3A_1963 : i32 to index
      %get3A_1965 = arith.constant 64 : index
      %get3A_1966 = tpu.vector_load %arg6[%get3A_1964, %get3A_1965] {strides = array<i32>} : memref<128x128xf32, #tpu.memory_space<vmem>>, vector<1x16xf32>,
      %get3A_1967 = vector.shape_cast %get3A_1966 : vector<1x16xf32> to vector<16xf32>
      %max3A_1968 = arith.maximumf %max3A_1962, %get3A_1967 : vector<16xf32>
      %get3A_1969 = arith.constant 54 : i32
      %get3A_1970 = arith.index_cast %get3A_1969 : i32 to index
      %get3A_1971 = arith.constant 64 : index
      %get3A_1972 = tpu.vector_load %arg6[%get3A_1970, %get3A_1971] {strides = array<i32>} : memref<128x128xf32, #tpu.memory_space<vmem>>, vector<1x16xf32>,
      %get3A_1973 = vector.shape_cast %get3A_1972 : vector<1x16xf32> to vector<16xf32>
      %max3A_1974 = arith.maximumf %max3A_1968, %get3A_1973 : vector<16xf32>
      %get3A_1975 = arith.constant 55 : i32
      %get3A_1976 = arith.index_cast %get3A_1975 : i32 to index
      %get3A_1977 = arith.constant 64 : index
      %get3A_1978 = tpu.vector_load %arg6[%get3A_1976, %get3A_1977] {strides = array<i32>} : memref<128x128xf32, #tpu.memory_space<vmem>>, vector<1x16xf32>,
      %get3A_1979 = vector.shape_cast %get3A_1978 : vector<1x16xf32> to vector<16xf32>
      %max3A_1980 = arith.maximumf %max3A_1974, %get3A_1979 : vector<16xf32>
      %get3A_1981 = arith.constant 56 : i32
      %get3A_1982 = arith.index_cast %get3A_1981 : i32 to index
      %get3A_1983 = arith.constant 64 : index
      %get3A_1984 = tpu.vector_load %arg6[%get3A_1982, %get3A_1983] {strides = array<i32>} : memref<128x128xf32, #tpu.memory_space<vmem>>, vector<1x16xf32>,
      %get3A_1985 = vector.shape_cast %get3A_1984 : vector<1x16xf32> to vector<16xf32>
      %max3A_1986 = arith.maximumf %max3A_1980, %get3A_1985 : vector<16xf32>
      %get3A_1987 = arith.constant 57 : i32
      %get3A_1988 = arith.index_cast %get3A_1987 : i32 to index
      %get3A_1989 = arith.constant 64 : index
      %get3A_1990 = tpu.vector_load %arg6[%get3A_1988, %get3A_1989] {strides = array<i32>} : memref<128x128xf32, #tpu.memory_space<vmem>>, vector<1x16xf32>,
      %get3A_1991 = vector.shape_cast %get3A_1990 : vector<1x16xf32> to vector<16xf32>
      %max3A_1992 = arith.maximumf %max3A_1986, %get3A_1991 : vector<16xf32>
      %get3A_1993 = arith.constant 58 : i32
      %get3A_1994 = arith.index_cast %get3A_1993 : i32 to index
      %get3A_1995 = arith.constant 64 : index
      %get3A_1996 = tpu.vector_load %arg6[%get3A_1994, %get3A_1995] {strides = array<i32>} : memref<128x128xf32, #tpu.memory_space<vmem>>, vector<1x16xf32>,
      %get3A_1997 = vector.shape_cast %get3A_1996 : vector<1x16xf32> to vector<16xf32>
      %max3A_1998 = arith.maximumf %max3A_1992, %get3A_1997 : vector<16xf32>
      %get3A_1999 = arith.constant 59 : i32
      %get3A_2000 = arith.index_cast %get3A_1999 : i32 to index
      %get3A_2001 = arith.constant 64 : index
      %get3A_2002 = tpu.vector_load %arg6[%get3A_2000, %get3A_2001] {strides = array<i32>} : memref<128x128xf32, #tpu.memory_space<vmem>>, vector<1x16xf32>,
      %get3A_2003 = vector.shape_cast %get3A_2002 : vector<1x16xf32> to vector<16xf32>
      %max3A_2004 = arith.maximumf %max3A_1998, %get3A_2003 : vector<16xf32>
      %get3A_2005 = arith.constant 60 : i32
      %get3A_2006 = arith.index_cast %get3A_2005 : i32 to index
      %get3A_2007 = arith.constant 64 : index
      %get3A_2008 = tpu.vector_load %arg6[%get3A_2006, %get3A_2007] {strides = array<i32>} : memref<128x128xf32, #tpu.memory_space<vmem>>, vector<1x16xf32>,
      %get3A_2009 = vector.shape_cast %get3A_2008 : vector<1x16xf32> to vector<16xf32>
      %max3A_2010 = arith.maximumf %max3A_2004, %get3A_2009 : vector<16xf32>
      %get3A_2011 = arith.constant 61 : i32
      %get3A_2012 = arith.index_cast %get3A_2011 : i32 to index
      %get3A_2013 = arith.constant 64 : index
      %get3A_2014 = tpu.vector_load %arg6[%get3A_2012, %get3A_2013] {strides = array<i32>} : memref<128x128xf32, #tpu.memory_space<vmem>>, vector<1x16xf32>,
      %get3A_2015 = vector.shape_cast %get3A_2014 : vector<1x16xf32> to vector<16xf32>
      %max3A_2016 = arith.maximumf %max3A_2010, %get3A_2015 : vector<16xf32>
      %get3A_2017 = arith.constant 62 : i32
      %get3A_2018 = arith.index_cast %get3A_2017 : i32 to index
      %get3A_2019 = arith.constant 64 : index
      %get3A_2020 = tpu.vector_load %arg6[%get3A_2018, %get3A_2019] {strides = array<i32>} : memref<128x128xf32, #tpu.memory_space<vmem>>, vector<1x16xf32>,
      %get3A_2021 = vector.shape_cast %get3A_2020 : vector<1x16xf32> to vector<16xf32>
      %max3A_2022 = arith.maximumf %max3A_2016, %get3A_2021 : vector<16xf32>
      %get3A_2023 = arith.constant 63 : i32
      %get3A_2024 = arith.index_cast %get3A_2023 : i32 to index
      %get3A_2025 = arith.constant 64 : index
      %get3A_2026 = tpu.vector_load %arg6[%get3A_2024, %get3A_2025] {strides = array<i32>} : memref<128x128xf32, #tpu.memory_space<vmem>>, vector<1x16xf32>,
      %get3A_2027 = vector.shape_cast %get3A_2026 : vector<1x16xf32> to vector<16xf32>
      %max3A_2028 = arith.maximumf %max3A_2022, %get3A_2027 : vector<16xf32>
      %swap3A_2029 = arith.index_cast %add3A_1533 : i32 to index
      %swap3A_2030 = arith.constant 64 : index
      %swap3A_2031 = tpu.vector_load %arg7[%swap3A_2029, %swap3A_2030] {strides = array<i32>} : memref<512x128xf32, #tpu.memory_space<vmem>>, vector<1x16xf32>,
      %swap3A_2032 = vector.shape_cast %swap3A_2031 : vector<1x16xf32> to vector<16xf32>
      %swap3A_2033 = vector.shape_cast %max3A_2028 : vector<16xf32> to vector<1x16xf32>
      tpu.vector_store %arg7[%swap3A_2029, %swap3A_2030], %swap3A_2033 {strides = array<i32>} : memref<512x128xf32, #tpu.memory_space<vmem>>, vector<1x16xf32>,
      %mul3A_2034 = arith.constant 8 : i32
      %mul3A_2035 = arith.muli %scan3A_10, %mul3A_2034 : i32
      %add3A_2036 = arith.constant 4 : i32
      %add3A_2037 = arith.addi %mul3A_2035, %add3A_2036 : i32
      %get3A_2038 = arith.constant 64 : i32
      %get3A_2039 = arith.index_cast %get3A_2038 : i32 to index
      %get3A_2040 = arith.constant 0 : index
      %get3A_2041 = tpu.vector_load %arg6[%get3A_2039, %get3A_2040] {strides = array<i32>} : memref<128x128xf32, #tpu.memory_space<vmem>>, vector<1x16xf32>,
      %get3A_2042 = vector.shape_cast %get3A_2041 : vector<1x16xf32> to vector<16xf32>
      %get3A_2043 = arith.constant 65 : i32
      %get3A_2044 = arith.index_cast %get3A_2043 : i32 to index
      %get3A_2045 = arith.constant 0 : index
      %get3A_2046 = tpu.vector_load %arg6[%get3A_2044, %get3A_2045] {strides = array<i32>} : memref<128x128xf32, #tpu.memory_space<vmem>>, vector<1x16xf32>,
      %get3A_2047 = vector.shape_cast %get3A_2046 : vector<1x16xf32> to vector<16xf32>
      %max3A_2048 = arith.maximumf %get3A_2042, %get3A_2047 : vector<16xf32>
      %get3A_2049 = arith.constant 66 : i32
      %get3A_2050 = arith.index_cast %get3A_2049 : i32 to index
      %get3A_2051 = arith.constant 0 : index
      %get3A_2052 = tpu.vector_load %arg6[%get3A_2050, %get3A_2051] {strides = array<i32>} : memref<128x128xf32, #tpu.memory_space<vmem>>, vector<1x16xf32>,
      %get3A_2053 = vector.shape_cast %get3A_2052 : vector<1x16xf32> to vector<16xf32>
      %max3A_2054 = arith.maximumf %max3A_2048, %get3A_2053 : vector<16xf32>
      %get3A_2055 = arith.constant 67 : i32
      %get3A_2056 = arith.index_cast %get3A_2055 : i32 to index
      %get3A_2057 = arith.constant 0 : index
      %get3A_2058 = tpu.vector_load %arg6[%get3A_2056, %get3A_2057] {strides = array<i32>} : memref<128x128xf32, #tpu.memory_space<vmem>>, vector<1x16xf32>,
      %get3A_2059 = vector.shape_cast %get3A_2058 : vector<1x16xf32> to vector<16xf32>
      %max3A_2060 = arith.maximumf %max3A_2054, %get3A_2059 : vector<16xf32>
      %get3A_2061 = arith.constant 68 : i32
      %get3A_2062 = arith.index_cast %get3A_2061 : i32 to index
      %get3A_2063 = arith.constant 0 : index
      %get3A_2064 = tpu.vector_load %arg6[%get3A_2062, %get3A_2063] {strides = array<i32>} : memref<128x128xf32, #tpu.memory_space<vmem>>, vector<1x16xf32>,
      %get3A_2065 = vector.shape_cast %get3A_2064 : vector<1x16xf32> to vector<16xf32>
      %max3A_2066 = arith.maximumf %max3A_2060, %get3A_2065 : vector<16xf32>
      %get3A_2067 = arith.constant 69 : i32
      %get3A_2068 = arith.index_cast %get3A_2067 : i32 to index
      %get3A_2069 = arith.constant 0 : index
      %get3A_2070 = tpu.vector_load %arg6[%get3A_2068, %get3A_2069] {strides = array<i32>} : memref<128x128xf32, #tpu.memory_space<vmem>>, vector<1x16xf32>,
      %get3A_2071 = vector.shape_cast %get3A_2070 : vector<1x16xf32> to vector<16xf32>
      %max3A_2072 = arith.maximumf %max3A_2066, %get3A_2071 : vector<16xf32>
      %get3A_2073 = arith.constant 70 : i32
      %get3A_2074 = arith.index_cast %get3A_2073 : i32 to index
      %get3A_2075 = arith.constant 0 : index
      %get3A_2076 = tpu.vector_load %arg6[%get3A_2074, %get3A_2075] {strides = array<i32>} : memref<128x128xf32, #tpu.memory_space<vmem>>, vector<1x16xf32>,
      %get3A_2077 = vector.shape_cast %get3A_2076 : vector<1x16xf32> to vector<16xf32>
      %max3A_2078 = arith.maximumf %max3A_2072, %get3A_2077 : vector<16xf32>
      %get3A_2079 = arith.constant 71 : i32
      %get3A_2080 = arith.index_cast %get3A_2079 : i32 to index
      %get3A_2081 = arith.constant 0 : index
      %get3A_2082 = tpu.vector_load %arg6[%get3A_2080, %get3A_2081] {strides = array<i32>} : memref<128x128xf32, #tpu.memory_space<vmem>>, vector<1x16xf32>,
      %get3A_2083 = vector.shape_cast %get3A_2082 : vector<1x16xf32> to vector<16xf32>
      %max3A_2084 = arith.maximumf %max3A_2078, %get3A_2083 : vector<16xf32>
      %get3A_2085 = arith.constant 72 : i32
      %get3A_2086 = arith.index_cast %get3A_2085 : i32 to index
      %get3A_2087 = arith.constant 0 : index
      %get3A_2088 = tpu.vector_load %arg6[%get3A_2086, %get3A_2087] {strides = array<i32>} : memref<128x128xf32, #tpu.memory_space<vmem>>, vector<1x16xf32>,
      %get3A_2089 = vector.shape_cast %get3A_2088 : vector<1x16xf32> to vector<16xf32>
      %max3A_2090 = arith.maximumf %max3A_2084, %get3A_2089 : vector<16xf32>
      %get3A_2091 = arith.constant 73 : i32
      %get3A_2092 = arith.index_cast %get3A_2091 : i32 to index
      %get3A_2093 = arith.constant 0 : index
      %get3A_2094 = tpu.vector_load %arg6[%get3A_2092, %get3A_2093] {strides = array<i32>} : memref<128x128xf32, #tpu.memory_space<vmem>>, vector<1x16xf32>,
      %get3A_2095 = vector.shape_cast %get3A_2094 : vector<1x16xf32> to vector<16xf32>
      %max3A_2096 = arith.maximumf %max3A_2090, %get3A_2095 : vector<16xf32>
      %get3A_2097 = arith.constant 74 : i32
      %get3A_2098 = arith.index_cast %get3A_2097 : i32 to index
      %get3A_2099 = arith.constant 0 : index
      %get3A_2100 = tpu.vector_load %arg6[%get3A_2098, %get3A_2099] {strides = array<i32>} : memref<128x128xf32, #tpu.memory_space<vmem>>, vector<1x16xf32>,
      %get3A_2101 = vector.shape_cast %get3A_2100 : vector<1x16xf32> to vector<16xf32>
      %max3A_2102 = arith.maximumf %max3A_2096, %get3A_2101 : vector<16xf32>
      %get3A_2103 = arith.constant 75 : i32
      %get3A_2104 = arith.index_cast %get3A_2103 : i32 to index
      %get3A_2105 = arith.constant 0 : index
      %get3A_2106 = tpu.vector_load %arg6[%get3A_2104, %get3A_2105] {strides = array<i32>} : memref<128x128xf32, #tpu.memory_space<vmem>>, vector<1x16xf32>,
      %get3A_2107 = vector.shape_cast %get3A_2106 : vector<1x16xf32> to vector<16xf32>
      %max3A_2108 = arith.maximumf %max3A_2102, %get3A_2107 : vector<16xf32>
      %get3A_2109 = arith.constant 76 : i32
      %get3A_2110 = arith.index_cast %get3A_2109 : i32 to index
      %get3A_2111 = arith.constant 0 : index
      %get3A_2112 = tpu.vector_load %arg6[%get3A_2110, %get3A_2111] {strides = array<i32>} : memref<128x128xf32, #tpu.memory_space<vmem>>, vector<1x16xf32>,
      %get3A_2113 = vector.shape_cast %get3A_2112 : vector<1x16xf32> to vector<16xf32>
      %max3A_2114 = arith.maximumf %max3A_2108, %get3A_2113 : vector<16xf32>
      %get3A_2115 = arith.constant 77 : i32
      %get3A_2116 = arith.index_cast %get3A_2115 : i32 to index
      %get3A_2117 = arith.constant 0 : index
      %get3A_2118 = tpu.vector_load %arg6[%get3A_2116, %get3A_2117] {strides = array<i32>} : memref<128x128xf32, #tpu.memory_space<vmem>>, vector<1x16xf32>,
      %get3A_2119 = vector.shape_cast %get3A_2118 : vector<1x16xf32> to vector<16xf32>
      %max3A_2120 = arith.maximumf %max3A_2114, %get3A_2119 : vector<16xf32>
      %get3A_2121 = arith.constant 78 : i32
      %get3A_2122 = arith.index_cast %get3A_2121 : i32 to index
      %get3A_2123 = arith.constant 0 : index
      %get3A_2124 = tpu.vector_load %arg6[%get3A_2122, %get3A_2123] {strides = array<i32>} : memref<128x128xf32, #tpu.memory_space<vmem>>, vector<1x16xf32>,
      %get3A_2125 = vector.shape_cast %get3A_2124 : vector<1x16xf32> to vector<16xf32>
      %max3A_2126 = arith.maximumf %max3A_2120, %get3A_2125 : vector<16xf32>
      %get3A_2127 = arith.constant 79 : i32
      %get3A_2128 = arith.index_cast %get3A_2127 : i32 to index
      %get3A_2129 = arith.constant 0 : index
      %get3A_2130 = tpu.vector_load %arg6[%get3A_2128, %get3A_2129] {strides = array<i32>} : memref<128x128xf32, #tpu.memory_space<vmem>>, vector<1x16xf32>,
      %get3A_2131 = vector.shape_cast %get3A_2130 : vector<1x16xf32> to vector<16xf32>
      %max3A_2132 = arith.maximumf %max3A_2126, %get3A_2131 : vector<16xf32>
      %swap3A_2133 = arith.index_cast %add3A_2037 : i32 to index
      %swap3A_2134 = arith.constant 0 : index
      %swap3A_2135 = tpu.vector_load %arg7[%swap3A_2133, %swap3A_2134] {strides = array<i32>} : memref<512x128xf32, #tpu.memory_space<vmem>>, vector<1x16xf32>,
      %swap3A_2136 = vector.shape_cast %swap3A_2135 : vector<1x16xf32> to vector<16xf32>
      %swap3A_2137 = vector.shape_cast %max3A_2132 : vector<16xf32> to vector<1x16xf32>
      tpu.vector_store %arg7[%swap3A_2133, %swap3A_2134], %swap3A_2137 {strides = array<i32>} : memref<512x128xf32, #tpu.memory_space<vmem>>, vector<1x16xf32>,
      %get3A_2138 = arith.constant 64 : i32
      %get3A_2139 = arith.index_cast %get3A_2138 : i32 to index
      %get3A_2140 = arith.constant 16 : index
      %get3A_2141 = tpu.vector_load %arg6[%get3A_2139, %get3A_2140] {strides = array<i32>} : memref<128x128xf32, #tpu.memory_space<vmem>>, vector<1x16xf32>,
      %get3A_2142 = vector.shape_cast %get3A_2141 : vector<1x16xf32> to vector<16xf32>
      %get3A_2143 = arith.constant 65 : i32
      %get3A_2144 = arith.index_cast %get3A_2143 : i32 to index
      %get3A_2145 = arith.constant 16 : index
      %get3A_2146 = tpu.vector_load %arg6[%get3A_2144, %get3A_2145] {strides = array<i32>} : memref<128x128xf32, #tpu.memory_space<vmem>>, vector<1x16xf32>,
      %get3A_2147 = vector.shape_cast %get3A_2146 : vector<1x16xf32> to vector<16xf32>
      %max3A_2148 = arith.maximumf %get3A_2142, %get3A_2147 : vector<16xf32>
      %get3A_2149 = arith.constant 66 : i32
      %get3A_2150 = arith.index_cast %get3A_2149 : i32 to index
      %get3A_2151 = arith.constant 16 : index
      %get3A_2152 = tpu.vector_load %arg6[%get3A_2150, %get3A_2151] {strides = array<i32>} : memref<128x128xf32, #tpu.memory_space<vmem>>, vector<1x16xf32>,
      %get3A_2153 = vector.shape_cast %get3A_2152 : vector<1x16xf32> to vector<16xf32>
      %max3A_2154 = arith.maximumf %max3A_2148, %get3A_2153 : vector<16xf32>
      %get3A_2155 = arith.constant 67 : i32
      %get3A_2156 = arith.index_cast %get3A_2155 : i32 to index
      %get3A_2157 = arith.constant 16 : index
      %get3A_2158 = tpu.vector_load %arg6[%get3A_2156, %get3A_2157] {strides = array<i32>} : memref<128x128xf32, #tpu.memory_space<vmem>>, vector<1x16xf32>,
      %get3A_2159 = vector.shape_cast %get3A_2158 : vector<1x16xf32> to vector<16xf32>
      %max3A_2160 = arith.maximumf %max3A_2154, %get3A_2159 : vector<16xf32>
      %get3A_2161 = arith.constant 68 : i32
      %get3A_2162 = arith.index_cast %get3A_2161 : i32 to index
      %get3A_2163 = arith.constant 16 : index
      %get3A_2164 = tpu.vector_load %arg6[%get3A_2162, %get3A_2163] {strides = array<i32>} : memref<128x128xf32, #tpu.memory_space<vmem>>, vector<1x16xf32>,
      %get3A_2165 = vector.shape_cast %get3A_2164 : vector<1x16xf32> to vector<16xf32>
      %max3A_2166 = arith.maximumf %max3A_2160, %get3A_2165 : vector<16xf32>
      %get3A_2167 = arith.constant 69 : i32
      %get3A_2168 = arith.index_cast %get3A_2167 : i32 to index
      %get3A_2169 = arith.constant 16 : index
      %get3A_2170 = tpu.vector_load %arg6[%get3A_2168, %get3A_2169] {strides = array<i32>} : memref<128x128xf32, #tpu.memory_space<vmem>>, vector<1x16xf32>,
      %get3A_2171 = vector.shape_cast %get3A_2170 : vector<1x16xf32> to vector<16xf32>
      %max3A_2172 = arith.maximumf %max3A_2166, %get3A_2171 : vector<16xf32>
      %get3A_2173 = arith.constant 70 : i32
      %get3A_2174 = arith.index_cast %get3A_2173 : i32 to index
      %get3A_2175 = arith.constant 16 : index
      %get3A_2176 = tpu.vector_load %arg6[%get3A_2174, %get3A_2175] {strides = array<i32>} : memref<128x128xf32, #tpu.memory_space<vmem>>, vector<1x16xf32>,
      %get3A_2177 = vector.shape_cast %get3A_2176 : vector<1x16xf32> to vector<16xf32>
      %max3A_2178 = arith.maximumf %max3A_2172, %get3A_2177 : vector<16xf32>
      %get3A_2179 = arith.constant 71 : i32
      %get3A_2180 = arith.index_cast %get3A_2179 : i32 to index
      %get3A_2181 = arith.constant 16 : index
      %get3A_2182 = tpu.vector_load %arg6[%get3A_2180, %get3A_2181] {strides = array<i32>} : memref<128x128xf32, #tpu.memory_space<vmem>>, vector<1x16xf32>,
      %get3A_2183 = vector.shape_cast %get3A_2182 : vector<1x16xf32> to vector<16xf32>
      %max3A_2184 = arith.maximumf %max3A_2178, %get3A_2183 : vector<16xf32>
      %get3A_2185 = arith.constant 72 : i32
      %get3A_2186 = arith.index_cast %get3A_2185 : i32 to index
      %get3A_2187 = arith.constant 16 : index
      %get3A_2188 = tpu.vector_load %arg6[%get3A_2186, %get3A_2187] {strides = array<i32>} : memref<128x128xf32, #tpu.memory_space<vmem>>, vector<1x16xf32>,
      %get3A_2189 = vector.shape_cast %get3A_2188 : vector<1x16xf32> to vector<16xf32>
      %max3A_2190 = arith.maximumf %max3A_2184, %get3A_2189 : vector<16xf32>
      %get3A_2191 = arith.constant 73 : i32
      %get3A_2192 = arith.index_cast %get3A_2191 : i32 to index
      %get3A_2193 = arith.constant 16 : index
      %get3A_2194 = tpu.vector_load %arg6[%get3A_2192, %get3A_2193] {strides = array<i32>} : memref<128x128xf32, #tpu.memory_space<vmem>>, vector<1x16xf32>,
      %get3A_2195 = vector.shape_cast %get3A_2194 : vector<1x16xf32> to vector<16xf32>
      %max3A_2196 = arith.maximumf %max3A_2190, %get3A_2195 : vector<16xf32>
      %get3A_2197 = arith.constant 74 : i32
      %get3A_2198 = arith.index_cast %get3A_2197 : i32 to index
      %get3A_2199 = arith.constant 16 : index
      %get3A_2200 = tpu.vector_load %arg6[%get3A_2198, %get3A_2199] {strides = array<i32>} : memref<128x128xf32, #tpu.memory_space<vmem>>, vector<1x16xf32>,
      %get3A_2201 = vector.shape_cast %get3A_2200 : vector<1x16xf32> to vector<16xf32>
      %max3A_2202 = arith.maximumf %max3A_2196, %get3A_2201 : vector<16xf32>
      %get3A_2203 = arith.constant 75 : i32
      %get3A_2204 = arith.index_cast %get3A_2203 : i32 to index
      %get3A_2205 = arith.constant 16 : index
      %get3A_2206 = tpu.vector_load %arg6[%get3A_2204, %get3A_2205] {strides = array<i32>} : memref<128x128xf32, #tpu.memory_space<vmem>>, vector<1x16xf32>,
      %get3A_2207 = vector.shape_cast %get3A_2206 : vector<1x16xf32> to vector<16xf32>
      %max3A_2208 = arith.maximumf %max3A_2202, %get3A_2207 : vector<16xf32>
      %get3A_2209 = arith.constant 76 : i32
      %get3A_2210 = arith.index_cast %get3A_2209 : i32 to index
      %get3A_2211 = arith.constant 16 : index
      %get3A_2212 = tpu.vector_load %arg6[%get3A_2210, %get3A_2211] {strides = array<i32>} : memref<128x128xf32, #tpu.memory_space<vmem>>, vector<1x16xf32>,
      %get3A_2213 = vector.shape_cast %get3A_2212 : vector<1x16xf32> to vector<16xf32>
      %max3A_2214 = arith.maximumf %max3A_2208, %get3A_2213 : vector<16xf32>
      %get3A_2215 = arith.constant 77 : i32
      %get3A_2216 = arith.index_cast %get3A_2215 : i32 to index
      %get3A_2217 = arith.constant 16 : index
      %get3A_2218 = tpu.vector_load %arg6[%get3A_2216, %get3A_2217] {strides = array<i32>} : memref<128x128xf32, #tpu.memory_space<vmem>>, vector<1x16xf32>,
      %get3A_2219 = vector.shape_cast %get3A_2218 : vector<1x16xf32> to vector<16xf32>
      %max3A_2220 = arith.maximumf %max3A_2214, %get3A_2219 : vector<16xf32>
      %get3A_2221 = arith.constant 78 : i32
      %get3A_2222 = arith.index_cast %get3A_2221 : i32 to index
      %get3A_2223 = arith.constant 16 : index
      %get3A_2224 = tpu.vector_load %arg6[%get3A_2222, %get3A_2223] {strides = array<i32>} : memref<128x128xf32, #tpu.memory_space<vmem>>, vector<1x16xf32>,
      %get3A_2225 = vector.shape_cast %get3A_2224 : vector<1x16xf32> to vector<16xf32>
      %max3A_2226 = arith.maximumf %max3A_2220, %get3A_2225 : vector<16xf32>
      %get3A_2227 = arith.constant 79 : i32
      %get3A_2228 = arith.index_cast %get3A_2227 : i32 to index
      %get3A_2229 = arith.constant 16 : index
      %get3A_2230 = tpu.vector_load %arg6[%get3A_2228, %get3A_2229] {strides = array<i32>} : memref<128x128xf32, #tpu.memory_space<vmem>>, vector<1x16xf32>,
      %get3A_2231 = vector.shape_cast %get3A_2230 : vector<1x16xf32> to vector<16xf32>
      %max3A_2232 = arith.maximumf %max3A_2226, %get3A_2231 : vector<16xf32>
      %swap3A_2233 = arith.index_cast %add3A_2037 : i32 to index
      %swap3A_2234 = arith.constant 16 : index
      %swap3A_2235 = tpu.vector_load %arg7[%swap3A_2233, %swap3A_2234] {strides = array<i32>} : memref<512x128xf32, #tpu.memory_space<vmem>>, vector<1x16xf32>,
      %swap3A_2236 = vector.shape_cast %swap3A_2235 : vector<1x16xf32> to vector<16xf32>
      %swap3A_2237 = vector.shape_cast %max3A_2232 : vector<16xf32> to vector<1x16xf32>
      tpu.vector_store %arg7[%swap3A_2233, %swap3A_2234], %swap3A_2237 {strides = array<i32>} : memref<512x128xf32, #tpu.memory_space<vmem>>, vector<1x16xf32>,
      %get3A_2238 = arith.constant 64 : i32
      %get3A_2239 = arith.index_cast %get3A_2238 : i32 to index
      %get3A_2240 = arith.constant 32 : index
      %get3A_2241 = tpu.vector_load %arg6[%get3A_2239, %get3A_2240] {strides = array<i32>} : memref<128x128xf32, #tpu.memory_space<vmem>>, vector<1x16xf32>,
      %get3A_2242 = vector.shape_cast %get3A_2241 : vector<1x16xf32> to vector<16xf32>
      %get3A_2243 = arith.constant 65 : i32
      %get3A_2244 = arith.index_cast %get3A_2243 : i32 to index
      %get3A_2245 = arith.constant 32 : index
      %get3A_2246 = tpu.vector_load %arg6[%get3A_2244, %get3A_2245] {strides = array<i32>} : memref<128x128xf32, #tpu.memory_space<vmem>>, vector<1x16xf32>,
      %get3A_2247 = vector.shape_cast %get3A_2246 : vector<1x16xf32> to vector<16xf32>
      %max3A_2248 = arith.maximumf %get3A_2242, %get3A_2247 : vector<16xf32>
      %get3A_2249 = arith.constant 66 : i32
      %get3A_2250 = arith.index_cast %get3A_2249 : i32 to index
      %get3A_2251 = arith.constant 32 : index
      %get3A_2252 = tpu.vector_load %arg6[%get3A_2250, %get3A_2251] {strides = array<i32>} : memref<128x128xf32, #tpu.memory_space<vmem>>, vector<1x16xf32>,
      %get3A_2253 = vector.shape_cast %get3A_2252 : vector<1x16xf32> to vector<16xf32>
      %max3A_2254 = arith.maximumf %max3A_2248, %get3A_2253 : vector<16xf32>
      %get3A_2255 = arith.constant 67 : i32
      %get3A_2256 = arith.index_cast %get3A_2255 : i32 to index
      %get3A_2257 = arith.constant 32 : index
      %get3A_2258 = tpu.vector_load %arg6[%get3A_2256, %get3A_2257] {strides = array<i32>} : memref<128x128xf32, #tpu.memory_space<vmem>>, vector<1x16xf32>,
      %get3A_2259 = vector.shape_cast %get3A_2258 : vector<1x16xf32> to vector<16xf32>
      %max3A_2260 = arith.maximumf %max3A_2254, %get3A_2259 : vector<16xf32>
      %get3A_2261 = arith.constant 68 : i32
      %get3A_2262 = arith.index_cast %get3A_2261 : i32 to index
      %get3A_2263 = arith.constant 32 : index
      %get3A_2264 = tpu.vector_load %arg6[%get3A_2262, %get3A_2263] {strides = array<i32>} : memref<128x128xf32, #tpu.memory_space<vmem>>, vector<1x16xf32>,
      %get3A_2265 = vector.shape_cast %get3A_2264 : vector<1x16xf32> to vector<16xf32>
      %max3A_2266 = arith.maximumf %max3A_2260, %get3A_2265 : vector<16xf32>
      %get3A_2267 = arith.constant 69 : i32
      %get3A_2268 = arith.index_cast %get3A_2267 : i32 to index
      %get3A_2269 = arith.constant 32 : index
      %get3A_2270 = tpu.vector_load %arg6[%get3A_2268, %get3A_2269] {strides = array<i32>} : memref<128x128xf32, #tpu.memory_space<vmem>>, vector<1x16xf32>,
      %get3A_2271 = vector.shape_cast %get3A_2270 : vector<1x16xf32> to vector<16xf32>
      %max3A_2272 = arith.maximumf %max3A_2266, %get3A_2271 : vector<16xf32>
      %get3A_2273 = arith.constant 70 : i32
      %get3A_2274 = arith.index_cast %get3A_2273 : i32 to index
      %get3A_2275 = arith.constant 32 : index
      %get3A_2276 = tpu.vector_load %arg6[%get3A_2274, %get3A_2275] {strides = array<i32>} : memref<128x128xf32, #tpu.memory_space<vmem>>, vector<1x16xf32>,
      %get3A_2277 = vector.shape_cast %get3A_2276 : vector<1x16xf32> to vector<16xf32>
      %max3A_2278 = arith.maximumf %max3A_2272, %get3A_2277 : vector<16xf32>
      %get3A_2279 = arith.constant 71 : i32
      %get3A_2280 = arith.index_cast %get3A_2279 : i32 to index
      %get3A_2281 = arith.constant 32 : index
      %get3A_2282 = tpu.vector_load %arg6[%get3A_2280, %get3A_2281] {strides = array<i32>} : memref<128x128xf32, #tpu.memory_space<vmem>>, vector<1x16xf32>,
      %get3A_2283 = vector.shape_cast %get3A_2282 : vector<1x16xf32> to vector<16xf32>
      %max3A_2284 = arith.maximumf %max3A_2278, %get3A_2283 : vector<16xf32>
      %get3A_2285 = arith.constant 72 : i32
      %get3A_2286 = arith.index_cast %get3A_2285 : i32 to index
      %get3A_2287 = arith.constant 32 : index
      %get3A_2288 = tpu.vector_load %arg6[%get3A_2286, %get3A_2287] {strides = array<i32>} : memref<128x128xf32, #tpu.memory_space<vmem>>, vector<1x16xf32>,
      %get3A_2289 = vector.shape_cast %get3A_2288 : vector<1x16xf32> to vector<16xf32>
      %max3A_2290 = arith.maximumf %max3A_2284, %get3A_2289 : vector<16xf32>
      %get3A_2291 = arith.constant 73 : i32
      %get3A_2292 = arith.index_cast %get3A_2291 : i32 to index
      %get3A_2293 = arith.constant 32 : index
      %get3A_2294 = tpu.vector_load %arg6[%get3A_2292, %get3A_2293] {strides = array<i32>} : memref<128x128xf32, #tpu.memory_space<vmem>>, vector<1x16xf32>,
      %get3A_2295 = vector.shape_cast %get3A_2294 : vector<1x16xf32> to vector<16xf32>
      %max3A_2296 = arith.maximumf %max3A_2290, %get3A_2295 : vector<16xf32>
      %get3A_2297 = arith.constant 74 : i32
      %get3A_2298 = arith.index_cast %get3A_2297 : i32 to index
      %get3A_2299 = arith.constant 32 : index
      %get3A_2300 = tpu.vector_load %arg6[%get3A_2298, %get3A_2299] {strides = array<i32>} : memref<128x128xf32, #tpu.memory_space<vmem>>, vector<1x16xf32>,
      %get3A_2301 = vector.shape_cast %get3A_2300 : vector<1x16xf32> to vector<16xf32>
      %max3A_2302 = arith.maximumf %max3A_2296, %get3A_2301 : vector<16xf32>
      %get3A_2303 = arith.constant 75 : i32
      %get3A_2304 = arith.index_cast %get3A_2303 : i32 to index
      %get3A_2305 = arith.constant 32 : index
      %get3A_2306 = tpu.vector_load %arg6[%get3A_2304, %get3A_2305] {strides = array<i32>} : memref<128x128xf32, #tpu.memory_space<vmem>>, vector<1x16xf32>,
      %get3A_2307 = vector.shape_cast %get3A_2306 : vector<1x16xf32> to vector<16xf32>
      %max3A_2308 = arith.maximumf %max3A_2302, %get3A_2307 : vector<16xf32>
      %get3A_2309 = arith.constant 76 : i32
      %get3A_2310 = arith.index_cast %get3A_2309 : i32 to index
      %get3A_2311 = arith.constant 32 : index
      %get3A_2312 = tpu.vector_load %arg6[%get3A_2310, %get3A_2311] {strides = array<i32>} : memref<128x128xf32, #tpu.memory_space<vmem>>, vector<1x16xf32>,
      %get3A_2313 = vector.shape_cast %get3A_2312 : vector<1x16xf32> to vector<16xf32>
      %max3A_2314 = arith.maximumf %max3A_2308, %get3A_2313 : vector<16xf32>
      %get3A_2315 = arith.constant 77 : i32
      %get3A_2316 = arith.index_cast %get3A_2315 : i32 to index
      %get3A_2317 = arith.constant 32 : index
      %get3A_2318 = tpu.vector_load %arg6[%get3A_2316, %get3A_2317] {strides = array<i32>} : memref<128x128xf32, #tpu.memory_space<vmem>>, vector<1x16xf32>,
      %get3A_2319 = vector.shape_cast %get3A_2318 : vector<1x16xf32> to vector<16xf32>
      %max3A_2320 = arith.maximumf %max3A_2314, %get3A_2319 : vector<16xf32>
      %get3A_2321 = arith.constant 78 : i32
      %get3A_2322 = arith.index_cast %get3A_2321 : i32 to index
      %get3A_2323 = arith.constant 32 : index
      %get3A_2324 = tpu.vector_load %arg6[%get3A_2322, %get3A_2323] {strides = array<i32>} : memref<128x128xf32, #tpu.memory_space<vmem>>, vector<1x16xf32>,
      %get3A_2325 = vector.shape_cast %get3A_2324 : vector<1x16xf32> to vector<16xf32>
      %max3A_2326 = arith.maximumf %max3A_2320, %get3A_2325 : vector<16xf32>
      %get3A_2327 = arith.constant 79 : i32
      %get3A_2328 = arith.index_cast %get3A_2327 : i32 to index
      %get3A_2329 = arith.constant 32 : index
      %get3A_2330 = tpu.vector_load %arg6[%get3A_2328, %get3A_2329] {strides = array<i32>} : memref<128x128xf32, #tpu.memory_space<vmem>>, vector<1x16xf32>,
      %get3A_2331 = vector.shape_cast %get3A_2330 : vector<1x16xf32> to vector<16xf32>
      %max3A_2332 = arith.maximumf %max3A_2326, %get3A_2331 : vector<16xf32>
      %swap3A_2333 = arith.index_cast %add3A_2037 : i32 to index
      %swap3A_2334 = arith.constant 32 : index
      %swap3A_2335 = tpu.vector_load %arg7[%swap3A_2333, %swap3A_2334] {strides = array<i32>} : memref<512x128xf32, #tpu.memory_space<vmem>>, vector<1x16xf32>,
      %swap3A_2336 = vector.shape_cast %swap3A_2335 : vector<1x16xf32> to vector<16xf32>
      %swap3A_2337 = vector.shape_cast %max3A_2332 : vector<16xf32> to vector<1x16xf32>
      tpu.vector_store %arg7[%swap3A_2333, %swap3A_2334], %swap3A_2337 {strides = array<i32>} : memref<512x128xf32, #tpu.memory_space<vmem>>, vector<1x16xf32>,
      %get3A_2338 = arith.constant 64 : i32
      %get3A_2339 = arith.index_cast %get3A_2338 : i32 to index
      %get3A_2340 = arith.constant 48 : index
      %get3A_2341 = tpu.vector_load %arg6[%get3A_2339, %get3A_2340] {strides = array<i32>} : memref<128x128xf32, #tpu.memory_space<vmem>>, vector<1x16xf32>,
      %get3A_2342 = vector.shape_cast %get3A_2341 : vector<1x16xf32> to vector<16xf32>
      %get3A_2343 = arith.constant 65 : i32
      %get3A_2344 = arith.index_cast %get3A_2343 : i32 to index
      %get3A_2345 = arith.constant 48 : index
      %get3A_2346 = tpu.vector_load %arg6[%get3A_2344, %get3A_2345] {strides = array<i32>} : memref<128x128xf32, #tpu.memory_space<vmem>>, vector<1x16xf32>,
      %get3A_2347 = vector.shape_cast %get3A_2346 : vector<1x16xf32> to vector<16xf32>
      %max3A_2348 = arith.maximumf %get3A_2342, %get3A_2347 : vector<16xf32>
      %get3A_2349 = arith.constant 66 : i32
      %get3A_2350 = arith.index_cast %get3A_2349 : i32 to index
      %get3A_2351 = arith.constant 48 : index
      %get3A_2352 = tpu.vector_load %arg6[%get3A_2350, %get3A_2351] {strides = array<i32>} : memref<128x128xf32, #tpu.memory_space<vmem>>, vector<1x16xf32>,
      %get3A_2353 = vector.shape_cast %get3A_2352 : vector<1x16xf32> to vector<16xf32>
      %max3A_2354 = arith.maximumf %max3A_2348, %get3A_2353 : vector<16xf32>
      %get3A_2355 = arith.constant 67 : i32
      %get3A_2356 = arith.index_cast %get3A_2355 : i32 to index
      %get3A_2357 = arith.constant 48 : index
      %get3A_2358 = tpu.vector_load %arg6[%get3A_2356, %get3A_2357] {strides = array<i32>} : memref<128x128xf32, #tpu.memory_space<vmem>>, vector<1x16xf32>,
      %get3A_2359 = vector.shape_cast %get3A_2358 : vector<1x16xf32> to vector<16xf32>
      %max3A_2360 = arith.maximumf %max3A_2354, %get3A_2359 : vector<16xf32>
      %get3A_2361 = arith.constant 68 : i32
      %get3A_2362 = arith.index_cast %get3A_2361 : i32 to index
      %get3A_2363 = arith.constant 48 : index
      %get3A_2364 = tpu.vector_load %arg6[%get3A_2362, %get3A_2363] {strides = array<i32>} : memref<128x128xf32, #tpu.memory_space<vmem>>, vector<1x16xf32>,
      %get3A_2365 = vector.shape_cast %get3A_2364 : vector<1x16xf32> to vector<16xf32>
      %max3A_2366 = arith.maximumf %max3A_2360, %get3A_2365 : vector<16xf32>
      %get3A_2367 = arith.constant 69 : i32
      %get3A_2368 = arith.index_cast %get3A_2367 : i32 to index
      %get3A_2369 = arith.constant 48 : index
      %get3A_2370 = tpu.vector_load %arg6[%get3A_2368, %get3A_2369] {strides = array<i32>} : memref<128x128xf32, #tpu.memory_space<vmem>>, vector<1x16xf32>,
      %get3A_2371 = vector.shape_cast %get3A_2370 : vector<1x16xf32> to vector<16xf32>
      %max3A_2372 = arith.maximumf %max3A_2366, %get3A_2371 : vector<16xf32>
      %get3A_2373 = arith.constant 70 : i32
      %get3A_2374 = arith.index_cast %get3A_2373 : i32 to index
      %get3A_2375 = arith.constant 48 : index
      %get3A_2376 = tpu.vector_load %arg6[%get3A_2374, %get3A_2375] {strides = array<i32>} : memref<128x128xf32, #tpu.memory_space<vmem>>, vector<1x16xf32>,
      %get3A_2377 = vector.shape_cast %get3A_2376 : vector<1x16xf32> to vector<16xf32>
      %max3A_2378 = arith.maximumf %max3A_2372, %get3A_2377 : vector<16xf32>
      %get3A_2379 = arith.constant 71 : i32
      %get3A_2380 = arith.index_cast %get3A_2379 : i32 to index
      %get3A_2381 = arith.constant 48 : index
      %get3A_2382 = tpu.vector_load %arg6[%get3A_2380, %get3A_2381] {strides = array<i32>} : memref<128x128xf32, #tpu.memory_space<vmem>>, vector<1x16xf32>,
      %get3A_2383 = vector.shape_cast %get3A_2382 : vector<1x16xf32> to vector<16xf32>
      %max3A_2384 = arith.maximumf %max3A_2378, %get3A_2383 : vector<16xf32>
      %get3A_2385 = arith.constant 72 : i32
      %get3A_2386 = arith.index_cast %get3A_2385 : i32 to index
      %get3A_2387 = arith.constant 48 : index
      %get3A_2388 = tpu.vector_load %arg6[%get3A_2386, %get3A_2387] {strides = array<i32>} : memref<128x128xf32, #tpu.memory_space<vmem>>, vector<1x16xf32>,
      %get3A_2389 = vector.shape_cast %get3A_2388 : vector<1x16xf32> to vector<16xf32>
      %max3A_2390 = arith.maximumf %max3A_2384, %get3A_2389 : vector<16xf32>
      %get3A_2391 = arith.constant 73 : i32
      %get3A_2392 = arith.index_cast %get3A_2391 : i32 to index
      %get3A_2393 = arith.constant 48 : index
      %get3A_2394 = tpu.vector_load %arg6[%get3A_2392, %get3A_2393] {strides = array<i32>} : memref<128x128xf32, #tpu.memory_space<vmem>>, vector<1x16xf32>,
      %get3A_2395 = vector.shape_cast %get3A_2394 : vector<1x16xf32> to vector<16xf32>
      %max3A_2396 = arith.maximumf %max3A_2390, %get3A_2395 : vector<16xf32>
      %get3A_2397 = arith.constant 74 : i32
      %get3A_2398 = arith.index_cast %get3A_2397 : i32 to index
      %get3A_2399 = arith.constant 48 : index
      %get3A_2400 = tpu.vector_load %arg6[%get3A_2398, %get3A_2399] {strides = array<i32>} : memref<128x128xf32, #tpu.memory_space<vmem>>, vector<1x16xf32>,
      %get3A_2401 = vector.shape_cast %get3A_2400 : vector<1x16xf32> to vector<16xf32>
      %max3A_2402 = arith.maximumf %max3A_2396, %get3A_2401 : vector<16xf32>
      %get3A_2403 = arith.constant 75 : i32
      %get3A_2404 = arith.index_cast %get3A_2403 : i32 to index
      %get3A_2405 = arith.constant 48 : index
      %get3A_2406 = tpu.vector_load %arg6[%get3A_2404, %get3A_2405] {strides = array<i32>} : memref<128x128xf32, #tpu.memory_space<vmem>>, vector<1x16xf32>,
      %get3A_2407 = vector.shape_cast %get3A_2406 : vector<1x16xf32> to vector<16xf32>
      %max3A_2408 = arith.maximumf %max3A_2402, %get3A_2407 : vector<16xf32>
      %get3A_2409 = arith.constant 76 : i32
      %get3A_2410 = arith.index_cast %get3A_2409 : i32 to index
      %get3A_2411 = arith.constant 48 : index
      %get3A_2412 = tpu.vector_load %arg6[%get3A_2410, %get3A_2411] {strides = array<i32>} : memref<128x128xf32, #tpu.memory_space<vmem>>, vector<1x16xf32>,
      %get3A_2413 = vector.shape_cast %get3A_2412 : vector<1x16xf32> to vector<16xf32>
      %max3A_2414 = arith.maximumf %max3A_2408, %get3A_2413 : vector<16xf32>
      %get3A_2415 = arith.constant 77 : i32
      %get3A_2416 = arith.index_cast %get3A_2415 : i32 to index
      %get3A_2417 = arith.constant 48 : index
      %get3A_2418 = tpu.vector_load %arg6[%get3A_2416, %get3A_2417] {strides = array<i32>} : memref<128x128xf32, #tpu.memory_space<vmem>>, vector<1x16xf32>,
      %get3A_2419 = vector.shape_cast %get3A_2418 : vector<1x16xf32> to vector<16xf32>
      %max3A_2420 = arith.maximumf %max3A_2414, %get3A_2419 : vector<16xf32>
      %get3A_2421 = arith.constant 78 : i32
      %get3A_2422 = arith.index_cast %get3A_2421 : i32 to index
      %get3A_2423 = arith.constant 48 : index
      %get3A_2424 = tpu.vector_load %arg6[%get3A_2422, %get3A_2423] {strides = array<i32>} : memref<128x128xf32, #tpu.memory_space<vmem>>, vector<1x16xf32>,
      %get3A_2425 = vector.shape_cast %get3A_2424 : vector<1x16xf32> to vector<16xf32>
      %max3A_2426 = arith.maximumf %max3A_2420, %get3A_2425 : vector<16xf32>
      %get3A_2427 = arith.constant 79 : i32
      %get3A_2428 = arith.index_cast %get3A_2427 : i32 to index
      %get3A_2429 = arith.constant 48 : index
      %get3A_2430 = tpu.vector_load %arg6[%get3A_2428, %get3A_2429] {strides = array<i32>} : memref<128x128xf32, #tpu.memory_space<vmem>>, vector<1x16xf32>,
      %get3A_2431 = vector.shape_cast %get3A_2430 : vector<1x16xf32> to vector<16xf32>
      %max3A_2432 = arith.maximumf %max3A_2426, %get3A_2431 : vector<16xf32>
      %swap3A_2433 = arith.index_cast %add3A_2037 : i32 to index
      %swap3A_2434 = arith.constant 48 : index
      %swap3A_2435 = tpu.vector_load %arg7[%swap3A_2433, %swap3A_2434] {strides = array<i32>} : memref<512x128xf32, #tpu.memory_space<vmem>>, vector<1x16xf32>,
      %swap3A_2436 = vector.shape_cast %swap3A_2435 : vector<1x16xf32> to vector<16xf32>
      %swap3A_2437 = vector.shape_cast %max3A_2432 : vector<16xf32> to vector<1x16xf32>
      tpu.vector_store %arg7[%swap3A_2433, %swap3A_2434], %swap3A_2437 {strides = array<i32>} : memref<512x128xf32, #tpu.memory_space<vmem>>, vector<1x16xf32>,
      %get3A_2438 = arith.constant 64 : i32
      %get3A_2439 = arith.index_cast %get3A_2438 : i32 to index
      %get3A_2440 = arith.constant 64 : index
      %get3A_2441 = tpu.vector_load %arg6[%get3A_2439, %get3A_2440] {strides = array<i32>} : memref<128x128xf32, #tpu.memory_space<vmem>>, vector<1x16xf32>,
      %get3A_2442 = vector.shape_cast %get3A_2441 : vector<1x16xf32> to vector<16xf32>
      %get3A_2443 = arith.constant 65 : i32
      %get3A_2444 = arith.index_cast %get3A_2443 : i32 to index
      %get3A_2445 = arith.constant 64 : index
      %get3A_2446 = tpu.vector_load %arg6[%get3A_2444, %get3A_2445] {strides = array<i32>} : memref<128x128xf32, #tpu.memory_space<vmem>>, vector<1x16xf32>,
      %get3A_2447 = vector.shape_cast %get3A_2446 : vector<1x16xf32> to vector<16xf32>
      %max3A_2448 = arith.maximumf %get3A_2442, %get3A_2447 : vector<16xf32>
      %get3A_2449 = arith.constant 66 : i32
      %get3A_2450 = arith.index_cast %get3A_2449 : i32 to index
      %get3A_2451 = arith.constant 64 : index
      %get3A_2452 = tpu.vector_load %arg6[%get3A_2450, %get3A_2451] {strides = array<i32>} : memref<128x128xf32, #tpu.memory_space<vmem>>, vector<1x16xf32>,
      %get3A_2453 = vector.shape_cast %get3A_2452 : vector<1x16xf32> to vector<16xf32>
      %max3A_2454 = arith.maximumf %max3A_2448, %get3A_2453 : vector<16xf32>
      %get3A_2455 = arith.constant 67 : i32
      %get3A_2456 = arith.index_cast %get3A_2455 : i32 to index
      %get3A_2457 = arith.constant 64 : index
      %get3A_2458 = tpu.vector_load %arg6[%get3A_2456, %get3A_2457] {strides = array<i32>} : memref<128x128xf32, #tpu.memory_space<vmem>>, vector<1x16xf32>,
      %get3A_2459 = vector.shape_cast %get3A_2458 : vector<1x16xf32> to vector<16xf32>
      %max3A_2460 = arith.maximumf %max3A_2454, %get3A_2459 : vector<16xf32>
      %get3A_2461 = arith.constant 68 : i32
      %get3A_2462 = arith.index_cast %get3A_2461 : i32 to index
      %get3A_2463 = arith.constant 64 : index
      %get3A_2464 = tpu.vector_load %arg6[%get3A_2462, %get3A_2463] {strides = array<i32>} : memref<128x128xf32, #tpu.memory_space<vmem>>, vector<1x16xf32>,
      %get3A_2465 = vector.shape_cast %get3A_2464 : vector<1x16xf32> to vector<16xf32>
      %max3A_2466 = arith.maximumf %max3A_2460, %get3A_2465 : vector<16xf32>
      %get3A_2467 = arith.constant 69 : i32
      %get3A_2468 = arith.index_cast %get3A_2467 : i32 to index
      %get3A_2469 = arith.constant 64 : index
      %get3A_2470 = tpu.vector_load %arg6[%get3A_2468, %get3A_2469] {strides = array<i32>} : memref<128x128xf32, #tpu.memory_space<vmem>>, vector<1x16xf32>,
      %get3A_2471 = vector.shape_cast %get3A_2470 : vector<1x16xf32> to vector<16xf32>
      %max3A_2472 = arith.maximumf %max3A_2466, %get3A_2471 : vector<16xf32>
      %get3A_2473 = arith.constant 70 : i32
      %get3A_2474 = arith.index_cast %get3A_2473 : i32 to index
      %get3A_2475 = arith.constant 64 : index
      %get3A_2476 = tpu.vector_load %arg6[%get3A_2474, %get3A_2475] {strides = array<i32>} : memref<128x128xf32, #tpu.memory_space<vmem>>, vector<1x16xf32>,
      %get3A_2477 = vector.shape_cast %get3A_2476 : vector<1x16xf32> to vector<16xf32>
      %max3A_2478 = arith.maximumf %max3A_2472, %get3A_2477 : vector<16xf32>
      %get3A_2479 = arith.constant 71 : i32
      %get3A_2480 = arith.index_cast %get3A_2479 : i32 to index
      %get3A_2481 = arith.constant 64 : index
      %get3A_2482 = tpu.vector_load %arg6[%get3A_2480, %get3A_2481] {strides = array<i32>} : memref<128x128xf32, #tpu.memory_space<vmem>>, vector<1x16xf32>,
      %get3A_2483 = vector.shape_cast %get3A_2482 : vector<1x16xf32> to vector<16xf32>
      %max3A_2484 = arith.maximumf %max3A_2478, %get3A_2483 : vector<16xf32>
      %get3A_2485 = arith.constant 72 : i32
      %get3A_2486 = arith.index_cast %get3A_2485 : i32 to index
      %get3A_2487 = arith.constant 64 : index
      %get3A_2488 = tpu.vector_load %arg6[%get3A_2486, %get3A_2487] {strides = array<i32>} : memref<128x128xf32, #tpu.memory_space<vmem>>, vector<1x16xf32>,
      %get3A_2489 = vector.shape_cast %get3A_2488 : vector<1x16xf32> to vector<16xf32>
      %max3A_2490 = arith.maximumf %max3A_2484, %get3A_2489 : vector<16xf32>
      %get3A_2491 = arith.constant 73 : i32
      %get3A_2492 = arith.index_cast %get3A_2491 : i32 to index
      %get3A_2493 = arith.constant 64 : index
      %get3A_2494 = tpu.vector_load %arg6[%get3A_2492, %get3A_2493] {strides = array<i32>} : memref<128x128xf32, #tpu.memory_space<vmem>>, vector<1x16xf32>,
      %get3A_2495 = vector.shape_cast %get3A_2494 : vector<1x16xf32> to vector<16xf32>
      %max3A_2496 = arith.maximumf %max3A_2490, %get3A_2495 : vector<16xf32>
      %get3A_2497 = arith.constant 74 : i32
      %get3A_2498 = arith.index_cast %get3A_2497 : i32 to index
      %get3A_2499 = arith.constant 64 : index
      %get3A_2500 = tpu.vector_load %arg6[%get3A_2498, %get3A_2499] {strides = array<i32>} : memref<128x128xf32, #tpu.memory_space<vmem>>, vector<1x16xf32>,
      %get3A_2501 = vector.shape_cast %get3A_2500 : vector<1x16xf32> to vector<16xf32>
      %max3A_2502 = arith.maximumf %max3A_2496, %get3A_2501 : vector<16xf32>
      %get3A_2503 = arith.constant 75 : i32
      %get3A_2504 = arith.index_cast %get3A_2503 : i32 to index
      %get3A_2505 = arith.constant 64 : index
      %get3A_2506 = tpu.vector_load %arg6[%get3A_2504, %get3A_2505] {strides = array<i32>} : memref<128x128xf32, #tpu.memory_space<vmem>>, vector<1x16xf32>,
      %get3A_2507 = vector.shape_cast %get3A_2506 : vector<1x16xf32> to vector<16xf32>
      %max3A_2508 = arith.maximumf %max3A_2502, %get3A_2507 : vector<16xf32>
      %get3A_2509 = arith.constant 76 : i32
      %get3A_2510 = arith.index_cast %get3A_2509 : i32 to index
      %get3A_2511 = arith.constant 64 : index
      %get3A_2512 = tpu.vector_load %arg6[%get3A_2510, %get3A_2511] {strides = array<i32>} : memref<128x128xf32, #tpu.memory_space<vmem>>, vector<1x16xf32>,
      %get3A_2513 = vector.shape_cast %get3A_2512 : vector<1x16xf32> to vector<16xf32>
      %max3A_2514 = arith.maximumf %max3A_2508, %get3A_2513 : vector<16xf32>
      %get3A_2515 = arith.constant 77 : i32
      %get3A_2516 = arith.index_cast %get3A_2515 : i32 to index
      %get3A_2517 = arith.constant 64 : index
      %get3A_2518 = tpu.vector_load %arg6[%get3A_2516, %get3A_2517] {strides = array<i32>} : memref<128x128xf32, #tpu.memory_space<vmem>>, vector<1x16xf32>,
      %get3A_2519 = vector.shape_cast %get3A_2518 : vector<1x16xf32> to vector<16xf32>
      %max3A_2520 = arith.maximumf %max3A_2514, %get3A_2519 : vector<16xf32>
      %get3A_2521 = arith.constant 78 : i32
      %get3A_2522 = arith.index_cast %get3A_2521 : i32 to index
      %get3A_2523 = arith.constant 64 : index
      %get3A_2524 = tpu.vector_load %arg6[%get3A_2522, %get3A_2523] {strides = array<i32>} : memref<128x128xf32, #tpu.memory_space<vmem>>, vector<1x16xf32>,
      %get3A_2525 = vector.shape_cast %get3A_2524 : vector<1x16xf32> to vector<16xf32>
      %max3A_2526 = arith.maximumf %max3A_2520, %get3A_2525 : vector<16xf32>
      %get3A_2527 = arith.constant 79 : i32
      %get3A_2528 = arith.index_cast %get3A_2527 : i32 to index
      %get3A_2529 = arith.constant 64 : index
      %get3A_2530 = tpu.vector_load %arg6[%get3A_2528, %get3A_2529] {strides = array<i32>} : memref<128x128xf32, #tpu.memory_space<vmem>>, vector<1x16xf32>,
      %get3A_2531 = vector.shape_cast %get3A_2530 : vector<1x16xf32> to vector<16xf32>
      %max3A_2532 = arith.maximumf %max3A_2526, %get3A_2531 : vector<16xf32>
      %swap3A_2533 = arith.index_cast %add3A_2037 : i32 to index
      %swap3A_2534 = arith.constant 64 : index
      %swap3A_2535 = tpu.vector_load %arg7[%swap3A_2533, %swap3A_2534] {strides = array<i32>} : memref<512x128xf32, #tpu.memory_space<vmem>>, vector<1x16xf32>,
      %swap3A_2536 = vector.shape_cast %swap3A_2535 : vector<1x16xf32> to vector<16xf32>
      %swap3A_2537 = vector.shape_cast %max3A_2532 : vector<16xf32> to vector<1x16xf32>
      tpu.vector_store %arg7[%swap3A_2533, %swap3A_2534], %swap3A_2537 {strides = array<i32>} : memref<512x128xf32, #tpu.memory_space<vmem>>, vector<1x16xf32>,
      %mul3A_2538 = arith.constant 8 : i32
      %mul3A_2539 = arith.muli %scan3A_10, %mul3A_2538 : i32
      %add3A_2540 = arith.constant 5 : i32
      %add3A_2541 = arith.addi %mul3A_2539, %add3A_2540 : i32
      %get3A_2542 = arith.constant 80 : i32
      %get3A_2543 = arith.index_cast %get3A_2542 : i32 to index
      %get3A_2544 = arith.constant 0 : index
      %get3A_2545 = tpu.vector_load %arg6[%get3A_2543, %get3A_2544] {strides = array<i32>} : memref<128x128xf32, #tpu.memory_space<vmem>>, vector<1x16xf32>,
      %get3A_2546 = vector.shape_cast %get3A_2545 : vector<1x16xf32> to vector<16xf32>
      %get3A_2547 = arith.constant 81 : i32
      %get3A_2548 = arith.index_cast %get3A_2547 : i32 to index
      %get3A_2549 = arith.constant 0 : index
      %get3A_2550 = tpu.vector_load %arg6[%get3A_2548, %get3A_2549] {strides = array<i32>} : memref<128x128xf32, #tpu.memory_space<vmem>>, vector<1x16xf32>,
      %get3A_2551 = vector.shape_cast %get3A_2550 : vector<1x16xf32> to vector<16xf32>
      %max3A_2552 = arith.maximumf %get3A_2546, %get3A_2551 : vector<16xf32>
      %get3A_2553 = arith.constant 82 : i32
      %get3A_2554 = arith.index_cast %get3A_2553 : i32 to index
      %get3A_2555 = arith.constant 0 : index
      %get3A_2556 = tpu.vector_load %arg6[%get3A_2554, %get3A_2555] {strides = array<i32>} : memref<128x128xf32, #tpu.memory_space<vmem>>, vector<1x16xf32>,
      %get3A_2557 = vector.shape_cast %get3A_2556 : vector<1x16xf32> to vector<16xf32>
      %max3A_2558 = arith.maximumf %max3A_2552, %get3A_2557 : vector<16xf32>
      %get3A_2559 = arith.constant 83 : i32
      %get3A_2560 = arith.index_cast %get3A_2559 : i32 to index
      %get3A_2561 = arith.constant 0 : index
      %get3A_2562 = tpu.vector_load %arg6[%get3A_2560, %get3A_2561] {strides = array<i32>} : memref<128x128xf32, #tpu.memory_space<vmem>>, vector<1x16xf32>,
      %get3A_2563 = vector.shape_cast %get3A_2562 : vector<1x16xf32> to vector<16xf32>
      %max3A_2564 = arith.maximumf %max3A_2558, %get3A_2563 : vector<16xf32>
      %get3A_2565 = arith.constant 84 : i32
      %get3A_2566 = arith.index_cast %get3A_2565 : i32 to index
      %get3A_2567 = arith.constant 0 : index
      %get3A_2568 = tpu.vector_load %arg6[%get3A_2566, %get3A_2567] {strides = array<i32>} : memref<128x128xf32, #tpu.memory_space<vmem>>, vector<1x16xf32>,
      %get3A_2569 = vector.shape_cast %get3A_2568 : vector<1x16xf32> to vector<16xf32>
      %max3A_2570 = arith.maximumf %max3A_2564, %get3A_2569 : vector<16xf32>
      %get3A_2571 = arith.constant 85 : i32
      %get3A_2572 = arith.index_cast %get3A_2571 : i32 to index
      %get3A_2573 = arith.constant 0 : index
      %get3A_2574 = tpu.vector_load %arg6[%get3A_2572, %get3A_2573] {strides = array<i32>} : memref<128x128xf32, #tpu.memory_space<vmem>>, vector<1x16xf32>,
      %get3A_2575 = vector.shape_cast %get3A_2574 : vector<1x16xf32> to vector<16xf32>
      %max3A_2576 = arith.maximumf %max3A_2570, %get3A_2575 : vector<16xf32>
      %get3A_2577 = arith.constant 86 : i32
      %get3A_2578 = arith.index_cast %get3A_2577 : i32 to index
      %get3A_2579 = arith.constant 0 : index
      %get3A_2580 = tpu.vector_load %arg6[%get3A_2578, %get3A_2579] {strides = array<i32>} : memref<128x128xf32, #tpu.memory_space<vmem>>, vector<1x16xf32>,
      %get3A_2581 = vector.shape_cast %get3A_2580 : vector<1x16xf32> to vector<16xf32>
      %max3A_2582 = arith.maximumf %max3A_2576, %get3A_2581 : vector<16xf32>
      %get3A_2583 = arith.constant 87 : i32
      %get3A_2584 = arith.index_cast %get3A_2583 : i32 to index
      %get3A_2585 = arith.constant 0 : index
      %get3A_2586 = tpu.vector_load %arg6[%get3A_2584, %get3A_2585] {strides = array<i32>} : memref<128x128xf32, #tpu.memory_space<vmem>>, vector<1x16xf32>,
      %get3A_2587 = vector.shape_cast %get3A_2586 : vector<1x16xf32> to vector<16xf32>
      %max3A_2588 = arith.maximumf %max3A_2582, %get3A_2587 : vector<16xf32>
      %get3A_2589 = arith.constant 88 : i32
      %get3A_2590 = arith.index_cast %get3A_2589 : i32 to index
      %get3A_2591 = arith.constant 0 : index
      %get3A_2592 = tpu.vector_load %arg6[%get3A_2590, %get3A_2591] {strides = array<i32>} : memref<128x128xf32, #tpu.memory_space<vmem>>, vector<1x16xf32>,
      %get3A_2593 = vector.shape_cast %get3A_2592 : vector<1x16xf32> to vector<16xf32>
      %max3A_2594 = arith.maximumf %max3A_2588, %get3A_2593 : vector<16xf32>
      %get3A_2595 = arith.constant 89 : i32
      %get3A_2596 = arith.index_cast %get3A_2595 : i32 to index
      %get3A_2597 = arith.constant 0 : index
      %get3A_2598 = tpu.vector_load %arg6[%get3A_2596, %get3A_2597] {strides = array<i32>} : memref<128x128xf32, #tpu.memory_space<vmem>>, vector<1x16xf32>,
      %get3A_2599 = vector.shape_cast %get3A_2598 : vector<1x16xf32> to vector<16xf32>
      %max3A_2600 = arith.maximumf %max3A_2594, %get3A_2599 : vector<16xf32>
      %get3A_2601 = arith.constant 90 : i32
      %get3A_2602 = arith.index_cast %get3A_2601 : i32 to index
      %get3A_2603 = arith.constant 0 : index
      %get3A_2604 = tpu.vector_load %arg6[%get3A_2602, %get3A_2603] {strides = array<i32>} : memref<128x128xf32, #tpu.memory_space<vmem>>, vector<1x16xf32>,
      %get3A_2605 = vector.shape_cast %get3A_2604 : vector<1x16xf32> to vector<16xf32>
      %max3A_2606 = arith.maximumf %max3A_2600, %get3A_2605 : vector<16xf32>
      %get3A_2607 = arith.constant 91 : i32
      %get3A_2608 = arith.index_cast %get3A_2607 : i32 to index
      %get3A_2609 = arith.constant 0 : index
      %get3A_2610 = tpu.vector_load %arg6[%get3A_2608, %get3A_2609] {strides = array<i32>} : memref<128x128xf32, #tpu.memory_space<vmem>>, vector<1x16xf32>,
      %get3A_2611 = vector.shape_cast %get3A_2610 : vector<1x16xf32> to vector<16xf32>
      %max3A_2612 = arith.maximumf %max3A_2606, %get3A_2611 : vector<16xf32>
      %get3A_2613 = arith.constant 92 : i32
      %get3A_2614 = arith.index_cast %get3A_2613 : i32 to index
      %get3A_2615 = arith.constant 0 : index
      %get3A_2616 = tpu.vector_load %arg6[%get3A_2614, %get3A_2615] {strides = array<i32>} : memref<128x128xf32, #tpu.memory_space<vmem>>, vector<1x16xf32>,
      %get3A_2617 = vector.shape_cast %get3A_2616 : vector<1x16xf32> to vector<16xf32>
      %max3A_2618 = arith.maximumf %max3A_2612, %get3A_2617 : vector<16xf32>
      %get3A_2619 = arith.constant 93 : i32
      %get3A_2620 = arith.index_cast %get3A_2619 : i32 to index
      %get3A_2621 = arith.constant 0 : index
      %get3A_2622 = tpu.vector_load %arg6[%get3A_2620, %get3A_2621] {strides = array<i32>} : memref<128x128xf32, #tpu.memory_space<vmem>>, vector<1x16xf32>,
      %get3A_2623 = vector.shape_cast %get3A_2622 : vector<1x16xf32> to vector<16xf32>
      %max3A_2624 = arith.maximumf %max3A_2618, %get3A_2623 : vector<16xf32>
      %get3A_2625 = arith.constant 94 : i32
      %get3A_2626 = arith.index_cast %get3A_2625 : i32 to index
      %get3A_2627 = arith.constant 0 : index
      %get3A_2628 = tpu.vector_load %arg6[%get3A_2626, %get3A_2627] {strides = array<i32>} : memref<128x128xf32, #tpu.memory_space<vmem>>, vector<1x16xf32>,
      %get3A_2629 = vector.shape_cast %get3A_2628 : vector<1x16xf32> to vector<16xf32>
      %max3A_2630 = arith.maximumf %max3A_2624, %get3A_2629 : vector<16xf32>
      %get3A_2631 = arith.constant 95 : i32
      %get3A_2632 = arith.index_cast %get3A_2631 : i32 to index
      %get3A_2633 = arith.constant 0 : index
      %get3A_2634 = tpu.vector_load %arg6[%get3A_2632, %get3A_2633] {strides = array<i32>} : memref<128x128xf32, #tpu.memory_space<vmem>>, vector<1x16xf32>,
      %get3A_2635 = vector.shape_cast %get3A_2634 : vector<1x16xf32> to vector<16xf32>
      %max3A_2636 = arith.maximumf %max3A_2630, %get3A_2635 : vector<16xf32>
      %swap3A_2637 = arith.index_cast %add3A_2541 : i32 to index
      %swap3A_2638 = arith.constant 0 : index
      %swap3A_2639 = tpu.vector_load %arg7[%swap3A_2637, %swap3A_2638] {strides = array<i32>} : memref<512x128xf32, #tpu.memory_space<vmem>>, vector<1x16xf32>,
      %swap3A_2640 = vector.shape_cast %swap3A_2639 : vector<1x16xf32> to vector<16xf32>
      %swap3A_2641 = vector.shape_cast %max3A_2636 : vector<16xf32> to vector<1x16xf32>
      tpu.vector_store %arg7[%swap3A_2637, %swap3A_2638], %swap3A_2641 {strides = array<i32>} : memref<512x128xf32, #tpu.memory_space<vmem>>, vector<1x16xf32>,
      %get3A_2642 = arith.constant 80 : i32
      %get3A_2643 = arith.index_cast %get3A_2642 : i32 to index
      %get3A_2644 = arith.constant 16 : index
      %get3A_2645 = tpu.vector_load %arg6[%get3A_2643, %get3A_2644] {strides = array<i32>} : memref<128x128xf32, #tpu.memory_space<vmem>>, vector<1x16xf32>,
      %get3A_2646 = vector.shape_cast %get3A_2645 : vector<1x16xf32> to vector<16xf32>
      %get3A_2647 = arith.constant 81 : i32
      %get3A_2648 = arith.index_cast %get3A_2647 : i32 to index
      %get3A_2649 = arith.constant 16 : index
      %get3A_2650 = tpu.vector_load %arg6[%get3A_2648, %get3A_2649] {strides = array<i32>} : memref<128x128xf32, #tpu.memory_space<vmem>>, vector<1x16xf32>,
      %get3A_2651 = vector.shape_cast %get3A_2650 : vector<1x16xf32> to vector<16xf32>
      %max3A_2652 = arith.maximumf %get3A_2646, %get3A_2651 : vector<16xf32>
      %get3A_2653 = arith.constant 82 : i32
      %get3A_2654 = arith.index_cast %get3A_2653 : i32 to index
      %get3A_2655 = arith.constant 16 : index
      %get3A_2656 = tpu.vector_load %arg6[%get3A_2654, %get3A_2655] {strides = array<i32>} : memref<128x128xf32, #tpu.memory_space<vmem>>, vector<1x16xf32>,
      %get3A_2657 = vector.shape_cast %get3A_2656 : vector<1x16xf32> to vector<16xf32>
      %max3A_2658 = arith.maximumf %max3A_2652, %get3A_2657 : vector<16xf32>
      %get3A_2659 = arith.constant 83 : i32
      %get3A_2660 = arith.index_cast %get3A_2659 : i32 to index
      %get3A_2661 = arith.constant 16 : index
      %get3A_2662 = tpu.vector_load %arg6[%get3A_2660, %get3A_2661] {strides = array<i32>} : memref<128x128xf32, #tpu.memory_space<vmem>>, vector<1x16xf32>,
      %get3A_2663 = vector.shape_cast %get3A_2662 : vector<1x16xf32> to vector<16xf32>
      %max3A_2664 = arith.maximumf %max3A_2658, %get3A_2663 : vector<16xf32>
      %get3A_2665 = arith.constant 84 : i32
      %get3A_2666 = arith.index_cast %get3A_2665 : i32 to index
      %get3A_2667 = arith.constant 16 : index
      %get3A_2668 = tpu.vector_load %arg6[%get3A_2666, %get3A_2667] {strides = array<i32>} : memref<128x128xf32, #tpu.memory_space<vmem>>, vector<1x16xf32>,
      %get3A_2669 = vector.shape_cast %get3A_2668 : vector<1x16xf32> to vector<16xf32>
      %max3A_2670 = arith.maximumf %max3A_2664, %get3A_2669 : vector<16xf32>
      %get3A_2671 = arith.constant 85 : i32
      %get3A_2672 = arith.index_cast %get3A_2671 : i32 to index
      %get3A_2673 = arith.constant 16 : index
      %get3A_2674 = tpu.vector_load %arg6[%get3A_2672, %get3A_2673] {strides = array<i32>} : memref<128x128xf32, #tpu.memory_space<vmem>>, vector<1x16xf32>,
      %get3A_2675 = vector.shape_cast %get3A_2674 : vector<1x16xf32> to vector<16xf32>
      %max3A_2676 = arith.maximumf %max3A_2670, %get3A_2675 : vector<16xf32>
      %get3A_2677 = arith.constant 86 : i32
      %get3A_2678 = arith.index_cast %get3A_2677 : i32 to index
      %get3A_2679 = arith.constant 16 : index
      %get3A_2680 = tpu.vector_load %arg6[%get3A_2678, %get3A_2679] {strides = array<i32>} : memref<128x128xf32, #tpu.memory_space<vmem>>, vector<1x16xf32>,
      %get3A_2681 = vector.shape_cast %get3A_2680 : vector<1x16xf32> to vector<16xf32>
      %max3A_2682 = arith.maximumf %max3A_2676, %get3A_2681 : vector<16xf32>
      %get3A_2683 = arith.constant 87 : i32
      %get3A_2684 = arith.index_cast %get3A_2683 : i32 to index
      %get3A_2685 = arith.constant 16 : index
      %get3A_2686 = tpu.vector_load %arg6[%get3A_2684, %get3A_2685] {strides = array<i32>} : memref<128x128xf32, #tpu.memory_space<vmem>>, vector<1x16xf32>,
      %get3A_2687 = vector.shape_cast %get3A_2686 : vector<1x16xf32> to vector<16xf32>
      %max3A_2688 = arith.maximumf %max3A_2682, %get3A_2687 : vector<16xf32>
      %get3A_2689 = arith.constant 88 : i32
      %get3A_2690 = arith.index_cast %get3A_2689 : i32 to index
      %get3A_2691 = arith.constant 16 : index
      %get3A_2692 = tpu.vector_load %arg6[%get3A_2690, %get3A_2691] {strides = array<i32>} : memref<128x128xf32, #tpu.memory_space<vmem>>, vector<1x16xf32>,
      %get3A_2693 = vector.shape_cast %get3A_2692 : vector<1x16xf32> to vector<16xf32>
      %max3A_2694 = arith.maximumf %max3A_2688, %get3A_2693 : vector<16xf32>
      %get3A_2695 = arith.constant 89 : i32
      %get3A_2696 = arith.index_cast %get3A_2695 : i32 to index
      %get3A_2697 = arith.constant 16 : index
      %get3A_2698 = tpu.vector_load %arg6[%get3A_2696, %get3A_2697] {strides = array<i32>} : memref<128x128xf32, #tpu.memory_space<vmem>>, vector<1x16xf32>,
      %get3A_2699 = vector.shape_cast %get3A_2698 : vector<1x16xf32> to vector<16xf32>
      %max3A_2700 = arith.maximumf %max3A_2694, %get3A_2699 : vector<16xf32>
      %get3A_2701 = arith.constant 90 : i32
      %get3A_2702 = arith.index_cast %get3A_2701 : i32 to index
      %get3A_2703 = arith.constant 16 : index
      %get3A_2704 = tpu.vector_load %arg6[%get3A_2702, %get3A_2703] {strides = array<i32>} : memref<128x128xf32, #tpu.memory_space<vmem>>, vector<1x16xf32>,
      %get3A_2705 = vector.shape_cast %get3A_2704 : vector<1x16xf32> to vector<16xf32>
      %max3A_2706 = arith.maximumf %max3A_2700, %get3A_2705 : vector<16xf32>
      %get3A_2707 = arith.constant 91 : i32
      %get3A_2708 = arith.index_cast %get3A_2707 : i32 to index
      %get3A_2709 = arith.constant 16 : index
      %get3A_2710 = tpu.vector_load %arg6[%get3A_2708, %get3A_2709] {strides = array<i32>} : memref<128x128xf32, #tpu.memory_space<vmem>>, vector<1x16xf32>,
      %get3A_2711 = vector.shape_cast %get3A_2710 : vector<1x16xf32> to vector<16xf32>
      %max3A_2712 = arith.maximumf %max3A_2706, %get3A_2711 : vector<16xf32>
      %get3A_2713 = arith.constant 92 : i32
      %get3A_2714 = arith.index_cast %get3A_2713 : i32 to index
      %get3A_2715 = arith.constant 16 : index
      %get3A_2716 = tpu.vector_load %arg6[%get3A_2714, %get3A_2715] {strides = array<i32>} : memref<128x128xf32, #tpu.memory_space<vmem>>, vector<1x16xf32>,
      %get3A_2717 = vector.shape_cast %get3A_2716 : vector<1x16xf32> to vector<16xf32>
      %max3A_2718 = arith.maximumf %max3A_2712, %get3A_2717 : vector<16xf32>
      %get3A_2719 = arith.constant 93 : i32
      %get3A_2720 = arith.index_cast %get3A_2719 : i32 to index
      %get3A_2721 = arith.constant 16 : index
      %get3A_2722 = tpu.vector_load %arg6[%get3A_2720, %get3A_2721] {strides = array<i32>} : memref<128x128xf32, #tpu.memory_space<vmem>>, vector<1x16xf32>,
      %get3A_2723 = vector.shape_cast %get3A_2722 : vector<1x16xf32> to vector<16xf32>
      %max3A_2724 = arith.maximumf %max3A_2718, %get3A_2723 : vector<16xf32>
      %get3A_2725 = arith.constant 94 : i32
      %get3A_2726 = arith.index_cast %get3A_2725 : i32 to index
      %get3A_2727 = arith.constant 16 : index
      %get3A_2728 = tpu.vector_load %arg6[%get3A_2726, %get3A_2727] {strides = array<i32>} : memref<128x128xf32, #tpu.memory_space<vmem>>, vector<1x16xf32>,
      %get3A_2729 = vector.shape_cast %get3A_2728 : vector<1x16xf32> to vector<16xf32>
      %max3A_2730 = arith.maximumf %max3A_2724, %get3A_2729 : vector<16xf32>
      %get3A_2731 = arith.constant 95 : i32
      %get3A_2732 = arith.index_cast %get3A_2731 : i32 to index
      %get3A_2733 = arith.constant 16 : index
      %get3A_2734 = tpu.vector_load %arg6[%get3A_2732, %get3A_2733] {strides = array<i32>} : memref<128x128xf32, #tpu.memory_space<vmem>>, vector<1x16xf32>,
      %get3A_2735 = vector.shape_cast %get3A_2734 : vector<1x16xf32> to vector<16xf32>
      %max3A_2736 = arith.maximumf %max3A_2730, %get3A_2735 : vector<16xf32>
      %swap3A_2737 = arith.index_cast %add3A_2541 : i32 to index
      %swap3A_2738 = arith.constant 16 : index
      %swap3A_2739 = tpu.vector_load %arg7[%swap3A_2737, %swap3A_2738] {strides = array<i32>} : memref<512x128xf32, #tpu.memory_space<vmem>>, vector<1x16xf32>,
      %swap3A_2740 = vector.shape_cast %swap3A_2739 : vector<1x16xf32> to vector<16xf32>
      %swap3A_2741 = vector.shape_cast %max3A_2736 : vector<16xf32> to vector<1x16xf32>
      tpu.vector_store %arg7[%swap3A_2737, %swap3A_2738], %swap3A_2741 {strides = array<i32>} : memref<512x128xf32, #tpu.memory_space<vmem>>, vector<1x16xf32>,
      %get3A_2742 = arith.constant 80 : i32
      %get3A_2743 = arith.index_cast %get3A_2742 : i32 to index
      %get3A_2744 = arith.constant 32 : index
      %get3A_2745 = tpu.vector_load %arg6[%get3A_2743, %get3A_2744] {strides = array<i32>} : memref<128x128xf32, #tpu.memory_space<vmem>>, vector<1x16xf32>,
      %get3A_2746 = vector.shape_cast %get3A_2745 : vector<1x16xf32> to vector<16xf32>
      %get3A_2747 = arith.constant 81 : i32
      %get3A_2748 = arith.index_cast %get3A_2747 : i32 to index
      %get3A_2749 = arith.constant 32 : index
      %get3A_2750 = tpu.vector_load %arg6[%get3A_2748, %get3A_2749] {strides = array<i32>} : memref<128x128xf32, #tpu.memory_space<vmem>>, vector<1x16xf32>,
      %get3A_2751 = vector.shape_cast %get3A_2750 : vector<1x16xf32> to vector<16xf32>
      %max3A_2752 = arith.maximumf %get3A_2746, %get3A_2751 : vector<16xf32>
      %get3A_2753 = arith.constant 82 : i32
      %get3A_2754 = arith.index_cast %get3A_2753 : i32 to index
      %get3A_2755 = arith.constant 32 : index
      %get3A_2756 = tpu.vector_load %arg6[%get3A_2754, %get3A_2755] {strides = array<i32>} : memref<128x128xf32, #tpu.memory_space<vmem>>, vector<1x16xf32>,
      %get3A_2757 = vector.shape_cast %get3A_2756 : vector<1x16xf32> to vector<16xf32>
      %max3A_2758 = arith.maximumf %max3A_2752, %get3A_2757 : vector<16xf32>
      %get3A_2759 = arith.constant 83 : i32
      %get3A_2760 = arith.index_cast %get3A_2759 : i32 to index
      %get3A_2761 = arith.constant 32 : index
      %get3A_2762 = tpu.vector_load %arg6[%get3A_2760, %get3A_2761] {strides = array<i32>} : memref<128x128xf32, #tpu.memory_space<vmem>>, vector<1x16xf32>,
      %get3A_2763 = vector.shape_cast %get3A_2762 : vector<1x16xf32> to vector<16xf32>
      %max3A_2764 = arith.maximumf %max3A_2758, %get3A_2763 : vector<16xf32>
      %get3A_2765 = arith.constant 84 : i32
      %get3A_2766 = arith.index_cast %get3A_2765 : i32 to index
      %get3A_2767 = arith.constant 32 : index
      %get3A_2768 = tpu.vector_load %arg6[%get3A_2766, %get3A_2767] {strides = array<i32>} : memref<128x128xf32, #tpu.memory_space<vmem>>, vector<1x16xf32>,
      %get3A_2769 = vector.shape_cast %get3A_2768 : vector<1x16xf32> to vector<16xf32>
      %max3A_2770 = arith.maximumf %max3A_2764, %get3A_2769 : vector<16xf32>
      %get3A_2771 = arith.constant 85 : i32
      %get3A_2772 = arith.index_cast %get3A_2771 : i32 to index
      %get3A_2773 = arith.constant 32 : index
      %get3A_2774 = tpu.vector_load %arg6[%get3A_2772, %get3A_2773] {strides = array<i32>} : memref<128x128xf32, #tpu.memory_space<vmem>>, vector<1x16xf32>,
      %get3A_2775 = vector.shape_cast %get3A_2774 : vector<1x16xf32> to vector<16xf32>
      %max3A_2776 = arith.maximumf %max3A_2770, %get3A_2775 : vector<16xf32>
      %get3A_2777 = arith.constant 86 : i32
      %get3A_2778 = arith.index_cast %get3A_2777 : i32 to index
      %get3A_2779 = arith.constant 32 : index
      %get3A_2780 = tpu.vector_load %arg6[%get3A_2778, %get3A_2779] {strides = array<i32>} : memref<128x128xf32, #tpu.memory_space<vmem>>, vector<1x16xf32>,
      %get3A_2781 = vector.shape_cast %get3A_2780 : vector<1x16xf32> to vector<16xf32>
      %max3A_2782 = arith.maximumf %max3A_2776, %get3A_2781 : vector<16xf32>
      %get3A_2783 = arith.constant 87 : i32
      %get3A_2784 = arith.index_cast %get3A_2783 : i32 to index
      %get3A_2785 = arith.constant 32 : index
      %get3A_2786 = tpu.vector_load %arg6[%get3A_2784, %get3A_2785] {strides = array<i32>} : memref<128x128xf32, #tpu.memory_space<vmem>>, vector<1x16xf32>,
      %get3A_2787 = vector.shape_cast %get3A_2786 : vector<1x16xf32> to vector<16xf32>
      %max3A_2788 = arith.maximumf %max3A_2782, %get3A_2787 : vector<16xf32>
      %get3A_2789 = arith.constant 88 : i32
      %get3A_2790 = arith.index_cast %get3A_2789 : i32 to index
      %get3A_2791 = arith.constant 32 : index
      %get3A_2792 = tpu.vector_load %arg6[%get3A_2790, %get3A_2791] {strides = array<i32>} : memref<128x128xf32, #tpu.memory_space<vmem>>, vector<1x16xf32>,
      %get3A_2793 = vector.shape_cast %get3A_2792 : vector<1x16xf32> to vector<16xf32>
      %max3A_2794 = arith.maximumf %max3A_2788, %get3A_2793 : vector<16xf32>
      %get3A_2795 = arith.constant 89 : i32
      %get3A_2796 = arith.index_cast %get3A_2795 : i32 to index
      %get3A_2797 = arith.constant 32 : index
      %get3A_2798 = tpu.vector_load %arg6[%get3A_2796, %get3A_2797] {strides = array<i32>} : memref<128x128xf32, #tpu.memory_space<vmem>>, vector<1x16xf32>,
      %get3A_2799 = vector.shape_cast %get3A_2798 : vector<1x16xf32> to vector<16xf32>
      %max3A_2800 = arith.maximumf %max3A_2794, %get3A_2799 : vector<16xf32>
      %get3A_2801 = arith.constant 90 : i32
      %get3A_2802 = arith.index_cast %get3A_2801 : i32 to index
      %get3A_2803 = arith.constant 32 : index
      %get3A_2804 = tpu.vector_load %arg6[%get3A_2802, %get3A_2803] {strides = array<i32>} : memref<128x128xf32, #tpu.memory_space<vmem>>, vector<1x16xf32>,
      %get3A_2805 = vector.shape_cast %get3A_2804 : vector<1x16xf32> to vector<16xf32>
      %max3A_2806 = arith.maximumf %max3A_2800, %get3A_2805 : vector<16xf32>
      %get3A_2807 = arith.constant 91 : i32
      %get3A_2808 = arith.index_cast %get3A_2807 : i32 to index
      %get3A_2809 = arith.constant 32 : index
      %get3A_2810 = tpu.vector_load %arg6[%get3A_2808, %get3A_2809] {strides = array<i32>} : memref<128x128xf32, #tpu.memory_space<vmem>>, vector<1x16xf32>,
      %get3A_2811 = vector.shape_cast %get3A_2810 : vector<1x16xf32> to vector<16xf32>
      %max3A_2812 = arith.maximumf %max3A_2806, %get3A_2811 : vector<16xf32>
      %get3A_2813 = arith.constant 92 : i32
      %get3A_2814 = arith.index_cast %get3A_2813 : i32 to index
      %get3A_2815 = arith.constant 32 : index
      %get3A_2816 = tpu.vector_load %arg6[%get3A_2814, %get3A_2815] {strides = array<i32>} : memref<128x128xf32, #tpu.memory_space<vmem>>, vector<1x16xf32>,
      %get3A_2817 = vector.shape_cast %get3A_2816 : vector<1x16xf32> to vector<16xf32>
      %max3A_2818 = arith.maximumf %max3A_2812, %get3A_2817 : vector<16xf32>
      %get3A_2819 = arith.constant 93 : i32
      %get3A_2820 = arith.index_cast %get3A_2819 : i32 to index
      %get3A_2821 = arith.constant 32 : index
      %get3A_2822 = tpu.vector_load %arg6[%get3A_2820, %get3A_2821] {strides = array<i32>} : memref<128x128xf32, #tpu.memory_space<vmem>>, vector<1x16xf32>,
      %get3A_2823 = vector.shape_cast %get3A_2822 : vector<1x16xf32> to vector<16xf32>
      %max3A_2824 = arith.maximumf %max3A_2818, %get3A_2823 : vector<16xf32>
      %get3A_2825 = arith.constant 94 : i32
      %get3A_2826 = arith.index_cast %get3A_2825 : i32 to index
      %get3A_2827 = arith.constant 32 : index
      %get3A_2828 = tpu.vector_load %arg6[%get3A_2826, %get3A_2827] {strides = array<i32>} : memref<128x128xf32, #tpu.memory_space<vmem>>, vector<1x16xf32>,
      %get3A_2829 = vector.shape_cast %get3A_2828 : vector<1x16xf32> to vector<16xf32>
      %max3A_2830 = arith.maximumf %max3A_2824, %get3A_2829 : vector<16xf32>
      %get3A_2831 = arith.constant 95 : i32
      %get3A_2832 = arith.index_cast %get3A_2831 : i32 to index
      %get3A_2833 = arith.constant 32 : index
      %get3A_2834 = tpu.vector_load %arg6[%get3A_2832, %get3A_2833] {strides = array<i32>} : memref<128x128xf32, #tpu.memory_space<vmem>>, vector<1x16xf32>,
      %get3A_2835 = vector.shape_cast %get3A_2834 : vector<1x16xf32> to vector<16xf32>
      %max3A_2836 = arith.maximumf %max3A_2830, %get3A_2835 : vector<16xf32>
      %swap3A_2837 = arith.index_cast %add3A_2541 : i32 to index
      %swap3A_2838 = arith.constant 32 : index
      %swap3A_2839 = tpu.vector_load %arg7[%swap3A_2837, %swap3A_2838] {strides = array<i32>} : memref<512x128xf32, #tpu.memory_space<vmem>>, vector<1x16xf32>,
      %swap3A_2840 = vector.shape_cast %swap3A_2839 : vector<1x16xf32> to vector<16xf32>
      %swap3A_2841 = vector.shape_cast %max3A_2836 : vector<16xf32> to vector<1x16xf32>
      tpu.vector_store %arg7[%swap3A_2837, %swap3A_2838], %swap3A_2841 {strides = array<i32>} : memref<512x128xf32, #tpu.memory_space<vmem>>, vector<1x16xf32>,
      %get3A_2842 = arith.constant 80 : i32
      %get3A_2843 = arith.index_cast %get3A_2842 : i32 to index
      %get3A_2844 = arith.constant 48 : index
      %get3A_2845 = tpu.vector_load %arg6[%get3A_2843, %get3A_2844] {strides = array<i32>} : memref<128x128xf32, #tpu.memory_space<vmem>>, vector<1x16xf32>,
      %get3A_2846 = vector.shape_cast %get3A_2845 : vector<1x16xf32> to vector<16xf32>
      %get3A_2847 = arith.constant 81 : i32
      %get3A_2848 = arith.index_cast %get3A_2847 : i32 to index
      %get3A_2849 = arith.constant 48 : index
      %get3A_2850 = tpu.vector_load %arg6[%get3A_2848, %get3A_2849] {strides = array<i32>} : memref<128x128xf32, #tpu.memory_space<vmem>>, vector<1x16xf32>,
      %get3A_2851 = vector.shape_cast %get3A_2850 : vector<1x16xf32> to vector<16xf32>
      %max3A_2852 = arith.maximumf %get3A_2846, %get3A_2851 : vector<16xf32>
      %get3A_2853 = arith.constant 82 : i32
      %get3A_2854 = arith.index_cast %get3A_2853 : i32 to index
      %get3A_2855 = arith.constant 48 : index
      %get3A_2856 = tpu.vector_load %arg6[%get3A_2854, %get3A_2855] {strides = array<i32>} : memref<128x128xf32, #tpu.memory_space<vmem>>, vector<1x16xf32>,
      %get3A_2857 = vector.shape_cast %get3A_2856 : vector<1x16xf32> to vector<16xf32>
      %max3A_2858 = arith.maximumf %max3A_2852, %get3A_2857 : vector<16xf32>
      %get3A_2859 = arith.constant 83 : i32
      %get3A_2860 = arith.index_cast %get3A_2859 : i32 to index
      %get3A_2861 = arith.constant 48 : index
      %get3A_2862 = tpu.vector_load %arg6[%get3A_2860, %get3A_2861] {strides = array<i32>} : memref<128x128xf32, #tpu.memory_space<vmem>>, vector<1x16xf32>,
      %get3A_2863 = vector.shape_cast %get3A_2862 : vector<1x16xf32> to vector<16xf32>
      %max3A_2864 = arith.maximumf %max3A_2858, %get3A_2863 : vector<16xf32>
      %get3A_2865 = arith.constant 84 : i32
      %get3A_2866 = arith.index_cast %get3A_2865 : i32 to index
      %get3A_2867 = arith.constant 48 : index
      %get3A_2868 = tpu.vector_load %arg6[%get3A_2866, %get3A_2867] {strides = array<i32>} : memref<128x128xf32, #tpu.memory_space<vmem>>, vector<1x16xf32>,
      %get3A_2869 = vector.shape_cast %get3A_2868 : vector<1x16xf32> to vector<16xf32>
      %max3A_2870 = arith.maximumf %max3A_2864, %get3A_2869 : vector<16xf32>
      %get3A_2871 = arith.constant 85 : i32
      %get3A_2872 = arith.index_cast %get3A_2871 : i32 to index
      %get3A_2873 = arith.constant 48 : index
      %get3A_2874 = tpu.vector_load %arg6[%get3A_2872, %get3A_2873] {strides = array<i32>} : memref<128x128xf32, #tpu.memory_space<vmem>>, vector<1x16xf32>,
      %get3A_2875 = vector.shape_cast %get3A_2874 : vector<1x16xf32> to vector<16xf32>
      %max3A_2876 = arith.maximumf %max3A_2870, %get3A_2875 : vector<16xf32>
      %get3A_2877 = arith.constant 86 : i32
      %get3A_2878 = arith.index_cast %get3A_2877 : i32 to index
      %get3A_2879 = arith.constant 48 : index
      %get3A_2880 = tpu.vector_load %arg6[%get3A_2878, %get3A_2879] {strides = array<i32>} : memref<128x128xf32, #tpu.memory_space<vmem>>, vector<1x16xf32>,
      %get3A_2881 = vector.shape_cast %get3A_2880 : vector<1x16xf32> to vector<16xf32>
      %max3A_2882 = arith.maximumf %max3A_2876, %get3A_2881 : vector<16xf32>
      %get3A_2883 = arith.constant 87 : i32
      %get3A_2884 = arith.index_cast %get3A_2883 : i32 to index
      %get3A_2885 = arith.constant 48 : index
      %get3A_2886 = tpu.vector_load %arg6[%get3A_2884, %get3A_2885] {strides = array<i32>} : memref<128x128xf32, #tpu.memory_space<vmem>>, vector<1x16xf32>,
      %get3A_2887 = vector.shape_cast %get3A_2886 : vector<1x16xf32> to vector<16xf32>
      %max3A_2888 = arith.maximumf %max3A_2882, %get3A_2887 : vector<16xf32>
      %get3A_2889 = arith.constant 88 : i32
      %get3A_2890 = arith.index_cast %get3A_2889 : i32 to index
      %get3A_2891 = arith.constant 48 : index
      %get3A_2892 = tpu.vector_load %arg6[%get3A_2890, %get3A_2891] {strides = array<i32>} : memref<128x128xf32, #tpu.memory_space<vmem>>, vector<1x16xf32>,
      %get3A_2893 = vector.shape_cast %get3A_2892 : vector<1x16xf32> to vector<16xf32>
      %max3A_2894 = arith.maximumf %max3A_2888, %get3A_2893 : vector<16xf32>
      %get3A_2895 = arith.constant 89 : i32
      %get3A_2896 = arith.index_cast %get3A_2895 : i32 to index
      %get3A_2897 = arith.constant 48 : index
      %get3A_2898 = tpu.vector_load %arg6[%get3A_2896, %get3A_2897] {strides = array<i32>} : memref<128x128xf32, #tpu.memory_space<vmem>>, vector<1x16xf32>,
      %get3A_2899 = vector.shape_cast %get3A_2898 : vector<1x16xf32> to vector<16xf32>
      %max3A_2900 = arith.maximumf %max3A_2894, %get3A_2899 : vector<16xf32>
      %get3A_2901 = arith.constant 90 : i32
      %get3A_2902 = arith.index_cast %get3A_2901 : i32 to index
      %get3A_2903 = arith.constant 48 : index
      %get3A_2904 = tpu.vector_load %arg6[%get3A_2902, %get3A_2903] {strides = array<i32>} : memref<128x128xf32, #tpu.memory_space<vmem>>, vector<1x16xf32>,
      %get3A_2905 = vector.shape_cast %get3A_2904 : vector<1x16xf32> to vector<16xf32>
      %max3A_2906 = arith.maximumf %max3A_2900, %get3A_2905 : vector<16xf32>
      %get3A_2907 = arith.constant 91 : i32
      %get3A_2908 = arith.index_cast %get3A_2907 : i32 to index
      %get3A_2909 = arith.constant 48 : index
      %get3A_2910 = tpu.vector_load %arg6[%get3A_2908, %get3A_2909] {strides = array<i32>} : memref<128x128xf32, #tpu.memory_space<vmem>>, vector<1x16xf32>,
      %get3A_2911 = vector.shape_cast %get3A_2910 : vector<1x16xf32> to vector<16xf32>
      %max3A_2912 = arith.maximumf %max3A_2906, %get3A_2911 : vector<16xf32>
      %get3A_2913 = arith.constant 92 : i32
      %get3A_2914 = arith.index_cast %get3A_2913 : i32 to index
      %get3A_2915 = arith.constant 48 : index
      %get3A_2916 = tpu.vector_load %arg6[%get3A_2914, %get3A_2915] {strides = array<i32>} : memref<128x128xf32, #tpu.memory_space<vmem>>, vector<1x16xf32>,
      %get3A_2917 = vector.shape_cast %get3A_2916 : vector<1x16xf32> to vector<16xf32>
      %max3A_2918 = arith.maximumf %max3A_2912, %get3A_2917 : vector<16xf32>
      %get3A_2919 = arith.constant 93 : i32
      %get3A_2920 = arith.index_cast %get3A_2919 : i32 to index
      %get3A_2921 = arith.constant 48 : index
      %get3A_2922 = tpu.vector_load %arg6[%get3A_2920, %get3A_2921] {strides = array<i32>} : memref<128x128xf32, #tpu.memory_space<vmem>>, vector<1x16xf32>,
      %get3A_2923 = vector.shape_cast %get3A_2922 : vector<1x16xf32> to vector<16xf32>
      %max3A_2924 = arith.maximumf %max3A_2918, %get3A_2923 : vector<16xf32>
      %get3A_2925 = arith.constant 94 : i32
      %get3A_2926 = arith.index_cast %get3A_2925 : i32 to index
      %get3A_2927 = arith.constant 48 : index
      %get3A_2928 = tpu.vector_load %arg6[%get3A_2926, %get3A_2927] {strides = array<i32>} : memref<128x128xf32, #tpu.memory_space<vmem>>, vector<1x16xf32>,
      %get3A_2929 = vector.shape_cast %get3A_2928 : vector<1x16xf32> to vector<16xf32>
      %max3A_2930 = arith.maximumf %max3A_2924, %get3A_2929 : vector<16xf32>
      %get3A_2931 = arith.constant 95 : i32
      %get3A_2932 = arith.index_cast %get3A_2931 : i32 to index
      %get3A_2933 = arith.constant 48 : index
      %get3A_2934 = tpu.vector_load %arg6[%get3A_2932, %get3A_2933] {strides = array<i32>} : memref<128x128xf32, #tpu.memory_space<vmem>>, vector<1x16xf32>,
      %get3A_2935 = vector.shape_cast %get3A_2934 : vector<1x16xf32> to vector<16xf32>
      %max3A_2936 = arith.maximumf %max3A_2930, %get3A_2935 : vector<16xf32>
      %swap3A_2937 = arith.index_cast %add3A_2541 : i32 to index
      %swap3A_2938 = arith.constant 48 : index
      %swap3A_2939 = tpu.vector_load %arg7[%swap3A_2937, %swap3A_2938] {strides = array<i32>} : memref<512x128xf32, #tpu.memory_space<vmem>>, vector<1x16xf32>,
      %swap3A_2940 = vector.shape_cast %swap3A_2939 : vector<1x16xf32> to vector<16xf32>
      %swap3A_2941 = vector.shape_cast %max3A_2936 : vector<16xf32> to vector<1x16xf32>
      tpu.vector_store %arg7[%swap3A_2937, %swap3A_2938], %swap3A_2941 {strides = array<i32>} : memref<512x128xf32, #tpu.memory_space<vmem>>, vector<1x16xf32>,
      %get3A_2942 = arith.constant 80 : i32
      %get3A_2943 = arith.index_cast %get3A_2942 : i32 to index
      %get3A_2944 = arith.constant 64 : index
      %get3A_2945 = tpu.vector_load %arg6[%get3A_2943, %get3A_2944] {strides = array<i32>} : memref<128x128xf32, #tpu.memory_space<vmem>>, vector<1x16xf32>,
      %get3A_2946 = vector.shape_cast %get3A_2945 : vector<1x16xf32> to vector<16xf32>
      %get3A_2947 = arith.constant 81 : i32
      %get3A_2948 = arith.index_cast %get3A_2947 : i32 to index
      %get3A_2949 = arith.constant 64 : index
      %get3A_2950 = tpu.vector_load %arg6[%get3A_2948, %get3A_2949] {strides = array<i32>} : memref<128x128xf32, #tpu.memory_space<vmem>>, vector<1x16xf32>,
      %get3A_2951 = vector.shape_cast %get3A_2950 : vector<1x16xf32> to vector<16xf32>
      %max3A_2952 = arith.maximumf %get3A_2946, %get3A_2951 : vector<16xf32>
      %get3A_2953 = arith.constant 82 : i32
      %get3A_2954 = arith.index_cast %get3A_2953 : i32 to index
      %get3A_2955 = arith.constant 64 : index
      %get3A_2956 = tpu.vector_load %arg6[%get3A_2954, %get3A_2955] {strides = array<i32>} : memref<128x128xf32, #tpu.memory_space<vmem>>, vector<1x16xf32>,
      %get3A_2957 = vector.shape_cast %get3A_2956 : vector<1x16xf32> to vector<16xf32>
      %max3A_2958 = arith.maximumf %max3A_2952, %get3A_2957 : vector<16xf32>
      %get3A_2959 = arith.constant 83 : i32
      %get3A_2960 = arith.index_cast %get3A_2959 : i32 to index
      %get3A_2961 = arith.constant 64 : index
      %get3A_2962 = tpu.vector_load %arg6[%get3A_2960, %get3A_2961] {strides = array<i32>} : memref<128x128xf32, #tpu.memory_space<vmem>>, vector<1x16xf32>,
      %get3A_2963 = vector.shape_cast %get3A_2962 : vector<1x16xf32> to vector<16xf32>
      %max3A_2964 = arith.maximumf %max3A_2958, %get3A_2963 : vector<16xf32>
      %get3A_2965 = arith.constant 84 : i32
      %get3A_2966 = arith.index_cast %get3A_2965 : i32 to index
      %get3A_2967 = arith.constant 64 : index
      %get3A_2968 = tpu.vector_load %arg6[%get3A_2966, %get3A_2967] {strides = array<i32>} : memref<128x128xf32, #tpu.memory_space<vmem>>, vector<1x16xf32>,
      %get3A_2969 = vector.shape_cast %get3A_2968 : vector<1x16xf32> to vector<16xf32>
      %max3A_2970 = arith.maximumf %max3A_2964, %get3A_2969 : vector<16xf32>
      %get3A_2971 = arith.constant 85 : i32
      %get3A_2972 = arith.index_cast %get3A_2971 : i32 to index
      %get3A_2973 = arith.constant 64 : index
      %get3A_2974 = tpu.vector_load %arg6[%get3A_2972, %get3A_2973] {strides = array<i32>} : memref<128x128xf32, #tpu.memory_space<vmem>>, vector<1x16xf32>,
      %get3A_2975 = vector.shape_cast %get3A_2974 : vector<1x16xf32> to vector<16xf32>
      %max3A_2976 = arith.maximumf %max3A_2970, %get3A_2975 : vector<16xf32>
      %get3A_2977 = arith.constant 86 : i32
      %get3A_2978 = arith.index_cast %get3A_2977 : i32 to index
      %get3A_2979 = arith.constant 64 : index
      %get3A_2980 = tpu.vector_load %arg6[%get3A_2978, %get3A_2979] {strides = array<i32>} : memref<128x128xf32, #tpu.memory_space<vmem>>, vector<1x16xf32>,
      %get3A_2981 = vector.shape_cast %get3A_2980 : vector<1x16xf32> to vector<16xf32>
      %max3A_2982 = arith.maximumf %max3A_2976, %get3A_2981 : vector<16xf32>
      %get3A_2983 = arith.constant 87 : i32
      %get3A_2984 = arith.index_cast %get3A_2983 : i32 to index
      %get3A_2985 = arith.constant 64 : index
      %get3A_2986 = tpu.vector_load %arg6[%get3A_2984, %get3A_2985] {strides = array<i32>} : memref<128x128xf32, #tpu.memory_space<vmem>>, vector<1x16xf32>,
      %get3A_2987 = vector.shape_cast %get3A_2986 : vector<1x16xf32> to vector<16xf32>
      %max3A_2988 = arith.maximumf %max3A_2982, %get3A_2987 : vector<16xf32>
      %get3A_2989 = arith.constant 88 : i32
      %get3A_2990 = arith.index_cast %get3A_2989 : i32 to index
      %get3A_2991 = arith.constant 64 : index
      %get3A_2992 = tpu.vector_load %arg6[%get3A_2990, %get3A_2991] {strides = array<i32>} : memref<128x128xf32, #tpu.memory_space<vmem>>, vector<1x16xf32>,
      %get3A_2993 = vector.shape_cast %get3A_2992 : vector<1x16xf32> to vector<16xf32>
      %max3A_2994 = arith.maximumf %max3A_2988, %get3A_2993 : vector<16xf32>
      %get3A_2995 = arith.constant 89 : i32
      %get3A_2996 = arith.index_cast %get3A_2995 : i32 to index
      %get3A_2997 = arith.constant 64 : index
      %get3A_2998 = tpu.vector_load %arg6[%get3A_2996, %get3A_2997] {strides = array<i32>} : memref<128x128xf32, #tpu.memory_space<vmem>>, vector<1x16xf32>,
      %get3A_2999 = vector.shape_cast %get3A_2998 : vector<1x16xf32> to vector<16xf32>
      %max3A_3000 = arith.maximumf %max3A_2994, %get3A_2999 : vector<16xf32>
      %get3A_3001 = arith.constant 90 : i32
      %get3A_3002 = arith.index_cast %get3A_3001 : i32 to index
      %get3A_3003 = arith.constant 64 : index
      %get3A_3004 = tpu.vector_load %arg6[%get3A_3002, %get3A_3003] {strides = array<i32>} : memref<128x128xf32, #tpu.memory_space<vmem>>, vector<1x16xf32>,
      %get3A_3005 = vector.shape_cast %get3A_3004 : vector<1x16xf32> to vector<16xf32>
      %max3A_3006 = arith.maximumf %max3A_3000, %get3A_3005 : vector<16xf32>
      %get3A_3007 = arith.constant 91 : i32
      %get3A_3008 = arith.index_cast %get3A_3007 : i32 to index
      %get3A_3009 = arith.constant 64 : index
      %get3A_3010 = tpu.vector_load %arg6[%get3A_3008, %get3A_3009] {strides = array<i32>} : memref<128x128xf32, #tpu.memory_space<vmem>>, vector<1x16xf32>,
      %get3A_3011 = vector.shape_cast %get3A_3010 : vector<1x16xf32> to vector<16xf32>
      %max3A_3012 = arith.maximumf %max3A_3006, %get3A_3011 : vector<16xf32>
      %get3A_3013 = arith.constant 92 : i32
      %get3A_3014 = arith.index_cast %get3A_3013 : i32 to index
      %get3A_3015 = arith.constant 64 : index
      %get3A_3016 = tpu.vector_load %arg6[%get3A_3014, %get3A_3015] {strides = array<i32>} : memref<128x128xf32, #tpu.memory_space<vmem>>, vector<1x16xf32>,
      %get3A_3017 = vector.shape_cast %get3A_3016 : vector<1x16xf32> to vector<16xf32>
      %max3A_3018 = arith.maximumf %max3A_3012, %get3A_3017 : vector<16xf32>
      %get3A_3019 = arith.constant 93 : i32
      %get3A_3020 = arith.index_cast %get3A_3019 : i32 to index
      %get3A_3021 = arith.constant 64 : index
      %get3A_3022 = tpu.vector_load %arg6[%get3A_3020, %get3A_3021] {strides = array<i32>} : memref<128x128xf32, #tpu.memory_space<vmem>>, vector<1x16xf32>,
      %get3A_3023 = vector.shape_cast %get3A_3022 : vector<1x16xf32> to vector<16xf32>
      %max3A_3024 = arith.maximumf %max3A_3018, %get3A_3023 : vector<16xf32>
      %get3A_3025 = arith.constant 94 : i32
      %get3A_3026 = arith.index_cast %get3A_3025 : i32 to index
      %get3A_3027 = arith.constant 64 : index
      %get3A_3028 = tpu.vector_load %arg6[%get3A_3026, %get3A_3027] {strides = array<i32>} : memref<128x128xf32, #tpu.memory_space<vmem>>, vector<1x16xf32>,
      %get3A_3029 = vector.shape_cast %get3A_3028 : vector<1x16xf32> to vector<16xf32>
      %max3A_3030 = arith.maximumf %max3A_3024, %get3A_3029 : vector<16xf32>
      %get3A_3031 = arith.constant 95 : i32
      %get3A_3032 = arith.index_cast %get3A_3031 : i32 to index
      %get3A_3033 = arith.constant 64 : index
      %get3A_3034 = tpu.vector_load %arg6[%get3A_3032, %get3A_3033] {strides = array<i32>} : memref<128x128xf32, #tpu.memory_space<vmem>>, vector<1x16xf32>,
      %get3A_3035 = vector.shape_cast %get3A_3034 : vector<1x16xf32> to vector<16xf32>
      %max3A_3036 = arith.maximumf %max3A_3030, %get3A_3035 : vector<16xf32>
      %swap3A_3037 = arith.index_cast %add3A_2541 : i32 to index
      %swap3A_3038 = arith.constant 64 : index
      %swap3A_3039 = tpu.vector_load %arg7[%swap3A_3037, %swap3A_3038] {strides = array<i32>} : memref<512x128xf32, #tpu.memory_space<vmem>>, vector<1x16xf32>,
      %swap3A_3040 = vector.shape_cast %swap3A_3039 : vector<1x16xf32> to vector<16xf32>
      %swap3A_3041 = vector.shape_cast %max3A_3036 : vector<16xf32> to vector<1x16xf32>
      tpu.vector_store %arg7[%swap3A_3037, %swap3A_3038], %swap3A_3041 {strides = array<i32>} : memref<512x128xf32, #tpu.memory_space<vmem>>, vector<1x16xf32>,
      %mul3A_3042 = arith.constant 8 : i32
      %mul3A_3043 = arith.muli %scan3A_10, %mul3A_3042 : i32
      %add3A_3044 = arith.constant 6 : i32
      %add3A_3045 = arith.addi %mul3A_3043, %add3A_3044 : i32
      %get3A_3046 = arith.constant 96 : i32
      %get3A_3047 = arith.index_cast %get3A_3046 : i32 to index
      %get3A_3048 = arith.constant 0 : index
      %get3A_3049 = tpu.vector_load %arg6[%get3A_3047, %get3A_3048] {strides = array<i32>} : memref<128x128xf32, #tpu.memory_space<vmem>>, vector<1x16xf32>,
      %get3A_3050 = vector.shape_cast %get3A_3049 : vector<1x16xf32> to vector<16xf32>
      %get3A_3051 = arith.constant 97 : i32
      %get3A_3052 = arith.index_cast %get3A_3051 : i32 to index
      %get3A_3053 = arith.constant 0 : index
      %get3A_3054 = tpu.vector_load %arg6[%get3A_3052, %get3A_3053] {strides = array<i32>} : memref<128x128xf32, #tpu.memory_space<vmem>>, vector<1x16xf32>,
      %get3A_3055 = vector.shape_cast %get3A_3054 : vector<1x16xf32> to vector<16xf32>
      %max3A_3056 = arith.maximumf %get3A_3050, %get3A_3055 : vector<16xf32>
      %get3A_3057 = arith.constant 98 : i32
      %get3A_3058 = arith.index_cast %get3A_3057 : i32 to index
      %get3A_3059 = arith.constant 0 : index
      %get3A_3060 = tpu.vector_load %arg6[%get3A_3058, %get3A_3059] {strides = array<i32>} : memref<128x128xf32, #tpu.memory_space<vmem>>, vector<1x16xf32>,
      %get3A_3061 = vector.shape_cast %get3A_3060 : vector<1x16xf32> to vector<16xf32>
      %max3A_3062 = arith.maximumf %max3A_3056, %get3A_3061 : vector<16xf32>
      %get3A_3063 = arith.constant 99 : i32
      %get3A_3064 = arith.index_cast %get3A_3063 : i32 to index
      %get3A_3065 = arith.constant 0 : index
      %get3A_3066 = tpu.vector_load %arg6[%get3A_3064, %get3A_3065] {strides = array<i32>} : memref<128x128xf32, #tpu.memory_space<vmem>>, vector<1x16xf32>,
      %get3A_3067 = vector.shape_cast %get3A_3066 : vector<1x16xf32> to vector<16xf32>
      %max3A_3068 = arith.maximumf %max3A_3062, %get3A_3067 : vector<16xf32>
      %get3A_3069 = arith.constant 100 : i32
      %get3A_3070 = arith.index_cast %get3A_3069 : i32 to index
      %get3A_3071 = arith.constant 0 : index
      %get3A_3072 = tpu.vector_load %arg6[%get3A_3070, %get3A_3071] {strides = array<i32>} : memref<128x128xf32, #tpu.memory_space<vmem>>, vector<1x16xf32>,
      %get3A_3073 = vector.shape_cast %get3A_3072 : vector<1x16xf32> to vector<16xf32>
      %max3A_3074 = arith.maximumf %max3A_3068, %get3A_3073 : vector<16xf32>
      %get3A_3075 = arith.constant 101 : i32
      %get3A_3076 = arith.index_cast %get3A_3075 : i32 to index
      %get3A_3077 = arith.constant 0 : index
      %get3A_3078 = tpu.vector_load %arg6[%get3A_3076, %get3A_3077] {strides = array<i32>} : memref<128x128xf32, #tpu.memory_space<vmem>>, vector<1x16xf32>,
      %get3A_3079 = vector.shape_cast %get3A_3078 : vector<1x16xf32> to vector<16xf32>
      %max3A_3080 = arith.maximumf %max3A_3074, %get3A_3079 : vector<16xf32>
      %get3A_3081 = arith.constant 102 : i32
      %get3A_3082 = arith.index_cast %get3A_3081 : i32 to index
      %get3A_3083 = arith.constant 0 : index
      %get3A_3084 = tpu.vector_load %arg6[%get3A_3082, %get3A_3083] {strides = array<i32>} : memref<128x128xf32, #tpu.memory_space<vmem>>, vector<1x16xf32>,
      %get3A_3085 = vector.shape_cast %get3A_3084 : vector<1x16xf32> to vector<16xf32>
      %max3A_3086 = arith.maximumf %max3A_3080, %get3A_3085 : vector<16xf32>
      %get3A_3087 = arith.constant 103 : i32
      %get3A_3088 = arith.index_cast %get3A_3087 : i32 to index
      %get3A_3089 = arith.constant 0 : index
      %get3A_3090 = tpu.vector_load %arg6[%get3A_3088, %get3A_3089] {strides = array<i32>} : memref<128x128xf32, #tpu.memory_space<vmem>>, vector<1x16xf32>,
      %get3A_3091 = vector.shape_cast %get3A_3090 : vector<1x16xf32> to vector<16xf32>
      %max3A_3092 = arith.maximumf %max3A_3086, %get3A_3091 : vector<16xf32>
      %get3A_3093 = arith.constant 104 : i32
      %get3A_3094 = arith.index_cast %get3A_3093 : i32 to index
      %get3A_3095 = arith.constant 0 : index
      %get3A_3096 = tpu.vector_load %arg6[%get3A_3094, %get3A_3095] {strides = array<i32>} : memref<128x128xf32, #tpu.memory_space<vmem>>, vector<1x16xf32>,
      %get3A_3097 = vector.shape_cast %get3A_3096 : vector<1x16xf32> to vector<16xf32>
      %max3A_3098 = arith.maximumf %max3A_3092, %get3A_3097 : vector<16xf32>
      %get3A_3099 = arith.constant 105 : i32
      %get3A_3100 = arith.index_cast %get3A_3099 : i32 to index
      %get3A_3101 = arith.constant 0 : index
      %get3A_3102 = tpu.vector_load %arg6[%get3A_3100, %get3A_3101] {strides = array<i32>} : memref<128x128xf32, #tpu.memory_space<vmem>>, vector<1x16xf32>,
      %get3A_3103 = vector.shape_cast %get3A_3102 : vector<1x16xf32> to vector<16xf32>
      %max3A_3104 = arith.maximumf %max3A_3098, %get3A_3103 : vector<16xf32>
      %get3A_3105 = arith.constant 106 : i32
      %get3A_3106 = arith.index_cast %get3A_3105 : i32 to index
      %get3A_3107 = arith.constant 0 : index
      %get3A_3108 = tpu.vector_load %arg6[%get3A_3106, %get3A_3107] {strides = array<i32>} : memref<128x128xf32, #tpu.memory_space<vmem>>, vector<1x16xf32>,
      %get3A_3109 = vector.shape_cast %get3A_3108 : vector<1x16xf32> to vector<16xf32>
      %max3A_3110 = arith.maximumf %max3A_3104, %get3A_3109 : vector<16xf32>
      %get3A_3111 = arith.constant 107 : i32
      %get3A_3112 = arith.index_cast %get3A_3111 : i32 to index
      %get3A_3113 = arith.constant 0 : index
      %get3A_3114 = tpu.vector_load %arg6[%get3A_3112, %get3A_3113] {strides = array<i32>} : memref<128x128xf32, #tpu.memory_space<vmem>>, vector<1x16xf32>,
      %get3A_3115 = vector.shape_cast %get3A_3114 : vector<1x16xf32> to vector<16xf32>
      %max3A_3116 = arith.maximumf %max3A_3110, %get3A_3115 : vector<16xf32>
      %get3A_3117 = arith.constant 108 : i32
      %get3A_3118 = arith.index_cast %get3A_3117 : i32 to index
      %get3A_3119 = arith.constant 0 : index
      %get3A_3120 = tpu.vector_load %arg6[%get3A_3118, %get3A_3119] {strides = array<i32>} : memref<128x128xf32, #tpu.memory_space<vmem>>, vector<1x16xf32>,
      %get3A_3121 = vector.shape_cast %get3A_3120 : vector<1x16xf32> to vector<16xf32>
      %max3A_3122 = arith.maximumf %max3A_3116, %get3A_3121 : vector<16xf32>
      %get3A_3123 = arith.constant 109 : i32
      %get3A_3124 = arith.index_cast %get3A_3123 : i32 to index
      %get3A_3125 = arith.constant 0 : index
      %get3A_3126 = tpu.vector_load %arg6[%get3A_3124, %get3A_3125] {strides = array<i32>} : memref<128x128xf32, #tpu.memory_space<vmem>>, vector<1x16xf32>,
      %get3A_3127 = vector.shape_cast %get3A_3126 : vector<1x16xf32> to vector<16xf32>
      %max3A_3128 = arith.maximumf %max3A_3122, %get3A_3127 : vector<16xf32>
      %get3A_3129 = arith.constant 110 : i32
      %get3A_3130 = arith.index_cast %get3A_3129 : i32 to index
      %get3A_3131 = arith.constant 0 : index
      %get3A_3132 = tpu.vector_load %arg6[%get3A_3130, %get3A_3131] {strides = array<i32>} : memref<128x128xf32, #tpu.memory_space<vmem>>, vector<1x16xf32>,
      %get3A_3133 = vector.shape_cast %get3A_3132 : vector<1x16xf32> to vector<16xf32>
      %max3A_3134 = arith.maximumf %max3A_3128, %get3A_3133 : vector<16xf32>
      %get3A_3135 = arith.constant 111 : i32
      %get3A_3136 = arith.index_cast %get3A_3135 : i32 to index
      %get3A_3137 = arith.constant 0 : index
      %get3A_3138 = tpu.vector_load %arg6[%get3A_3136, %get3A_3137] {strides = array<i32>} : memref<128x128xf32, #tpu.memory_space<vmem>>, vector<1x16xf32>,
      %get3A_3139 = vector.shape_cast %get3A_3138 : vector<1x16xf32> to vector<16xf32>
      %max3A_3140 = arith.maximumf %max3A_3134, %get3A_3139 : vector<16xf32>
      %swap3A_3141 = arith.index_cast %add3A_3045 : i32 to index
      %swap3A_3142 = arith.constant 0 : index
      %swap3A_3143 = tpu.vector_load %arg7[%swap3A_3141, %swap3A_3142] {strides = array<i32>} : memref<512x128xf32, #tpu.memory_space<vmem>>, vector<1x16xf32>,
      %swap3A_3144 = vector.shape_cast %swap3A_3143 : vector<1x16xf32> to vector<16xf32>
      %swap3A_3145 = vector.shape_cast %max3A_3140 : vector<16xf32> to vector<1x16xf32>
      tpu.vector_store %arg7[%swap3A_3141, %swap3A_3142], %swap3A_3145 {strides = array<i32>} : memref<512x128xf32, #tpu.memory_space<vmem>>, vector<1x16xf32>,
      %get3A_3146 = arith.constant 96 : i32
      %get3A_3147 = arith.index_cast %get3A_3146 : i32 to index
      %get3A_3148 = arith.constant 16 : index
      %get3A_3149 = tpu.vector_load %arg6[%get3A_3147, %get3A_3148] {strides = array<i32>} : memref<128x128xf32, #tpu.memory_space<vmem>>, vector<1x16xf32>,
      %get3A_3150 = vector.shape_cast %get3A_3149 : vector<1x16xf32> to vector<16xf32>
      %get3A_3151 = arith.constant 97 : i32
      %get3A_3152 = arith.index_cast %get3A_3151 : i32 to index
      %get3A_3153 = arith.constant 16 : index
      %get3A_3154 = tpu.vector_load %arg6[%get3A_3152, %get3A_3153] {strides = array<i32>} : memref<128x128xf32, #tpu.memory_space<vmem>>, vector<1x16xf32>,
      %get3A_3155 = vector.shape_cast %get3A_3154 : vector<1x16xf32> to vector<16xf32>
      %max3A_3156 = arith.maximumf %get3A_3150, %get3A_3155 : vector<16xf32>
      %get3A_3157 = arith.constant 98 : i32
      %get3A_3158 = arith.index_cast %get3A_3157 : i32 to index
      %get3A_3159 = arith.constant 16 : index
      %get3A_3160 = tpu.vector_load %arg6[%get3A_3158, %get3A_3159] {strides = array<i32>} : memref<128x128xf32, #tpu.memory_space<vmem>>, vector<1x16xf32>,
      %get3A_3161 = vector.shape_cast %get3A_3160 : vector<1x16xf32> to vector<16xf32>
      %max3A_3162 = arith.maximumf %max3A_3156, %get3A_3161 : vector<16xf32>
      %get3A_3163 = arith.constant 99 : i32
      %get3A_3164 = arith.index_cast %get3A_3163 : i32 to index
      %get3A_3165 = arith.constant 16 : index
      %get3A_3166 = tpu.vector_load %arg6[%get3A_3164, %get3A_3165] {strides = array<i32>} : memref<128x128xf32, #tpu.memory_space<vmem>>, vector<1x16xf32>,
      %get3A_3167 = vector.shape_cast %get3A_3166 : vector<1x16xf32> to vector<16xf32>
      %max3A_3168 = arith.maximumf %max3A_3162, %get3A_3167 : vector<16xf32>
      %get3A_3169 = arith.constant 100 : i32
      %get3A_3170 = arith.index_cast %get3A_3169 : i32 to index
      %get3A_3171 = arith.constant 16 : index
      %get3A_3172 = tpu.vector_load %arg6[%get3A_3170, %get3A_3171] {strides = array<i32>} : memref<128x128xf32, #tpu.memory_space<vmem>>, vector<1x16xf32>,
      %get3A_3173 = vector.shape_cast %get3A_3172 : vector<1x16xf32> to vector<16xf32>
      %max3A_3174 = arith.maximumf %max3A_3168, %get3A_3173 : vector<16xf32>
      %get3A_3175 = arith.constant 101 : i32
      %get3A_3176 = arith.index_cast %get3A_3175 : i32 to index
      %get3A_3177 = arith.constant 16 : index
      %get3A_3178 = tpu.vector_load %arg6[%get3A_3176, %get3A_3177] {strides = array<i32>} : memref<128x128xf32, #tpu.memory_space<vmem>>, vector<1x16xf32>,
      %get3A_3179 = vector.shape_cast %get3A_3178 : vector<1x16xf32> to vector<16xf32>
      %max3A_3180 = arith.maximumf %max3A_3174, %get3A_3179 : vector<16xf32>
      %get3A_3181 = arith.constant 102 : i32
      %get3A_3182 = arith.index_cast %get3A_3181 : i32 to index
      %get3A_3183 = arith.constant 16 : index
      %get3A_3184 = tpu.vector_load %arg6[%get3A_3182, %get3A_3183] {strides = array<i32>} : memref<128x128xf32, #tpu.memory_space<vmem>>, vector<1x16xf32>,
      %get3A_3185 = vector.shape_cast %get3A_3184 : vector<1x16xf32> to vector<16xf32>
      %max3A_3186 = arith.maximumf %max3A_3180, %get3A_3185 : vector<16xf32>
      %get3A_3187 = arith.constant 103 : i32
      %get3A_3188 = arith.index_cast %get3A_3187 : i32 to index
      %get3A_3189 = arith.constant 16 : index
      %get3A_3190 = tpu.vector_load %arg6[%get3A_3188, %get3A_3189] {strides = array<i32>} : memref<128x128xf32, #tpu.memory_space<vmem>>, vector<1x16xf32>,
      %get3A_3191 = vector.shape_cast %get3A_3190 : vector<1x16xf32> to vector<16xf32>
      %max3A_3192 = arith.maximumf %max3A_3186, %get3A_3191 : vector<16xf32>
      %get3A_3193 = arith.constant 104 : i32
      %get3A_3194 = arith.index_cast %get3A_3193 : i32 to index
      %get3A_3195 = arith.constant 16 : index
      %get3A_3196 = tpu.vector_load %arg6[%get3A_3194, %get3A_3195] {strides = array<i32>} : memref<128x128xf32, #tpu.memory_space<vmem>>, vector<1x16xf32>,
      %get3A_3197 = vector.shape_cast %get3A_3196 : vector<1x16xf32> to vector<16xf32>
      %max3A_3198 = arith.maximumf %max3A_3192, %get3A_3197 : vector<16xf32>
      %get3A_3199 = arith.constant 105 : i32
      %get3A_3200 = arith.index_cast %get3A_3199 : i32 to index
      %get3A_3201 = arith.constant 16 : index
      %get3A_3202 = tpu.vector_load %arg6[%get3A_3200, %get3A_3201] {strides = array<i32>} : memref<128x128xf32, #tpu.memory_space<vmem>>, vector<1x16xf32>,
      %get3A_3203 = vector.shape_cast %get3A_3202 : vector<1x16xf32> to vector<16xf32>
      %max3A_3204 = arith.maximumf %max3A_3198, %get3A_3203 : vector<16xf32>
      %get3A_3205 = arith.constant 106 : i32
      %get3A_3206 = arith.index_cast %get3A_3205 : i32 to index
      %get3A_3207 = arith.constant 16 : index
      %get3A_3208 = tpu.vector_load %arg6[%get3A_3206, %get3A_3207] {strides = array<i32>} : memref<128x128xf32, #tpu.memory_space<vmem>>, vector<1x16xf32>,
      %get3A_3209 = vector.shape_cast %get3A_3208 : vector<1x16xf32> to vector<16xf32>
      %max3A_3210 = arith.maximumf %max3A_3204, %get3A_3209 : vector<16xf32>
      %get3A_3211 = arith.constant 107 : i32
      %get3A_3212 = arith.index_cast %get3A_3211 : i32 to index
      %get3A_3213 = arith.constant 16 : index
      %get3A_3214 = tpu.vector_load %arg6[%get3A_3212, %get3A_3213] {strides = array<i32>} : memref<128x128xf32, #tpu.memory_space<vmem>>, vector<1x16xf32>,
      %get3A_3215 = vector.shape_cast %get3A_3214 : vector<1x16xf32> to vector<16xf32>
      %max3A_3216 = arith.maximumf %max3A_3210, %get3A_3215 : vector<16xf32>
      %get3A_3217 = arith.constant 108 : i32
      %get3A_3218 = arith.index_cast %get3A_3217 : i32 to index
      %get3A_3219 = arith.constant 16 : index
      %get3A_3220 = tpu.vector_load %arg6[%get3A_3218, %get3A_3219] {strides = array<i32>} : memref<128x128xf32, #tpu.memory_space<vmem>>, vector<1x16xf32>,
      %get3A_3221 = vector.shape_cast %get3A_3220 : vector<1x16xf32> to vector<16xf32>
      %max3A_3222 = arith.maximumf %max3A_3216, %get3A_3221 : vector<16xf32>
      %get3A_3223 = arith.constant 109 : i32
      %get3A_3224 = arith.index_cast %get3A_3223 : i32 to index
      %get3A_3225 = arith.constant 16 : index
      %get3A_3226 = tpu.vector_load %arg6[%get3A_3224, %get3A_3225] {strides = array<i32>} : memref<128x128xf32, #tpu.memory_space<vmem>>, vector<1x16xf32>,
      %get3A_3227 = vector.shape_cast %get3A_3226 : vector<1x16xf32> to vector<16xf32>
      %max3A_3228 = arith.maximumf %max3A_3222, %get3A_3227 : vector<16xf32>
      %get3A_3229 = arith.constant 110 : i32
      %get3A_3230 = arith.index_cast %get3A_3229 : i32 to index
      %get3A_3231 = arith.constant 16 : index
      %get3A_3232 = tpu.vector_load %arg6[%get3A_3230, %get3A_3231] {strides = array<i32>} : memref<128x128xf32, #tpu.memory_space<vmem>>, vector<1x16xf32>,
      %get3A_3233 = vector.shape_cast %get3A_3232 : vector<1x16xf32> to vector<16xf32>
      %max3A_3234 = arith.maximumf %max3A_3228, %get3A_3233 : vector<16xf32>
      %get3A_3235 = arith.constant 111 : i32
      %get3A_3236 = arith.index_cast %get3A_3235 : i32 to index
      %get3A_3237 = arith.constant 16 : index
      %get3A_3238 = tpu.vector_load %arg6[%get3A_3236, %get3A_3237] {strides = array<i32>} : memref<128x128xf32, #tpu.memory_space<vmem>>, vector<1x16xf32>,
      %get3A_3239 = vector.shape_cast %get3A_3238 : vector<1x16xf32> to vector<16xf32>
      %max3A_3240 = arith.maximumf %max3A_3234, %get3A_3239 : vector<16xf32>
      %swap3A_3241 = arith.index_cast %add3A_3045 : i32 to index
      %swap3A_3242 = arith.constant 16 : index
      %swap3A_3243 = tpu.vector_load %arg7[%swap3A_3241, %swap3A_3242] {strides = array<i32>} : memref<512x128xf32, #tpu.memory_space<vmem>>, vector<1x16xf32>,
      %swap3A_3244 = vector.shape_cast %swap3A_3243 : vector<1x16xf32> to vector<16xf32>
      %swap3A_3245 = vector.shape_cast %max3A_3240 : vector<16xf32> to vector<1x16xf32>
      tpu.vector_store %arg7[%swap3A_3241, %swap3A_3242], %swap3A_3245 {strides = array<i32>} : memref<512x128xf32, #tpu.memory_space<vmem>>, vector<1x16xf32>,
      %get3A_3246 = arith.constant 96 : i32
      %get3A_3247 = arith.index_cast %get3A_3246 : i32 to index
      %get3A_3248 = arith.constant 32 : index
      %get3A_3249 = tpu.vector_load %arg6[%get3A_3247, %get3A_3248] {strides = array<i32>} : memref<128x128xf32, #tpu.memory_space<vmem>>, vector<1x16xf32>,
      %get3A_3250 = vector.shape_cast %get3A_3249 : vector<1x16xf32> to vector<16xf32>
      %get3A_3251 = arith.constant 97 : i32
      %get3A_3252 = arith.index_cast %get3A_3251 : i32 to index
      %get3A_3253 = arith.constant 32 : index
      %get3A_3254 = tpu.vector_load %arg6[%get3A_3252, %get3A_3253] {strides = array<i32>} : memref<128x128xf32, #tpu.memory_space<vmem>>, vector<1x16xf32>,
      %get3A_3255 = vector.shape_cast %get3A_3254 : vector<1x16xf32> to vector<16xf32>
      %max3A_3256 = arith.maximumf %get3A_3250, %get3A_3255 : vector<16xf32>
      %get3A_3257 = arith.constant 98 : i32
      %get3A_3258 = arith.index_cast %get3A_3257 : i32 to index
      %get3A_3259 = arith.constant 32 : index
      %get3A_3260 = tpu.vector_load %arg6[%get3A_3258, %get3A_3259] {strides = array<i32>} : memref<128x128xf32, #tpu.memory_space<vmem>>, vector<1x16xf32>,
      %get3A_3261 = vector.shape_cast %get3A_3260 : vector<1x16xf32> to vector<16xf32>
      %max3A_3262 = arith.maximumf %max3A_3256, %get3A_3261 : vector<16xf32>
      %get3A_3263 = arith.constant 99 : i32
      %get3A_3264 = arith.index_cast %get3A_3263 : i32 to index
      %get3A_3265 = arith.constant 32 : index
      %get3A_3266 = tpu.vector_load %arg6[%get3A_3264, %get3A_3265] {strides = array<i32>} : memref<128x128xf32, #tpu.memory_space<vmem>>, vector<1x16xf32>,
      %get3A_3267 = vector.shape_cast %get3A_3266 : vector<1x16xf32> to vector<16xf32>
      %max3A_3268 = arith.maximumf %max3A_3262, %get3A_3267 : vector<16xf32>
      %get3A_3269 = arith.constant 100 : i32
      %get3A_3270 = arith.index_cast %get3A_3269 : i32 to index
      %get3A_3271 = arith.constant 32 : index
      %get3A_3272 = tpu.vector_load %arg6[%get3A_3270, %get3A_3271] {strides = array<i32>} : memref<128x128xf32, #tpu.memory_space<vmem>>, vector<1x16xf32>,
      %get3A_3273 = vector.shape_cast %get3A_3272 : vector<1x16xf32> to vector<16xf32>
      %max3A_3274 = arith.maximumf %max3A_3268, %get3A_3273 : vector<16xf32>
      %get3A_3275 = arith.constant 101 : i32
      %get3A_3276 = arith.index_cast %get3A_3275 : i32 to index
      %get3A_3277 = arith.constant 32 : index
      %get3A_3278 = tpu.vector_load %arg6[%get3A_3276, %get3A_3277] {strides = array<i32>} : memref<128x128xf32, #tpu.memory_space<vmem>>, vector<1x16xf32>,
      %get3A_3279 = vector.shape_cast %get3A_3278 : vector<1x16xf32> to vector<16xf32>
      %max3A_3280 = arith.maximumf %max3A_3274, %get3A_3279 : vector<16xf32>
      %get3A_3281 = arith.constant 102 : i32
      %get3A_3282 = arith.index_cast %get3A_3281 : i32 to index
      %get3A_3283 = arith.constant 32 : index
      %get3A_3284 = tpu.vector_load %arg6[%get3A_3282, %get3A_3283] {strides = array<i32>} : memref<128x128xf32, #tpu.memory_space<vmem>>, vector<1x16xf32>,
      %get3A_3285 = vector.shape_cast %get3A_3284 : vector<1x16xf32> to vector<16xf32>
      %max3A_3286 = arith.maximumf %max3A_3280, %get3A_3285 : vector<16xf32>
      %get3A_3287 = arith.constant 103 : i32
      %get3A_3288 = arith.index_cast %get3A_3287 : i32 to index
      %get3A_3289 = arith.constant 32 : index
      %get3A_3290 = tpu.vector_load %arg6[%get3A_3288, %get3A_3289] {strides = array<i32>} : memref<128x128xf32, #tpu.memory_space<vmem>>, vector<1x16xf32>,
      %get3A_3291 = vector.shape_cast %get3A_3290 : vector<1x16xf32> to vector<16xf32>
      %max3A_3292 = arith.maximumf %max3A_3286, %get3A_3291 : vector<16xf32>
      %get3A_3293 = arith.constant 104 : i32
      %get3A_3294 = arith.index_cast %get3A_3293 : i32 to index
      %get3A_3295 = arith.constant 32 : index
      %get3A_3296 = tpu.vector_load %arg6[%get3A_3294, %get3A_3295] {strides = array<i32>} : memref<128x128xf32, #tpu.memory_space<vmem>>, vector<1x16xf32>,
      %get3A_3297 = vector.shape_cast %get3A_3296 : vector<1x16xf32> to vector<16xf32>
      %max3A_3298 = arith.maximumf %max3A_3292, %get3A_3297 : vector<16xf32>
      %get3A_3299 = arith.constant 105 : i32
      %get3A_3300 = arith.index_cast %get3A_3299 : i32 to index
      %get3A_3301 = arith.constant 32 : index
      %get3A_3302 = tpu.vector_load %arg6[%get3A_3300, %get3A_3301] {strides = array<i32>} : memref<128x128xf32, #tpu.memory_space<vmem>>, vector<1x16xf32>,
      %get3A_3303 = vector.shape_cast %get3A_3302 : vector<1x16xf32> to vector<16xf32>
      %max3A_3304 = arith.maximumf %max3A_3298, %get3A_3303 : vector<16xf32>
      %get3A_3305 = arith.constant 106 : i32
      %get3A_3306 = arith.index_cast %get3A_3305 : i32 to index
      %get3A_3307 = arith.constant 32 : index
      %get3A_3308 = tpu.vector_load %arg6[%get3A_3306, %get3A_3307] {strides = array<i32>} : memref<128x128xf32, #tpu.memory_space<vmem>>, vector<1x16xf32>,
      %get3A_3309 = vector.shape_cast %get3A_3308 : vector<1x16xf32> to vector<16xf32>
      %max3A_3310 = arith.maximumf %max3A_3304, %get3A_3309 : vector<16xf32>
      %get3A_3311 = arith.constant 107 : i32
      %get3A_3312 = arith.index_cast %get3A_3311 : i32 to index
      %get3A_3313 = arith.constant 32 : index
      %get3A_3314 = tpu.vector_load %arg6[%get3A_3312, %get3A_3313] {strides = array<i32>} : memref<128x128xf32, #tpu.memory_space<vmem>>, vector<1x16xf32>,
      %get3A_3315 = vector.shape_cast %get3A_3314 : vector<1x16xf32> to vector<16xf32>
      %max3A_3316 = arith.maximumf %max3A_3310, %get3A_3315 : vector<16xf32>
      %get3A_3317 = arith.constant 108 : i32
      %get3A_3318 = arith.index_cast %get3A_3317 : i32 to index
      %get3A_3319 = arith.constant 32 : index
      %get3A_3320 = tpu.vector_load %arg6[%get3A_3318, %get3A_3319] {strides = array<i32>} : memref<128x128xf32, #tpu.memory_space<vmem>>, vector<1x16xf32>,
      %get3A_3321 = vector.shape_cast %get3A_3320 : vector<1x16xf32> to vector<16xf32>
      %max3A_3322 = arith.maximumf %max3A_3316, %get3A_3321 : vector<16xf32>
      %get3A_3323 = arith.constant 109 : i32
      %get3A_3324 = arith.index_cast %get3A_3323 : i32 to index
      %get3A_3325 = arith.constant 32 : index
      %get3A_3326 = tpu.vector_load %arg6[%get3A_3324, %get3A_3325] {strides = array<i32>} : memref<128x128xf32, #tpu.memory_space<vmem>>, vector<1x16xf32>,
      %get3A_3327 = vector.shape_cast %get3A_3326 : vector<1x16xf32> to vector<16xf32>
      %max3A_3328 = arith.maximumf %max3A_3322, %get3A_3327 : vector<16xf32>
      %get3A_3329 = arith.constant 110 : i32
      %get3A_3330 = arith.index_cast %get3A_3329 : i32 to index
      %get3A_3331 = arith.constant 32 : index
      %get3A_3332 = tpu.vector_load %arg6[%get3A_3330, %get3A_3331] {strides = array<i32>} : memref<128x128xf32, #tpu.memory_space<vmem>>, vector<1x16xf32>,
      %get3A_3333 = vector.shape_cast %get3A_3332 : vector<1x16xf32> to vector<16xf32>
      %max3A_3334 = arith.maximumf %max3A_3328, %get3A_3333 : vector<16xf32>
      %get3A_3335 = arith.constant 111 : i32
      %get3A_3336 = arith.index_cast %get3A_3335 : i32 to index
      %get3A_3337 = arith.constant 32 : index
      %get3A_3338 = tpu.vector_load %arg6[%get3A_3336, %get3A_3337] {strides = array<i32>} : memref<128x128xf32, #tpu.memory_space<vmem>>, vector<1x16xf32>,
      %get3A_3339 = vector.shape_cast %get3A_3338 : vector<1x16xf32> to vector<16xf32>
      %max3A_3340 = arith.maximumf %max3A_3334, %get3A_3339 : vector<16xf32>
      %swap3A_3341 = arith.index_cast %add3A_3045 : i32 to index
      %swap3A_3342 = arith.constant 32 : index
      %swap3A_3343 = tpu.vector_load %arg7[%swap3A_3341, %swap3A_3342] {strides = array<i32>} : memref<512x128xf32, #tpu.memory_space<vmem>>, vector<1x16xf32>,
      %swap3A_3344 = vector.shape_cast %swap3A_3343 : vector<1x16xf32> to vector<16xf32>
      %swap3A_3345 = vector.shape_cast %max3A_3340 : vector<16xf32> to vector<1x16xf32>
      tpu.vector_store %arg7[%swap3A_3341, %swap3A_3342], %swap3A_3345 {strides = array<i32>} : memref<512x128xf32, #tpu.memory_space<vmem>>, vector<1x16xf32>,
      %get3A_3346 = arith.constant 96 : i32
      %get3A_3347 = arith.index_cast %get3A_3346 : i32 to index
      %get3A_3348 = arith.constant 48 : index
      %get3A_3349 = tpu.vector_load %arg6[%get3A_3347, %get3A_3348] {strides = array<i32>} : memref<128x128xf32, #tpu.memory_space<vmem>>, vector<1x16xf32>,
      %get3A_3350 = vector.shape_cast %get3A_3349 : vector<1x16xf32> to vector<16xf32>
      %get3A_3351 = arith.constant 97 : i32
      %get3A_3352 = arith.index_cast %get3A_3351 : i32 to index
      %get3A_3353 = arith.constant 48 : index
      %get3A_3354 = tpu.vector_load %arg6[%get3A_3352, %get3A_3353] {strides = array<i32>} : memref<128x128xf32, #tpu.memory_space<vmem>>, vector<1x16xf32>,
      %get3A_3355 = vector.shape_cast %get3A_3354 : vector<1x16xf32> to vector<16xf32>
      %max3A_3356 = arith.maximumf %get3A_3350, %get3A_3355 : vector<16xf32>
      %get3A_3357 = arith.constant 98 : i32
      %get3A_3358 = arith.index_cast %get3A_3357 : i32 to index
      %get3A_3359 = arith.constant 48 : index
      %get3A_3360 = tpu.vector_load %arg6[%get3A_3358, %get3A_3359] {strides = array<i32>} : memref<128x128xf32, #tpu.memory_space<vmem>>, vector<1x16xf32>,
      %get3A_3361 = vector.shape_cast %get3A_3360 : vector<1x16xf32> to vector<16xf32>
      %max3A_3362 = arith.maximumf %max3A_3356, %get3A_3361 : vector<16xf32>
      %get3A_3363 = arith.constant 99 : i32
      %get3A_3364 = arith.index_cast %get3A_3363 : i32 to index
      %get3A_3365 = arith.constant 48 : index
      %get3A_3366 = tpu.vector_load %arg6[%get3A_3364, %get3A_3365] {strides = array<i32>} : memref<128x128xf32, #tpu.memory_space<vmem>>, vector<1x16xf32>,
      %get3A_3367 = vector.shape_cast %get3A_3366 : vector<1x16xf32> to vector<16xf32>
      %max3A_3368 = arith.maximumf %max3A_3362, %get3A_3367 : vector<16xf32>
      %get3A_3369 = arith.constant 100 : i32
      %get3A_3370 = arith.index_cast %get3A_3369 : i32 to index
      %get3A_3371 = arith.constant 48 : index
      %get3A_3372 = tpu.vector_load %arg6[%get3A_3370, %get3A_3371] {strides = array<i32>} : memref<128x128xf32, #tpu.memory_space<vmem>>, vector<1x16xf32>,
      %get3A_3373 = vector.shape_cast %get3A_3372 : vector<1x16xf32> to vector<16xf32>
      %max3A_3374 = arith.maximumf %max3A_3368, %get3A_3373 : vector<16xf32>
      %get3A_3375 = arith.constant 101 : i32
      %get3A_3376 = arith.index_cast %get3A_3375 : i32 to index
      %get3A_3377 = arith.constant 48 : index
      %get3A_3378 = tpu.vector_load %arg6[%get3A_3376, %get3A_3377] {strides = array<i32>} : memref<128x128xf32, #tpu.memory_space<vmem>>, vector<1x16xf32>,
      %get3A_3379 = vector.shape_cast %get3A_3378 : vector<1x16xf32> to vector<16xf32>
      %max3A_3380 = arith.maximumf %max3A_3374, %get3A_3379 : vector<16xf32>
      %get3A_3381 = arith.constant 102 : i32
      %get3A_3382 = arith.index_cast %get3A_3381 : i32 to index
      %get3A_3383 = arith.constant 48 : index
      %get3A_3384 = tpu.vector_load %arg6[%get3A_3382, %get3A_3383] {strides = array<i32>} : memref<128x128xf32, #tpu.memory_space<vmem>>, vector<1x16xf32>,
      %get3A_3385 = vector.shape_cast %get3A_3384 : vector<1x16xf32> to vector<16xf32>
      %max3A_3386 = arith.maximumf %max3A_3380, %get3A_3385 : vector<16xf32>
      %get3A_3387 = arith.constant 103 : i32
      %get3A_3388 = arith.index_cast %get3A_3387 : i32 to index
      %get3A_3389 = arith.constant 48 : index
      %get3A_3390 = tpu.vector_load %arg6[%get3A_3388, %get3A_3389] {strides = array<i32>} : memref<128x128xf32, #tpu.memory_space<vmem>>, vector<1x16xf32>,
      %get3A_3391 = vector.shape_cast %get3A_3390 : vector<1x16xf32> to vector<16xf32>
      %max3A_3392 = arith.maximumf %max3A_3386, %get3A_3391 : vector<16xf32>
      %get3A_3393 = arith.constant 104 : i32
      %get3A_3394 = arith.index_cast %get3A_3393 : i32 to index
      %get3A_3395 = arith.constant 48 : index
      %get3A_3396 = tpu.vector_load %arg6[%get3A_3394, %get3A_3395] {strides = array<i32>} : memref<128x128xf32, #tpu.memory_space<vmem>>, vector<1x16xf32>,
      %get3A_3397 = vector.shape_cast %get3A_3396 : vector<1x16xf32> to vector<16xf32>
      %max3A_3398 = arith.maximumf %max3A_3392, %get3A_3397 : vector<16xf32>
      %get3A_3399 = arith.constant 105 : i32
      %get3A_3400 = arith.index_cast %get3A_3399 : i32 to index
      %get3A_3401 = arith.constant 48 : index
      %get3A_3402 = tpu.vector_load %arg6[%get3A_3400, %get3A_3401] {strides = array<i32>} : memref<128x128xf32, #tpu.memory_space<vmem>>, vector<1x16xf32>,
      %get3A_3403 = vector.shape_cast %get3A_3402 : vector<1x16xf32> to vector<16xf32>
      %max3A_3404 = arith.maximumf %max3A_3398, %get3A_3403 : vector<16xf32>
      %get3A_3405 = arith.constant 106 : i32
      %get3A_3406 = arith.index_cast %get3A_3405 : i32 to index
      %get3A_3407 = arith.constant 48 : index
      %get3A_3408 = tpu.vector_load %arg6[%get3A_3406, %get3A_3407] {strides = array<i32>} : memref<128x128xf32, #tpu.memory_space<vmem>>, vector<1x16xf32>,
      %get3A_3409 = vector.shape_cast %get3A_3408 : vector<1x16xf32> to vector<16xf32>
      %max3A_3410 = arith.maximumf %max3A_3404, %get3A_3409 : vector<16xf32>
      %get3A_3411 = arith.constant 107 : i32
      %get3A_3412 = arith.index_cast %get3A_3411 : i32 to index
      %get3A_3413 = arith.constant 48 : index
      %get3A_3414 = tpu.vector_load %arg6[%get3A_3412, %get3A_3413] {strides = array<i32>} : memref<128x128xf32, #tpu.memory_space<vmem>>, vector<1x16xf32>,
      %get3A_3415 = vector.shape_cast %get3A_3414 : vector<1x16xf32> to vector<16xf32>
      %max3A_3416 = arith.maximumf %max3A_3410, %get3A_3415 : vector<16xf32>
      %get3A_3417 = arith.constant 108 : i32
      %get3A_3418 = arith.index_cast %get3A_3417 : i32 to index
      %get3A_3419 = arith.constant 48 : index
      %get3A_3420 = tpu.vector_load %arg6[%get3A_3418, %get3A_3419] {strides = array<i32>} : memref<128x128xf32, #tpu.memory_space<vmem>>, vector<1x16xf32>,
      %get3A_3421 = vector.shape_cast %get3A_3420 : vector<1x16xf32> to vector<16xf32>
      %max3A_3422 = arith.maximumf %max3A_3416, %get3A_3421 : vector<16xf32>
      %get3A_3423 = arith.constant 109 : i32
      %get3A_3424 = arith.index_cast %get3A_3423 : i32 to index
      %get3A_3425 = arith.constant 48 : index
      %get3A_3426 = tpu.vector_load %arg6[%get3A_3424, %get3A_3425] {strides = array<i32>} : memref<128x128xf32, #tpu.memory_space<vmem>>, vector<1x16xf32>,
      %get3A_3427 = vector.shape_cast %get3A_3426 : vector<1x16xf32> to vector<16xf32>
      %max3A_3428 = arith.maximumf %max3A_3422, %get3A_3427 : vector<16xf32>
      %get3A_3429 = arith.constant 110 : i32
      %get3A_3430 = arith.index_cast %get3A_3429 : i32 to index
      %get3A_3431 = arith.constant 48 : index
      %get3A_3432 = tpu.vector_load %arg6[%get3A_3430, %get3A_3431] {strides = array<i32>} : memref<128x128xf32, #tpu.memory_space<vmem>>, vector<1x16xf32>,
      %get3A_3433 = vector.shape_cast %get3A_3432 : vector<1x16xf32> to vector<16xf32>
      %max3A_3434 = arith.maximumf %max3A_3428, %get3A_3433 : vector<16xf32>
      %get3A_3435 = arith.constant 111 : i32
      %get3A_3436 = arith.index_cast %get3A_3435 : i32 to index
      %get3A_3437 = arith.constant 48 : index
      %get3A_3438 = tpu.vector_load %arg6[%get3A_3436, %get3A_3437] {strides = array<i32>} : memref<128x128xf32, #tpu.memory_space<vmem>>, vector<1x16xf32>,
      %get3A_3439 = vector.shape_cast %get3A_3438 : vector<1x16xf32> to vector<16xf32>
      %max3A_3440 = arith.maximumf %max3A_3434, %get3A_3439 : vector<16xf32>
      %swap3A_3441 = arith.index_cast %add3A_3045 : i32 to index
      %swap3A_3442 = arith.constant 48 : index
      %swap3A_3443 = tpu.vector_load %arg7[%swap3A_3441, %swap3A_3442] {strides = array<i32>} : memref<512x128xf32, #tpu.memory_space<vmem>>, vector<1x16xf32>,
      %swap3A_3444 = vector.shape_cast %swap3A_3443 : vector<1x16xf32> to vector<16xf32>
      %swap3A_3445 = vector.shape_cast %max3A_3440 : vector<16xf32> to vector<1x16xf32>
      tpu.vector_store %arg7[%swap3A_3441, %swap3A_3442], %swap3A_3445 {strides = array<i32>} : memref<512x128xf32, #tpu.memory_space<vmem>>, vector<1x16xf32>,
      %get3A_3446 = arith.constant 96 : i32
      %get3A_3447 = arith.index_cast %get3A_3446 : i32 to index
      %get3A_3448 = arith.constant 64 : index
      %get3A_3449 = tpu.vector_load %arg6[%get3A_3447, %get3A_3448] {strides = array<i32>} : memref<128x128xf32, #tpu.memory_space<vmem>>, vector<1x16xf32>,
      %get3A_3450 = vector.shape_cast %get3A_3449 : vector<1x16xf32> to vector<16xf32>
      %get3A_3451 = arith.constant 97 : i32
      %get3A_3452 = arith.index_cast %get3A_3451 : i32 to index
      %get3A_3453 = arith.constant 64 : index
      %get3A_3454 = tpu.vector_load %arg6[%get3A_3452, %get3A_3453] {strides = array<i32>} : memref<128x128xf32, #tpu.memory_space<vmem>>, vector<1x16xf32>,
      %get3A_3455 = vector.shape_cast %get3A_3454 : vector<1x16xf32> to vector<16xf32>
      %max3A_3456 = arith.maximumf %get3A_3450, %get3A_3455 : vector<16xf32>
      %get3A_3457 = arith.constant 98 : i32
      %get3A_3458 = arith.index_cast %get3A_3457 : i32 to index
      %get3A_3459 = arith.constant 64 : index
      %get3A_3460 = tpu.vector_load %arg6[%get3A_3458, %get3A_3459] {strides = array<i32>} : memref<128x128xf32, #tpu.memory_space<vmem>>, vector<1x16xf32>,
      %get3A_3461 = vector.shape_cast %get3A_3460 : vector<1x16xf32> to vector<16xf32>
      %max3A_3462 = arith.maximumf %max3A_3456, %get3A_3461 : vector<16xf32>
      %get3A_3463 = arith.constant 99 : i32
      %get3A_3464 = arith.index_cast %get3A_3463 : i32 to index
      %get3A_3465 = arith.constant 64 : index
      %get3A_3466 = tpu.vector_load %arg6[%get3A_3464, %get3A_3465] {strides = array<i32>} : memref<128x128xf32, #tpu.memory_space<vmem>>, vector<1x16xf32>,
      %get3A_3467 = vector.shape_cast %get3A_3466 : vector<1x16xf32> to vector<16xf32>
      %max3A_3468 = arith.maximumf %max3A_3462, %get3A_3467 : vector<16xf32>
      %get3A_3469 = arith.constant 100 : i32
      %get3A_3470 = arith.index_cast %get3A_3469 : i32 to index
      %get3A_3471 = arith.constant 64 : index
      %get3A_3472 = tpu.vector_load %arg6[%get3A_3470, %get3A_3471] {strides = array<i32>} : memref<128x128xf32, #tpu.memory_space<vmem>>, vector<1x16xf32>,
      %get3A_3473 = vector.shape_cast %get3A_3472 : vector<1x16xf32> to vector<16xf32>
      %max3A_3474 = arith.maximumf %max3A_3468, %get3A_3473 : vector<16xf32>
      %get3A_3475 = arith.constant 101 : i32
      %get3A_3476 = arith.index_cast %get3A_3475 : i32 to index
      %get3A_3477 = arith.constant 64 : index
      %get3A_3478 = tpu.vector_load %arg6[%get3A_3476, %get3A_3477] {strides = array<i32>} : memref<128x128xf32, #tpu.memory_space<vmem>>, vector<1x16xf32>,
      %get3A_3479 = vector.shape_cast %get3A_3478 : vector<1x16xf32> to vector<16xf32>
      %max3A_3480 = arith.maximumf %max3A_3474, %get3A_3479 : vector<16xf32>
      %get3A_3481 = arith.constant 102 : i32
      %get3A_3482 = arith.index_cast %get3A_3481 : i32 to index
      %get3A_3483 = arith.constant 64 : index
      %get3A_3484 = tpu.vector_load %arg6[%get3A_3482, %get3A_3483] {strides = array<i32>} : memref<128x128xf32, #tpu.memory_space<vmem>>, vector<1x16xf32>,
      %get3A_3485 = vector.shape_cast %get3A_3484 : vector<1x16xf32> to vector<16xf32>
      %max3A_3486 = arith.maximumf %max3A_3480, %get3A_3485 : vector<16xf32>
      %get3A_3487 = arith.constant 103 : i32
      %get3A_3488 = arith.index_cast %get3A_3487 : i32 to index
      %get3A_3489 = arith.constant 64 : index
      %get3A_3490 = tpu.vector_load %arg6[%get3A_3488, %get3A_3489] {strides = array<i32>} : memref<128x128xf32, #tpu.memory_space<vmem>>, vector<1x16xf32>,
      %get3A_3491 = vector.shape_cast %get3A_3490 : vector<1x16xf32> to vector<16xf32>
      %max3A_3492 = arith.maximumf %max3A_3486, %get3A_3491 : vector<16xf32>
      %get3A_3493 = arith.constant 104 : i32
      %get3A_3494 = arith.index_cast %get3A_3493 : i32 to index
      %get3A_3495 = arith.constant 64 : index
      %get3A_3496 = tpu.vector_load %arg6[%get3A_3494, %get3A_3495] {strides = array<i32>} : memref<128x128xf32, #tpu.memory_space<vmem>>, vector<1x16xf32>,
      %get3A_3497 = vector.shape_cast %get3A_3496 : vector<1x16xf32> to vector<16xf32>
      %max3A_3498 = arith.maximumf %max3A_3492, %get3A_3497 : vector<16xf32>
      %get3A_3499 = arith.constant 105 : i32
      %get3A_3500 = arith.index_cast %get3A_3499 : i32 to index
      %get3A_3501 = arith.constant 64 : index
      %get3A_3502 = tpu.vector_load %arg6[%get3A_3500, %get3A_3501] {strides = array<i32>} : memref<128x128xf32, #tpu.memory_space<vmem>>, vector<1x16xf32>,
      %get3A_3503 = vector.shape_cast %get3A_3502 : vector<1x16xf32> to vector<16xf32>
      %max3A_3504 = arith.maximumf %max3A_3498, %get3A_3503 : vector<16xf32>
      %get3A_3505 = arith.constant 106 : i32
      %get3A_3506 = arith.index_cast %get3A_3505 : i32 to index
      %get3A_3507 = arith.constant 64 : index
      %get3A_3508 = tpu.vector_load %arg6[%get3A_3506, %get3A_3507] {strides = array<i32>} : memref<128x128xf32, #tpu.memory_space<vmem>>, vector<1x16xf32>,
      %get3A_3509 = vector.shape_cast %get3A_3508 : vector<1x16xf32> to vector<16xf32>
      %max3A_3510 = arith.maximumf %max3A_3504, %get3A_3509 : vector<16xf32>
      %get3A_3511 = arith.constant 107 : i32
      %get3A_3512 = arith.index_cast %get3A_3511 : i32 to index
      %get3A_3513 = arith.constant 64 : index
      %get3A_3514 = tpu.vector_load %arg6[%get3A_3512, %get3A_3513] {strides = array<i32>} : memref<128x128xf32, #tpu.memory_space<vmem>>, vector<1x16xf32>,
      %get3A_3515 = vector.shape_cast %get3A_3514 : vector<1x16xf32> to vector<16xf32>
      %max3A_3516 = arith.maximumf %max3A_3510, %get3A_3515 : vector<16xf32>
      %get3A_3517 = arith.constant 108 : i32
      %get3A_3518 = arith.index_cast %get3A_3517 : i32 to index
      %get3A_3519 = arith.constant 64 : index
      %get3A_3520 = tpu.vector_load %arg6[%get3A_3518, %get3A_3519] {strides = array<i32>} : memref<128x128xf32, #tpu.memory_space<vmem>>, vector<1x16xf32>,
      %get3A_3521 = vector.shape_cast %get3A_3520 : vector<1x16xf32> to vector<16xf32>
      %max3A_3522 = arith.maximumf %max3A_3516, %get3A_3521 : vector<16xf32>
      %get3A_3523 = arith.constant 109 : i32
      %get3A_3524 = arith.index_cast %get3A_3523 : i32 to index
      %get3A_3525 = arith.constant 64 : index
      %get3A_3526 = tpu.vector_load %arg6[%get3A_3524, %get3A_3525] {strides = array<i32>} : memref<128x128xf32, #tpu.memory_space<vmem>>, vector<1x16xf32>,
      %get3A_3527 = vector.shape_cast %get3A_3526 : vector<1x16xf32> to vector<16xf32>
      %max3A_3528 = arith.maximumf %max3A_3522, %get3A_3527 : vector<16xf32>
      %get3A_3529 = arith.constant 110 : i32
      %get3A_3530 = arith.index_cast %get3A_3529 : i32 to index
      %get3A_3531 = arith.constant 64 : index
      %get3A_3532 = tpu.vector_load %arg6[%get3A_3530, %get3A_3531] {strides = array<i32>} : memref<128x128xf32, #tpu.memory_space<vmem>>, vector<1x16xf32>,
      %get3A_3533 = vector.shape_cast %get3A_3532 : vector<1x16xf32> to vector<16xf32>
      %max3A_3534 = arith.maximumf %max3A_3528, %get3A_3533 : vector<16xf32>
      %get3A_3535 = arith.constant 111 : i32
      %get3A_3536 = arith.index_cast %get3A_3535 : i32 to index
      %get3A_3537 = arith.constant 64 : index
      %get3A_3538 = tpu.vector_load %arg6[%get3A_3536, %get3A_3537] {strides = array<i32>} : memref<128x128xf32, #tpu.memory_space<vmem>>, vector<1x16xf32>,
      %get3A_3539 = vector.shape_cast %get3A_3538 : vector<1x16xf32> to vector<16xf32>
      %max3A_3540 = arith.maximumf %max3A_3534, %get3A_3539 : vector<16xf32>
      %swap3A_3541 = arith.index_cast %add3A_3045 : i32 to index
      %swap3A_3542 = arith.constant 64 : index
      %swap3A_3543 = tpu.vector_load %arg7[%swap3A_3541, %swap3A_3542] {strides = array<i32>} : memref<512x128xf32, #tpu.memory_space<vmem>>, vector<1x16xf32>,
      %swap3A_3544 = vector.shape_cast %swap3A_3543 : vector<1x16xf32> to vector<16xf32>
      %swap3A_3545 = vector.shape_cast %max3A_3540 : vector<16xf32> to vector<1x16xf32>
      tpu.vector_store %arg7[%swap3A_3541, %swap3A_3542], %swap3A_3545 {strides = array<i32>} : memref<512x128xf32, #tpu.memory_space<vmem>>, vector<1x16xf32>,
      %mul3A_3546 = arith.constant 8 : i32
      %mul3A_3547 = arith.muli %scan3A_10, %mul3A_3546 : i32
      %add3A_3548 = arith.constant 7 : i32
      %add3A_3549 = arith.addi %mul3A_3547, %add3A_3548 : i32
      %get3A_3550 = arith.constant 112 : i32
      %get3A_3551 = arith.index_cast %get3A_3550 : i32 to index
      %get3A_3552 = arith.constant 0 : index
      %get3A_3553 = tpu.vector_load %arg6[%get3A_3551, %get3A_3552] {strides = array<i32>} : memref<128x128xf32, #tpu.memory_space<vmem>>, vector<1x16xf32>,
      %get3A_3554 = vector.shape_cast %get3A_3553 : vector<1x16xf32> to vector<16xf32>
      %get3A_3555 = arith.constant 113 : i32
      %get3A_3556 = arith.index_cast %get3A_3555 : i32 to index
      %get3A_3557 = arith.constant 0 : index
      %get3A_3558 = tpu.vector_load %arg6[%get3A_3556, %get3A_3557] {strides = array<i32>} : memref<128x128xf32, #tpu.memory_space<vmem>>, vector<1x16xf32>,
      %get3A_3559 = vector.shape_cast %get3A_3558 : vector<1x16xf32> to vector<16xf32>
      %max3A_3560 = arith.maximumf %get3A_3554, %get3A_3559 : vector<16xf32>
      %get3A_3561 = arith.constant 114 : i32
      %get3A_3562 = arith.index_cast %get3A_3561 : i32 to index
      %get3A_3563 = arith.constant 0 : index
      %get3A_3564 = tpu.vector_load %arg6[%get3A_3562, %get3A_3563] {strides = array<i32>} : memref<128x128xf32, #tpu.memory_space<vmem>>, vector<1x16xf32>,
      %get3A_3565 = vector.shape_cast %get3A_3564 : vector<1x16xf32> to vector<16xf32>
      %max3A_3566 = arith.maximumf %max3A_3560, %get3A_3565 : vector<16xf32>
      %get3A_3567 = arith.constant 115 : i32
      %get3A_3568 = arith.index_cast %get3A_3567 : i32 to index
      %get3A_3569 = arith.constant 0 : index
      %get3A_3570 = tpu.vector_load %arg6[%get3A_3568, %get3A_3569] {strides = array<i32>} : memref<128x128xf32, #tpu.memory_space<vmem>>, vector<1x16xf32>,
      %get3A_3571 = vector.shape_cast %get3A_3570 : vector<1x16xf32> to vector<16xf32>
      %max3A_3572 = arith.maximumf %max3A_3566, %get3A_3571 : vector<16xf32>
      %get3A_3573 = arith.constant 116 : i32
      %get3A_3574 = arith.index_cast %get3A_3573 : i32 to index
      %get3A_3575 = arith.constant 0 : index
      %get3A_3576 = tpu.vector_load %arg6[%get3A_3574, %get3A_3575] {strides = array<i32>} : memref<128x128xf32, #tpu.memory_space<vmem>>, vector<1x16xf32>,
      %get3A_3577 = vector.shape_cast %get3A_3576 : vector<1x16xf32> to vector<16xf32>
      %max3A_3578 = arith.maximumf %max3A_3572, %get3A_3577 : vector<16xf32>
      %get3A_3579 = arith.constant 117 : i32
      %get3A_3580 = arith.index_cast %get3A_3579 : i32 to index
      %get3A_3581 = arith.constant 0 : index
      %get3A_3582 = tpu.vector_load %arg6[%get3A_3580, %get3A_3581] {strides = array<i32>} : memref<128x128xf32, #tpu.memory_space<vmem>>, vector<1x16xf32>,
      %get3A_3583 = vector.shape_cast %get3A_3582 : vector<1x16xf32> to vector<16xf32>
      %max3A_3584 = arith.maximumf %max3A_3578, %get3A_3583 : vector<16xf32>
      %get3A_3585 = arith.constant 118 : i32
      %get3A_3586 = arith.index_cast %get3A_3585 : i32 to index
      %get3A_3587 = arith.constant 0 : index
      %get3A_3588 = tpu.vector_load %arg6[%get3A_3586, %get3A_3587] {strides = array<i32>} : memref<128x128xf32, #tpu.memory_space<vmem>>, vector<1x16xf32>,
      %get3A_3589 = vector.shape_cast %get3A_3588 : vector<1x16xf32> to vector<16xf32>
      %max3A_3590 = arith.maximumf %max3A_3584, %get3A_3589 : vector<16xf32>
      %get3A_3591 = arith.constant 119 : i32
      %get3A_3592 = arith.index_cast %get3A_3591 : i32 to index
      %get3A_3593 = arith.constant 0 : index
      %get3A_3594 = tpu.vector_load %arg6[%get3A_3592, %get3A_3593] {strides = array<i32>} : memref<128x128xf32, #tpu.memory_space<vmem>>, vector<1x16xf32>,
      %get3A_3595 = vector.shape_cast %get3A_3594 : vector<1x16xf32> to vector<16xf32>
      %max3A_3596 = arith.maximumf %max3A_3590, %get3A_3595 : vector<16xf32>
      %get3A_3597 = arith.constant 120 : i32
      %get3A_3598 = arith.index_cast %get3A_3597 : i32 to index
      %get3A_3599 = arith.constant 0 : index
      %get3A_3600 = tpu.vector_load %arg6[%get3A_3598, %get3A_3599] {strides = array<i32>} : memref<128x128xf32, #tpu.memory_space<vmem>>, vector<1x16xf32>,
      %get3A_3601 = vector.shape_cast %get3A_3600 : vector<1x16xf32> to vector<16xf32>
      %max3A_3602 = arith.maximumf %max3A_3596, %get3A_3601 : vector<16xf32>
      %get3A_3603 = arith.constant 121 : i32
      %get3A_3604 = arith.index_cast %get3A_3603 : i32 to index
      %get3A_3605 = arith.constant 0 : index
      %get3A_3606 = tpu.vector_load %arg6[%get3A_3604, %get3A_3605] {strides = array<i32>} : memref<128x128xf32, #tpu.memory_space<vmem>>, vector<1x16xf32>,
      %get3A_3607 = vector.shape_cast %get3A_3606 : vector<1x16xf32> to vector<16xf32>
      %max3A_3608 = arith.maximumf %max3A_3602, %get3A_3607 : vector<16xf32>
      %get3A_3609 = arith.constant 122 : i32
      %get3A_3610 = arith.index_cast %get3A_3609 : i32 to index
      %get3A_3611 = arith.constant 0 : index
      %get3A_3612 = tpu.vector_load %arg6[%get3A_3610, %get3A_3611] {strides = array<i32>} : memref<128x128xf32, #tpu.memory_space<vmem>>, vector<1x16xf32>,
      %get3A_3613 = vector.shape_cast %get3A_3612 : vector<1x16xf32> to vector<16xf32>
      %max3A_3614 = arith.maximumf %max3A_3608, %get3A_3613 : vector<16xf32>
      %get3A_3615 = arith.constant 123 : i32
      %get3A_3616 = arith.index_cast %get3A_3615 : i32 to index
      %get3A_3617 = arith.constant 0 : index
      %get3A_3618 = tpu.vector_load %arg6[%get3A_3616, %get3A_3617] {strides = array<i32>} : memref<128x128xf32, #tpu.memory_space<vmem>>, vector<1x16xf32>,
      %get3A_3619 = vector.shape_cast %get3A_3618 : vector<1x16xf32> to vector<16xf32>
      %max3A_3620 = arith.maximumf %max3A_3614, %get3A_3619 : vector<16xf32>
      %get3A_3621 = arith.constant 124 : i32
      %get3A_3622 = arith.index_cast %get3A_3621 : i32 to index
      %get3A_3623 = arith.constant 0 : index
      %get3A_3624 = tpu.vector_load %arg6[%get3A_3622, %get3A_3623] {strides = array<i32>} : memref<128x128xf32, #tpu.memory_space<vmem>>, vector<1x16xf32>,
      %get3A_3625 = vector.shape_cast %get3A_3624 : vector<1x16xf32> to vector<16xf32>
      %max3A_3626 = arith.maximumf %max3A_3620, %get3A_3625 : vector<16xf32>
      %get3A_3627 = arith.constant 125 : i32
      %get3A_3628 = arith.index_cast %get3A_3627 : i32 to index
      %get3A_3629 = arith.constant 0 : index
      %get3A_3630 = tpu.vector_load %arg6[%get3A_3628, %get3A_3629] {strides = array<i32>} : memref<128x128xf32, #tpu.memory_space<vmem>>, vector<1x16xf32>,
      %get3A_3631 = vector.shape_cast %get3A_3630 : vector<1x16xf32> to vector<16xf32>
      %max3A_3632 = arith.maximumf %max3A_3626, %get3A_3631 : vector<16xf32>
      %get3A_3633 = arith.constant 126 : i32
      %get3A_3634 = arith.index_cast %get3A_3633 : i32 to index
      %get3A_3635 = arith.constant 0 : index
      %get3A_3636 = tpu.vector_load %arg6[%get3A_3634, %get3A_3635] {strides = array<i32>} : memref<128x128xf32, #tpu.memory_space<vmem>>, vector<1x16xf32>,
      %get3A_3637 = vector.shape_cast %get3A_3636 : vector<1x16xf32> to vector<16xf32>
      %max3A_3638 = arith.maximumf %max3A_3632, %get3A_3637 : vector<16xf32>
      %get3A_3639 = arith.constant 127 : i32
      %get3A_3640 = arith.index_cast %get3A_3639 : i32 to index
      %get3A_3641 = arith.constant 0 : index
      %get3A_3642 = tpu.vector_load %arg6[%get3A_3640, %get3A_3641] {strides = array<i32>} : memref<128x128xf32, #tpu.memory_space<vmem>>, vector<1x16xf32>,
      %get3A_3643 = vector.shape_cast %get3A_3642 : vector<1x16xf32> to vector<16xf32>
      %max3A_3644 = arith.maximumf %max3A_3638, %get3A_3643 : vector<16xf32>
      %swap3A_3645 = arith.index_cast %add3A_3549 : i32 to index
      %swap3A_3646 = arith.constant 0 : index
      %swap3A_3647 = tpu.vector_load %arg7[%swap3A_3645, %swap3A_3646] {strides = array<i32>} : memref<512x128xf32, #tpu.memory_space<vmem>>, vector<1x16xf32>,
      %swap3A_3648 = vector.shape_cast %swap3A_3647 : vector<1x16xf32> to vector<16xf32>
      %swap3A_3649 = vector.shape_cast %max3A_3644 : vector<16xf32> to vector<1x16xf32>
      tpu.vector_store %arg7[%swap3A_3645, %swap3A_3646], %swap3A_3649 {strides = array<i32>} : memref<512x128xf32, #tpu.memory_space<vmem>>, vector<1x16xf32>,
      %get3A_3650 = arith.constant 112 : i32
      %get3A_3651 = arith.index_cast %get3A_3650 : i32 to index
      %get3A_3652 = arith.constant 16 : index
      %get3A_3653 = tpu.vector_load %arg6[%get3A_3651, %get3A_3652] {strides = array<i32>} : memref<128x128xf32, #tpu.memory_space<vmem>>, vector<1x16xf32>,
      %get3A_3654 = vector.shape_cast %get3A_3653 : vector<1x16xf32> to vector<16xf32>
      %get3A_3655 = arith.constant 113 : i32
      %get3A_3656 = arith.index_cast %get3A_3655 : i32 to index
      %get3A_3657 = arith.constant 16 : index
      %get3A_3658 = tpu.vector_load %arg6[%get3A_3656, %get3A_3657] {strides = array<i32>} : memref<128x128xf32, #tpu.memory_space<vmem>>, vector<1x16xf32>,
      %get3A_3659 = vector.shape_cast %get3A_3658 : vector<1x16xf32> to vector<16xf32>
      %max3A_3660 = arith.maximumf %get3A_3654, %get3A_3659 : vector<16xf32>
      %get3A_3661 = arith.constant 114 : i32
      %get3A_3662 = arith.index_cast %get3A_3661 : i32 to index
      %get3A_3663 = arith.constant 16 : index
      %get3A_3664 = tpu.vector_load %arg6[%get3A_3662, %get3A_3663] {strides = array<i32>} : memref<128x128xf32, #tpu.memory_space<vmem>>, vector<1x16xf32>,
      %get3A_3665 = vector.shape_cast %get3A_3664 : vector<1x16xf32> to vector<16xf32>
      %max3A_3666 = arith.maximumf %max3A_3660, %get3A_3665 : vector<16xf32>
      %get3A_3667 = arith.constant 115 : i32
      %get3A_3668 = arith.index_cast %get3A_3667 : i32 to index
      %get3A_3669 = arith.constant 16 : index
      %get3A_3670 = tpu.vector_load %arg6[%get3A_3668, %get3A_3669] {strides = array<i32>} : memref<128x128xf32, #tpu.memory_space<vmem>>, vector<1x16xf32>,
      %get3A_3671 = vector.shape_cast %get3A_3670 : vector<1x16xf32> to vector<16xf32>
      %max3A_3672 = arith.maximumf %max3A_3666, %get3A_3671 : vector<16xf32>
      %get3A_3673 = arith.constant 116 : i32
      %get3A_3674 = arith.index_cast %get3A_3673 : i32 to index
      %get3A_3675 = arith.constant 16 : index
      %get3A_3676 = tpu.vector_load %arg6[%get3A_3674, %get3A_3675] {strides = array<i32>} : memref<128x128xf32, #tpu.memory_space<vmem>>, vector<1x16xf32>,
      %get3A_3677 = vector.shape_cast %get3A_3676 : vector<1x16xf32> to vector<16xf32>
      %max3A_3678 = arith.maximumf %max3A_3672, %get3A_3677 : vector<16xf32>
      %get3A_3679 = arith.constant 117 : i32
      %get3A_3680 = arith.index_cast %get3A_3679 : i32 to index
      %get3A_3681 = arith.constant 16 : index
      %get3A_3682 = tpu.vector_load %arg6[%get3A_3680, %get3A_3681] {strides = array<i32>} : memref<128x128xf32, #tpu.memory_space<vmem>>, vector<1x16xf32>,
      %get3A_3683 = vector.shape_cast %get3A_3682 : vector<1x16xf32> to vector<16xf32>
      %max3A_3684 = arith.maximumf %max3A_3678, %get3A_3683 : vector<16xf32>
      %get3A_3685 = arith.constant 118 : i32
      %get3A_3686 = arith.index_cast %get3A_3685 : i32 to index
      %get3A_3687 = arith.constant 16 : index
      %get3A_3688 = tpu.vector_load %arg6[%get3A_3686, %get3A_3687] {strides = array<i32>} : memref<128x128xf32, #tpu.memory_space<vmem>>, vector<1x16xf32>,
      %get3A_3689 = vector.shape_cast %get3A_3688 : vector<1x16xf32> to vector<16xf32>
      %max3A_3690 = arith.maximumf %max3A_3684, %get3A_3689 : vector<16xf32>
      %get3A_3691 = arith.constant 119 : i32
      %get3A_3692 = arith.index_cast %get3A_3691 : i32 to index
      %get3A_3693 = arith.constant 16 : index
      %get3A_3694 = tpu.vector_load %arg6[%get3A_3692, %get3A_3693] {strides = array<i32>} : memref<128x128xf32, #tpu.memory_space<vmem>>, vector<1x16xf32>,
      %get3A_3695 = vector.shape_cast %get3A_3694 : vector<1x16xf32> to vector<16xf32>
      %max3A_3696 = arith.maximumf %max3A_3690, %get3A_3695 : vector<16xf32>
      %get3A_3697 = arith.constant 120 : i32
      %get3A_3698 = arith.index_cast %get3A_3697 : i32 to index
      %get3A_3699 = arith.constant 16 : index
      %get3A_3700 = tpu.vector_load %arg6[%get3A_3698, %get3A_3699] {strides = array<i32>} : memref<128x128xf32, #tpu.memory_space<vmem>>, vector<1x16xf32>,
      %get3A_3701 = vector.shape_cast %get3A_3700 : vector<1x16xf32> to vector<16xf32>
      %max3A_3702 = arith.maximumf %max3A_3696, %get3A_3701 : vector<16xf32>
      %get3A_3703 = arith.constant 121 : i32
      %get3A_3704 = arith.index_cast %get3A_3703 : i32 to index
      %get3A_3705 = arith.constant 16 : index
      %get3A_3706 = tpu.vector_load %arg6[%get3A_3704, %get3A_3705] {strides = array<i32>} : memref<128x128xf32, #tpu.memory_space<vmem>>, vector<1x16xf32>,
      %get3A_3707 = vector.shape_cast %get3A_3706 : vector<1x16xf32> to vector<16xf32>
      %max3A_3708 = arith.maximumf %max3A_3702, %get3A_3707 : vector<16xf32>
      %get3A_3709 = arith.constant 122 : i32
      %get3A_3710 = arith.index_cast %get3A_3709 : i32 to index
      %get3A_3711 = arith.constant 16 : index
      %get3A_3712 = tpu.vector_load %arg6[%get3A_3710, %get3A_3711] {strides = array<i32>} : memref<128x128xf32, #tpu.memory_space<vmem>>, vector<1x16xf32>,
      %get3A_3713 = vector.shape_cast %get3A_3712 : vector<1x16xf32> to vector<16xf32>
      %max3A_3714 = arith.maximumf %max3A_3708, %get3A_3713 : vector<16xf32>
      %get3A_3715 = arith.constant 123 : i32
      %get3A_3716 = arith.index_cast %get3A_3715 : i32 to index
      %get3A_3717 = arith.constant 16 : index
      %get3A_3718 = tpu.vector_load %arg6[%get3A_3716, %get3A_3717] {strides = array<i32>} : memref<128x128xf32, #tpu.memory_space<vmem>>, vector<1x16xf32>,
      %get3A_3719 = vector.shape_cast %get3A_3718 : vector<1x16xf32> to vector<16xf32>
      %max3A_3720 = arith.maximumf %max3A_3714, %get3A_3719 : vector<16xf32>
      %get3A_3721 = arith.constant 124 : i32
      %get3A_3722 = arith.index_cast %get3A_3721 : i32 to index
      %get3A_3723 = arith.constant 16 : index
      %get3A_3724 = tpu.vector_load %arg6[%get3A_3722, %get3A_3723] {strides = array<i32>} : memref<128x128xf32, #tpu.memory_space<vmem>>, vector<1x16xf32>,
      %get3A_3725 = vector.shape_cast %get3A_3724 : vector<1x16xf32> to vector<16xf32>
      %max3A_3726 = arith.maximumf %max3A_3720, %get3A_3725 : vector<16xf32>
      %get3A_3727 = arith.constant 125 : i32
      %get3A_3728 = arith.index_cast %get3A_3727 : i32 to index
      %get3A_3729 = arith.constant 16 : index
      %get3A_3730 = tpu.vector_load %arg6[%get3A_3728, %get3A_3729] {strides = array<i32>} : memref<128x128xf32, #tpu.memory_space<vmem>>, vector<1x16xf32>,
      %get3A_3731 = vector.shape_cast %get3A_3730 : vector<1x16xf32> to vector<16xf32>
      %max3A_3732 = arith.maximumf %max3A_3726, %get3A_3731 : vector<16xf32>
      %get3A_3733 = arith.constant 126 : i32
      %get3A_3734 = arith.index_cast %get3A_3733 : i32 to index
      %get3A_3735 = arith.constant 16 : index
      %get3A_3736 = tpu.vector_load %arg6[%get3A_3734, %get3A_3735] {strides = array<i32>} : memref<128x128xf32, #tpu.memory_space<vmem>>, vector<1x16xf32>,
      %get3A_3737 = vector.shape_cast %get3A_3736 : vector<1x16xf32> to vector<16xf32>
      %max3A_3738 = arith.maximumf %max3A_3732, %get3A_3737 : vector<16xf32>
      %get3A_3739 = arith.constant 127 : i32
      %get3A_3740 = arith.index_cast %get3A_3739 : i32 to index
      %get3A_3741 = arith.constant 16 : index
      %get3A_3742 = tpu.vector_load %arg6[%get3A_3740, %get3A_3741] {strides = array<i32>} : memref<128x128xf32, #tpu.memory_space<vmem>>, vector<1x16xf32>,
      %get3A_3743 = vector.shape_cast %get3A_3742 : vector<1x16xf32> to vector<16xf32>
      %max3A_3744 = arith.maximumf %max3A_3738, %get3A_3743 : vector<16xf32>
      %swap3A_3745 = arith.index_cast %add3A_3549 : i32 to index
      %swap3A_3746 = arith.constant 16 : index
      %swap3A_3747 = tpu.vector_load %arg7[%swap3A_3745, %swap3A_3746] {strides = array<i32>} : memref<512x128xf32, #tpu.memory_space<vmem>>, vector<1x16xf32>,
      %swap3A_3748 = vector.shape_cast %swap3A_3747 : vector<1x16xf32> to vector<16xf32>
      %swap3A_3749 = vector.shape_cast %max3A_3744 : vector<16xf32> to vector<1x16xf32>
      tpu.vector_store %arg7[%swap3A_3745, %swap3A_3746], %swap3A_3749 {strides = array<i32>} : memref<512x128xf32, #tpu.memory_space<vmem>>, vector<1x16xf32>,
      %get3A_3750 = arith.constant 112 : i32
      %get3A_3751 = arith.index_cast %get3A_3750 : i32 to index
      %get3A_3752 = arith.constant 32 : index
      %get3A_3753 = tpu.vector_load %arg6[%get3A_3751, %get3A_3752] {strides = array<i32>} : memref<128x128xf32, #tpu.memory_space<vmem>>, vector<1x16xf32>,
      %get3A_3754 = vector.shape_cast %get3A_3753 : vector<1x16xf32> to vector<16xf32>
      %get3A_3755 = arith.constant 113 : i32
      %get3A_3756 = arith.index_cast %get3A_3755 : i32 to index
      %get3A_3757 = arith.constant 32 : index
      %get3A_3758 = tpu.vector_load %arg6[%get3A_3756, %get3A_3757] {strides = array<i32>} : memref<128x128xf32, #tpu.memory_space<vmem>>, vector<1x16xf32>,
      %get3A_3759 = vector.shape_cast %get3A_3758 : vector<1x16xf32> to vector<16xf32>
      %max3A_3760 = arith.maximumf %get3A_3754, %get3A_3759 : vector<16xf32>
      %get3A_3761 = arith.constant 114 : i32
      %get3A_3762 = arith.index_cast %get3A_3761 : i32 to index
      %get3A_3763 = arith.constant 32 : index
      %get3A_3764 = tpu.vector_load %arg6[%get3A_3762, %get3A_3763] {strides = array<i32>} : memref<128x128xf32, #tpu.memory_space<vmem>>, vector<1x16xf32>,
      %get3A_3765 = vector.shape_cast %get3A_3764 : vector<1x16xf32> to vector<16xf32>
      %max3A_3766 = arith.maximumf %max3A_3760, %get3A_3765 : vector<16xf32>
      %get3A_3767 = arith.constant 115 : i32
      %get3A_3768 = arith.index_cast %get3A_3767 : i32 to index
      %get3A_3769 = arith.constant 32 : index
      %get3A_3770 = tpu.vector_load %arg6[%get3A_3768, %get3A_3769] {strides = array<i32>} : memref<128x128xf32, #tpu.memory_space<vmem>>, vector<1x16xf32>,
      %get3A_3771 = vector.shape_cast %get3A_3770 : vector<1x16xf32> to vector<16xf32>
      %max3A_3772 = arith.maximumf %max3A_3766, %get3A_3771 : vector<16xf32>
      %get3A_3773 = arith.constant 116 : i32
      %get3A_3774 = arith.index_cast %get3A_3773 : i32 to index
      %get3A_3775 = arith.constant 32 : index
      %get3A_3776 = tpu.vector_load %arg6[%get3A_3774, %get3A_3775] {strides = array<i32>} : memref<128x128xf32, #tpu.memory_space<vmem>>, vector<1x16xf32>,
      %get3A_3777 = vector.shape_cast %get3A_3776 : vector<1x16xf32> to vector<16xf32>
      %max3A_3778 = arith.maximumf %max3A_3772, %get3A_3777 : vector<16xf32>
      %get3A_3779 = arith.constant 117 : i32
      %get3A_3780 = arith.index_cast %get3A_3779 : i32 to index
      %get3A_3781 = arith.constant 32 : index
      %get3A_3782 = tpu.vector_load %arg6[%get3A_3780, %get3A_3781] {strides = array<i32>} : memref<128x128xf32, #tpu.memory_space<vmem>>, vector<1x16xf32>,
      %get3A_3783 = vector.shape_cast %get3A_3782 : vector<1x16xf32> to vector<16xf32>
      %max3A_3784 = arith.maximumf %max3A_3778, %get3A_3783 : vector<16xf32>
      %get3A_3785 = arith.constant 118 : i32
      %get3A_3786 = arith.index_cast %get3A_3785 : i32 to index
      %get3A_3787 = arith.constant 32 : index
      %get3A_3788 = tpu.vector_load %arg6[%get3A_3786, %get3A_3787] {strides = array<i32>} : memref<128x128xf32, #tpu.memory_space<vmem>>, vector<1x16xf32>,
      %get3A_3789 = vector.shape_cast %get3A_3788 : vector<1x16xf32> to vector<16xf32>
      %max3A_3790 = arith.maximumf %max3A_3784, %get3A_3789 : vector<16xf32>
      %get3A_3791 = arith.constant 119 : i32
      %get3A_3792 = arith.index_cast %get3A_3791 : i32 to index
      %get3A_3793 = arith.constant 32 : index
      %get3A_3794 = tpu.vector_load %arg6[%get3A_3792, %get3A_3793] {strides = array<i32>} : memref<128x128xf32, #tpu.memory_space<vmem>>, vector<1x16xf32>,
      %get3A_3795 = vector.shape_cast %get3A_3794 : vector<1x16xf32> to vector<16xf32>
      %max3A_3796 = arith.maximumf %max3A_3790, %get3A_3795 : vector<16xf32>
      %get3A_3797 = arith.constant 120 : i32
      %get3A_3798 = arith.index_cast %get3A_3797 : i32 to index
      %get3A_3799 = arith.constant 32 : index
      %get3A_3800 = tpu.vector_load %arg6[%get3A_3798, %get3A_3799] {strides = array<i32>} : memref<128x128xf32, #tpu.memory_space<vmem>>, vector<1x16xf32>,
      %get3A_3801 = vector.shape_cast %get3A_3800 : vector<1x16xf32> to vector<16xf32>
      %max3A_3802 = arith.maximumf %max3A_3796, %get3A_3801 : vector<16xf32>
      %get3A_3803 = arith.constant 121 : i32
      %get3A_3804 = arith.index_cast %get3A_3803 : i32 to index
      %get3A_3805 = arith.constant 32 : index
      %get3A_3806 = tpu.vector_load %arg6[%get3A_3804, %get3A_3805] {strides = array<i32>} : memref<128x128xf32, #tpu.memory_space<vmem>>, vector<1x16xf32>,
      %get3A_3807 = vector.shape_cast %get3A_3806 : vector<1x16xf32> to vector<16xf32>
      %max3A_3808 = arith.maximumf %max3A_3802, %get3A_3807 : vector<16xf32>
      %get3A_3809 = arith.constant 122 : i32
      %get3A_3810 = arith.index_cast %get3A_3809 : i32 to index
      %get3A_3811 = arith.constant 32 : index
      %get3A_3812 = tpu.vector_load %arg6[%get3A_3810, %get3A_3811] {strides = array<i32>} : memref<128x128xf32, #tpu.memory_space<vmem>>, vector<1x16xf32>,
      %get3A_3813 = vector.shape_cast %get3A_3812 : vector<1x16xf32> to vector<16xf32>
      %max3A_3814 = arith.maximumf %max3A_3808, %get3A_3813 : vector<16xf32>
      %get3A_3815 = arith.constant 123 : i32
      %get3A_3816 = arith.index_cast %get3A_3815 : i32 to index
      %get3A_3817 = arith.constant 32 : index
      %get3A_3818 = tpu.vector_load %arg6[%get3A_3816, %get3A_3817] {strides = array<i32>} : memref<128x128xf32, #tpu.memory_space<vmem>>, vector<1x16xf32>,
      %get3A_3819 = vector.shape_cast %get3A_3818 : vector<1x16xf32> to vector<16xf32>
      %max3A_3820 = arith.maximumf %max3A_3814, %get3A_3819 : vector<16xf32>
      %get3A_3821 = arith.constant 124 : i32
      %get3A_3822 = arith.index_cast %get3A_3821 : i32 to index
      %get3A_3823 = arith.constant 32 : index
      %get3A_3824 = tpu.vector_load %arg6[%get3A_3822, %get3A_3823] {strides = array<i32>} : memref<128x128xf32, #tpu.memory_space<vmem>>, vector<1x16xf32>,
      %get3A_3825 = vector.shape_cast %get3A_3824 : vector<1x16xf32> to vector<16xf32>
      %max3A_3826 = arith.maximumf %max3A_3820, %get3A_3825 : vector<16xf32>
      %get3A_3827 = arith.constant 125 : i32
      %get3A_3828 = arith.index_cast %get3A_3827 : i32 to index
      %get3A_3829 = arith.constant 32 : index
      %get3A_3830 = tpu.vector_load %arg6[%get3A_3828, %get3A_3829] {strides = array<i32>} : memref<128x128xf32, #tpu.memory_space<vmem>>, vector<1x16xf32>,
      %get3A_3831 = vector.shape_cast %get3A_3830 : vector<1x16xf32> to vector<16xf32>
      %max3A_3832 = arith.maximumf %max3A_3826, %get3A_3831 : vector<16xf32>
      %get3A_3833 = arith.constant 126 : i32
      %get3A_3834 = arith.index_cast %get3A_3833 : i32 to index
      %get3A_3835 = arith.constant 32 : index
      %get3A_3836 = tpu.vector_load %arg6[%get3A_3834, %get3A_3835] {strides = array<i32>} : memref<128x128xf32, #tpu.memory_space<vmem>>, vector<1x16xf32>,
      %get3A_3837 = vector.shape_cast %get3A_3836 : vector<1x16xf32> to vector<16xf32>
      %max3A_3838 = arith.maximumf %max3A_3832, %get3A_3837 : vector<16xf32>
      %get3A_3839 = arith.constant 127 : i32
      %get3A_3840 = arith.index_cast %get3A_3839 : i32 to index
      %get3A_3841 = arith.constant 32 : index
      %get3A_3842 = tpu.vector_load %arg6[%get3A_3840, %get3A_3841] {strides = array<i32>} : memref<128x128xf32, #tpu.memory_space<vmem>>, vector<1x16xf32>,
      %get3A_3843 = vector.shape_cast %get3A_3842 : vector<1x16xf32> to vector<16xf32>
      %max3A_3844 = arith.maximumf %max3A_3838, %get3A_3843 : vector<16xf32>
      %swap3A_3845 = arith.index_cast %add3A_3549 : i32 to index
      %swap3A_3846 = arith.constant 32 : index
      %swap3A_3847 = tpu.vector_load %arg7[%swap3A_3845, %swap3A_3846] {strides = array<i32>} : memref<512x128xf32, #tpu.memory_space<vmem>>, vector<1x16xf32>,
      %swap3A_3848 = vector.shape_cast %swap3A_3847 : vector<1x16xf32> to vector<16xf32>
      %swap3A_3849 = vector.shape_cast %max3A_3844 : vector<16xf32> to vector<1x16xf32>
      tpu.vector_store %arg7[%swap3A_3845, %swap3A_3846], %swap3A_3849 {strides = array<i32>} : memref<512x128xf32, #tpu.memory_space<vmem>>, vector<1x16xf32>,
      %get3A_3850 = arith.constant 112 : i32
      %get3A_3851 = arith.index_cast %get3A_3850 : i32 to index
      %get3A_3852 = arith.constant 48 : index
      %get3A_3853 = tpu.vector_load %arg6[%get3A_3851, %get3A_3852] {strides = array<i32>} : memref<128x128xf32, #tpu.memory_space<vmem>>, vector<1x16xf32>,
      %get3A_3854 = vector.shape_cast %get3A_3853 : vector<1x16xf32> to vector<16xf32>
      %get3A_3855 = arith.constant 113 : i32
      %get3A_3856 = arith.index_cast %get3A_3855 : i32 to index
      %get3A_3857 = arith.constant 48 : index
      %get3A_3858 = tpu.vector_load %arg6[%get3A_3856, %get3A_3857] {strides = array<i32>} : memref<128x128xf32, #tpu.memory_space<vmem>>, vector<1x16xf32>,
      %get3A_3859 = vector.shape_cast %get3A_3858 : vector<1x16xf32> to vector<16xf32>
      %max3A_3860 = arith.maximumf %get3A_3854, %get3A_3859 : vector<16xf32>
      %get3A_3861 = arith.constant 114 : i32
      %get3A_3862 = arith.index_cast %get3A_3861 : i32 to index
      %get3A_3863 = arith.constant 48 : index
      %get3A_3864 = tpu.vector_load %arg6[%get3A_3862, %get3A_3863] {strides = array<i32>} : memref<128x128xf32, #tpu.memory_space<vmem>>, vector<1x16xf32>,
      %get3A_3865 = vector.shape_cast %get3A_3864 : vector<1x16xf32> to vector<16xf32>
      %max3A_3866 = arith.maximumf %max3A_3860, %get3A_3865 : vector<16xf32>
      %get3A_3867 = arith.constant 115 : i32
      %get3A_3868 = arith.index_cast %get3A_3867 : i32 to index
      %get3A_3869 = arith.constant 48 : index
      %get3A_3870 = tpu.vector_load %arg6[%get3A_3868, %get3A_3869] {strides = array<i32>} : memref<128x128xf32, #tpu.memory_space<vmem>>, vector<1x16xf32>,
      %get3A_3871 = vector.shape_cast %get3A_3870 : vector<1x16xf32> to vector<16xf32>
      %max3A_3872 = arith.maximumf %max3A_3866, %get3A_3871 : vector<16xf32>
      %get3A_3873 = arith.constant 116 : i32
      %get3A_3874 = arith.index_cast %get3A_3873 : i32 to index
      %get3A_3875 = arith.constant 48 : index
      %get3A_3876 = tpu.vector_load %arg6[%get3A_3874, %get3A_3875] {strides = array<i32>} : memref<128x128xf32, #tpu.memory_space<vmem>>, vector<1x16xf32>,
      %get3A_3877 = vector.shape_cast %get3A_3876 : vector<1x16xf32> to vector<16xf32>
      %max3A_3878 = arith.maximumf %max3A_3872, %get3A_3877 : vector<16xf32>
      %get3A_3879 = arith.constant 117 : i32
      %get3A_3880 = arith.index_cast %get3A_3879 : i32 to index
      %get3A_3881 = arith.constant 48 : index
      %get3A_3882 = tpu.vector_load %arg6[%get3A_3880, %get3A_3881] {strides = array<i32>} : memref<128x128xf32, #tpu.memory_space<vmem>>, vector<1x16xf32>,
      %get3A_3883 = vector.shape_cast %get3A_3882 : vector<1x16xf32> to vector<16xf32>
      %max3A_3884 = arith.maximumf %max3A_3878, %get3A_3883 : vector<16xf32>
      %get3A_3885 = arith.constant 118 : i32
      %get3A_3886 = arith.index_cast %get3A_3885 : i32 to index
      %get3A_3887 = arith.constant 48 : index
      %get3A_3888 = tpu.vector_load %arg6[%get3A_3886, %get3A_3887] {strides = array<i32>} : memref<128x128xf32, #tpu.memory_space<vmem>>, vector<1x16xf32>,
      %get3A_3889 = vector.shape_cast %get3A_3888 : vector<1x16xf32> to vector<16xf32>
      %max3A_3890 = arith.maximumf %max3A_3884, %get3A_3889 : vector<16xf32>
      %get3A_3891 = arith.constant 119 : i32
      %get3A_3892 = arith.index_cast %get3A_3891 : i32 to index
      %get3A_3893 = arith.constant 48 : index
      %get3A_3894 = tpu.vector_load %arg6[%get3A_3892, %get3A_3893] {strides = array<i32>} : memref<128x128xf32, #tpu.memory_space<vmem>>, vector<1x16xf32>,
      %get3A_3895 = vector.shape_cast %get3A_3894 : vector<1x16xf32> to vector<16xf32>
      %max3A_3896 = arith.maximumf %max3A_3890, %get3A_3895 : vector<16xf32>
      %get3A_3897 = arith.constant 120 : i32
      %get3A_3898 = arith.index_cast %get3A_3897 : i32 to index
      %get3A_3899 = arith.constant 48 : index
      %get3A_3900 = tpu.vector_load %arg6[%get3A_3898, %get3A_3899] {strides = array<i32>} : memref<128x128xf32, #tpu.memory_space<vmem>>, vector<1x16xf32>,
      %get3A_3901 = vector.shape_cast %get3A_3900 : vector<1x16xf32> to vector<16xf32>
      %max3A_3902 = arith.maximumf %max3A_3896, %get3A_3901 : vector<16xf32>
      %get3A_3903 = arith.constant 121 : i32
      %get3A_3904 = arith.index_cast %get3A_3903 : i32 to index
      %get3A_3905 = arith.constant 48 : index
      %get3A_3906 = tpu.vector_load %arg6[%get3A_3904, %get3A_3905] {strides = array<i32>} : memref<128x128xf32, #tpu.memory_space<vmem>>, vector<1x16xf32>,
      %get3A_3907 = vector.shape_cast %get3A_3906 : vector<1x16xf32> to vector<16xf32>
      %max3A_3908 = arith.maximumf %max3A_3902, %get3A_3907 : vector<16xf32>
      %get3A_3909 = arith.constant 122 : i32
      %get3A_3910 = arith.index_cast %get3A_3909 : i32 to index
      %get3A_3911 = arith.constant 48 : index
      %get3A_3912 = tpu.vector_load %arg6[%get3A_3910, %get3A_3911] {strides = array<i32>} : memref<128x128xf32, #tpu.memory_space<vmem>>, vector<1x16xf32>,
      %get3A_3913 = vector.shape_cast %get3A_3912 : vector<1x16xf32> to vector<16xf32>
      %max3A_3914 = arith.maximumf %max3A_3908, %get3A_3913 : vector<16xf32>
      %get3A_3915 = arith.constant 123 : i32
      %get3A_3916 = arith.index_cast %get3A_3915 : i32 to index
      %get3A_3917 = arith.constant 48 : index
      %get3A_3918 = tpu.vector_load %arg6[%get3A_3916, %get3A_3917] {strides = array<i32>} : memref<128x128xf32, #tpu.memory_space<vmem>>, vector<1x16xf32>,
      %get3A_3919 = vector.shape_cast %get3A_3918 : vector<1x16xf32> to vector<16xf32>
      %max3A_3920 = arith.maximumf %max3A_3914, %get3A_3919 : vector<16xf32>
      %get3A_3921 = arith.constant 124 : i32
      %get3A_3922 = arith.index_cast %get3A_3921 : i32 to index
      %get3A_3923 = arith.constant 48 : index
      %get3A_3924 = tpu.vector_load %arg6[%get3A_3922, %get3A_3923] {strides = array<i32>} : memref<128x128xf32, #tpu.memory_space<vmem>>, vector<1x16xf32>,
      %get3A_3925 = vector.shape_cast %get3A_3924 : vector<1x16xf32> to vector<16xf32>
      %max3A_3926 = arith.maximumf %max3A_3920, %get3A_3925 : vector<16xf32>
      %get3A_3927 = arith.constant 125 : i32
      %get3A_3928 = arith.index_cast %get3A_3927 : i32 to index
      %get3A_3929 = arith.constant 48 : index
      %get3A_3930 = tpu.vector_load %arg6[%get3A_3928, %get3A_3929] {strides = array<i32>} : memref<128x128xf32, #tpu.memory_space<vmem>>, vector<1x16xf32>,
      %get3A_3931 = vector.shape_cast %get3A_3930 : vector<1x16xf32> to vector<16xf32>
      %max3A_3932 = arith.maximumf %max3A_3926, %get3A_3931 : vector<16xf32>
      %get3A_3933 = arith.constant 126 : i32
      %get3A_3934 = arith.index_cast %get3A_3933 : i32 to index
      %get3A_3935 = arith.constant 48 : index
      %get3A_3936 = tpu.vector_load %arg6[%get3A_3934, %get3A_3935] {strides = array<i32>} : memref<128x128xf32, #tpu.memory_space<vmem>>, vector<1x16xf32>,
      %get3A_3937 = vector.shape_cast %get3A_3936 : vector<1x16xf32> to vector<16xf32>
      %max3A_3938 = arith.maximumf %max3A_3932, %get3A_3937 : vector<16xf32>
      %get3A_3939 = arith.constant 127 : i32
      %get3A_3940 = arith.index_cast %get3A_3939 : i32 to index
      %get3A_3941 = arith.constant 48 : index
      %get3A_3942 = tpu.vector_load %arg6[%get3A_3940, %get3A_3941] {strides = array<i32>} : memref<128x128xf32, #tpu.memory_space<vmem>>, vector<1x16xf32>,
      %get3A_3943 = vector.shape_cast %get3A_3942 : vector<1x16xf32> to vector<16xf32>
      %max3A_3944 = arith.maximumf %max3A_3938, %get3A_3943 : vector<16xf32>
      %swap3A_3945 = arith.index_cast %add3A_3549 : i32 to index
      %swap3A_3946 = arith.constant 48 : index
      %swap3A_3947 = tpu.vector_load %arg7[%swap3A_3945, %swap3A_3946] {strides = array<i32>} : memref<512x128xf32, #tpu.memory_space<vmem>>, vector<1x16xf32>,
      %swap3A_3948 = vector.shape_cast %swap3A_3947 : vector<1x16xf32> to vector<16xf32>
      %swap3A_3949 = vector.shape_cast %max3A_3944 : vector<16xf32> to vector<1x16xf32>
      tpu.vector_store %arg7[%swap3A_3945, %swap3A_3946], %swap3A_3949 {strides = array<i32>} : memref<512x128xf32, #tpu.memory_space<vmem>>, vector<1x16xf32>,
      %get3A_3950 = arith.constant 112 : i32
      %get3A_3951 = arith.index_cast %get3A_3950 : i32 to index
      %get3A_3952 = arith.constant 64 : index
      %get3A_3953 = tpu.vector_load %arg6[%get3A_3951, %get3A_3952] {strides = array<i32>} : memref<128x128xf32, #tpu.memory_space<vmem>>, vector<1x16xf32>,
      %get3A_3954 = vector.shape_cast %get3A_3953 : vector<1x16xf32> to vector<16xf32>
      %get3A_3955 = arith.constant 113 : i32
      %get3A_3956 = arith.index_cast %get3A_3955 : i32 to index
      %get3A_3957 = arith.constant 64 : index
      %get3A_3958 = tpu.vector_load %arg6[%get3A_3956, %get3A_3957] {strides = array<i32>} : memref<128x128xf32, #tpu.memory_space<vmem>>, vector<1x16xf32>,
      %get3A_3959 = vector.shape_cast %get3A_3958 : vector<1x16xf32> to vector<16xf32>
      %max3A_3960 = arith.maximumf %get3A_3954, %get3A_3959 : vector<16xf32>
      %get3A_3961 = arith.constant 114 : i32
      %get3A_3962 = arith.index_cast %get3A_3961 : i32 to index
      %get3A_3963 = arith.constant 64 : index
      %get3A_3964 = tpu.vector_load %arg6[%get3A_3962, %get3A_3963] {strides = array<i32>} : memref<128x128xf32, #tpu.memory_space<vmem>>, vector<1x16xf32>,
      %get3A_3965 = vector.shape_cast %get3A_3964 : vector<1x16xf32> to vector<16xf32>
      %max3A_3966 = arith.maximumf %max3A_3960, %get3A_3965 : vector<16xf32>
      %get3A_3967 = arith.constant 115 : i32
      %get3A_3968 = arith.index_cast %get3A_3967 : i32 to index
      %get3A_3969 = arith.constant 64 : index
      %get3A_3970 = tpu.vector_load %arg6[%get3A_3968, %get3A_3969] {strides = array<i32>} : memref<128x128xf32, #tpu.memory_space<vmem>>, vector<1x16xf32>,
      %get3A_3971 = vector.shape_cast %get3A_3970 : vector<1x16xf32> to vector<16xf32>
      %max3A_3972 = arith.maximumf %max3A_3966, %get3A_3971 : vector<16xf32>
      %get3A_3973 = arith.constant 116 : i32
      %get3A_3974 = arith.index_cast %get3A_3973 : i32 to index
      %get3A_3975 = arith.constant 64 : index
      %get3A_3976 = tpu.vector_load %arg6[%get3A_3974, %get3A_3975] {strides = array<i32>} : memref<128x128xf32, #tpu.memory_space<vmem>>, vector<1x16xf32>,
      %get3A_3977 = vector.shape_cast %get3A_3976 : vector<1x16xf32> to vector<16xf32>
      %max3A_3978 = arith.maximumf %max3A_3972, %get3A_3977 : vector<16xf32>
      %get3A_3979 = arith.constant 117 : i32
      %get3A_3980 = arith.index_cast %get3A_3979 : i32 to index
      %get3A_3981 = arith.constant 64 : index
      %get3A_3982 = tpu.vector_load %arg6[%get3A_3980, %get3A_3981] {strides = array<i32>} : memref<128x128xf32, #tpu.memory_space<vmem>>, vector<1x16xf32>,
      %get3A_3983 = vector.shape_cast %get3A_3982 : vector<1x16xf32> to vector<16xf32>
      %max3A_3984 = arith.maximumf %max3A_3978, %get3A_3983 : vector<16xf32>
      %get3A_3985 = arith.constant 118 : i32
      %get3A_3986 = arith.index_cast %get3A_3985 : i32 to index
      %get3A_3987 = arith.constant 64 : index
      %get3A_3988 = tpu.vector_load %arg6[%get3A_3986, %get3A_3987] {strides = array<i32>} : memref<128x128xf32, #tpu.memory_space<vmem>>, vector<1x16xf32>,
      %get3A_3989 = vector.shape_cast %get3A_3988 : vector<1x16xf32> to vector<16xf32>
      %max3A_3990 = arith.maximumf %max3A_3984, %get3A_3989 : vector<16xf32>
      %get3A_3991 = arith.constant 119 : i32
      %get3A_3992 = arith.index_cast %get3A_3991 : i32 to index
      %get3A_3993 = arith.constant 64 : index
      %get3A_3994 = tpu.vector_load %arg6[%get3A_3992, %get3A_3993] {strides = array<i32>} : memref<128x128xf32, #tpu.memory_space<vmem>>, vector<1x16xf32>,
      %get3A_3995 = vector.shape_cast %get3A_3994 : vector<1x16xf32> to vector<16xf32>
      %max3A_3996 = arith.maximumf %max3A_3990, %get3A_3995 : vector<16xf32>
      %get3A_3997 = arith.constant 120 : i32
      %get3A_3998 = arith.index_cast %get3A_3997 : i32 to index
      %get3A_3999 = arith.constant 64 : index
      %get3A_4000 = tpu.vector_load %arg6[%get3A_3998, %get3A_3999] {strides = array<i32>} : memref<128x128xf32, #tpu.memory_space<vmem>>, vector<1x16xf32>,
      %get3A_4001 = vector.shape_cast %get3A_4000 : vector<1x16xf32> to vector<16xf32>
      %max3A_4002 = arith.maximumf %max3A_3996, %get3A_4001 : vector<16xf32>
      %get3A_4003 = arith.constant 121 : i32
      %get3A_4004 = arith.index_cast %get3A_4003 : i32 to index
      %get3A_4005 = arith.constant 64 : index
      %get3A_4006 = tpu.vector_load %arg6[%get3A_4004, %get3A_4005] {strides = array<i32>} : memref<128x128xf32, #tpu.memory_space<vmem>>, vector<1x16xf32>,
      %get3A_4007 = vector.shape_cast %get3A_4006 : vector<1x16xf32> to vector<16xf32>
      %max3A_4008 = arith.maximumf %max3A_4002, %get3A_4007 : vector<16xf32>
      %get3A_4009 = arith.constant 122 : i32
      %get3A_4010 = arith.index_cast %get3A_4009 : i32 to index
      %get3A_4011 = arith.constant 64 : index
      %get3A_4012 = tpu.vector_load %arg6[%get3A_4010, %get3A_4011] {strides = array<i32>} : memref<128x128xf32, #tpu.memory_space<vmem>>, vector<1x16xf32>,
      %get3A_4013 = vector.shape_cast %get3A_4012 : vector<1x16xf32> to vector<16xf32>
      %max3A_4014 = arith.maximumf %max3A_4008, %get3A_4013 : vector<16xf32>
      %get3A_4015 = arith.constant 123 : i32
      %get3A_4016 = arith.index_cast %get3A_4015 : i32 to index
      %get3A_4017 = arith.constant 64 : index
      %get3A_4018 = tpu.vector_load %arg6[%get3A_4016, %get3A_4017] {strides = array<i32>} : memref<128x128xf32, #tpu.memory_space<vmem>>, vector<1x16xf32>,
      %get3A_4019 = vector.shape_cast %get3A_4018 : vector<1x16xf32> to vector<16xf32>
      %max3A_4020 = arith.maximumf %max3A_4014, %get3A_4019 : vector<16xf32>
      %get3A_4021 = arith.constant 124 : i32
      %get3A_4022 = arith.index_cast %get3A_4021 : i32 to index
      %get3A_4023 = arith.constant 64 : index
      %get3A_4024 = tpu.vector_load %arg6[%get3A_4022, %get3A_4023] {strides = array<i32>} : memref<128x128xf32, #tpu.memory_space<vmem>>, vector<1x16xf32>,
      %get3A_4025 = vector.shape_cast %get3A_4024 : vector<1x16xf32> to vector<16xf32>
      %max3A_4026 = arith.maximumf %max3A_4020, %get3A_4025 : vector<16xf32>
      %get3A_4027 = arith.constant 125 : i32
      %get3A_4028 = arith.index_cast %get3A_4027 : i32 to index
      %get3A_4029 = arith.constant 64 : index
      %get3A_4030 = tpu.vector_load %arg6[%get3A_4028, %get3A_4029] {strides = array<i32>} : memref<128x128xf32, #tpu.memory_space<vmem>>, vector<1x16xf32>,
      %get3A_4031 = vector.shape_cast %get3A_4030 : vector<1x16xf32> to vector<16xf32>
      %max3A_4032 = arith.maximumf %max3A_4026, %get3A_4031 : vector<16xf32>
      %get3A_4033 = arith.constant 126 : i32
      %get3A_4034 = arith.index_cast %get3A_4033 : i32 to index
      %get3A_4035 = arith.constant 64 : index
      %get3A_4036 = tpu.vector_load %arg6[%get3A_4034, %get3A_4035] {strides = array<i32>} : memref<128x128xf32, #tpu.memory_space<vmem>>, vector<1x16xf32>,
      %get3A_4037 = vector.shape_cast %get3A_4036 : vector<1x16xf32> to vector<16xf32>
      %max3A_4038 = arith.maximumf %max3A_4032, %get3A_4037 : vector<16xf32>
      %get3A_4039 = arith.constant 127 : i32
      %get3A_4040 = arith.index_cast %get3A_4039 : i32 to index
      %get3A_4041 = arith.constant 64 : index
      %get3A_4042 = tpu.vector_load %arg6[%get3A_4040, %get3A_4041] {strides = array<i32>} : memref<128x128xf32, #tpu.memory_space<vmem>>, vector<1x16xf32>,
      %get3A_4043 = vector.shape_cast %get3A_4042 : vector<1x16xf32> to vector<16xf32>
      %max3A_4044 = arith.maximumf %max3A_4038, %get3A_4043 : vector<16xf32>
      %swap3A_4045 = arith.index_cast %add3A_3549 : i32 to index
      %swap3A_4046 = arith.constant 64 : index
      %swap3A_4047 = tpu.vector_load %arg7[%swap3A_4045, %swap3A_4046] {strides = array<i32>} : memref<512x128xf32, #tpu.memory_space<vmem>>, vector<1x16xf32>,
      %swap3A_4048 = vector.shape_cast %swap3A_4047 : vector<1x16xf32> to vector<16xf32>
      %swap3A_4049 = vector.shape_cast %max3A_4044 : vector<16xf32> to vector<1x16xf32>
      tpu.vector_store %arg7[%swap3A_4045, %swap3A_4046], %swap3A_4049 {strides = array<i32>} : memref<512x128xf32, #tpu.memory_space<vmem>>, vector<1x16xf32>,
    }
    %scan3A_9 = arith.constant 64 : i32
    "tpu.region"() ({
      %run_scoped3A = tpu.sem_alloc : memref<!tpu.dma_semaphore, #tpu.memory_space<semaphore_mem>>
      %dma_start3A = arith.constant 0 : i32
      %dma_start3A_10 = tpu.memref_slice %arg4[%mul3A_2, %dma_start3A] : memref<16384x128xf32, #tpu.memory_space<hbm>> -> memref<512x128xf32, #tpu.memory_space<hbm>>
      %dma_start3A_11 = arith.constant 0 : i32
      %dma_start3A_12 = tpu.memref_slice %arg4[%mul3A_2, %dma_start3A_11] : memref<16384x128xf32, #tpu.memory_space<hbm>> -> memref<512x128xf32, #tpu.memory_space<hbm>>
      tpu.enqueue_dma source(%arg7 : memref<512x128xf32, #tpu.memory_space<vmem>>) target(%dma_start3A_12 : memref<512x128xf32, #tpu.memory_space<hbm>>) target_semaphore(%run_scoped3A : memref<!tpu.dma_semaphore, #tpu.memory_space<semaphore_mem>>)
      %dma_wait3A = arith.constant 0 : i32
      %dma_wait3A_13 = tpu.memref_slice %arg4[%mul3A_2, %dma_wait3A] : memref<16384x128xf32, #tpu.memory_space<hbm>> -> memref<512x128xf32, #tpu.memory_space<hbm>>
      %dma_wait3A_14 = arith.constant 0 : i32
      %dma_wait3A_15 = tpu.memref_slice %arg4[%mul3A_2, %dma_wait3A_14] : memref<16384x128xf32, #tpu.memory_space<hbm>> -> memref<512x128xf32, #tpu.memory_space<hbm>>
      tpu.wait_dma2 semaphore(%run_scoped3A : memref<!tpu.dma_semaphore, #tpu.memory_space<semaphore_mem>>) src(%arg7 : memref<512x128xf32, #tpu.memory_space<vmem>>) dst(%dma_wait3A_15 : memref<512x128xf32, #tpu.memory_space<hbm>>)
      tpu.yield
    }) : () -> ()
    return
  }
}

module attributes {stable_mosaic.version = 14 : i64} {
  func.func @_fps_body(%arg0: memref<3x8x4096xf32, #tpu.memory_space<vmem>>, %arg1: memref<2048x8x3xf32, #tpu.memory_space<vmem>>) attributes {dimension_semantics = [], scalar_prefetch = 0 : i64, scratch_operands = 0 : i64, tpu.core_type = #tpu.core_type<tc>} {
    %get3A = arith.constant 0 : index
    %get3A_0 = arith.constant 0 : index
    %get3A_1 = arith.constant 0 : index
    %get3A_2 = vector.load %arg0[%get3A, %get3A_0, %get3A_1] : memref<3x8x4096xf32, #tpu.memory_space<vmem>>, vector<1x8x4096xf32>
    %get3A_3 = vector.shape_cast %get3A_2 : vector<1x8x4096xf32> to vector<8x4096xf32>
    %get3A_4 = arith.constant 1 : index
    %get3A_5 = arith.constant 0 : index
    %get3A_6 = arith.constant 0 : index
    %get3A_7 = vector.load %arg0[%get3A_4, %get3A_5, %get3A_6] : memref<3x8x4096xf32, #tpu.memory_space<vmem>>, vector<1x8x4096xf32>
    %get3A_8 = vector.shape_cast %get3A_7 : vector<1x8x4096xf32> to vector<8x4096xf32>
    %get3A_9 = arith.constant 2 : index
    %get3A_10 = arith.constant 0 : index
    %get3A_11 = arith.constant 0 : index
    %get3A_12 = vector.load %arg0[%get3A_9, %get3A_10, %get3A_11] : memref<3x8x4096xf32, #tpu.memory_space<vmem>>, vector<1x8x4096xf32>
    %get3A_13 = vector.shape_cast %get3A_12 : vector<1x8x4096xf32> to vector<8x4096xf32>
    %iota3A = tpu.iota {dimensions = array<i32: 1>} : vector<8x4096xi32>
    %convert_element_type3A = arith.sitofp %iota3A : vector<8x4096xi32> to vector<8x4096xf32>
    %broadcast_in_dim3A = arith.constant 1.000000e+10 : f32
    %broadcast_in_dim3A_14 = vector.broadcast %broadcast_in_dim3A : f32 to vector<8x4096xf32>
    %slice3A = vector.extract_strided_slice %get3A_3 {offsets = [0, 0], sizes = [8, 1], strides = [1, 1]} : vector<8x4096xf32> to vector<8x1xf32>
    %slice3A_15 = vector.extract_strided_slice %get3A_8 {offsets = [0, 0], sizes = [8, 1], strides = [1, 1]} : vector<8x4096xf32> to vector<8x1xf32>
    %slice3A_16 = vector.extract_strided_slice %get3A_13 {offsets = [0, 0], sizes = [8, 1], strides = [1, 1]} : vector<8x4096xf32> to vector<8x1xf32>
    %scan3A = arith.constant 0 : i32
    %scan3A_17 = arith.constant 2048 : i32
    %scan3A_18 = arith.addi %scan3A, %scan3A_17 : i32
    %scan3A_19 = arith.constant 1 : i32
    %scan3A_20:4 = scf.for %scan3A_22 = %scan3A to %scan3A_18 step %scan3A_19 iter_args(%scan3A_23 = %broadcast_in_dim3A_14, %scan3A_24 = %slice3A, %scan3A_25 = %slice3A_15, %scan3A_26 = %slice3A_16) -> (vector<8x4096xf32>, vector<8x1xf32>, vector<8x1xf32>, vector<8x1xf32>)  : i32 {
      %concatenate3A = tpu.concatenate %scan3A_24, %scan3A_25, %scan3A_26 in 1 : vector<8x1xf32>, vector<8x1xf32>, vector<8x1xf32> -> vector<8x3xf32>
      %broadcast_in_dim3A_27 = vector.shape_cast %concatenate3A : vector<8x3xf32> to vector<1x8x3xf32>
      %swap3A = arith.index_cast %scan3A_22 : i32 to index
      %swap3A_28 = arith.constant 0 : index
      %swap3A_29 = arith.constant 0 : index
      %swap3A_30 = vector.load %arg1[%swap3A, %swap3A_28, %swap3A_29] : memref<2048x8x3xf32, #tpu.memory_space<vmem>>, vector<1x8x3xf32>
      tpu.vector_store %arg1[%swap3A, %swap3A_28, %swap3A_29], %broadcast_in_dim3A_27 {strides = array<i32>} : memref<2048x8x3xf32, #tpu.memory_space<vmem>>, vector<1x8x3xf32>,
      %sub3A = vector.broadcast %scan3A_24 : vector<8x1xf32> to vector<8x4096xf32>
      %sub3A_31 = arith.subf %get3A_3, %sub3A : vector<8x4096xf32>
      %integer_pow3A = arith.mulf %sub3A_31, %sub3A_31 : vector<8x4096xf32>
      %sub3A_32 = vector.broadcast %scan3A_25 : vector<8x1xf32> to vector<8x4096xf32>
      %sub3A_33 = arith.subf %get3A_8, %sub3A_32 : vector<8x4096xf32>
      %integer_pow3A_34 = arith.mulf %sub3A_33, %sub3A_33 : vector<8x4096xf32>
      %add3A = arith.addf %integer_pow3A, %integer_pow3A_34 : vector<8x4096xf32>
      %sub3A_35 = vector.broadcast %scan3A_26 : vector<8x1xf32> to vector<8x4096xf32>
      %sub3A_36 = arith.subf %get3A_13, %sub3A_35 : vector<8x4096xf32>
      %integer_pow3A_37 = arith.mulf %sub3A_36, %sub3A_36 : vector<8x4096xf32>
      %add3A_38 = arith.addf %add3A, %integer_pow3A_37 : vector<8x4096xf32>
      %min3A = arith.minimumf %scan3A_23, %add3A_38 : vector<8x4096xf32>
      %reduce_max3A = arith.constant dense<0xFF800000> : vector<8xf32>
      %reduce_max3A_39 = vector.multi_reduction <maximumf>, %min3A, %reduce_max3A [1] : vector<8x4096xf32> to vector<8xf32>
      %broadcast_in_dim3A_40 = vector.shape_cast %reduce_max3A_39 : vector<8xf32> to vector<8x1xf32>
      %eq3A = vector.broadcast %broadcast_in_dim3A_40 : vector<8x1xf32> to vector<8x4096xf32>
      %eq3A_41 = arith.cmpf oeq, %min3A, %eq3A : vector<8x4096xf32>
      %jit3A = arith.constant 4.096000e+03 : f32
      %broadcast_in_dim3A_42 = vector.broadcast %jit3A : f32 to vector<8x4096xf32>
      %select_n3A = arith.select %eq3A_41, %convert_element_type3A, %broadcast_in_dim3A_42 : vector<8x4096xi1>, vector<8x4096xf32>
      %reduce_min3A = arith.constant dense<0x7F800000> : vector<8xf32>
      %reduce_min3A_43 = vector.multi_reduction <minimumf>, %select_n3A, %reduce_min3A [1] : vector<8x4096xf32> to vector<8xf32>
      %broadcast_in_dim3A_44 = vector.shape_cast %reduce_min3A_43 : vector<8xf32> to vector<8x1xf32>
      %eq3A_45 = vector.broadcast %broadcast_in_dim3A_44 : vector<8x1xf32> to vector<8x4096xf32>
      %eq3A_46 = arith.cmpf oeq, %convert_element_type3A, %eq3A_45 : vector<8x4096xf32>
      %jit3A_47 = arith.constant 0.000000e+00 : f32
      %broadcast_in_dim3A_48 = vector.broadcast %jit3A_47 : f32 to vector<8x4096xf32>
      %select_n3A_49 = arith.select %eq3A_46, %get3A_3, %broadcast_in_dim3A_48 : vector<8x4096xi1>, vector<8x4096xf32>
      %reduce_sum3A = arith.constant dense<0.000000e+00> : vector<8xf32>
      %reduce_sum3A_50 = vector.multi_reduction <add>, %select_n3A_49, %reduce_sum3A [1] : vector<8x4096xf32> to vector<8xf32>
      %broadcast_in_dim3A_51 = vector.shape_cast %reduce_sum3A_50 : vector<8xf32> to vector<8x1xf32>
      %jit3A_52 = arith.constant 0.000000e+00 : f32
      %broadcast_in_dim3A_53 = vector.broadcast %jit3A_52 : f32 to vector<8x4096xf32>
      %select_n3A_54 = arith.select %eq3A_46, %get3A_8, %broadcast_in_dim3A_53 : vector<8x4096xi1>, vector<8x4096xf32>
      %reduce_sum3A_55 = arith.constant dense<0.000000e+00> : vector<8xf32>
      %reduce_sum3A_56 = vector.multi_reduction <add>, %select_n3A_54, %reduce_sum3A_55 [1] : vector<8x4096xf32> to vector<8xf32>
      %broadcast_in_dim3A_57 = vector.shape_cast %reduce_sum3A_56 : vector<8xf32> to vector<8x1xf32>
      %jit3A_58 = arith.constant 0.000000e+00 : f32
      %broadcast_in_dim3A_59 = vector.broadcast %jit3A_58 : f32 to vector<8x4096xf32>
      %select_n3A_60 = arith.select %eq3A_46, %get3A_13, %broadcast_in_dim3A_59 : vector<8x4096xi1>, vector<8x4096xf32>
      %reduce_sum3A_61 = arith.constant dense<0.000000e+00> : vector<8xf32>
      %reduce_sum3A_62 = vector.multi_reduction <add>, %select_n3A_60, %reduce_sum3A_61 [1] : vector<8x4096xf32> to vector<8xf32>
      %broadcast_in_dim3A_63 = vector.shape_cast %reduce_sum3A_62 : vector<8xf32> to vector<8x1xf32>
      scf.yield %min3A, %broadcast_in_dim3A_51, %broadcast_in_dim3A_57, %broadcast_in_dim3A_63 : vector<8x4096xf32>, vector<8x1xf32>, vector<8x1xf32>, vector<8x1xf32>
    }
    %scan3A_21 = arith.constant 2048 : i32
    return
  }
}

module attributes {stable_mosaic.version = 14 : i64} {
  func.func @_knn_body(%arg0: i32, %arg1: i32, %arg2: memref<1x256x3xf32, #tpu.memory_space<vmem>>, %arg3: memref<1x4096x3xf32, #tpu.memory_space<vmem>>, %arg4: memref<1x3x4096xf32, #tpu.memory_space<vmem>>, %arg5: memref<1x256x16xi32, #tpu.memory_space<vmem>>) attributes {dimension_semantics = [#tpu.dimension_semantics<parallel>, #tpu.dimension_semantics<parallel>], iteration_bounds = array<i64: 8, 8>, scalar_prefetch = 0 : i64, scratch_operands = 0 : i64, tpu.core_type = #tpu.core_type<tc>, window_params = [{transform_indices = @transform_0, window_bounds = array<i64: 1, 256, 3>}, {transform_indices = @transform_1, window_bounds = array<i64: 1, 4096, 3>}, {transform_indices = @transform_2, window_bounds = array<i64: 1, 3, 4096>}, {transform_indices = @transform_3, window_bounds = array<i64: 1, 256, 16>}]} {
    %get3A = arith.constant 0 : index
    %get3A_0 = arith.constant 0 : index
    %get3A_1 = arith.constant 0 : index
    %get3A_2 = vector.load %arg2[%get3A, %get3A_0, %get3A_1] : memref<1x256x3xf32, #tpu.memory_space<vmem>>, vector<1x256x3xf32>
    %get3A_3 = vector.shape_cast %get3A_2 : vector<1x256x3xf32> to vector<256x3xf32>
    %get3A_4 = arith.constant 0 : index
    %get3A_5 = arith.constant 0 : index
    %get3A_6 = arith.constant 0 : index
    %get3A_7 = vector.load %arg3[%get3A_4, %get3A_5, %get3A_6] : memref<1x4096x3xf32, #tpu.memory_space<vmem>>, vector<1x4096x3xf32>
    %get3A_8 = vector.shape_cast %get3A_7 : vector<1x4096x3xf32> to vector<4096x3xf32>
    %get3A_9 = arith.constant 0 : index
    %get3A_10 = arith.constant 0 : index
    %get3A_11 = arith.constant 0 : index
    %get3A_12 = vector.load %arg4[%get3A_9, %get3A_10, %get3A_11] : memref<1x3x4096xf32, #tpu.memory_space<vmem>>, vector<1x3x4096xf32>
    %get3A_13 = vector.shape_cast %get3A_12 : vector<1x3x4096xf32> to vector<3x4096xf32>
    %dot_general3A = arith.constant dense<0.000000e+00> : vector<256x4096xf32>
    %dot_general3A_14 = tpu.matmul %get3A_3, %get3A_8, %dot_general3A {dimension_numbers = #tpu.dot_dimension_numbers<[1], [1], [0], [0], [0, 0, 1, 0], [], []>, transpose_lhs_hint = false} : vector<256x3xf32>, vector<4096x3xf32>, vector<256x4096xf32> -> vector<256x4096xf32>
    %mul3A = arith.mulf %get3A_3, %get3A_3 : vector<256x3xf32>
    %reduce_sum3A = arith.constant dense<0.000000e+00> : vector<256xf32>
    %reduce_sum3A_15 = vector.multi_reduction <add>, %mul3A, %reduce_sum3A [1] : vector<256x3xf32> to vector<256xf32>
    %broadcast_in_dim3A = vector.shape_cast %reduce_sum3A_15 : vector<256xf32> to vector<256x1xf32>
    %mul3A_16 = arith.mulf %get3A_13, %get3A_13 : vector<3x4096xf32>
    %reduce_sum3A_17 = arith.constant dense<0.000000e+00> : vector<4096xf32>
    %reduce_sum3A_18 = vector.multi_reduction <add>, %mul3A_16, %reduce_sum3A_17 [0] : vector<3x4096xf32> to vector<4096xf32>
    %broadcast_in_dim3A_19 = vector.shape_cast %reduce_sum3A_18 : vector<4096xf32> to vector<1x4096xf32>
    %mul3A_20 = arith.constant -2.000000e+00 : f32
    %mul3A_21 = vector.broadcast %mul3A_20 : f32 to vector<256x4096xf32>
    %mul3A_22 = arith.mulf %mul3A_21, %dot_general3A_14 : vector<256x4096xf32>
    %add3A = vector.broadcast %broadcast_in_dim3A : vector<256x1xf32> to vector<256x4096xf32>
    %add3A_23 = arith.addf %mul3A_22, %add3A : vector<256x4096xf32>
    %add3A_24 = vector.broadcast %broadcast_in_dim3A_19 : vector<1x4096xf32> to vector<256x4096xf32>
    %add3A_25 = arith.addf %add3A_23, %add3A_24 : vector<256x4096xf32>
    %iota3A = tpu.iota {dimensions = array<i32: 1>} : vector<256x4096xi32>
    %convert_element_type3A = arith.sitofp %iota3A : vector<256x4096xi32> to vector<256x4096xf32>
    %mul3A_26 = arith.constant 4096 : i32
    %mul3A_27 = arith.muli %arg0, %mul3A_26 : i32
    %reduce_min3A = arith.constant dense<0x7F800000> : vector<256xf32>
    %reduce_min3A_28 = vector.multi_reduction <minimumf>, %add3A_25, %reduce_min3A [1] : vector<256x4096xf32> to vector<256xf32>
    %broadcast_in_dim3A_29 = vector.shape_cast %reduce_min3A_28 : vector<256xf32> to vector<256x1xf32>
    %eq3A = vector.broadcast %broadcast_in_dim3A_29 : vector<256x1xf32> to vector<256x4096xf32>
    %eq3A_30 = arith.cmpf oeq, %add3A_25, %eq3A : vector<256x4096xf32>
    %jit3A = arith.constant 4.096000e+03 : f32
    %broadcast_in_dim3A_31 = vector.broadcast %jit3A : f32 to vector<256x4096xf32>
    %select_n3A = arith.select %eq3A_30, %convert_element_type3A, %broadcast_in_dim3A_31 : vector<256x4096xi1>, vector<256x4096xf32>
    %reduce_min3A_32 = arith.constant dense<0x7F800000> : vector<256xf32>
    %reduce_min3A_33 = vector.multi_reduction <minimumf>, %select_n3A, %reduce_min3A_32 [1] : vector<256x4096xf32> to vector<256xf32>
    %broadcast_in_dim3A_34 = vector.shape_cast %reduce_min3A_33 : vector<256xf32> to vector<256x1xf32>
    %convert_element_type3A_35 = arith.fptosi %broadcast_in_dim3A_34 : vector<256x1xf32> to vector<256x1xi32>
    %add3A_36 = vector.broadcast %mul3A_27 : i32 to vector<256x1xi32>
    %add3A_37 = arith.addi %convert_element_type3A_35, %add3A_36 : vector<256x1xi32>
    %swap3A = arith.constant 0 : index
    %swap3A_38 = arith.constant 0 : index
    %swap3A_39 = arith.constant 0 : index
    %swap3A_40 = vector.load %arg5[%swap3A, %swap3A_38, %swap3A_39] : memref<1x256x16xi32, #tpu.memory_space<vmem>>, vector<1x256x1xi32>
    %swap3A_41 = vector.shape_cast %swap3A_40 : vector<1x256x1xi32> to vector<256x1xi32>
    %swap3A_42 = vector.shape_cast %add3A_37 : vector<256x1xi32> to vector<1x256x1xi32>
    tpu.vector_store %arg5[%swap3A, %swap3A_38, %swap3A_39], %swap3A_42 {strides = array<i32>} : memref<1x256x16xi32, #tpu.memory_space<vmem>>, vector<1x256x1xi32>,
    %eq3A_43 = vector.broadcast %broadcast_in_dim3A_34 : vector<256x1xf32> to vector<256x4096xf32>
    %eq3A_44 = arith.cmpf oeq, %convert_element_type3A, %eq3A_43 : vector<256x4096xf32>
    %jit3A_45 = arith.constant 0x7F800000 : f32
    %broadcast_in_dim3A_46 = vector.broadcast %jit3A_45 : f32 to vector<256x4096xf32>
    %select_n3A_47 = arith.select %eq3A_44, %broadcast_in_dim3A_46, %add3A_25 : vector<256x4096xi1>, vector<256x4096xf32>
    %reduce_min3A_48 = arith.constant dense<0x7F800000> : vector<256xf32>
    %reduce_min3A_49 = vector.multi_reduction <minimumf>, %select_n3A_47, %reduce_min3A_48 [1] : vector<256x4096xf32> to vector<256xf32>
    %broadcast_in_dim3A_50 = vector.shape_cast %reduce_min3A_49 : vector<256xf32> to vector<256x1xf32>
    %eq3A_51 = vector.broadcast %broadcast_in_dim3A_50 : vector<256x1xf32> to vector<256x4096xf32>
    %eq3A_52 = arith.cmpf oeq, %select_n3A_47, %eq3A_51 : vector<256x4096xf32>
    %jit3A_53 = arith.constant 4.096000e+03 : f32
    %broadcast_in_dim3A_54 = vector.broadcast %jit3A_53 : f32 to vector<256x4096xf32>
    %select_n3A_55 = arith.select %eq3A_52, %convert_element_type3A, %broadcast_in_dim3A_54 : vector<256x4096xi1>, vector<256x4096xf32>
    %reduce_min3A_56 = arith.constant dense<0x7F800000> : vector<256xf32>
    %reduce_min3A_57 = vector.multi_reduction <minimumf>, %select_n3A_55, %reduce_min3A_56 [1] : vector<256x4096xf32> to vector<256xf32>
    %broadcast_in_dim3A_58 = vector.shape_cast %reduce_min3A_57 : vector<256xf32> to vector<256x1xf32>
    %convert_element_type3A_59 = arith.fptosi %broadcast_in_dim3A_58 : vector<256x1xf32> to vector<256x1xi32>
    %add3A_60 = vector.broadcast %mul3A_27 : i32 to vector<256x1xi32>
    %add3A_61 = arith.addi %convert_element_type3A_59, %add3A_60 : vector<256x1xi32>
    %swap3A_62 = arith.constant 0 : index
    %swap3A_63 = arith.constant 0 : index
    %swap3A_64 = arith.constant 1 : index
    %swap3A_65 = vector.load %arg5[%swap3A_62, %swap3A_63, %swap3A_64] : memref<1x256x16xi32, #tpu.memory_space<vmem>>, vector<1x256x1xi32>
    %swap3A_66 = vector.shape_cast %swap3A_65 : vector<1x256x1xi32> to vector<256x1xi32>
    %swap3A_67 = vector.shape_cast %add3A_61 : vector<256x1xi32> to vector<1x256x1xi32>
    tpu.vector_store %arg5[%swap3A_62, %swap3A_63, %swap3A_64], %swap3A_67 {strides = array<i32>} : memref<1x256x16xi32, #tpu.memory_space<vmem>>, vector<1x256x1xi32>,
    %eq3A_68 = vector.broadcast %broadcast_in_dim3A_58 : vector<256x1xf32> to vector<256x4096xf32>
    %eq3A_69 = arith.cmpf oeq, %convert_element_type3A, %eq3A_68 : vector<256x4096xf32>
    %jit3A_70 = arith.constant 0x7F800000 : f32
    %broadcast_in_dim3A_71 = vector.broadcast %jit3A_70 : f32 to vector<256x4096xf32>
    %select_n3A_72 = arith.select %eq3A_69, %broadcast_in_dim3A_71, %select_n3A_47 : vector<256x4096xi1>, vector<256x4096xf32>
    %reduce_min3A_73 = arith.constant dense<0x7F800000> : vector<256xf32>
    %reduce_min3A_74 = vector.multi_reduction <minimumf>, %select_n3A_72, %reduce_min3A_73 [1] : vector<256x4096xf32> to vector<256xf32>
    %broadcast_in_dim3A_75 = vector.shape_cast %reduce_min3A_74 : vector<256xf32> to vector<256x1xf32>
    %eq3A_76 = vector.broadcast %broadcast_in_dim3A_75 : vector<256x1xf32> to vector<256x4096xf32>
    %eq3A_77 = arith.cmpf oeq, %select_n3A_72, %eq3A_76 : vector<256x4096xf32>
    %jit3A_78 = arith.constant 4.096000e+03 : f32
    %broadcast_in_dim3A_79 = vector.broadcast %jit3A_78 : f32 to vector<256x4096xf32>
    %select_n3A_80 = arith.select %eq3A_77, %convert_element_type3A, %broadcast_in_dim3A_79 : vector<256x4096xi1>, vector<256x4096xf32>
    %reduce_min3A_81 = arith.constant dense<0x7F800000> : vector<256xf32>
    %reduce_min3A_82 = vector.multi_reduction <minimumf>, %select_n3A_80, %reduce_min3A_81 [1] : vector<256x4096xf32> to vector<256xf32>
    %broadcast_in_dim3A_83 = vector.shape_cast %reduce_min3A_82 : vector<256xf32> to vector<256x1xf32>
    %convert_element_type3A_84 = arith.fptosi %broadcast_in_dim3A_83 : vector<256x1xf32> to vector<256x1xi32>
    %add3A_85 = vector.broadcast %mul3A_27 : i32 to vector<256x1xi32>
    %add3A_86 = arith.addi %convert_element_type3A_84, %add3A_85 : vector<256x1xi32>
    %swap3A_87 = arith.constant 0 : index
    %swap3A_88 = arith.constant 0 : index
    %swap3A_89 = arith.constant 2 : index
    %swap3A_90 = vector.load %arg5[%swap3A_87, %swap3A_88, %swap3A_89] : memref<1x256x16xi32, #tpu.memory_space<vmem>>, vector<1x256x1xi32>
    %swap3A_91 = vector.shape_cast %swap3A_90 : vector<1x256x1xi32> to vector<256x1xi32>
    %swap3A_92 = vector.shape_cast %add3A_86 : vector<256x1xi32> to vector<1x256x1xi32>
    tpu.vector_store %arg5[%swap3A_87, %swap3A_88, %swap3A_89], %swap3A_92 {strides = array<i32>} : memref<1x256x16xi32, #tpu.memory_space<vmem>>, vector<1x256x1xi32>,
    %eq3A_93 = vector.broadcast %broadcast_in_dim3A_83 : vector<256x1xf32> to vector<256x4096xf32>
    %eq3A_94 = arith.cmpf oeq, %convert_element_type3A, %eq3A_93 : vector<256x4096xf32>
    %jit3A_95 = arith.constant 0x7F800000 : f32
    %broadcast_in_dim3A_96 = vector.broadcast %jit3A_95 : f32 to vector<256x4096xf32>
    %select_n3A_97 = arith.select %eq3A_94, %broadcast_in_dim3A_96, %select_n3A_72 : vector<256x4096xi1>, vector<256x4096xf32>
    %reduce_min3A_98 = arith.constant dense<0x7F800000> : vector<256xf32>
    %reduce_min3A_99 = vector.multi_reduction <minimumf>, %select_n3A_97, %reduce_min3A_98 [1] : vector<256x4096xf32> to vector<256xf32>
    %broadcast_in_dim3A_100 = vector.shape_cast %reduce_min3A_99 : vector<256xf32> to vector<256x1xf32>
    %eq3A_101 = vector.broadcast %broadcast_in_dim3A_100 : vector<256x1xf32> to vector<256x4096xf32>
    %eq3A_102 = arith.cmpf oeq, %select_n3A_97, %eq3A_101 : vector<256x4096xf32>
    %jit3A_103 = arith.constant 4.096000e+03 : f32
    %broadcast_in_dim3A_104 = vector.broadcast %jit3A_103 : f32 to vector<256x4096xf32>
    %select_n3A_105 = arith.select %eq3A_102, %convert_element_type3A, %broadcast_in_dim3A_104 : vector<256x4096xi1>, vector<256x4096xf32>
    %reduce_min3A_106 = arith.constant dense<0x7F800000> : vector<256xf32>
    %reduce_min3A_107 = vector.multi_reduction <minimumf>, %select_n3A_105, %reduce_min3A_106 [1] : vector<256x4096xf32> to vector<256xf32>
    %broadcast_in_dim3A_108 = vector.shape_cast %reduce_min3A_107 : vector<256xf32> to vector<256x1xf32>
    %convert_element_type3A_109 = arith.fptosi %broadcast_in_dim3A_108 : vector<256x1xf32> to vector<256x1xi32>
    %add3A_110 = vector.broadcast %mul3A_27 : i32 to vector<256x1xi32>
    %add3A_111 = arith.addi %convert_element_type3A_109, %add3A_110 : vector<256x1xi32>
    %swap3A_112 = arith.constant 0 : index
    %swap3A_113 = arith.constant 0 : index
    %swap3A_114 = arith.constant 3 : index
    %swap3A_115 = vector.load %arg5[%swap3A_112, %swap3A_113, %swap3A_114] : memref<1x256x16xi32, #tpu.memory_space<vmem>>, vector<1x256x1xi32>
    %swap3A_116 = vector.shape_cast %swap3A_115 : vector<1x256x1xi32> to vector<256x1xi32>
    %swap3A_117 = vector.shape_cast %add3A_111 : vector<256x1xi32> to vector<1x256x1xi32>
    tpu.vector_store %arg5[%swap3A_112, %swap3A_113, %swap3A_114], %swap3A_117 {strides = array<i32>} : memref<1x256x16xi32, #tpu.memory_space<vmem>>, vector<1x256x1xi32>,
    %eq3A_118 = vector.broadcast %broadcast_in_dim3A_108 : vector<256x1xf32> to vector<256x4096xf32>
    %eq3A_119 = arith.cmpf oeq, %convert_element_type3A, %eq3A_118 : vector<256x4096xf32>
    %jit3A_120 = arith.constant 0x7F800000 : f32
    %broadcast_in_dim3A_121 = vector.broadcast %jit3A_120 : f32 to vector<256x4096xf32>
    %select_n3A_122 = arith.select %eq3A_119, %broadcast_in_dim3A_121, %select_n3A_97 : vector<256x4096xi1>, vector<256x4096xf32>
    %reduce_min3A_123 = arith.constant dense<0x7F800000> : vector<256xf32>
    %reduce_min3A_124 = vector.multi_reduction <minimumf>, %select_n3A_122, %reduce_min3A_123 [1] : vector<256x4096xf32> to vector<256xf32>
    %broadcast_in_dim3A_125 = vector.shape_cast %reduce_min3A_124 : vector<256xf32> to vector<256x1xf32>
    %eq3A_126 = vector.broadcast %broadcast_in_dim3A_125 : vector<256x1xf32> to vector<256x4096xf32>
    %eq3A_127 = arith.cmpf oeq, %select_n3A_122, %eq3A_126 : vector<256x4096xf32>
    %jit3A_128 = arith.constant 4.096000e+03 : f32
    %broadcast_in_dim3A_129 = vector.broadcast %jit3A_128 : f32 to vector<256x4096xf32>
    %select_n3A_130 = arith.select %eq3A_127, %convert_element_type3A, %broadcast_in_dim3A_129 : vector<256x4096xi1>, vector<256x4096xf32>
    %reduce_min3A_131 = arith.constant dense<0x7F800000> : vector<256xf32>
    %reduce_min3A_132 = vector.multi_reduction <minimumf>, %select_n3A_130, %reduce_min3A_131 [1] : vector<256x4096xf32> to vector<256xf32>
    %broadcast_in_dim3A_133 = vector.shape_cast %reduce_min3A_132 : vector<256xf32> to vector<256x1xf32>
    %convert_element_type3A_134 = arith.fptosi %broadcast_in_dim3A_133 : vector<256x1xf32> to vector<256x1xi32>
    %add3A_135 = vector.broadcast %mul3A_27 : i32 to vector<256x1xi32>
    %add3A_136 = arith.addi %convert_element_type3A_134, %add3A_135 : vector<256x1xi32>
    %swap3A_137 = arith.constant 0 : index
    %swap3A_138 = arith.constant 0 : index
    %swap3A_139 = arith.constant 4 : index
    %swap3A_140 = vector.load %arg5[%swap3A_137, %swap3A_138, %swap3A_139] : memref<1x256x16xi32, #tpu.memory_space<vmem>>, vector<1x256x1xi32>
    %swap3A_141 = vector.shape_cast %swap3A_140 : vector<1x256x1xi32> to vector<256x1xi32>
    %swap3A_142 = vector.shape_cast %add3A_136 : vector<256x1xi32> to vector<1x256x1xi32>
    tpu.vector_store %arg5[%swap3A_137, %swap3A_138, %swap3A_139], %swap3A_142 {strides = array<i32>} : memref<1x256x16xi32, #tpu.memory_space<vmem>>, vector<1x256x1xi32>,
    %eq3A_143 = vector.broadcast %broadcast_in_dim3A_133 : vector<256x1xf32> to vector<256x4096xf32>
    %eq3A_144 = arith.cmpf oeq, %convert_element_type3A, %eq3A_143 : vector<256x4096xf32>
    %jit3A_145 = arith.constant 0x7F800000 : f32
    %broadcast_in_dim3A_146 = vector.broadcast %jit3A_145 : f32 to vector<256x4096xf32>
    %select_n3A_147 = arith.select %eq3A_144, %broadcast_in_dim3A_146, %select_n3A_122 : vector<256x4096xi1>, vector<256x4096xf32>
    %reduce_min3A_148 = arith.constant dense<0x7F800000> : vector<256xf32>
    %reduce_min3A_149 = vector.multi_reduction <minimumf>, %select_n3A_147, %reduce_min3A_148 [1] : vector<256x4096xf32> to vector<256xf32>
    %broadcast_in_dim3A_150 = vector.shape_cast %reduce_min3A_149 : vector<256xf32> to vector<256x1xf32>
    %eq3A_151 = vector.broadcast %broadcast_in_dim3A_150 : vector<256x1xf32> to vector<256x4096xf32>
    %eq3A_152 = arith.cmpf oeq, %select_n3A_147, %eq3A_151 : vector<256x4096xf32>
    %jit3A_153 = arith.constant 4.096000e+03 : f32
    %broadcast_in_dim3A_154 = vector.broadcast %jit3A_153 : f32 to vector<256x4096xf32>
    %select_n3A_155 = arith.select %eq3A_152, %convert_element_type3A, %broadcast_in_dim3A_154 : vector<256x4096xi1>, vector<256x4096xf32>
    %reduce_min3A_156 = arith.constant dense<0x7F800000> : vector<256xf32>
    %reduce_min3A_157 = vector.multi_reduction <minimumf>, %select_n3A_155, %reduce_min3A_156 [1] : vector<256x4096xf32> to vector<256xf32>
    %broadcast_in_dim3A_158 = vector.shape_cast %reduce_min3A_157 : vector<256xf32> to vector<256x1xf32>
    %convert_element_type3A_159 = arith.fptosi %broadcast_in_dim3A_158 : vector<256x1xf32> to vector<256x1xi32>
    %add3A_160 = vector.broadcast %mul3A_27 : i32 to vector<256x1xi32>
    %add3A_161 = arith.addi %convert_element_type3A_159, %add3A_160 : vector<256x1xi32>
    %swap3A_162 = arith.constant 0 : index
    %swap3A_163 = arith.constant 0 : index
    %swap3A_164 = arith.constant 5 : index
    %swap3A_165 = vector.load %arg5[%swap3A_162, %swap3A_163, %swap3A_164] : memref<1x256x16xi32, #tpu.memory_space<vmem>>, vector<1x256x1xi32>
    %swap3A_166 = vector.shape_cast %swap3A_165 : vector<1x256x1xi32> to vector<256x1xi32>
    %swap3A_167 = vector.shape_cast %add3A_161 : vector<256x1xi32> to vector<1x256x1xi32>
    tpu.vector_store %arg5[%swap3A_162, %swap3A_163, %swap3A_164], %swap3A_167 {strides = array<i32>} : memref<1x256x16xi32, #tpu.memory_space<vmem>>, vector<1x256x1xi32>,
    %eq3A_168 = vector.broadcast %broadcast_in_dim3A_158 : vector<256x1xf32> to vector<256x4096xf32>
    %eq3A_169 = arith.cmpf oeq, %convert_element_type3A, %eq3A_168 : vector<256x4096xf32>
    %jit3A_170 = arith.constant 0x7F800000 : f32
    %broadcast_in_dim3A_171 = vector.broadcast %jit3A_170 : f32 to vector<256x4096xf32>
    %select_n3A_172 = arith.select %eq3A_169, %broadcast_in_dim3A_171, %select_n3A_147 : vector<256x4096xi1>, vector<256x4096xf32>
    %reduce_min3A_173 = arith.constant dense<0x7F800000> : vector<256xf32>
    %reduce_min3A_174 = vector.multi_reduction <minimumf>, %select_n3A_172, %reduce_min3A_173 [1] : vector<256x4096xf32> to vector<256xf32>
    %broadcast_in_dim3A_175 = vector.shape_cast %reduce_min3A_174 : vector<256xf32> to vector<256x1xf32>
    %eq3A_176 = vector.broadcast %broadcast_in_dim3A_175 : vector<256x1xf32> to vector<256x4096xf32>
    %eq3A_177 = arith.cmpf oeq, %select_n3A_172, %eq3A_176 : vector<256x4096xf32>
    %jit3A_178 = arith.constant 4.096000e+03 : f32
    %broadcast_in_dim3A_179 = vector.broadcast %jit3A_178 : f32 to vector<256x4096xf32>
    %select_n3A_180 = arith.select %eq3A_177, %convert_element_type3A, %broadcast_in_dim3A_179 : vector<256x4096xi1>, vector<256x4096xf32>
    %reduce_min3A_181 = arith.constant dense<0x7F800000> : vector<256xf32>
    %reduce_min3A_182 = vector.multi_reduction <minimumf>, %select_n3A_180, %reduce_min3A_181 [1] : vector<256x4096xf32> to vector<256xf32>
    %broadcast_in_dim3A_183 = vector.shape_cast %reduce_min3A_182 : vector<256xf32> to vector<256x1xf32>
    %convert_element_type3A_184 = arith.fptosi %broadcast_in_dim3A_183 : vector<256x1xf32> to vector<256x1xi32>
    %add3A_185 = vector.broadcast %mul3A_27 : i32 to vector<256x1xi32>
    %add3A_186 = arith.addi %convert_element_type3A_184, %add3A_185 : vector<256x1xi32>
    %swap3A_187 = arith.constant 0 : index
    %swap3A_188 = arith.constant 0 : index
    %swap3A_189 = arith.constant 6 : index
    %swap3A_190 = vector.load %arg5[%swap3A_187, %swap3A_188, %swap3A_189] : memref<1x256x16xi32, #tpu.memory_space<vmem>>, vector<1x256x1xi32>
    %swap3A_191 = vector.shape_cast %swap3A_190 : vector<1x256x1xi32> to vector<256x1xi32>
    %swap3A_192 = vector.shape_cast %add3A_186 : vector<256x1xi32> to vector<1x256x1xi32>
    tpu.vector_store %arg5[%swap3A_187, %swap3A_188, %swap3A_189], %swap3A_192 {strides = array<i32>} : memref<1x256x16xi32, #tpu.memory_space<vmem>>, vector<1x256x1xi32>,
    %eq3A_193 = vector.broadcast %broadcast_in_dim3A_183 : vector<256x1xf32> to vector<256x4096xf32>
    %eq3A_194 = arith.cmpf oeq, %convert_element_type3A, %eq3A_193 : vector<256x4096xf32>
    %jit3A_195 = arith.constant 0x7F800000 : f32
    %broadcast_in_dim3A_196 = vector.broadcast %jit3A_195 : f32 to vector<256x4096xf32>
    %select_n3A_197 = arith.select %eq3A_194, %broadcast_in_dim3A_196, %select_n3A_172 : vector<256x4096xi1>, vector<256x4096xf32>
    %reduce_min3A_198 = arith.constant dense<0x7F800000> : vector<256xf32>
    %reduce_min3A_199 = vector.multi_reduction <minimumf>, %select_n3A_197, %reduce_min3A_198 [1] : vector<256x4096xf32> to vector<256xf32>
    %broadcast_in_dim3A_200 = vector.shape_cast %reduce_min3A_199 : vector<256xf32> to vector<256x1xf32>
    %eq3A_201 = vector.broadcast %broadcast_in_dim3A_200 : vector<256x1xf32> to vector<256x4096xf32>
    %eq3A_202 = arith.cmpf oeq, %select_n3A_197, %eq3A_201 : vector<256x4096xf32>
    %jit3A_203 = arith.constant 4.096000e+03 : f32
    %broadcast_in_dim3A_204 = vector.broadcast %jit3A_203 : f32 to vector<256x4096xf32>
    %select_n3A_205 = arith.select %eq3A_202, %convert_element_type3A, %broadcast_in_dim3A_204 : vector<256x4096xi1>, vector<256x4096xf32>
    %reduce_min3A_206 = arith.constant dense<0x7F800000> : vector<256xf32>
    %reduce_min3A_207 = vector.multi_reduction <minimumf>, %select_n3A_205, %reduce_min3A_206 [1] : vector<256x4096xf32> to vector<256xf32>
    %broadcast_in_dim3A_208 = vector.shape_cast %reduce_min3A_207 : vector<256xf32> to vector<256x1xf32>
    %convert_element_type3A_209 = arith.fptosi %broadcast_in_dim3A_208 : vector<256x1xf32> to vector<256x1xi32>
    %add3A_210 = vector.broadcast %mul3A_27 : i32 to vector<256x1xi32>
    %add3A_211 = arith.addi %convert_element_type3A_209, %add3A_210 : vector<256x1xi32>
    %swap3A_212 = arith.constant 0 : index
    %swap3A_213 = arith.constant 0 : index
    %swap3A_214 = arith.constant 7 : index
    %swap3A_215 = vector.load %arg5[%swap3A_212, %swap3A_213, %swap3A_214] : memref<1x256x16xi32, #tpu.memory_space<vmem>>, vector<1x256x1xi32>
    %swap3A_216 = vector.shape_cast %swap3A_215 : vector<1x256x1xi32> to vector<256x1xi32>
    %swap3A_217 = vector.shape_cast %add3A_211 : vector<256x1xi32> to vector<1x256x1xi32>
    tpu.vector_store %arg5[%swap3A_212, %swap3A_213, %swap3A_214], %swap3A_217 {strides = array<i32>} : memref<1x256x16xi32, #tpu.memory_space<vmem>>, vector<1x256x1xi32>,
    %eq3A_218 = vector.broadcast %broadcast_in_dim3A_208 : vector<256x1xf32> to vector<256x4096xf32>
    %eq3A_219 = arith.cmpf oeq, %convert_element_type3A, %eq3A_218 : vector<256x4096xf32>
    %jit3A_220 = arith.constant 0x7F800000 : f32
    %broadcast_in_dim3A_221 = vector.broadcast %jit3A_220 : f32 to vector<256x4096xf32>
    %select_n3A_222 = arith.select %eq3A_219, %broadcast_in_dim3A_221, %select_n3A_197 : vector<256x4096xi1>, vector<256x4096xf32>
    %reduce_min3A_223 = arith.constant dense<0x7F800000> : vector<256xf32>
    %reduce_min3A_224 = vector.multi_reduction <minimumf>, %select_n3A_222, %reduce_min3A_223 [1] : vector<256x4096xf32> to vector<256xf32>
    %broadcast_in_dim3A_225 = vector.shape_cast %reduce_min3A_224 : vector<256xf32> to vector<256x1xf32>
    %eq3A_226 = vector.broadcast %broadcast_in_dim3A_225 : vector<256x1xf32> to vector<256x4096xf32>
    %eq3A_227 = arith.cmpf oeq, %select_n3A_222, %eq3A_226 : vector<256x4096xf32>
    %jit3A_228 = arith.constant 4.096000e+03 : f32
    %broadcast_in_dim3A_229 = vector.broadcast %jit3A_228 : f32 to vector<256x4096xf32>
    %select_n3A_230 = arith.select %eq3A_227, %convert_element_type3A, %broadcast_in_dim3A_229 : vector<256x4096xi1>, vector<256x4096xf32>
    %reduce_min3A_231 = arith.constant dense<0x7F800000> : vector<256xf32>
    %reduce_min3A_232 = vector.multi_reduction <minimumf>, %select_n3A_230, %reduce_min3A_231 [1] : vector<256x4096xf32> to vector<256xf32>
    %broadcast_in_dim3A_233 = vector.shape_cast %reduce_min3A_232 : vector<256xf32> to vector<256x1xf32>
    %convert_element_type3A_234 = arith.fptosi %broadcast_in_dim3A_233 : vector<256x1xf32> to vector<256x1xi32>
    %add3A_235 = vector.broadcast %mul3A_27 : i32 to vector<256x1xi32>
    %add3A_236 = arith.addi %convert_element_type3A_234, %add3A_235 : vector<256x1xi32>
    %swap3A_237 = arith.constant 0 : index
    %swap3A_238 = arith.constant 0 : index
    %swap3A_239 = arith.constant 8 : index
    %swap3A_240 = vector.load %arg5[%swap3A_237, %swap3A_238, %swap3A_239] : memref<1x256x16xi32, #tpu.memory_space<vmem>>, vector<1x256x1xi32>
    %swap3A_241 = vector.shape_cast %swap3A_240 : vector<1x256x1xi32> to vector<256x1xi32>
    %swap3A_242 = vector.shape_cast %add3A_236 : vector<256x1xi32> to vector<1x256x1xi32>
    tpu.vector_store %arg5[%swap3A_237, %swap3A_238, %swap3A_239], %swap3A_242 {strides = array<i32>} : memref<1x256x16xi32, #tpu.memory_space<vmem>>, vector<1x256x1xi32>,
    %eq3A_243 = vector.broadcast %broadcast_in_dim3A_233 : vector<256x1xf32> to vector<256x4096xf32>
    %eq3A_244 = arith.cmpf oeq, %convert_element_type3A, %eq3A_243 : vector<256x4096xf32>
    %jit3A_245 = arith.constant 0x7F800000 : f32
    %broadcast_in_dim3A_246 = vector.broadcast %jit3A_245 : f32 to vector<256x4096xf32>
    %select_n3A_247 = arith.select %eq3A_244, %broadcast_in_dim3A_246, %select_n3A_222 : vector<256x4096xi1>, vector<256x4096xf32>
    %reduce_min3A_248 = arith.constant dense<0x7F800000> : vector<256xf32>
    %reduce_min3A_249 = vector.multi_reduction <minimumf>, %select_n3A_247, %reduce_min3A_248 [1] : vector<256x4096xf32> to vector<256xf32>
    %broadcast_in_dim3A_250 = vector.shape_cast %reduce_min3A_249 : vector<256xf32> to vector<256x1xf32>
    %eq3A_251 = vector.broadcast %broadcast_in_dim3A_250 : vector<256x1xf32> to vector<256x4096xf32>
    %eq3A_252 = arith.cmpf oeq, %select_n3A_247, %eq3A_251 : vector<256x4096xf32>
    %jit3A_253 = arith.constant 4.096000e+03 : f32
    %broadcast_in_dim3A_254 = vector.broadcast %jit3A_253 : f32 to vector<256x4096xf32>
    %select_n3A_255 = arith.select %eq3A_252, %convert_element_type3A, %broadcast_in_dim3A_254 : vector<256x4096xi1>, vector<256x4096xf32>
    %reduce_min3A_256 = arith.constant dense<0x7F800000> : vector<256xf32>
    %reduce_min3A_257 = vector.multi_reduction <minimumf>, %select_n3A_255, %reduce_min3A_256 [1] : vector<256x4096xf32> to vector<256xf32>
    %broadcast_in_dim3A_258 = vector.shape_cast %reduce_min3A_257 : vector<256xf32> to vector<256x1xf32>
    %convert_element_type3A_259 = arith.fptosi %broadcast_in_dim3A_258 : vector<256x1xf32> to vector<256x1xi32>
    %add3A_260 = vector.broadcast %mul3A_27 : i32 to vector<256x1xi32>
    %add3A_261 = arith.addi %convert_element_type3A_259, %add3A_260 : vector<256x1xi32>
    %swap3A_262 = arith.constant 0 : index
    %swap3A_263 = arith.constant 0 : index
    %swap3A_264 = arith.constant 9 : index
    %swap3A_265 = vector.load %arg5[%swap3A_262, %swap3A_263, %swap3A_264] : memref<1x256x16xi32, #tpu.memory_space<vmem>>, vector<1x256x1xi32>
    %swap3A_266 = vector.shape_cast %swap3A_265 : vector<1x256x1xi32> to vector<256x1xi32>
    %swap3A_267 = vector.shape_cast %add3A_261 : vector<256x1xi32> to vector<1x256x1xi32>
    tpu.vector_store %arg5[%swap3A_262, %swap3A_263, %swap3A_264], %swap3A_267 {strides = array<i32>} : memref<1x256x16xi32, #tpu.memory_space<vmem>>, vector<1x256x1xi32>,
    %eq3A_268 = vector.broadcast %broadcast_in_dim3A_258 : vector<256x1xf32> to vector<256x4096xf32>
    %eq3A_269 = arith.cmpf oeq, %convert_element_type3A, %eq3A_268 : vector<256x4096xf32>
    %jit3A_270 = arith.constant 0x7F800000 : f32
    %broadcast_in_dim3A_271 = vector.broadcast %jit3A_270 : f32 to vector<256x4096xf32>
    %select_n3A_272 = arith.select %eq3A_269, %broadcast_in_dim3A_271, %select_n3A_247 : vector<256x4096xi1>, vector<256x4096xf32>
    %reduce_min3A_273 = arith.constant dense<0x7F800000> : vector<256xf32>
    %reduce_min3A_274 = vector.multi_reduction <minimumf>, %select_n3A_272, %reduce_min3A_273 [1] : vector<256x4096xf32> to vector<256xf32>
    %broadcast_in_dim3A_275 = vector.shape_cast %reduce_min3A_274 : vector<256xf32> to vector<256x1xf32>
    %eq3A_276 = vector.broadcast %broadcast_in_dim3A_275 : vector<256x1xf32> to vector<256x4096xf32>
    %eq3A_277 = arith.cmpf oeq, %select_n3A_272, %eq3A_276 : vector<256x4096xf32>
    %jit3A_278 = arith.constant 4.096000e+03 : f32
    %broadcast_in_dim3A_279 = vector.broadcast %jit3A_278 : f32 to vector<256x4096xf32>
    %select_n3A_280 = arith.select %eq3A_277, %convert_element_type3A, %broadcast_in_dim3A_279 : vector<256x4096xi1>, vector<256x4096xf32>
    %reduce_min3A_281 = arith.constant dense<0x7F800000> : vector<256xf32>
    %reduce_min3A_282 = vector.multi_reduction <minimumf>, %select_n3A_280, %reduce_min3A_281 [1] : vector<256x4096xf32> to vector<256xf32>
    %broadcast_in_dim3A_283 = vector.shape_cast %reduce_min3A_282 : vector<256xf32> to vector<256x1xf32>
    %convert_element_type3A_284 = arith.fptosi %broadcast_in_dim3A_283 : vector<256x1xf32> to vector<256x1xi32>
    %add3A_285 = vector.broadcast %mul3A_27 : i32 to vector<256x1xi32>
    %add3A_286 = arith.addi %convert_element_type3A_284, %add3A_285 : vector<256x1xi32>
    %swap3A_287 = arith.constant 0 : index
    %swap3A_288 = arith.constant 0 : index
    %swap3A_289 = arith.constant 10 : index
    %swap3A_290 = vector.load %arg5[%swap3A_287, %swap3A_288, %swap3A_289] : memref<1x256x16xi32, #tpu.memory_space<vmem>>, vector<1x256x1xi32>
    %swap3A_291 = vector.shape_cast %swap3A_290 : vector<1x256x1xi32> to vector<256x1xi32>
    %swap3A_292 = vector.shape_cast %add3A_286 : vector<256x1xi32> to vector<1x256x1xi32>
    tpu.vector_store %arg5[%swap3A_287, %swap3A_288, %swap3A_289], %swap3A_292 {strides = array<i32>} : memref<1x256x16xi32, #tpu.memory_space<vmem>>, vector<1x256x1xi32>,
    %eq3A_293 = vector.broadcast %broadcast_in_dim3A_283 : vector<256x1xf32> to vector<256x4096xf32>
    %eq3A_294 = arith.cmpf oeq, %convert_element_type3A, %eq3A_293 : vector<256x4096xf32>
    %jit3A_295 = arith.constant 0x7F800000 : f32
    %broadcast_in_dim3A_296 = vector.broadcast %jit3A_295 : f32 to vector<256x4096xf32>
    %select_n3A_297 = arith.select %eq3A_294, %broadcast_in_dim3A_296, %select_n3A_272 : vector<256x4096xi1>, vector<256x4096xf32>
    %reduce_min3A_298 = arith.constant dense<0x7F800000> : vector<256xf32>
    %reduce_min3A_299 = vector.multi_reduction <minimumf>, %select_n3A_297, %reduce_min3A_298 [1] : vector<256x4096xf32> to vector<256xf32>
    %broadcast_in_dim3A_300 = vector.shape_cast %reduce_min3A_299 : vector<256xf32> to vector<256x1xf32>
    %eq3A_301 = vector.broadcast %broadcast_in_dim3A_300 : vector<256x1xf32> to vector<256x4096xf32>
    %eq3A_302 = arith.cmpf oeq, %select_n3A_297, %eq3A_301 : vector<256x4096xf32>
    %jit3A_303 = arith.constant 4.096000e+03 : f32
    %broadcast_in_dim3A_304 = vector.broadcast %jit3A_303 : f32 to vector<256x4096xf32>
    %select_n3A_305 = arith.select %eq3A_302, %convert_element_type3A, %broadcast_in_dim3A_304 : vector<256x4096xi1>, vector<256x4096xf32>
    %reduce_min3A_306 = arith.constant dense<0x7F800000> : vector<256xf32>
    %reduce_min3A_307 = vector.multi_reduction <minimumf>, %select_n3A_305, %reduce_min3A_306 [1] : vector<256x4096xf32> to vector<256xf32>
    %broadcast_in_dim3A_308 = vector.shape_cast %reduce_min3A_307 : vector<256xf32> to vector<256x1xf32>
    %convert_element_type3A_309 = arith.fptosi %broadcast_in_dim3A_308 : vector<256x1xf32> to vector<256x1xi32>
    %add3A_310 = vector.broadcast %mul3A_27 : i32 to vector<256x1xi32>
    %add3A_311 = arith.addi %convert_element_type3A_309, %add3A_310 : vector<256x1xi32>
    %swap3A_312 = arith.constant 0 : index
    %swap3A_313 = arith.constant 0 : index
    %swap3A_314 = arith.constant 11 : index
    %swap3A_315 = vector.load %arg5[%swap3A_312, %swap3A_313, %swap3A_314] : memref<1x256x16xi32, #tpu.memory_space<vmem>>, vector<1x256x1xi32>
    %swap3A_316 = vector.shape_cast %swap3A_315 : vector<1x256x1xi32> to vector<256x1xi32>
    %swap3A_317 = vector.shape_cast %add3A_311 : vector<256x1xi32> to vector<1x256x1xi32>
    tpu.vector_store %arg5[%swap3A_312, %swap3A_313, %swap3A_314], %swap3A_317 {strides = array<i32>} : memref<1x256x16xi32, #tpu.memory_space<vmem>>, vector<1x256x1xi32>,
    %eq3A_318 = vector.broadcast %broadcast_in_dim3A_308 : vector<256x1xf32> to vector<256x4096xf32>
    %eq3A_319 = arith.cmpf oeq, %convert_element_type3A, %eq3A_318 : vector<256x4096xf32>
    %jit3A_320 = arith.constant 0x7F800000 : f32
    %broadcast_in_dim3A_321 = vector.broadcast %jit3A_320 : f32 to vector<256x4096xf32>
    %select_n3A_322 = arith.select %eq3A_319, %broadcast_in_dim3A_321, %select_n3A_297 : vector<256x4096xi1>, vector<256x4096xf32>
    %reduce_min3A_323 = arith.constant dense<0x7F800000> : vector<256xf32>
    %reduce_min3A_324 = vector.multi_reduction <minimumf>, %select_n3A_322, %reduce_min3A_323 [1] : vector<256x4096xf32> to vector<256xf32>
    %broadcast_in_dim3A_325 = vector.shape_cast %reduce_min3A_324 : vector<256xf32> to vector<256x1xf32>
    %eq3A_326 = vector.broadcast %broadcast_in_dim3A_325 : vector<256x1xf32> to vector<256x4096xf32>
    %eq3A_327 = arith.cmpf oeq, %select_n3A_322, %eq3A_326 : vector<256x4096xf32>
    %jit3A_328 = arith.constant 4.096000e+03 : f32
    %broadcast_in_dim3A_329 = vector.broadcast %jit3A_328 : f32 to vector<256x4096xf32>
    %select_n3A_330 = arith.select %eq3A_327, %convert_element_type3A, %broadcast_in_dim3A_329 : vector<256x4096xi1>, vector<256x4096xf32>
    %reduce_min3A_331 = arith.constant dense<0x7F800000> : vector<256xf32>
    %reduce_min3A_332 = vector.multi_reduction <minimumf>, %select_n3A_330, %reduce_min3A_331 [1] : vector<256x4096xf32> to vector<256xf32>
    %broadcast_in_dim3A_333 = vector.shape_cast %reduce_min3A_332 : vector<256xf32> to vector<256x1xf32>
    %convert_element_type3A_334 = arith.fptosi %broadcast_in_dim3A_333 : vector<256x1xf32> to vector<256x1xi32>
    %add3A_335 = vector.broadcast %mul3A_27 : i32 to vector<256x1xi32>
    %add3A_336 = arith.addi %convert_element_type3A_334, %add3A_335 : vector<256x1xi32>
    %swap3A_337 = arith.constant 0 : index
    %swap3A_338 = arith.constant 0 : index
    %swap3A_339 = arith.constant 12 : index
    %swap3A_340 = vector.load %arg5[%swap3A_337, %swap3A_338, %swap3A_339] : memref<1x256x16xi32, #tpu.memory_space<vmem>>, vector<1x256x1xi32>
    %swap3A_341 = vector.shape_cast %swap3A_340 : vector<1x256x1xi32> to vector<256x1xi32>
    %swap3A_342 = vector.shape_cast %add3A_336 : vector<256x1xi32> to vector<1x256x1xi32>
    tpu.vector_store %arg5[%swap3A_337, %swap3A_338, %swap3A_339], %swap3A_342 {strides = array<i32>} : memref<1x256x16xi32, #tpu.memory_space<vmem>>, vector<1x256x1xi32>,
    %eq3A_343 = vector.broadcast %broadcast_in_dim3A_333 : vector<256x1xf32> to vector<256x4096xf32>
    %eq3A_344 = arith.cmpf oeq, %convert_element_type3A, %eq3A_343 : vector<256x4096xf32>
    %jit3A_345 = arith.constant 0x7F800000 : f32
    %broadcast_in_dim3A_346 = vector.broadcast %jit3A_345 : f32 to vector<256x4096xf32>
    %select_n3A_347 = arith.select %eq3A_344, %broadcast_in_dim3A_346, %select_n3A_322 : vector<256x4096xi1>, vector<256x4096xf32>
    %reduce_min3A_348 = arith.constant dense<0x7F800000> : vector<256xf32>
    %reduce_min3A_349 = vector.multi_reduction <minimumf>, %select_n3A_347, %reduce_min3A_348 [1] : vector<256x4096xf32> to vector<256xf32>
    %broadcast_in_dim3A_350 = vector.shape_cast %reduce_min3A_349 : vector<256xf32> to vector<256x1xf32>
    %eq3A_351 = vector.broadcast %broadcast_in_dim3A_350 : vector<256x1xf32> to vector<256x4096xf32>
    %eq3A_352 = arith.cmpf oeq, %select_n3A_347, %eq3A_351 : vector<256x4096xf32>
    %jit3A_353 = arith.constant 4.096000e+03 : f32
    %broadcast_in_dim3A_354 = vector.broadcast %jit3A_353 : f32 to vector<256x4096xf32>
    %select_n3A_355 = arith.select %eq3A_352, %convert_element_type3A, %broadcast_in_dim3A_354 : vector<256x4096xi1>, vector<256x4096xf32>
    %reduce_min3A_356 = arith.constant dense<0x7F800000> : vector<256xf32>
    %reduce_min3A_357 = vector.multi_reduction <minimumf>, %select_n3A_355, %reduce_min3A_356 [1] : vector<256x4096xf32> to vector<256xf32>
    %broadcast_in_dim3A_358 = vector.shape_cast %reduce_min3A_357 : vector<256xf32> to vector<256x1xf32>
    %convert_element_type3A_359 = arith.fptosi %broadcast_in_dim3A_358 : vector<256x1xf32> to vector<256x1xi32>
    %add3A_360 = vector.broadcast %mul3A_27 : i32 to vector<256x1xi32>
    %add3A_361 = arith.addi %convert_element_type3A_359, %add3A_360 : vector<256x1xi32>
    %swap3A_362 = arith.constant 0 : index
    %swap3A_363 = arith.constant 0 : index
    %swap3A_364 = arith.constant 13 : index
    %swap3A_365 = vector.load %arg5[%swap3A_362, %swap3A_363, %swap3A_364] : memref<1x256x16xi32, #tpu.memory_space<vmem>>, vector<1x256x1xi32>
    %swap3A_366 = vector.shape_cast %swap3A_365 : vector<1x256x1xi32> to vector<256x1xi32>
    %swap3A_367 = vector.shape_cast %add3A_361 : vector<256x1xi32> to vector<1x256x1xi32>
    tpu.vector_store %arg5[%swap3A_362, %swap3A_363, %swap3A_364], %swap3A_367 {strides = array<i32>} : memref<1x256x16xi32, #tpu.memory_space<vmem>>, vector<1x256x1xi32>,
    %eq3A_368 = vector.broadcast %broadcast_in_dim3A_358 : vector<256x1xf32> to vector<256x4096xf32>
    %eq3A_369 = arith.cmpf oeq, %convert_element_type3A, %eq3A_368 : vector<256x4096xf32>
    %jit3A_370 = arith.constant 0x7F800000 : f32
    %broadcast_in_dim3A_371 = vector.broadcast %jit3A_370 : f32 to vector<256x4096xf32>
    %select_n3A_372 = arith.select %eq3A_369, %broadcast_in_dim3A_371, %select_n3A_347 : vector<256x4096xi1>, vector<256x4096xf32>
    %reduce_min3A_373 = arith.constant dense<0x7F800000> : vector<256xf32>
    %reduce_min3A_374 = vector.multi_reduction <minimumf>, %select_n3A_372, %reduce_min3A_373 [1] : vector<256x4096xf32> to vector<256xf32>
    %broadcast_in_dim3A_375 = vector.shape_cast %reduce_min3A_374 : vector<256xf32> to vector<256x1xf32>
    %eq3A_376 = vector.broadcast %broadcast_in_dim3A_375 : vector<256x1xf32> to vector<256x4096xf32>
    %eq3A_377 = arith.cmpf oeq, %select_n3A_372, %eq3A_376 : vector<256x4096xf32>
    %jit3A_378 = arith.constant 4.096000e+03 : f32
    %broadcast_in_dim3A_379 = vector.broadcast %jit3A_378 : f32 to vector<256x4096xf32>
    %select_n3A_380 = arith.select %eq3A_377, %convert_element_type3A, %broadcast_in_dim3A_379 : vector<256x4096xi1>, vector<256x4096xf32>
    %reduce_min3A_381 = arith.constant dense<0x7F800000> : vector<256xf32>
    %reduce_min3A_382 = vector.multi_reduction <minimumf>, %select_n3A_380, %reduce_min3A_381 [1] : vector<256x4096xf32> to vector<256xf32>
    %broadcast_in_dim3A_383 = vector.shape_cast %reduce_min3A_382 : vector<256xf32> to vector<256x1xf32>
    %convert_element_type3A_384 = arith.fptosi %broadcast_in_dim3A_383 : vector<256x1xf32> to vector<256x1xi32>
    %add3A_385 = vector.broadcast %mul3A_27 : i32 to vector<256x1xi32>
    %add3A_386 = arith.addi %convert_element_type3A_384, %add3A_385 : vector<256x1xi32>
    %swap3A_387 = arith.constant 0 : index
    %swap3A_388 = arith.constant 0 : index
    %swap3A_389 = arith.constant 14 : index
    %swap3A_390 = vector.load %arg5[%swap3A_387, %swap3A_388, %swap3A_389] : memref<1x256x16xi32, #tpu.memory_space<vmem>>, vector<1x256x1xi32>
    %swap3A_391 = vector.shape_cast %swap3A_390 : vector<1x256x1xi32> to vector<256x1xi32>
    %swap3A_392 = vector.shape_cast %add3A_386 : vector<256x1xi32> to vector<1x256x1xi32>
    tpu.vector_store %arg5[%swap3A_387, %swap3A_388, %swap3A_389], %swap3A_392 {strides = array<i32>} : memref<1x256x16xi32, #tpu.memory_space<vmem>>, vector<1x256x1xi32>,
    %eq3A_393 = vector.broadcast %broadcast_in_dim3A_383 : vector<256x1xf32> to vector<256x4096xf32>
    %eq3A_394 = arith.cmpf oeq, %convert_element_type3A, %eq3A_393 : vector<256x4096xf32>
    %jit3A_395 = arith.constant 0x7F800000 : f32
    %broadcast_in_dim3A_396 = vector.broadcast %jit3A_395 : f32 to vector<256x4096xf32>
    %select_n3A_397 = arith.select %eq3A_394, %broadcast_in_dim3A_396, %select_n3A_372 : vector<256x4096xi1>, vector<256x4096xf32>
    %reduce_min3A_398 = arith.constant dense<0x7F800000> : vector<256xf32>
    %reduce_min3A_399 = vector.multi_reduction <minimumf>, %select_n3A_397, %reduce_min3A_398 [1] : vector<256x4096xf32> to vector<256xf32>
    %broadcast_in_dim3A_400 = vector.shape_cast %reduce_min3A_399 : vector<256xf32> to vector<256x1xf32>
    %eq3A_401 = vector.broadcast %broadcast_in_dim3A_400 : vector<256x1xf32> to vector<256x4096xf32>
    %eq3A_402 = arith.cmpf oeq, %select_n3A_397, %eq3A_401 : vector<256x4096xf32>
    %jit3A_403 = arith.constant 4.096000e+03 : f32
    %broadcast_in_dim3A_404 = vector.broadcast %jit3A_403 : f32 to vector<256x4096xf32>
    %select_n3A_405 = arith.select %eq3A_402, %convert_element_type3A, %broadcast_in_dim3A_404 : vector<256x4096xi1>, vector<256x4096xf32>
    %reduce_min3A_406 = arith.constant dense<0x7F800000> : vector<256xf32>
    %reduce_min3A_407 = vector.multi_reduction <minimumf>, %select_n3A_405, %reduce_min3A_406 [1] : vector<256x4096xf32> to vector<256xf32>
    %broadcast_in_dim3A_408 = vector.shape_cast %reduce_min3A_407 : vector<256xf32> to vector<256x1xf32>
    %convert_element_type3A_409 = arith.fptosi %broadcast_in_dim3A_408 : vector<256x1xf32> to vector<256x1xi32>
    %add3A_410 = vector.broadcast %mul3A_27 : i32 to vector<256x1xi32>
    %add3A_411 = arith.addi %convert_element_type3A_409, %add3A_410 : vector<256x1xi32>
    %swap3A_412 = arith.constant 0 : index
    %swap3A_413 = arith.constant 0 : index
    %swap3A_414 = arith.constant 15 : index
    %swap3A_415 = vector.load %arg5[%swap3A_412, %swap3A_413, %swap3A_414] : memref<1x256x16xi32, #tpu.memory_space<vmem>>, vector<1x256x1xi32>
    %swap3A_416 = vector.shape_cast %swap3A_415 : vector<1x256x1xi32> to vector<256x1xi32>
    %swap3A_417 = vector.shape_cast %add3A_411 : vector<256x1xi32> to vector<1x256x1xi32>
    tpu.vector_store %arg5[%swap3A_412, %swap3A_413, %swap3A_414], %swap3A_417 {strides = array<i32>} : memref<1x256x16xi32, #tpu.memory_space<vmem>>, vector<1x256x1xi32>,
    return
  }
  func.func @transform_0(%arg0: i32, %arg1: i32) -> (i32, i32, i32) {
    %c0_i32 = arith.constant 0 : i32
    %c0_i32_0 = arith.constant 0 : i32
    return %arg0, %arg1, %c0_i32 : i32, i32, i32
  }
  func.func @transform_1(%arg0: i32, %arg1: i32) -> (i32, i32, i32) {
    %c0_i32 = arith.constant 0 : i32
    %c0_i32_0 = arith.constant 0 : i32
    %c0_i32_1 = arith.constant 0 : i32
    return %arg0, %c0_i32, %c0_i32_0 : i32, i32, i32
  }
  func.func @transform_2(%arg0: i32, %arg1: i32) -> (i32, i32, i32) {
    %c0_i32 = arith.constant 0 : i32
    %c0_i32_0 = arith.constant 0 : i32
    %c0_i32_1 = arith.constant 0 : i32
    return %arg0, %c0_i32, %c0_i32_0 : i32, i32, i32
  }
  func.func @transform_3(%arg0: i32, %arg1: i32) -> (i32, i32, i32) {
    %c0_i32 = arith.constant 0 : i32
    %c0_i32_0 = arith.constant 0 : i32
    return %arg0, %arg1, %c0_i32 : i32, i32, i32
  }
}

module attributes {stable_mosaic.version = 14 : i64} {
  func.func @_mlp1_body(%arg0: memref<3x32768xf32, #tpu.memory_space<vmem>>, %arg1: memref<32x3xf32, #tpu.memory_space<vmem>>, %arg2: memref<32x1xf32, #tpu.memory_space<vmem>>, %arg3: memref<32x1xf32, #tpu.memory_space<vmem>>, %arg4: memref<32x1xf32, #tpu.memory_space<vmem>>, %arg5: memref<64x32xf32, #tpu.memory_space<vmem>>, %arg6: memref<64x1xf32, #tpu.memory_space<vmem>>, %arg7: memref<32768x128xf32, #tpu.memory_space<vmem>>) attributes {dimension_semantics = [], scalar_prefetch = 0 : i64, scratch_operands = 0 : i64, tpu.core_type = #tpu.core_type<tc>} {
    %get3A = arith.constant 0 : index
    %get3A_0 = arith.constant 0 : index
    %get3A_1 = vector.load %arg0[%get3A, %get3A_0] : memref<3x32768xf32, #tpu.memory_space<vmem>>, vector<3x32768xf32>
    %get3A_2 = arith.constant 0 : index
    %get3A_3 = arith.constant 0 : index
    %get3A_4 = vector.load %arg1[%get3A_2, %get3A_3] : memref<32x3xf32, #tpu.memory_space<vmem>>, vector<32x3xf32>
    %dot_general3A = arith.constant dense<0.000000e+00> : vector<32x32768xf32>
    %dot_general3A_5 = tpu.matmul %get3A_4, %get3A_1, %dot_general3A {dimension_numbers = #tpu.dot_dimension_numbers<[1], [0], [0], [1], [0, 0, 1, 1], [], []>, transpose_lhs_hint = false} : vector<32x3xf32>, vector<3x32768xf32>, vector<32x32768xf32> -> vector<32x32768xf32>
    %get3A_6 = arith.constant 0 : index
    %get3A_7 = arith.constant 0 : index
    %get3A_8 = vector.load %arg2[%get3A_6, %get3A_7] : memref<32x1xf32, #tpu.memory_space<vmem>>, vector<32x1xf32>
    %add3A = vector.broadcast %get3A_8 : vector<32x1xf32> to vector<32x32768xf32>
    %add3A_9 = arith.addf %dot_general3A_5, %add3A : vector<32x32768xf32>
    %reduce_sum3A = arith.constant dense<0.000000e+00> : vector<32xf32>
    %reduce_sum3A_10 = vector.multi_reduction <add>, %add3A_9, %reduce_sum3A [1] : vector<32x32768xf32> to vector<32xf32>
    %broadcast_in_dim3A = vector.shape_cast %reduce_sum3A_10 : vector<32xf32> to vector<32x1xf32>
    %div3A = arith.constant 3.276800e+04 : f32
    %div3A_11 = vector.broadcast %div3A : f32 to vector<32x1xf32>
    %div3A_12 = arith.divf %broadcast_in_dim3A, %div3A_11 : vector<32x1xf32>
    %sub3A = vector.broadcast %div3A_12 : vector<32x1xf32> to vector<32x32768xf32>
    %sub3A_13 = arith.subf %add3A_9, %sub3A : vector<32x32768xf32>
    %integer_pow3A = arith.mulf %sub3A_13, %sub3A_13 : vector<32x32768xf32>
    %reduce_sum3A_14 = arith.constant dense<0.000000e+00> : vector<32xf32>
    %reduce_sum3A_15 = vector.multi_reduction <add>, %integer_pow3A, %reduce_sum3A_14 [1] : vector<32x32768xf32> to vector<32xf32>
    %broadcast_in_dim3A_16 = vector.shape_cast %reduce_sum3A_15 : vector<32xf32> to vector<32x1xf32>
    %div3A_17 = arith.constant 3.276800e+04 : f32
    %div3A_18 = vector.broadcast %div3A_17 : f32 to vector<32x1xf32>
    %div3A_19 = arith.divf %broadcast_in_dim3A_16, %div3A_18 : vector<32x1xf32>
    %sub3A_20 = vector.broadcast %div3A_12 : vector<32x1xf32> to vector<32x32768xf32>
    %sub3A_21 = arith.subf %add3A_9, %sub3A_20 : vector<32x32768xf32>
    %add3A_22 = arith.constant 9.99999974E-6 : f32
    %add3A_23 = vector.broadcast %add3A_22 : f32 to vector<32x1xf32>
    %add3A_24 = arith.addf %div3A_19, %add3A_23 : vector<32x1xf32>
    %sqrt3A = math.sqrt %add3A_24 : vector<32x1xf32>
    %div3A_25 = vector.broadcast %sqrt3A : vector<32x1xf32> to vector<32x32768xf32>
    %div3A_26 = arith.divf %sub3A_21, %div3A_25 : vector<32x32768xf32>
    %get3A_27 = arith.constant 0 : index
    %get3A_28 = arith.constant 0 : index
    %get3A_29 = vector.load %arg3[%get3A_27, %get3A_28] : memref<32x1xf32, #tpu.memory_space<vmem>>, vector<32x1xf32>
    %mul3A = vector.broadcast %get3A_29 : vector<32x1xf32> to vector<32x32768xf32>
    %mul3A_30 = arith.mulf %div3A_26, %mul3A : vector<32x32768xf32>
    %get3A_31 = arith.constant 0 : index
    %get3A_32 = arith.constant 0 : index
    %get3A_33 = vector.load %arg4[%get3A_31, %get3A_32] : memref<32x1xf32, #tpu.memory_space<vmem>>, vector<32x1xf32>
    %add3A_34 = vector.broadcast %get3A_33 : vector<32x1xf32> to vector<32x32768xf32>
    %add3A_35 = arith.addf %mul3A_30, %add3A_34 : vector<32x32768xf32>
    %max3A = arith.constant 0.000000e+00 : f32
    %max3A_36 = vector.broadcast %max3A : f32 to vector<32x32768xf32>
    %max3A_37 = arith.maximumf %add3A_35, %max3A_36 : vector<32x32768xf32>
    %get3A_38 = arith.constant 0 : index
    %get3A_39 = arith.constant 0 : index
    %get3A_40 = vector.load %arg5[%get3A_38, %get3A_39] : memref<64x32xf32, #tpu.memory_space<vmem>>, vector<64x32xf32>
    %dot_general3A_41 = arith.constant dense<0.000000e+00> : vector<64x32768xf32>
    %dot_general3A_42 = tpu.matmul %get3A_40, %max3A_37, %dot_general3A_41 {dimension_numbers = #tpu.dot_dimension_numbers<[1], [0], [0], [1], [0, 0, 1, 1], [], []>, transpose_lhs_hint = false} : vector<64x32xf32>, vector<32x32768xf32>, vector<64x32768xf32> -> vector<64x32768xf32>
    %get3A_43 = arith.constant 0 : index
    %get3A_44 = arith.constant 0 : index
    %get3A_45 = vector.load %arg6[%get3A_43, %get3A_44] : memref<64x1xf32, #tpu.memory_space<vmem>>, vector<64x1xf32>
    %add3A_46 = vector.broadcast %get3A_45 : vector<64x1xf32> to vector<64x32768xf32>
    %add3A_47 = arith.addf %dot_general3A_42, %add3A_46 : vector<64x32768xf32>
    %broadcast_in_dim3A_48 = arith.constant 0.000000e+00 : f32
    %broadcast_in_dim3A_49 = vector.broadcast %broadcast_in_dim3A_48 : f32 to vector<32768x13xf32>
    %broadcast_in_dim3A_50 = arith.constant 0.000000e+00 : f32
    %broadcast_in_dim3A_51 = vector.broadcast %broadcast_in_dim3A_50 : f32 to vector<32768x48xf32>
    %transpose3A = tpu.transpose %get3A_1, [1, 0] : vector<3x32768xf32> -> vector<32768x3xf32>
    %transpose3A_52 = tpu.transpose %add3A_47, [1, 0] : vector<64x32768xf32> -> vector<32768x64xf32>
    %concatenate3A = tpu.concatenate %transpose3A, %broadcast_in_dim3A_49, %transpose3A_52, %broadcast_in_dim3A_51 in 1 : vector<32768x3xf32>, vector<32768x13xf32>, vector<32768x64xf32>, vector<32768x48xf32> -> vector<32768x128xf32>
    %swap3A = arith.constant 0 : index
    %swap3A_53 = arith.constant 0 : index
    %swap3A_54 = vector.load %arg7[%swap3A, %swap3A_53] : memref<32768x128xf32, #tpu.memory_space<vmem>>, vector<32768x128xf32>
    tpu.vector_store %arg7[%swap3A, %swap3A_53], %concatenate3A {strides = array<i32>} : memref<32768x128xf32, #tpu.memory_space<vmem>>, vector<32768x128xf32>,
    return
  }
}

module attributes {stable_mosaic.version = 14 : i64} {
  func.func @_mlp2_body(%arg0: memref<16384x128xf32, #tpu.memory_space<vmem>>, %arg1: memref<16384x3xf32, #tpu.memory_space<vmem>>, %arg2: memref<64x67xf32, #tpu.memory_space<vmem>>, %arg3: memref<1x64xf32, #tpu.memory_space<vmem>>, %arg4: memref<1x64xf32, #tpu.memory_space<vmem>>, %arg5: memref<1x64xf32, #tpu.memory_space<vmem>>, %arg6: memref<64x64xf32, #tpu.memory_space<vmem>>, %arg7: memref<1x64xf32, #tpu.memory_space<vmem>>, %arg8: memref<16384x64xf32, #tpu.memory_space<vmem>>) attributes {dimension_semantics = [], scalar_prefetch = 0 : i64, scratch_operands = 0 : i64, tpu.core_type = #tpu.core_type<tc>} {
    %get3A = arith.constant 0 : index
    %get3A_0 = arith.constant 0 : index
    %get3A_1 = vector.load %arg0[%get3A, %get3A_0] : memref<16384x128xf32, #tpu.memory_space<vmem>>, vector<16384x3xf32>
    %get3A_2 = arith.constant 0 : index
    %get3A_3 = arith.constant 0 : index
    %get3A_4 = vector.load %arg1[%get3A_2, %get3A_3] : memref<16384x3xf32, #tpu.memory_space<vmem>>, vector<16384x3xf32>
    %sub3A = arith.subf %get3A_1, %get3A_4 : vector<16384x3xf32>
    %get3A_5 = arith.constant 0 : index
    %get3A_6 = arith.constant 16 : index
    %get3A_7 = vector.load %arg0[%get3A_5, %get3A_6] : memref<16384x128xf32, #tpu.memory_space<vmem>>, vector<16384x64xf32>
    %concatenate3A = tpu.concatenate %sub3A, %get3A_7 in 1 : vector<16384x3xf32>, vector<16384x64xf32> -> vector<16384x67xf32>
    %get3A_8 = arith.constant 0 : index
    %get3A_9 = arith.constant 0 : index
    %get3A_10 = vector.load %arg2[%get3A_8, %get3A_9] : memref<64x67xf32, #tpu.memory_space<vmem>>, vector<64x67xf32>
    %dot_general3A = arith.constant dense<0.000000e+00> : vector<16384x64xf32>
    %dot_general3A_11 = tpu.matmul %concatenate3A, %get3A_10, %dot_general3A {dimension_numbers = #tpu.dot_dimension_numbers<[1], [1], [0], [0], [0, 0, 1, 0], [], []>, transpose_lhs_hint = false} : vector<16384x67xf32>, vector<64x67xf32>, vector<16384x64xf32> -> vector<16384x64xf32>
    %get3A_12 = arith.constant 0 : index
    %get3A_13 = arith.constant 0 : index
    %get3A_14 = vector.load %arg3[%get3A_12, %get3A_13] : memref<1x64xf32, #tpu.memory_space<vmem>>, vector<1x64xf32>
    %add3A = vector.broadcast %get3A_14 : vector<1x64xf32> to vector<16384x64xf32>
    %add3A_15 = arith.addf %dot_general3A_11, %add3A : vector<16384x64xf32>
    %reduce_sum3A = arith.constant dense<0.000000e+00> : vector<64xf32>
    %reduce_sum3A_16 = vector.multi_reduction <add>, %add3A_15, %reduce_sum3A [0] : vector<16384x64xf32> to vector<64xf32>
    %broadcast_in_dim3A = vector.shape_cast %reduce_sum3A_16 : vector<64xf32> to vector<1x64xf32>
    %div3A = arith.constant 1.638400e+04 : f32
    %div3A_17 = vector.broadcast %div3A : f32 to vector<1x64xf32>
    %div3A_18 = arith.divf %broadcast_in_dim3A, %div3A_17 : vector<1x64xf32>
    %sub3A_19 = vector.broadcast %div3A_18 : vector<1x64xf32> to vector<16384x64xf32>
    %sub3A_20 = arith.subf %add3A_15, %sub3A_19 : vector<16384x64xf32>
    %integer_pow3A = arith.mulf %sub3A_20, %sub3A_20 : vector<16384x64xf32>
    %reduce_sum3A_21 = arith.constant dense<0.000000e+00> : vector<64xf32>
    %reduce_sum3A_22 = vector.multi_reduction <add>, %integer_pow3A, %reduce_sum3A_21 [0] : vector<16384x64xf32> to vector<64xf32>
    %broadcast_in_dim3A_23 = vector.shape_cast %reduce_sum3A_22 : vector<64xf32> to vector<1x64xf32>
    %div3A_24 = arith.constant 1.638400e+04 : f32
    %div3A_25 = vector.broadcast %div3A_24 : f32 to vector<1x64xf32>
    %div3A_26 = arith.divf %broadcast_in_dim3A_23, %div3A_25 : vector<1x64xf32>
    %sub3A_27 = vector.broadcast %div3A_18 : vector<1x64xf32> to vector<16384x64xf32>
    %sub3A_28 = arith.subf %add3A_15, %sub3A_27 : vector<16384x64xf32>
    %add3A_29 = arith.constant 9.99999974E-6 : f32
    %add3A_30 = vector.broadcast %add3A_29 : f32 to vector<1x64xf32>
    %add3A_31 = arith.addf %div3A_26, %add3A_30 : vector<1x64xf32>
    %sqrt3A = math.sqrt %add3A_31 : vector<1x64xf32>
    %div3A_32 = vector.broadcast %sqrt3A : vector<1x64xf32> to vector<16384x64xf32>
    %div3A_33 = arith.divf %sub3A_28, %div3A_32 : vector<16384x64xf32>
    %get3A_34 = arith.constant 0 : index
    %get3A_35 = arith.constant 0 : index
    %get3A_36 = vector.load %arg4[%get3A_34, %get3A_35] : memref<1x64xf32, #tpu.memory_space<vmem>>, vector<1x64xf32>
    %mul3A = vector.broadcast %get3A_36 : vector<1x64xf32> to vector<16384x64xf32>
    %mul3A_37 = arith.mulf %div3A_33, %mul3A : vector<16384x64xf32>
    %get3A_38 = arith.constant 0 : index
    %get3A_39 = arith.constant 0 : index
    %get3A_40 = vector.load %arg5[%get3A_38, %get3A_39] : memref<1x64xf32, #tpu.memory_space<vmem>>, vector<1x64xf32>
    %add3A_41 = vector.broadcast %get3A_40 : vector<1x64xf32> to vector<16384x64xf32>
    %add3A_42 = arith.addf %mul3A_37, %add3A_41 : vector<16384x64xf32>
    %max3A = arith.constant 0.000000e+00 : f32
    %max3A_43 = vector.broadcast %max3A : f32 to vector<16384x64xf32>
    %max3A_44 = arith.maximumf %add3A_42, %max3A_43 : vector<16384x64xf32>
    %get3A_45 = arith.constant 0 : index
    %get3A_46 = arith.constant 0 : index
    %get3A_47 = vector.load %arg6[%get3A_45, %get3A_46] : memref<64x64xf32, #tpu.memory_space<vmem>>, vector<64x64xf32>
    %dot_general3A_48 = arith.constant dense<0.000000e+00> : vector<16384x64xf32>
    %dot_general3A_49 = tpu.matmul %max3A_44, %get3A_47, %dot_general3A_48 {dimension_numbers = #tpu.dot_dimension_numbers<[1], [1], [0], [0], [0, 0, 1, 0], [], []>, transpose_lhs_hint = false} : vector<16384x64xf32>, vector<64x64xf32>, vector<16384x64xf32> -> vector<16384x64xf32>
    %get3A_50 = arith.constant 0 : index
    %get3A_51 = arith.constant 0 : index
    %get3A_52 = vector.load %arg7[%get3A_50, %get3A_51] : memref<1x64xf32, #tpu.memory_space<vmem>>, vector<1x64xf32>
    %add3A_53 = vector.broadcast %get3A_52 : vector<1x64xf32> to vector<16384x64xf32>
    %add3A_54 = arith.addf %dot_general3A_49, %add3A_53 : vector<16384x64xf32>
    %swap3A = arith.constant 0 : index
    %swap3A_55 = arith.constant 0 : index
    %swap3A_56 = vector.load %arg8[%swap3A, %swap3A_55] : memref<16384x64xf32, #tpu.memory_space<vmem>>, vector<16384x64xf32>
    tpu.vector_store %arg8[%swap3A, %swap3A_55], %add3A_54 {strides = array<i32>} : memref<16384x64xf32, #tpu.memory_space<vmem>>, vector<16384x64xf32>,
    return
  }
}

</mosaic_0001>

<sc_bundles>
// kernel: kernel.7.cloned.1.call-start
scs
__scs_entry_jumppad:
0x0: {  	(pc) =	sbr.rel $0x88, $3  }
0x1: {  	(tag) =	ssettag $0x0;
	lr =	simm.s32 $0x1  }
0x2: {  	[smem:$0x3F94] =	sst lr;
	_ =	strace $0xD0000000  }
0x3: {  	_ = 	snop  }
0x4: {  	_ = 	snop  }
0x5: {  	_ = 	snop  }
0x6: {  	_ = 	snop  }
0x7: {  	_ = 	snop  }
__scs_overlays_trampoline_lowered:
0x8: {  	[smem:$0x3FA3] =	sst s0  }
0x9: {  	[smem:$0x3FA4] =	sst s1  }
0xa: {  	[smem:$0x3FA5] =	sst s2  }
0xb: {  	[smem:$0x3FA6] =	sst s3  }
0xc: {  	[smem:$0x3FA7] =	sst s4  }
0xd: {  	[smem:$0x3FA8] =	sst s5  }
0xe: {  	[smem:$0x3FA9] =	sst s6  }
0xf: {  	[smem:$0x3FAA] =	sst s7  }
0x10: {  	[smem:$0x3FAB] =	sst s8  }
0x11: {  	[smem:$0x3FAC] =	sst s9;
	s0 =	simm.s32 @!p0 $0x0  }
0x12: {  	s1 =	sld [smem:$0x3F92];
	s0 =	simm.s32 @p0 $0x1  }
0x13: {  	[smem:$0x3FAD] =	sst s0;
	s0 =	simm.s32 @!p1 $0x0  }
0x14: {  	s2 =	sld [smem:$0x3F91];
	s0 =	simm.s32 @p1 $0x1  }
0x15: {  	[smem:$0x3FAE] =	sst s0;
	s0 =	simm.s32 @!p2 $0x0  }
0x16: {  	s3 =	sld [smem:$0x3FDB];
	s0 =	simm.s32 @p2 $0x1  }
0x17: {  	s4 =	simm.s32 $0x1BF5;
	[smem:$0x3FB0] =	sst s0  }
0x18: {  	s0 =	sld [smem:$0x3F93];
	_ =	swait.ge [sflag:s4], $0x0  }
0x19: {  	s7 =	sld [smem:$0x3F94]  }
0x1a: {  	s8 =	sadd.s32 $0xFFFFE003, lr  }
0x1b: {  	s9 =	sadd.s32 $0xFFFFFEF7, lr;
	s5 =	simm.s32 $0xFFFFFFFF;
	p2 =	slt.u32 s8, $0xFFFFF086  }
0x1c: {  	p1 =	slt.u32 s9, $0xF7A;
	s5 =	simm.s32 @!p2 $0x0  }
0x1d: {  	s5 =	simm.s32 @p1 $0x1;
	p0 =	seq.s32 s7, s2  }
0x1e: {  	s7 =	smul.u32 @!p0 $0xF7A, s2;
	p2 =	seq.s32 @!p0 s5, $0x0  }
0x1f: {  	s9 =	smul.u32 $0xF7A, s1;
	s8 =	simm.s32 @!p0 $0x1BF5;
	p2 =	por !p2, p0  }
0x20: {  	[sflag:s8] =	ssyncset.s32 @!p0 $0xFFFFF086;
	s6 =	sadd.s32 @!p0 s3, s7;
	s7 =	simm.s32 @!p0 $0x108  }
0x21: {  	s3 =	sadd.s32 s3, s9;
	s6 =	sadd.s32 @!p0 $0x88, s6;
	s7 =	simm.s32 @p2 $0x1082  }
0x22: {  	[simem:s7], [sflag:s8] =	dma.local @!p0 [hbm:s6], $0xF7A  }
0x23: {  	s9 =	sor.u32 $0xD0000000, s2;
	s6 =	simm.s32 $0x108;
	_ =	swait.ge @!p0 [sflag:s8], $0x0  }
0x24: {  	s3 =	sadd.s32 $0x88, s3;
	s6 =	simm.s32 @!p1 $0x1082;
	[sflag:s4] =	ssyncset.s32 $0xFFFFF086  }
0x25: {  	[simem:s6], [sflag:s4] =	dma.local [hbm:s3], $0xF7A  }
0x26: {  	[smem:$0x3F94] =	sst s1;
	(tag) =	ssettag s2;
	_ =	strace s9  }
0x27: {  	s1 =	sld [smem:$0x3FA4]  }
0x28: {  	s2 =	sld [smem:$0x3FA5]  }
0x29: {  	s4 =	sld [smem:$0x3FA7]  }
0x2a: {  	p0 =	seq.s32 s5, $0x0;
	s5 =	sld [smem:$0x3FA8]  }
0x2b: {  	s6 =	sld [smem:$0x3FA9]  }
0x2c: {  	s7 =	sld [smem:$0x3FAA]  }
0x2d: {  	s3 =	simm.s32 $0x108;
	s8 =	sld [smem:$0x3FAB]  }
0x2e: {  	s3 =	simm.s32 @!p0 $0x1082;
	s9 =	sld [smem:$0x3FAC]  }
0x2f: {  	lr =	sadd.s32 s0, s3;
	s0 =	sld [smem:$0x3FA3]  }
0x30: {  	s3 =	sld [smem:$0x3FA6]  }
0x31: {  	[smem:$0x3FAF] =	sst s10  }
0x32: {  	s10 =	sld [smem:$0x3FAD];
	_ =	sdelay $0x3  }
0x33: {  	p0 =	seq.s32 s10, $0x1;
	s10 =	sld [smem:$0x3FAF];
	_ =	sdelay $0x3  }
0x34: {  	[smem:$0x3FAF] =	sst s10  }
0x35: {  	s10 =	sld [smem:$0x3FAE];
	_ =	sdelay $0x3  }
0x36: {  	p1 =	seq.s32 s10, $0x1;
	s10 =	sld [smem:$0x3FAF];
	_ =	sdelay $0x3  }
0x37: {  	[smem:$0x3FAF] =	sst s10  }
0x38: {  	s10 =	sld [smem:$0x3FB0]  }
0x39: {  	_ = 	snop;
	(pc) =	sbr.ind lr, $3  }
0x3a: {  	_ = 	snop  }
0x3b: {  	_ = 	snop  }
0x3c: {  	p2 =	seq.s32 s10, $0x1;
	s10 =	sld [smem:$0x3FAF]  }
0x3d: {  	_ =	shalt  }
0x3e: {  	_ =	shalt  }
0x3f: {  	_ =	shalt  }
0x40: {  	_ =	shalt  }
0x41: {  	_ =	shalt  }
0x42: {  	_ =	shalt  }
0x43: {  	_ =	shalt  }
0x44: {  	_ =	shalt  }
0x45: {  	_ =	shalt  }
0x46: {  	_ =	shalt  }
0x47: {  	_ =	shalt  }
0x48: {  	_ =	shalt  }
0x49: {  	_ =	shalt  }
0x4a: {  	_ =	shalt  }
0x4b: {  	_ =	shalt  }
0x4c: {  	_ =	shalt  }
0x4d: {  	_ =	shalt  }
0x4e: {  	_ =	shalt  }
0x4f: {  	_ =	shalt  }
0x50: {  	_ =	shalt  }
0x51: {  	_ =	shalt  }
0x52: {  	_ =	shalt  }
0x53: {  	_ =	shalt  }
0x54: {  	_ =	shalt  }
0x55: {  	_ =	shalt  }
0x56: {  	_ =	shalt  }
0x57: {  	_ =	shalt  }
0x58: {  	_ =	shalt  }
0x59: {  	_ =	shalt  }
0x5a: {  	_ =	shalt  }
0x5b: {  	_ =	shalt  }
0x5c: {  	_ =	shalt  }
0x5d: {  	_ =	shalt  }
0x5e: {  	_ =	shalt  }
0x5f: {  	_ =	shalt  }
0x60: {  	_ =	shalt  }
0x61: {  	_ =	shalt  }
0x62: {  	_ =	shalt  }
0x63: {  	_ =	shalt  }
0x64: {  	_ =	shalt  }
0x65: {  	_ =	shalt  }
0x66: {  	_ =	shalt  }
0x67: {  	_ =	shalt  }
0x68: {  	_ =	shalt  }
0x69: {  	_ =	shalt  }
0x6a: {  	_ =	shalt  }
0x6b: {  	_ =	shalt  }
0x6c: {  	_ =	shalt  }
0x6d: {  	_ =	shalt  }
0x6e: {  	_ =	shalt  }
0x6f: {  	_ =	shalt  }
0x70: {  	_ =	shalt  }
0x71: {  	_ =	shalt  }
0x72: {  	_ =	shalt  }
0x73: {  	_ =	shalt  }
0x74: {  	_ =	shalt  }
0x75: {  	_ =	shalt  }
0x76: {  	_ =	shalt  }
0x77: {  	_ =	shalt  }
0x78: {  	_ =	shalt  }
0x79: {  	_ =	shalt  }
0x7a: {  	_ =	shalt  }
0x7b: {  	_ =	shalt  }
0x7c: {  	_ =	shalt  }
0x7d: {  	_ =	shalt  }
0x7e: {  	_ =	shalt  }
0x7f: {  	_ =	shalt  }
0x80: {  	_ =	shalt  }
0x81: {  	_ =	shalt  }
0x82: {  	_ =	shalt  }
0x83: {  	_ =	shalt  }
0x84: {  	_ =	shalt  }
0x85: {  	_ =	shalt  }
0x86: {  	_ =	shalt  }
0x87: {  	_ =	shalt  }
.Lfunc_end0:
.L_simem_size_0:
called_computation_lowered:
.L_overlay_start_0:
0x88: {  	s2 =	sld [smem:$0x3FD9]  }
0x89: {  	s3 =	sld [smem:$0x3FFE];
	_ =	sdelay $0x1  }
0x8a: {  	s1 =	srdreg.scid  }
0x8b: {  	s0 =	sand.u32 $0x1, s1  }
0x8c: {  	s17 =	sshll.u32 s0, $0xA;
	s2 =	sadd.s32 s3, s2  }
0x8d: {  	s2 =	sadd.s32 s2, s17  }
0x8e: {  	[smem:$0x3FBB] =	sst s2  }
0x8f: {  	_ = 	snop  }
0x90: {  	s2 =	sld [smem:$0x3FD0];
	(tm) =	ssettm $0x1  }
0x91: {  	s18 =	sld [smem:$0x3FFB];
	_ =	sdelay $0x3  }
0x92: {  	_ =	strace s18  }
0x93: {  	s3 =	sld [smem:$0x3FFC];
	_ =	sdelay $0x3  }
0x94: {  	_ =	strace s3  }
0x95: {  	s3 =	sld [smem:$0x3FFD];
	_ =	sdelay $0x3  }
0x96: {  	_ =	strace s3  }
0x97: {  	_ =	strace $0x8FFFFFFF  }
0x98: {  	s19 =	sld [smem:$0x3FDB];
	_ =	sdelay $0x1  }
0x99: {  	s4 =	simm.s32 $_scs_section_size  }
0x9a: {  	s5 =	simm.s32 $_size__tile_overlayer_lowered;
	s6 =	simm.s32 $_tile_overlayer_lowered  }
0x9b: {  	s22 =	simm.s32 $0x1BFF;
	s21 =	sshll.u32 s6, $0x1;
	s3 =	sadd.s32 s4, s19  }
0x9c: {  	s7 =	simm.s32 $0x0;
	s20 =	sshll.u32 s5, $0x1;
	s5 =	sadd.s32 s21, s3  }
0x9d: {  	[timem:s7], [sflag:s22] =	dma.local [hbm:s5], s20  }
0x9e: {  	_ =	swait.ge [sflag:s22], s20  }
0x9f: {  	s4 =	ssub.s32 $0x0, s20;
	[sflag:s22] =	ssyncset.done $0x0  }
0xa0: {  	[sflag:s22] =	ssyncadd.s32 s4;
	_ =	sdelay $0x1  }
0xa1: {  	s23 =	simm.s32 $0x1B8B  }
0xa2: {  	_ =	swait.ge [sflag:s23], $0x1  }
0xa3: {  	[sflag:s23] =	ssyncset.done $0x0  }
0xa4: {  	s25 =	simm.s32 $0x1B8E;
	s24 =	sld [smem:$0x3FFE];
	[sflag:s23] =	ssyncadd.s32 $0xFFFFFFFF  }
0xa5: {  	s26 =	simm.s32 $execute0_lowered;
	[smem:$0x3FD2] =	sst s25  }
0xa6: {  	s5 =	sshll.u32 s26, $0x1;
	_ =	strace $0x80000046;
	[dreg:$0x1] =	wrdreg $0xFFFFFFFF  }
0xa7: {  	s28 =	simm.s32 $_size_execute0_lowered;
	s3 =	sadd.s32 s3, s5;
	[dreg:$0x0] =	wrdreg $0x0  }
0xa8: {  	s5 =	sshll.u32 s28, $0x1;
	[dreg:$0x2] =	wrdreg s3  }
0xa9: {  	[dreg:$0x3] =	wrdreg s5  }
0xaa: {  	[dreg:$0x4] =	wrdreg $0xC0  }
0xab: {  	_ =	task [dreg:s7], $0x5FFFF  }
0xac: {  	[dreg:$0x1] =	wrdreg $0xFFFFFFFF  }
0xad: {  	[dreg:$0x0] =	wrdreg $0x60  }
0xae: {  	[dreg:$0x2] =	wrdreg s24  }
0xaf: {  	[dreg:$0x3] =	wrdreg s2  }
0xb0: {  	[dreg:$0x4] =	wrdreg $0x9  }
0xb1: {  	_ =	task.clear_ibuf [dreg:s7], $0x5FFFF;
	_ =	strace $0x90000046  }
0xb2: {  	s29 =	simm.s32 $0x9;
	_ =	strace $0x80000048  }
0xb3: {  	_ =	swait.ge [sflag:s29], $0x1  }
0xb4: {  	[sflag:s29] =	ssyncadd.s32 $0xFFFFFFFF  }
0xb5: {  	_ =	strace $0x90000048  }
0xb6: {  	_ =	sfence  }
0xb7: {  	s30 =	sld [smem:$0x0];
	_ =	sdelay $0x2  }
0xb8: {  	s31 =	sshll.u32 s1, $0xD;
	s1 =	sshrl.u32 s1, $0x2  }
0xb9: {  	s3 =	sand.u32 $0x4000, s31;
	s1 =	sadd.s32 s1, s30  }
0xba: {  	s0 =	sor.u32 s3, s0;
	s1 =	sshll.u32 s1, $0x11  }
0xbb: {  	s0 =	sor.u32 s1, s0  }
0xbc: {  	s0 =	sadd.s32 $0x8F2B, s0  }
0xbd: {  	[sflag:s0] =	ssyncadd.remote.s32 $0x1  }
0xbe: {  	_ =	sfence.sel $0xFFFF  }
0xbf: {  	[dreg:$0x0] =	wrdreg $0xFFFFFFFF;
	(pc) =	sbr.abs _section_cstart, $3  }
0xc0: {  	[dreg:$0x1] =	wrdreg $0xFFFFFFFF  }
0xc1: {  	_ =	task.clear_ibuf [dreg:s7], $0x2FFFF;
	_ =	strace $0x9FFFFFFF  }
0xc2: {  	(tm) =	ssettm $0x7FFFFFFF  }
0xc3: {  	_ =	shalt  }
tec
execute0_lowered:
.L_overlay_start_1:
0x0: {  	(tag) =	ssettag $0x1  }
0x1: {  	s4 =	rddreg [dreg:$0x0]  }
0x2: {  	s5 =	rddreg [dreg:$0x1]  }
0x3: {  	s0 =	rddreg [dreg:$0x2]  }
0x4: {  	s2 =	simm.s32 $0x0;
	s3 =	srdreg.scid;
	s1 =	stileid.u32  }
0x5: {  	s10 =	simm.s32 $0x1;
	s11 =	simm.s32 $0x6000;
	s12 =	simm.s32 $0x0  }
0x6: {  	[smem:$0x7FF] =	sst s2;
	s3 =	sand.u32 $0x1, s3;
	s6 =	sshll.u32 s1, $0x1  }
0x7: {  	_ =	strace $0x80000047;
	s6 =	sor.u32 s3, s6;
	s7 =	ssub.s32 $0x2, s3  }
0x8: {  	s3 =	sadd.s32 $0x2400, s4;
	s8 =	sshll.u32 s6, $0xD;
	s9 =	sshrl.u32 s7, $0x1  }
0x9: {  	s31 =	sshll.u32 s6, $0xA;
	s8 =	sadd.s32 s8, s4;
	s7 =	ssub.s32 s7, s9  }
0xa: {  	s4 =	sadd.s32 s5, s31;
	s9 =	simm.s32 $0x2000;
	s5 =	sadd.s32 $0xC2400, s8  }
0xb: {  	s6 =	smax.u32 s7, $0x1;
	s7 =	simm.s32 $0x2;
	s8 =	simm.s32 $0x80  }
.LBB2_1:
0xc: {  	[tilespmem:s2], [sflag:$0x2] =	stream.linear.gather [hbm4b:s4+s2], $0x2000, $0x38;
	[tilespmem:$0x16000] =	vst v63  }
0xd: {  	_ =	swait.ge [sflag:s7], $0x2000  }
0xe: {  	[sflag:s7] =	ssyncset.done $0x0  }
0xf: {  	s13 =	simm.s32 $0x6200;
	s14 =	simm.s32 $0x0;
	[sflag:s7] =	ssyncadd.s32 $0xFFFFE000  }
.LBB2_2:
0x10: {  	s15 =	sshra.s32 s14, $0x2  }
0x11: {  	[tilespmem:s9], [sflag:$0x1] =	stream.indirect.gather [hbm4b:s3+s8], $0x80, s15, s8, $0xb8;
	[tilespmem:$0x16000] =	vst v63  }
0x12: {  	_ =	swait.ge [sflag:s10], $0x4000  }
0x13: {  	[sflag:s10] =	ssyncset.done $0x0  }
0x14: {  	[sflag:s10] =	ssyncadd.s32 $0xFFFFC000  }
0x15: {  	v0 =	vld [tilespmem:$0x2000]  }
0x16: {  	v1 =	vld [tilespmem:$0x2080]  }
0x17: {  	v2 =	vld [tilespmem:$0x2100]  }
0x18: {  	v3 =	vld [tilespmem:$0x2180]  }
0x19: {  	v4 =	vld [tilespmem:$0x2200]  }
0x1a: {  	v5 =	vld [tilespmem:$0x2280]  }
0x1b: {  	v29 =	vld [tilespmem:$0x2300];
	v0 =	vmax.f32 v0, v1  }
0x1c: {  	v30 =	vld [tilespmem:$0x2380];
	v0 =	vmax.f32 v0, v2  }
0x1d: {  	v31 =	vld [tilespmem:$0x2400];
	v0 =	vmax.f32 v0, v3  }
0x1e: {  	v32 =	vld [tilespmem:$0x2480];
	v0 =	vmax.f32 v0, v4  }
0x1f: {  	v33 =	vld [tilespmem:$0x2500];
	v0 =	vmax.f32 v0, v5  }
0x20: {  	v34 =	vld [tilespmem:$0x2580];
	v0 =	vmax.f32 v0, v29  }
0x21: {  	v35 =	vld [tilespmem:$0x2600];
	v0 =	vmax.f32 v0, v30  }
0x22: {  	v36 =	vld [tilespmem:$0x2680];
	v0 =	vmax.f32 v0, v31  }
0x23: {  	v37 =	vld [tilespmem:$0x2700];
	v0 =	vmax.f32 v0, v32  }
0x24: {  	v38 =	vld [tilespmem:$0x2780];
	v0 =	vmax.f32 v0, v33  }
0x25: {  	v0 =	vmax.f32 v0, v34  }
0x26: {  	v0 =	vmax.f32 v0, v35  }
0x27: {  	v0 =	vmax.f32 v0, v36  }
0x28: {  	v0 =	vmax.f32 v0, v37  }
0x29: {  	v0 =	vmax.f32 v0, v38  }
0x2a: {  	[tilespmem:s13+$0xFFFFFE00] =	vst v0  }
0x2b: {  	v0 =	vld [tilespmem:$0x2010]  }
0x2c: {  	v39 =	vld [tilespmem:$0x2090]  }
0x2d: {  	v40 =	vld [tilespmem:$0x2110]  }
0x2e: {  	v41 =	vld [tilespmem:$0x2190]  }
0x2f: {  	v42 =	vld [tilespmem:$0x2210]  }
0x30: {  	v43 =	vld [tilespmem:$0x2290]  }
0x31: {  	v44 =	vld [tilespmem:$0x2310];
	v0 =	vmax.f32 v0, v39  }
0x32: {  	v45 =	vld [tilespmem:$0x2390];
	v0 =	vmax.f32 v0, v40  }
0x33: {  	v46 =	vld [tilespmem:$0x2410];
	v0 =	vmax.f32 v0, v41  }
0x34: {  	v47 =	vld [tilespmem:$0x2490];
	v0 =	vmax.f32 v0, v42  }
0x35: {  	v48 =	vld [tilespmem:$0x2510];
	v0 =	vmax.f32 v0, v43  }
0x36: {  	v49 =	vld [tilespmem:$0x2590];
	v0 =	vmax.f32 v0, v44  }
0x37: {  	v50 =	vld [tilespmem:$0x2610];
	v0 =	vmax.f32 v0, v45  }
0x38: {  	v51 =	vld [tilespmem:$0x2690];
	v0 =	vmax.f32 v0, v46  }
0x39: {  	v52 =	vld [tilespmem:$0x2710];
	v0 =	vmax.f32 v0, v47  }
0x3a: {  	v53 =	vld [tilespmem:$0x2790];
	v0 =	vmax.f32 v0, v48  }
0x3b: {  	v0 =	vmax.f32 v0, v49  }
0x3c: {  	v0 =	vmax.f32 v0, v50  }
0x3d: {  	v0 =	vmax.f32 v0, v51  }
0x3e: {  	v0 =	vmax.f32 v0, v52  }
0x3f: {  	v0 =	vmax.f32 v0, v53  }
0x40: {  	[tilespmem:s13+$0xFFFFFE10] =	vst v0  }
0x41: {  	v0 =	vld [tilespmem:$0x2020]  }
0x42: {  	v54 =	vld [tilespmem:$0x20A0]  }
0x43: {  	v55 =	vld [tilespmem:$0x2120]  }
0x44: {  	v56 =	vld [tilespmem:$0x21A0]  }
0x45: {  	v57 =	vld [tilespmem:$0x2220]  }
0x46: {  	v58 =	vld [tilespmem:$0x22A0]  }
0x47: {  	v59 =	vld [tilespmem:$0x2320];
	v0 =	vmax.f32 v0, v54  }
0x48: {  	v60 =	vld [tilespmem:$0x23A0];
	v0 =	vmax.f32 v0, v55  }
0x49: {  	v61 =	vld [tilespmem:$0x2420];
	v0 =	vmax.f32 v0, v56  }
0x4a: {  	v62 =	vld [tilespmem:$0x24A0];
	v0 =	vmax.f32 v0, v57  }
0x4b: {  	v63 =	vld [tilespmem:$0x2520];
	v0 =	vmax.f32 v0, v58  }
0x4c: {  	v8 =	vld [tilespmem:$0x25A0];
	v0 =	vmax.f32 v0, v59  }
0x4d: {  	v9 =	vld [tilespmem:$0x2620];
	v0 =	vmax.f32 v0, v60  }
0x4e: {  	v10 =	vld [tilespmem:$0x26A0];
	v0 =	vmax.f32 v0, v61  }
0x4f: {  	v11 =	vld [tilespmem:$0x2720];
	v0 =	vmax.f32 v0, v62  }
0x50: {  	v12 =	vld [tilespmem:$0x27A0];
	v0 =	vmax.f32 v0, v63  }
0x51: {  	v0 =	vmax.f32 v0, v8  }
0x52: {  	v0 =	vmax.f32 v0, v9  }
0x53: {  	v0 =	vmax.f32 v0, v10  }
0x54: {  	v0 =	vmax.f32 v0, v11  }
0x55: {  	v0 =	vmax.f32 v0, v12  }
0x56: {  	[tilespmem:s13+$0xFFFFFE20] =	vst v0  }
0x57: {  	v0 =	vld [tilespmem:$0x2030]  }
0x58: {  	v13 =	vld [tilespmem:$0x20B0]  }
0x59: {  	v14 =	vld [tilespmem:$0x2130]  }
0x5a: {  	v15 =	vld [tilespmem:$0x21B0]  }
0x5b: {  	v16 =	vld [tilespmem:$0x2230]  }
0x5c: {  	v17 =	vld [tilespmem:$0x22B0]  }
0x5d: {  	v18 =	vld [tilespmem:$0x2330];
	v0 =	vmax.f32 v0, v13  }
0x5e: {  	v19 =	vld [tilespmem:$0x23B0];
	v0 =	vmax.f32 v0, v14  }
0x5f: {  	v20 =	vld [tilespmem:$0x2430];
	v0 =	vmax.f32 v0, v15  }
0x60: {  	v21 =	vld [tilespmem:$0x24B0];
	v0 =	vmax.f32 v0, v16  }
0x61: {  	v22 =	vld [tilespmem:$0x2530];
	v0 =	vmax.f32 v0, v17  }
0x62: {  	v23 =	vld [tilespmem:$0x25B0];
	v0 =	vmax.f32 v0, v18  }
0x63: {  	v24 =	vld [tilespmem:$0x2630];
	v0 =	vmax.f32 v0, v19  }
0x64: {  	v25 =	vld [tilespmem:$0x26B0];
	v0 =	vmax.f32 v0, v20  }
0x65: {  	v26 =	vld [tilespmem:$0x2730];
	v0 =	vmax.f32 v0, v21  }
0x66: {  	v27 =	vld [tilespmem:$0x27B0];
	v0 =	vmax.f32 v0, v22  }
0x67: {  	v0 =	vmax.f32 v0, v23  }
0x68: {  	v0 =	vmax.f32 v0, v24  }
0x69: {  	v0 =	vmax.f32 v0, v25  }
0x6a: {  	v0 =	vmax.f32 v0, v26  }
0x6b: {  	v0 =	vmax.f32 v0, v27  }
0x6c: {  	[tilespmem:s13+$0xFFFFFE30] =	vst v0  }
0x6d: {  	v0 =	vld [tilespmem:$0x2040]  }
0x6e: {  	v28 =	vld [tilespmem:$0x20C0]  }
0x6f: {  	v29 =	vld [tilespmem:$0x2140]  }
0x70: {  	v30 =	vld [tilespmem:$0x21C0]  }
0x71: {  	v31 =	vld [tilespmem:$0x2240]  }
0x72: {  	v32 =	vld [tilespmem:$0x22C0]  }
0x73: {  	v33 =	vld [tilespmem:$0x2340];
	v0 =	vmax.f32 v0, v28  }
0x74: {  	v34 =	vld [tilespmem:$0x23C0];
	v0 =	vmax.f32 v0, v29  }
0x75: {  	v35 =	vld [tilespmem:$0x2440];
	v0 =	vmax.f32 v0, v30  }
0x76: {  	v36 =	vld [tilespmem:$0x24C0];
	v0 =	vmax.f32 v0, v31  }
0x77: {  	v37 =	vld [tilespmem:$0x2540];
	v0 =	vmax.f32 v0, v32  }
0x78: {  	v38 =	vld [tilespmem:$0x25C0];
	v0 =	vmax.f32 v0, v33  }
0x79: {  	v39 =	vld [tilespmem:$0x2640];
	v0 =	vmax.f32 v0, v34  }
0x7a: {  	v40 =	vld [tilespmem:$0x26C0];
	v0 =	vmax.f32 v0, v35  }
0x7b: {  	v41 =	vld [tilespmem:$0x2740];
	v0 =	vmax.f32 v0, v36  }
0x7c: {  	v42 =	vld [tilespmem:$0x27C0];
	v0 =	vmax.f32 v0, v37  }
0x7d: {  	v0 =	vmax.f32 v0, v38  }
0x7e: {  	v0 =	vmax.f32 v0, v39  }
0x7f: {  	v0 =	vmax.f32 v0, v40  }
0x80: {  	v0 =	vmax.f32 v0, v41  }
0x81: {  	v0 =	vmax.f32 v0, v42  }
0x82: {  	[tilespmem:s13+$0xFFFFFE40] =	vst v0  }
0x83: {  	v0 =	vld [tilespmem:$0x2800]  }
0x84: {  	v43 =	vld [tilespmem:$0x2880]  }
0x85: {  	v44 =	vld [tilespmem:$0x2900]  }
0x86: {  	v45 =	vld [tilespmem:$0x2980]  }
0x87: {  	v46 =	vld [tilespmem:$0x2A00]  }
0x88: {  	v47 =	vld [tilespmem:$0x2A80]  }
0x89: {  	v48 =	vld [tilespmem:$0x2B00];
	v0 =	vmax.f32 v0, v43  }
0x8a: {  	v49 =	vld [tilespmem:$0x2B80];
	v0 =	vmax.f32 v0, v44  }
0x8b: {  	v50 =	vld [tilespmem:$0x2C00];
	v0 =	vmax.f32 v0, v45  }
0x8c: {  	v51 =	vld [tilespmem:$0x2C80];
	v0 =	vmax.f32 v0, v46  }
0x8d: {  	v52 =	vld [tilespmem:$0x2D00];
	v0 =	vmax.f32 v0, v47  }
0x8e: {  	v53 =	vld [tilespmem:$0x2D80];
	v0 =	vmax.f32 v0, v48  }
0x8f: {  	v54 =	vld [tilespmem:$0x2E00];
	v0 =	vmax.f32 v0, v49  }
0x90: {  	v55 =	vld [tilespmem:$0x2E80];
	v0 =	vmax.f32 v0, v50  }
0x91: {  	v56 =	vld [tilespmem:$0x2F00];
	v0 =	vmax.f32 v0, v51  }
0x92: {  	v57 =	vld [tilespmem:$0x2F80];
	v0 =	vmax.f32 v0, v52  }
0x93: {  	v0 =	vmax.f32 v0, v53  }
0x94: {  	v0 =	vmax.f32 v0, v54  }
0x95: {  	v0 =	vmax.f32 v0, v55  }
0x96: {  	v0 =	vmax.f32 v0, v56  }
0x97: {  	v0 =	vmax.f32 v0, v57  }
0x98: {  	[tilespmem:s13+$0xFFFFFE80] =	vst v0  }
0x99: {  	v0 =	vld [tilespmem:$0x2810]  }
0x9a: {  	v58 =	vld [tilespmem:$0x2890]  }
0x9b: {  	v59 =	vld [tilespmem:$0x2910]  }
0x9c: {  	v60 =	vld [tilespmem:$0x2990]  }
0x9d: {  	v61 =	vld [tilespmem:$0x2A10]  }
0x9e: {  	v62 =	vld [tilespmem:$0x2A90]  }
0x9f: {  	v63 =	vld [tilespmem:$0x2B10];
	v0 =	vmax.f32 v0, v58  }
0xa0: {  	v8 =	vld [tilespmem:$0x2B90];
	v0 =	vmax.f32 v0, v59  }
0xa1: {  	v9 =	vld [tilespmem:$0x2C10];
	v0 =	vmax.f32 v0, v60  }
0xa2: {  	v10 =	vld [tilespmem:$0x2C90];
	v0 =	vmax.f32 v0, v61  }
0xa3: {  	v11 =	vld [tilespmem:$0x2D10];
	v0 =	vmax.f32 v0, v62  }
0xa4: {  	v12 =	vld [tilespmem:$0x2D90];
	v0 =	vmax.f32 v0, v63  }
0xa5: {  	v13 =	vld [tilespmem:$0x2E10];
	v0 =	vmax.f32 v0, v8  }
0xa6: {  	v14 =	vld [tilespmem:$0x2E90];
	v0 =	vmax.f32 v0, v9  }
0xa7: {  	v15 =	vld [tilespmem:$0x2F10];
	v0 =	vmax.f32 v0, v10  }
0xa8: {  	v16 =	vld [tilespmem:$0x2F90];
	v0 =	vmax.f32 v0, v11  }
0xa9: {  	v0 =	vmax.f32 v0, v12  }
0xaa: {  	v0 =	vmax.f32 v0, v13  }
0xab: {  	v0 =	vmax.f32 v0, v14  }
0xac: {  	v0 =	vmax.f32 v0, v15  }
0xad: {  	v0 =	vmax.f32 v0, v16  }
0xae: {  	[tilespmem:s13+$0xFFFFFE90] =	vst v0  }
0xaf: {  	v0 =	vld [tilespmem:$0x2820]  }
0xb0: {  	v17 =	vld [tilespmem:$0x28A0]  }
0xb1: {  	v18 =	vld [tilespmem:$0x2920]  }
0xb2: {  	v19 =	vld [tilespmem:$0x29A0]  }
0xb3: {  	v20 =	vld [tilespmem:$0x2A20]  }
0xb4: {  	v21 =	vld [tilespmem:$0x2AA0]  }
0xb5: {  	v22 =	vld [tilespmem:$0x2B20];
	v0 =	vmax.f32 v0, v17  }
0xb6: {  	v23 =	vld [tilespmem:$0x2BA0];
	v0 =	vmax.f32 v0, v18  }
0xb7: {  	v24 =	vld [tilespmem:$0x2C20];
	v0 =	vmax.f32 v0, v19  }
0xb8: {  	v25 =	vld [tilespmem:$0x2CA0];
	v0 =	vmax.f32 v0, v20  }
0xb9: {  	v26 =	vld [tilespmem:$0x2D20];
	v0 =	vmax.f32 v0, v21  }
0xba: {  	v27 =	vld [tilespmem:$0x2DA0];
	v0 =	vmax.f32 v0, v22  }
0xbb: {  	v28 =	vld [tilespmem:$0x2E20];
	v0 =	vmax.f32 v0, v23  }
0xbc: {  	v29 =	vld [tilespmem:$0x2EA0];
	v0 =	vmax.f32 v0, v24  }
0xbd: {  	v30 =	vld [tilespmem:$0x2F20];
	v0 =	vmax.f32 v0, v25  }
0xbe: {  	v31 =	vld [tilespmem:$0x2FA0];
	v0 =	vmax.f32 v0, v26  }
0xbf: {  	v0 =	vmax.f32 v0, v27  }
0xc0: {  	v0 =	vmax.f32 v0, v28  }
0xc1: {  	v0 =	vmax.f32 v0, v29  }
0xc2: {  	v0 =	vmax.f32 v0, v30  }
0xc3: {  	v0 =	vmax.f32 v0, v31  }
0xc4: {  	[tilespmem:s13+$0xFFFFFEA0] =	vst v0  }
0xc5: {  	v0 =	vld [tilespmem:$0x2830]  }
0xc6: {  	v32 =	vld [tilespmem:$0x28B0]  }
0xc7: {  	v33 =	vld [tilespmem:$0x2930]  }
0xc8: {  	v34 =	vld [tilespmem:$0x29B0]  }
0xc9: {  	v35 =	vld [tilespmem:$0x2A30]  }
0xca: {  	v36 =	vld [tilespmem:$0x2AB0]  }
0xcb: {  	v37 =	vld [tilespmem:$0x2B30];
	v0 =	vmax.f32 v0, v32  }
0xcc: {  	v38 =	vld [tilespmem:$0x2BB0];
	v0 =	vmax.f32 v0, v33  }
0xcd: {  	v39 =	vld [tilespmem:$0x2C30];
	v0 =	vmax.f32 v0, v34  }
0xce: {  	v40 =	vld [tilespmem:$0x2CB0];
	v0 =	vmax.f32 v0, v35  }
0xcf: {  	v41 =	vld [tilespmem:$0x2D30];
	v0 =	vmax.f32 v0, v36  }
0xd0: {  	v42 =	vld [tilespmem:$0x2DB0];
	v0 =	vmax.f32 v0, v37  }
0xd1: {  	v43 =	vld [tilespmem:$0x2E30];
	v0 =	vmax.f32 v0, v38  }
0xd2: {  	v44 =	vld [tilespmem:$0x2EB0];
	v0 =	vmax.f32 v0, v39  }
0xd3: {  	v45 =	vld [tilespmem:$0x2F30];
	v0 =	vmax.f32 v0, v40  }
0xd4: {  	v46 =	vld [tilespmem:$0x2FB0];
	v0 =	vmax.f32 v0, v41  }
0xd5: {  	v0 =	vmax.f32 v0, v42  }
0xd6: {  	v0 =	vmax.f32 v0, v43  }
0xd7: {  	v0 =	vmax.f32 v0, v44  }
0xd8: {  	v0 =	vmax.f32 v0, v45  }
0xd9: {  	v0 =	vmax.f32 v0, v46  }
0xda: {  	[tilespmem:s13+$0xFFFFFEB0] =	vst v0  }
0xdb: {  	v0 =	vld [tilespmem:$0x2840]  }
0xdc: {  	v47 =	vld [tilespmem:$0x28C0]  }
0xdd: {  	v48 =	vld [tilespmem:$0x2940]  }
0xde: {  	v49 =	vld [tilespmem:$0x29C0]  }
0xdf: {  	v50 =	vld [tilespmem:$0x2A40]  }
0xe0: {  	v51 =	vld [tilespmem:$0x2AC0]  }
0xe1: {  	v52 =	vld [tilespmem:$0x2B40];
	v0 =	vmax.f32 v0, v47  }
0xe2: {  	v53 =	vld [tilespmem:$0x2BC0];
	v0 =	vmax.f32 v0, v48  }
0xe3: {  	v54 =	vld [tilespmem:$0x2C40];
	v0 =	vmax.f32 v0, v49  }
0xe4: {  	v55 =	vld [tilespmem:$0x2CC0];
	v0 =	vmax.f32 v0, v50  }
0xe5: {  	v56 =	vld [tilespmem:$0x2D40];
	v0 =	vmax.f32 v0, v51  }
0xe6: {  	v57 =	vld [tilespmem:$0x2DC0];
	v0 =	vmax.f32 v0, v52  }
0xe7: {  	v58 =	vld [tilespmem:$0x2E40];
	v0 =	vmax.f32 v0, v53  }
0xe8: {  	v59 =	vld [tilespmem:$0x2EC0];
	v0 =	vmax.f32 v0, v54  }
0xe9: {  	v60 =	vld [tilespmem:$0x2F40];
	v0 =	vmax.f32 v0, v55  }
0xea: {  	v61 =	vld [tilespmem:$0x2FC0];
	v0 =	vmax.f32 v0, v56  }
0xeb: {  	v0 =	vmax.f32 v0, v57  }
0xec: {  	v0 =	vmax.f32 v0, v58  }
0xed: {  	v0 =	vmax.f32 v0, v59  }
0xee: {  	v0 =	vmax.f32 v0, v60  }
0xef: {  	v0 =	vmax.f32 v0, v61  }
0xf0: {  	[tilespmem:s13+$0xFFFFFEC0] =	vst v0  }
0xf1: {  	v0 =	vld [tilespmem:$0x3000]  }
0xf2: {  	v62 =	vld [tilespmem:$0x3080]  }
0xf3: {  	v63 =	vld [tilespmem:$0x3100]  }
0xf4: {  	v8 =	vld [tilespmem:$0x3180]  }
0xf5: {  	v9 =	vld [tilespmem:$0x3200]  }
0xf6: {  	v10 =	vld [tilespmem:$0x3280]  }
0xf7: {  	v11 =	vld [tilespmem:$0x3300];
	v0 =	vmax.f32 v0, v62  }
0xf8: {  	v12 =	vld [tilespmem:$0x3380];
	v0 =	vmax.f32 v0, v63  }
0xf9: {  	v13 =	vld [tilespmem:$0x3400];
	v0 =	vmax.f32 v0, v8  }
0xfa: {  	v14 =	vld [tilespmem:$0x3480];
	v0 =	vmax.f32 v0, v9  }
0xfb: {  	v15 =	vld [tilespmem:$0x3500];
	v0 =	vmax.f32 v0, v10  }
0xfc: {  	v16 =	vld [tilespmem:$0x3580];
	v0 =	vmax.f32 v0, v11  }
0xfd: {  	v17 =	vld [tilespmem:$0x3600];
	v0 =	vmax.f32 v0, v12  }
0xfe: {  	v18 =	vld [tilespmem:$0x3680];
	v0 =	vmax.f32 v0, v13  }
0xff: {  	v19 =	vld [tilespmem:$0x3700];
	v0 =	vmax.f32 v0, v14  }
0x100: {  	v20 =	vld [tilespmem:$0x3780];
	v0 =	vmax.f32 v0, v15  }
0x101: {  	v0 =	vmax.f32 v0, v16  }
0x102: {  	v0 =	vmax.f32 v0, v17  }
0x103: {  	v0 =	vmax.f32 v0, v18  }
0x104: {  	v0 =	vmax.f32 v0, v19  }
0x105: {  	v0 =	vmax.f32 v0, v20  }
0x106: {  	[tilespmem:s13+$0xFFFFFF00] =	vst v0  }
0x107: {  	v0 =	vld [tilespmem:$0x3010]  }
0x108: {  	v21 =	vld [tilespmem:$0x3090]  }
0x109: {  	v22 =	vld [tilespmem:$0x3110]  }
0x10a: {  	v23 =	vld [tilespmem:$0x3190]  }
0x10b: {  	v24 =	vld [tilespmem:$0x3210]  }
0x10c: {  	v25 =	vld [tilespmem:$0x3290]  }
0x10d: {  	v26 =	vld [tilespmem:$0x3310];
	v0 =	vmax.f32 v0, v21  }
0x10e: {  	v27 =	vld [tilespmem:$0x3390];
	v0 =	vmax.f32 v0, v22  }
0x10f: {  	v28 =	vld [tilespmem:$0x3410];
	v0 =	vmax.f32 v0, v23  }
0x110: {  	v29 =	vld [tilespmem:$0x3490];
	v0 =	vmax.f32 v0, v24  }
0x111: {  	v30 =	vld [tilespmem:$0x3510];
	v0 =	vmax.f32 v0, v25  }
0x112: {  	v31 =	vld [tilespmem:$0x3590];
	v0 =	vmax.f32 v0, v26  }
0x113: {  	v32 =	vld [tilespmem:$0x3610];
	v0 =	vmax.f32 v0, v27  }
0x114: {  	v33 =	vld [tilespmem:$0x3690];
	v0 =	vmax.f32 v0, v28  }
0x115: {  	v34 =	vld [tilespmem:$0x3710];
	v0 =	vmax.f32 v0, v29  }
0x116: {  	v35 =	vld [tilespmem:$0x3790];
	v0 =	vmax.f32 v0, v30  }
0x117: {  	v0 =	vmax.f32 v0, v31  }
0x118: {  	v0 =	vmax.f32 v0, v32  }
0x119: {  	v0 =	vmax.f32 v0, v33  }
0x11a: {  	v0 =	vmax.f32 v0, v34  }
0x11b: {  	v0 =	vmax.f32 v0, v35  }
0x11c: {  	[tilespmem:s13+$0xFFFFFF10] =	vst v0  }
0x11d: {  	v0 =	vld [tilespmem:$0x3020]  }
0x11e: {  	v36 =	vld [tilespmem:$0x30A0]  }
0x11f: {  	v37 =	vld [tilespmem:$0x3120]  }
0x120: {  	v38 =	vld [tilespmem:$0x31A0]  }
0x121: {  	v39 =	vld [tilespmem:$0x3220]  }
0x122: {  	v40 =	vld [tilespmem:$0x32A0]  }
0x123: {  	v41 =	vld [tilespmem:$0x3320];
	v0 =	vmax.f32 v0, v36  }
0x124: {  	v42 =	vld [tilespmem:$0x33A0];
	v0 =	vmax.f32 v0, v37  }
0x125: {  	v43 =	vld [tilespmem:$0x3420];
	v0 =	vmax.f32 v0, v38  }
0x126: {  	v44 =	vld [tilespmem:$0x34A0];
	v0 =	vmax.f32 v0, v39  }
0x127: {  	v45 =	vld [tilespmem:$0x3520];
	v0 =	vmax.f32 v0, v40  }
0x128: {  	v46 =	vld [tilespmem:$0x35A0];
	v0 =	vmax.f32 v0, v41  }
0x129: {  	v47 =	vld [tilespmem:$0x3620];
	v0 =	vmax.f32 v0, v42  }
0x12a: {  	v48 =	vld [tilespmem:$0x36A0];
	v0 =	vmax.f32 v0, v43  }
0x12b: {  	v49 =	vld [tilespmem:$0x3720];
	v0 =	vmax.f32 v0, v44  }
0x12c: {  	v50 =	vld [tilespmem:$0x37A0];
	v0 =	vmax.f32 v0, v45  }
0x12d: {  	v0 =	vmax.f32 v0, v46  }
0x12e: {  	v0 =	vmax.f32 v0, v47  }
0x12f: {  	v0 =	vmax.f32 v0, v48  }
0x130: {  	v0 =	vmax.f32 v0, v49  }
0x131: {  	v0 =	vmax.f32 v0, v50  }
0x132: {  	[tilespmem:s13+$0xFFFFFF20] =	vst v0  }
0x133: {  	v0 =	vld [tilespmem:$0x3030]  }
0x134: {  	v51 =	vld [tilespmem:$0x30B0]  }
0x135: {  	v52 =	vld [tilespmem:$0x3130]  }
0x136: {  	v53 =	vld [tilespmem:$0x31B0]  }
0x137: {  	v54 =	vld [tilespmem:$0x3230]  }
0x138: {  	v55 =	vld [tilespmem:$0x32B0]  }
0x139: {  	v56 =	vld [tilespmem:$0x3330];
	v0 =	vmax.f32 v0, v51  }
0x13a: {  	v57 =	vld [tilespmem:$0x33B0];
	v0 =	vmax.f32 v0, v52  }
0x13b: {  	v58 =	vld [tilespmem:$0x3430];
	v0 =	vmax.f32 v0, v53  }
0x13c: {  	v59 =	vld [tilespmem:$0x34B0];
	v0 =	vmax.f32 v0, v54  }
0x13d: {  	v60 =	vld [tilespmem:$0x3530];
	v0 =	vmax.f32 v0, v55  }
0x13e: {  	v61 =	vld [tilespmem:$0x35B0];
	v0 =	vmax.f32 v0, v56  }
0x13f: {  	v62 =	vld [tilespmem:$0x3630];
	v0 =	vmax.f32 v0, v57  }
0x140: {  	v63 =	vld [tilespmem:$0x36B0];
	v0 =	vmax.f32 v0, v58  }
0x141: {  	v8 =	vld [tilespmem:$0x3730];
	v0 =	vmax.f32 v0, v59  }
0x142: {  	v9 =	vld [tilespmem:$0x37B0];
	v0 =	vmax.f32 v0, v60  }
0x143: {  	v0 =	vmax.f32 v0, v61  }
0x144: {  	v0 =	vmax.f32 v0, v62  }
0x145: {  	v0 =	vmax.f32 v0, v63  }
0x146: {  	v0 =	vmax.f32 v0, v8  }
0x147: {  	v0 =	vmax.f32 v0, v9  }
0x148: {  	[tilespmem:s13+$0xFFFFFF30] =	vst v0  }
0x149: {  	v0 =	vld [tilespmem:$0x3040]  }
0x14a: {  	v10 =	vld [tilespmem:$0x30C0]  }
0x14b: {  	v11 =	vld [tilespmem:$0x3140]  }
0x14c: {  	v12 =	vld [tilespmem:$0x31C0]  }
0x14d: {  	v13 =	vld [tilespmem:$0x3240]  }
0x14e: {  	v14 =	vld [tilespmem:$0x32C0]  }
0x14f: {  	v15 =	vld [tilespmem:$0x3340];
	v0 =	vmax.f32 v0, v10  }
0x150: {  	v16 =	vld [tilespmem:$0x33C0];
	v0 =	vmax.f32 v0, v11  }
0x151: {  	v17 =	vld [tilespmem:$0x3440];
	v0 =	vmax.f32 v0, v12  }
0x152: {  	v18 =	vld [tilespmem:$0x34C0];
	v0 =	vmax.f32 v0, v13  }
0x153: {  	v19 =	vld [tilespmem:$0x3540];
	v0 =	vmax.f32 v0, v14  }
0x154: {  	v20 =	vld [tilespmem:$0x35C0];
	v0 =	vmax.f32 v0, v15  }
0x155: {  	v21 =	vld [tilespmem:$0x3640];
	v0 =	vmax.f32 v0, v16  }
0x156: {  	v22 =	vld [tilespmem:$0x36C0];
	v0 =	vmax.f32 v0, v17  }
0x157: {  	v23 =	vld [tilespmem:$0x3740];
	v0 =	vmax.f32 v0, v18  }
0x158: {  	v24 =	vld [tilespmem:$0x37C0];
	v0 =	vmax.f32 v0, v19  }
0x159: {  	v0 =	vmax.f32 v0, v20  }
0x15a: {  	v0 =	vmax.f32 v0, v21  }
0x15b: {  	v0 =	vmax.f32 v0, v22  }
0x15c: {  	v0 =	vmax.f32 v0, v23  }
0x15d: {  	v0 =	vmax.f32 v0, v24  }
0x15e: {  	[tilespmem:s13+$0xFFFFFF40] =	vst v0  }
0x15f: {  	v0 =	vld [tilespmem:$0x3800]  }
0x160: {  	v25 =	vld [tilespmem:$0x3880]  }
0x161: {  	v26 =	vld [tilespmem:$0x3900]  }
0x162: {  	v27 =	vld [tilespmem:$0x3980]  }
0x163: {  	v28 =	vld [tilespmem:$0x3A00]  }
0x164: {  	v29 =	vld [tilespmem:$0x3A80]  }
0x165: {  	v30 =	vld [tilespmem:$0x3B00];
	v0 =	vmax.f32 v0, v25  }
0x166: {  	v31 =	vld [tilespmem:$0x3B80];
	v0 =	vmax.f32 v0, v26  }
0x167: {  	v32 =	vld [tilespmem:$0x3C00];
	v0 =	vmax.f32 v0, v27  }
0x168: {  	v33 =	vld [tilespmem:$0x3C80];
	v0 =	vmax.f32 v0, v28  }
0x169: {  	v34 =	vld [tilespmem:$0x3D00];
	v0 =	vmax.f32 v0, v29  }
0x16a: {  	v35 =	vld [tilespmem:$0x3D80];
	v0 =	vmax.f32 v0, v30  }
0x16b: {  	v36 =	vld [tilespmem:$0x3E00];
	v0 =	vmax.f32 v0, v31  }
0x16c: {  	v37 =	vld [tilespmem:$0x3E80];
	v0 =	vmax.f32 v0, v32  }
0x16d: {  	v38 =	vld [tilespmem:$0x3F00];
	v0 =	vmax.f32 v0, v33  }
0x16e: {  	v39 =	vld [tilespmem:$0x3F80];
	v0 =	vmax.f32 v0, v34  }
0x16f: {  	v0 =	vmax.f32 v0, v35  }
0x170: {  	v0 =	vmax.f32 v0, v36  }
0x171: {  	v0 =	vmax.f32 v0, v37  }
0x172: {  	v0 =	vmax.f32 v0, v38  }
0x173: {  	v0 =	vmax.f32 v0, v39  }
0x174: {  	[tilespmem:s13+$0xFFFFFF80] =	vst v0  }
0x175: {  	v0 =	vld [tilespmem:$0x3810]  }
0x176: {  	v40 =	vld [tilespmem:$0x3890]  }
0x177: {  	v41 =	vld [tilespmem:$0x3910]  }
0x178: {  	v42 =	vld [tilespmem:$0x3990]  }
0x179: {  	v43 =	vld [tilespmem:$0x3A10]  }
0x17a: {  	v44 =	vld [tilespmem:$0x3A90]  }
0x17b: {  	v45 =	vld [tilespmem:$0x3B10];
	v0 =	vmax.f32 v0, v40  }
0x17c: {  	v46 =	vld [tilespmem:$0x3B90];
	v0 =	vmax.f32 v0, v41  }
0x17d: {  	v47 =	vld [tilespmem:$0x3C10];
	v0 =	vmax.f32 v0, v42  }
0x17e: {  	v48 =	vld [tilespmem:$0x3C90];
	v0 =	vmax.f32 v0, v43  }
0x17f: {  	v49 =	vld [tilespmem:$0x3D10];
	v0 =	vmax.f32 v0, v44  }
0x180: {  	v50 =	vld [tilespmem:$0x3D90];
	v0 =	vmax.f32 v0, v45  }
0x181: {  	v51 =	vld [tilespmem:$0x3E10];
	v0 =	vmax.f32 v0, v46  }
0x182: {  	v52 =	vld [tilespmem:$0x3E90];
	v0 =	vmax.f32 v0, v47  }
0x183: {  	v53 =	vld [tilespmem:$0x3F10];
	v0 =	vmax.f32 v0, v48  }
0x184: {  	v54 =	vld [tilespmem:$0x3F90];
	v0 =	vmax.f32 v0, v49  }
0x185: {  	v0 =	vmax.f32 v0, v50  }
0x186: {  	v0 =	vmax.f32 v0, v51  }
0x187: {  	v0 =	vmax.f32 v0, v52  }
0x188: {  	v0 =	vmax.f32 v0, v53  }
0x189: {  	v0 =	vmax.f32 v0, v54  }
0x18a: {  	[tilespmem:s13+$0xFFFFFF90] =	vst v0  }
0x18b: {  	v0 =	vld [tilespmem:$0x3820]  }
0x18c: {  	v55 =	vld [tilespmem:$0x38A0]  }
0x18d: {  	v56 =	vld [tilespmem:$0x3920]  }
0x18e: {  	v57 =	vld [tilespmem:$0x39A0]  }
0x18f: {  	v58 =	vld [tilespmem:$0x3A20]  }
0x190: {  	v59 =	vld [tilespmem:$0x3AA0]  }
0x191: {  	v60 =	vld [tilespmem:$0x3B20];
	v0 =	vmax.f32 v0, v55  }
0x192: {  	v61 =	vld [tilespmem:$0x3BA0];
	v0 =	vmax.f32 v0, v56  }
0x193: {  	v62 =	vld [tilespmem:$0x3C20];
	v0 =	vmax.f32 v0, v57  }
0x194: {  	v63 =	vld [tilespmem:$0x3CA0];
	v0 =	vmax.f32 v0, v58  }
0x195: {  	v8 =	vld [tilespmem:$0x3D20];
	v0 =	vmax.f32 v0, v59  }
0x196: {  	v9 =	vld [tilespmem:$0x3DA0];
	v0 =	vmax.f32 v0, v60  }
0x197: {  	v10 =	vld [tilespmem:$0x3E20];
	v0 =	vmax.f32 v0, v61  }
0x198: {  	v11 =	vld [tilespmem:$0x3EA0];
	v0 =	vmax.f32 v0, v62  }
0x199: {  	v12 =	vld [tilespmem:$0x3F20];
	v0 =	vmax.f32 v0, v63  }
0x19a: {  	v13 =	vld [tilespmem:$0x3FA0];
	v0 =	vmax.f32 v0, v8  }
0x19b: {  	v0 =	vmax.f32 v0, v9  }
0x19c: {  	v0 =	vmax.f32 v0, v10  }
0x19d: {  	v0 =	vmax.f32 v0, v11  }
0x19e: {  	v0 =	vmax.f32 v0, v12  }
0x19f: {  	v0 =	vmax.f32 v0, v13  }
0x1a0: {  	[tilespmem:s13+$0xFFFFFFA0] =	vst v0  }
0x1a1: {  	v0 =	vld [tilespmem:$0x3830]  }
0x1a2: {  	v14 =	vld [tilespmem:$0x38B0]  }
0x1a3: {  	v15 =	vld [tilespmem:$0x3930]  }
0x1a4: {  	v16 =	vld [tilespmem:$0x39B0]  }
0x1a5: {  	v17 =	vld [tilespmem:$0x3A30]  }
0x1a6: {  	v18 =	vld [tilespmem:$0x3AB0]  }
0x1a7: {  	v19 =	vld [tilespmem:$0x3B30];
	v0 =	vmax.f32 v0, v14  }
0x1a8: {  	v20 =	vld [tilespmem:$0x3BB0];
	v0 =	vmax.f32 v0, v15  }
0x1a9: {  	v21 =	vld [tilespmem:$0x3C30];
	v0 =	vmax.f32 v0, v16  }
0x1aa: {  	v22 =	vld [tilespmem:$0x3CB0];
	v0 =	vmax.f32 v0, v17  }
0x1ab: {  	v23 =	vld [tilespmem:$0x3D30];
	v0 =	vmax.f32 v0, v18  }
0x1ac: {  	v24 =	vld [tilespmem:$0x3DB0];
	v0 =	vmax.f32 v0, v19  }
0x1ad: {  	v25 =	vld [tilespmem:$0x3E30];
	v0 =	vmax.f32 v0, v20  }
0x1ae: {  	v26 =	vld [tilespmem:$0x3EB0];
	v0 =	vmax.f32 v0, v21  }
0x1af: {  	v27 =	vld [tilespmem:$0x3F30];
	v0 =	vmax.f32 v0, v22  }
0x1b0: {  	v28 =	vld [tilespmem:$0x3FB0];
	v0 =	vmax.f32 v0, v23  }
0x1b1: {  	v0 =	vmax.f32 v0, v24  }
0x1b2: {  	v0 =	vmax.f32 v0, v25  }
0x1b3: {  	v0 =	vmax.f32 v0, v26  }
0x1b4: {  	v0 =	vmax.f32 v0, v27  }
0x1b5: {  	v0 =	vmax.f32 v0, v28  }
0x1b6: {  	[tilespmem:s13+$0xFFFFFFB0] =	vst v0  }
0x1b7: {  	v0 =	vld [tilespmem:$0x3840]  }
0x1b8: {  	v29 =	vld [tilespmem:$0x38C0]  }
0x1b9: {  	v30 =	vld [tilespmem:$0x3940]  }
0x1ba: {  	v31 =	vld [tilespmem:$0x39C0]  }
0x1bb: {  	v32 =	vld [tilespmem:$0x3A40]  }
0x1bc: {  	v33 =	vld [tilespmem:$0x3AC0]  }
0x1bd: {  	v34 =	vld [tilespmem:$0x3B40];
	v0 =	vmax.f32 v0, v29  }
0x1be: {  	v35 =	vld [tilespmem:$0x3BC0];
	v0 =	vmax.f32 v0, v30  }
0x1bf: {  	v36 =	vld [tilespmem:$0x3C40];
	v0 =	vmax.f32 v0, v31  }
0x1c0: {  	v37 =	vld [tilespmem:$0x3CC0];
	v0 =	vmax.f32 v0, v32  }
0x1c1: {  	v38 =	vld [tilespmem:$0x3D40];
	v0 =	vmax.f32 v0, v33  }
0x1c2: {  	v39 =	vld [tilespmem:$0x3DC0];
	v0 =	vmax.f32 v0, v34  }
0x1c3: {  	v40 =	vld [tilespmem:$0x3E40];
	v0 =	vmax.f32 v0, v35  }
0x1c4: {  	v41 =	vld [tilespmem:$0x3EC0];
	v0 =	vmax.f32 v0, v36  }
0x1c5: {  	v42 =	vld [tilespmem:$0x3F40];
	v0 =	vmax.f32 v0, v37  }
0x1c6: {  	v43 =	vld [tilespmem:$0x3FC0];
	v0 =	vmax.f32 v0, v38  }
0x1c7: {  	v0 =	vmax.f32 v0, v39  }
0x1c8: {  	v0 =	vmax.f32 v0, v40  }
0x1c9: {  	v0 =	vmax.f32 v0, v41  }
0x1ca: {  	v0 =	vmax.f32 v0, v42  }
0x1cb: {  	v0 =	vmax.f32 v0, v43  }
0x1cc: {  	[tilespmem:s13+$0xFFFFFFC0] =	vst v0  }
0x1cd: {  	v0 =	vld [tilespmem:$0x4000]  }
0x1ce: {  	v44 =	vld [tilespmem:$0x4080]  }
0x1cf: {  	v45 =	vld [tilespmem:$0x4100]  }
0x1d0: {  	v46 =	vld [tilespmem:$0x4180]  }
0x1d1: {  	v47 =	vld [tilespmem:$0x4200]  }
0x1d2: {  	v48 =	vld [tilespmem:$0x4280]  }
0x1d3: {  	v49 =	vld [tilespmem:$0x4300];
	v0 =	vmax.f32 v0, v44  }
0x1d4: {  	v50 =	vld [tilespmem:$0x4380];
	v0 =	vmax.f32 v0, v45  }
0x1d5: {  	v51 =	vld [tilespmem:$0x4400];
	v0 =	vmax.f32 v0, v46  }
0x1d6: {  	v52 =	vld [tilespmem:$0x4480];
	v0 =	vmax.f32 v0, v47  }
0x1d7: {  	v53 =	vld [tilespmem:$0x4500];
	v0 =	vmax.f32 v0, v48  }
0x1d8: {  	v54 =	vld [tilespmem:$0x4580];
	v0 =	vmax.f32 v0, v49  }
0x1d9: {  	v55 =	vld [tilespmem:$0x4600];
	v0 =	vmax.f32 v0, v50  }
0x1da: {  	v56 =	vld [tilespmem:$0x4680];
	v0 =	vmax.f32 v0, v51  }
0x1db: {  	v57 =	vld [tilespmem:$0x4700];
	v0 =	vmax.f32 v0, v52  }
0x1dc: {  	v58 =	vld [tilespmem:$0x4780];
	v0 =	vmax.f32 v0, v53  }
0x1dd: {  	v0 =	vmax.f32 v0, v54  }
0x1de: {  	v0 =	vmax.f32 v0, v55  }
0x1df: {  	v0 =	vmax.f32 v0, v56  }
0x1e0: {  	v0 =	vmax.f32 v0, v57  }
0x1e1: {  	v0 =	vmax.f32 v0, v58  }
0x1e2: {  	[tilespmem:s13+$0x0] =	vst v0  }
0x1e3: {  	v0 =	vld [tilespmem:$0x4010]  }
0x1e4: {  	v59 =	vld [tilespmem:$0x4090]  }
0x1e5: {  	v60 =	vld [tilespmem:$0x4110]  }
0x1e6: {  	v61 =	vld [tilespmem:$0x4190]  }
0x1e7: {  	v62 =	vld [tilespmem:$0x4210]  }
0x1e8: {  	v63 =	vld [tilespmem:$0x4290]  }
0x1e9: {  	v8 =	vld [tilespmem:$0x4310];
	v0 =	vmax.f32 v0, v59  }
0x1ea: {  	v9 =	vld [tilespmem:$0x4390];
	v0 =	vmax.f32 v0, v60  }
0x1eb: {  	v10 =	vld [tilespmem:$0x4410];
	v0 =	vmax.f32 v0, v61  }
0x1ec: {  	v11 =	vld [tilespmem:$0x4490];
	v0 =	vmax.f32 v0, v62  }
0x1ed: {  	v12 =	vld [tilespmem:$0x4510];
	v0 =	vmax.f32 v0, v63  }
0x1ee: {  	v13 =	vld [tilespmem:$0x4590];
	v0 =	vmax.f32 v0, v8  }
0x1ef: {  	v14 =	vld [tilespmem:$0x4610];
	v0 =	vmax.f32 v0, v9  }
0x1f0: {  	v15 =	vld [tilespmem:$0x4690];
	v0 =	vmax.f32 v0, v10  }
0x1f1: {  	v16 =	vld [tilespmem:$0x4710];
	v0 =	vmax.f32 v0, v11  }
0x1f2: {  	v17 =	vld [tilespmem:$0x4790];
	v0 =	vmax.f32 v0, v12  }
0x1f3: {  	v0 =	vmax.f32 v0, v13  }
0x1f4: {  	v0 =	vmax.f32 v0, v14  }
0x1f5: {  	v0 =	vmax.f32 v0, v15  }
0x1f6: {  	v0 =	vmax.f32 v0, v16  }
0x1f7: {  	v0 =	vmax.f32 v0, v17  }
0x1f8: {  	[tilespmem:s13+$0x10] =	vst v0  }
0x1f9: {  	v0 =	vld [tilespmem:$0x4020]  }
0x1fa: {  	v18 =	vld [tilespmem:$0x40A0]  }
0x1fb: {  	v19 =	vld [tilespmem:$0x4120]  }
0x1fc: {  	v20 =	vld [tilespmem:$0x41A0]  }
0x1fd: {  	v21 =	vld [tilespmem:$0x4220]  }
0x1fe: {  	v22 =	vld [tilespmem:$0x42A0]  }
0x1ff: {  	v23 =	vld [tilespmem:$0x4320];
	v0 =	vmax.f32 v0, v18  }
0x200: {  	v24 =	vld [tilespmem:$0x43A0];
	v0 =	vmax.f32 v0, v19  }
0x201: {  	v25 =	vld [tilespmem:$0x4420];
	v0 =	vmax.f32 v0, v20  }
0x202: {  	v26 =	vld [tilespmem:$0x44A0];
	v0 =	vmax.f32 v0, v21  }
0x203: {  	v27 =	vld [tilespmem:$0x4520];
	v0 =	vmax.f32 v0, v22  }
0x204: {  	v28 =	vld [tilespmem:$0x45A0];
	v0 =	vmax.f32 v0, v23  }
0x205: {  	v29 =	vld [tilespmem:$0x4620];
	v0 =	vmax.f32 v0, v24  }
0x206: {  	v30 =	vld [tilespmem:$0x46A0];
	v0 =	vmax.f32 v0, v25  }
0x207: {  	v31 =	vld [tilespmem:$0x4720];
	v0 =	vmax.f32 v0, v26  }
0x208: {  	v32 =	vld [tilespmem:$0x47A0];
	v0 =	vmax.f32 v0, v27  }
0x209: {  	v0 =	vmax.f32 v0, v28  }
0x20a: {  	v0 =	vmax.f32 v0, v29  }
0x20b: {  	v0 =	vmax.f32 v0, v30  }
0x20c: {  	v0 =	vmax.f32 v0, v31  }
0x20d: {  	v0 =	vmax.f32 v0, v32  }
0x20e: {  	[tilespmem:s13+$0x20] =	vst v0  }
0x20f: {  	v0 =	vld [tilespmem:$0x4030]  }
0x210: {  	v33 =	vld [tilespmem:$0x40B0]  }
0x211: {  	v34 =	vld [tilespmem:$0x4130]  }
0x212: {  	v35 =	vld [tilespmem:$0x41B0]  }
0x213: {  	v36 =	vld [tilespmem:$0x4230]  }
0x214: {  	v37 =	vld [tilespmem:$0x42B0]  }
0x215: {  	v38 =	vld [tilespmem:$0x4330];
	v0 =	vmax.f32 v0, v33  }
0x216: {  	v39 =	vld [tilespmem:$0x43B0];
	v0 =	vmax.f32 v0, v34  }
0x217: {  	v40 =	vld [tilespmem:$0x4430];
	v0 =	vmax.f32 v0, v35  }
0x218: {  	v41 =	vld [tilespmem:$0x44B0];
	v0 =	vmax.f32 v0, v36  }
0x219: {  	v42 =	vld [tilespmem:$0x4530];
	v0 =	vmax.f32 v0, v37  }
0x21a: {  	v43 =	vld [tilespmem:$0x45B0];
	v0 =	vmax.f32 v0, v38  }
0x21b: {  	v44 =	vld [tilespmem:$0x4630];
	v0 =	vmax.f32 v0, v39  }
0x21c: {  	v45 =	vld [tilespmem:$0x46B0];
	v0 =	vmax.f32 v0, v40  }
0x21d: {  	v46 =	vld [tilespmem:$0x4730];
	v0 =	vmax.f32 v0, v41  }
0x21e: {  	v47 =	vld [tilespmem:$0x47B0];
	v0 =	vmax.f32 v0, v42  }
0x21f: {  	v0 =	vmax.f32 v0, v43  }
0x220: {  	v0 =	vmax.f32 v0, v44  }
0x221: {  	v0 =	vmax.f32 v0, v45  }
0x222: {  	v0 =	vmax.f32 v0, v46  }
0x223: {  	v0 =	vmax.f32 v0, v47  }
0x224: {  	[tilespmem:s13+$0x30] =	vst v0  }
0x225: {  	v0 =	vld [tilespmem:$0x4040]  }
0x226: {  	v48 =	vld [tilespmem:$0x40C0]  }
0x227: {  	v49 =	vld [tilespmem:$0x4140]  }
0x228: {  	v50 =	vld [tilespmem:$0x41C0]  }
0x229: {  	v51 =	vld [tilespmem:$0x4240]  }
0x22a: {  	v52 =	vld [tilespmem:$0x42C0]  }
0x22b: {  	v53 =	vld [tilespmem:$0x4340];
	v0 =	vmax.f32 v0, v48  }
0x22c: {  	v54 =	vld [tilespmem:$0x43C0];
	v0 =	vmax.f32 v0, v49  }
0x22d: {  	v55 =	vld [tilespmem:$0x4440];
	v0 =	vmax.f32 v0, v50  }
0x22e: {  	v56 =	vld [tilespmem:$0x44C0];
	v0 =	vmax.f32 v0, v51  }
0x22f: {  	v57 =	vld [tilespmem:$0x4540];
	v0 =	vmax.f32 v0, v52  }
0x230: {  	v58 =	vld [tilespmem:$0x45C0];
	v0 =	vmax.f32 v0, v53  }
0x231: {  	v59 =	vld [tilespmem:$0x4640];
	v0 =	vmax.f32 v0, v54  }
0x232: {  	v60 =	vld [tilespmem:$0x46C0];
	v0 =	vmax.f32 v0, v55  }
0x233: {  	v61 =	vld [tilespmem:$0x4740];
	v0 =	vmax.f32 v0, v56  }
0x234: {  	v62 =	vld [tilespmem:$0x47C0];
	v0 =	vmax.f32 v0, v57  }
0x235: {  	v0 =	vmax.f32 v0, v58  }
0x236: {  	v0 =	vmax.f32 v0, v59  }
0x237: {  	v0 =	vmax.f32 v0, v60  }
0x238: {  	v0 =	vmax.f32 v0, v61  }
0x239: {  	v0 =	vmax.f32 v0, v62  }
0x23a: {  	[tilespmem:s13+$0x40] =	vst v0  }
0x23b: {  	v0 =	vld [tilespmem:$0x4800]  }
0x23c: {  	v63 =	vld [tilespmem:$0x4880]  }
0x23d: {  	v8 =	vld [tilespmem:$0x4900]  }
0x23e: {  	v9 =	vld [tilespmem:$0x4980]  }
0x23f: {  	v10 =	vld [tilespmem:$0x4A00]  }
0x240: {  	v11 =	vld [tilespmem:$0x4A80]  }
0x241: {  	v12 =	vld [tilespmem:$0x4B00];
	v0 =	vmax.f32 v0, v63  }
0x242: {  	v13 =	vld [tilespmem:$0x4B80];
	v0 =	vmax.f32 v0, v8  }
0x243: {  	v14 =	vld [tilespmem:$0x4C00];
	v0 =	vmax.f32 v0, v9  }
0x244: {  	v15 =	vld [tilespmem:$0x4C80];
	v0 =	vmax.f32 v0, v10  }
0x245: {  	v16 =	vld [tilespmem:$0x4D00];
	v0 =	vmax.f32 v0, v11  }
0x246: {  	v17 =	vld [tilespmem:$0x4D80];
	v0 =	vmax.f32 v0, v12  }
0x247: {  	v18 =	vld [tilespmem:$0x4E00];
	v0 =	vmax.f32 v0, v13  }
0x248: {  	v19 =	vld [tilespmem:$0x4E80];
	v0 =	vmax.f32 v0, v14  }
0x249: {  	v20 =	vld [tilespmem:$0x4F00];
	v0 =	vmax.f32 v0, v15  }
0x24a: {  	v21 =	vld [tilespmem:$0x4F80];
	v0 =	vmax.f32 v0, v16  }
0x24b: {  	v0 =	vmax.f32 v0, v17  }
0x24c: {  	v0 =	vmax.f32 v0, v18  }
0x24d: {  	v0 =	vmax.f32 v0, v19  }
0x24e: {  	v0 =	vmax.f32 v0, v20  }
0x24f: {  	v0 =	vmax.f32 v0, v21  }
0x250: {  	[tilespmem:s13+$0x80] =	vst v0  }
0x251: {  	v0 =	vld [tilespmem:$0x4810]  }
0x252: {  	v22 =	vld [tilespmem:$0x4890]  }
0x253: {  	v23 =	vld [tilespmem:$0x4910]  }
0x254: {  	v24 =	vld [tilespmem:$0x4990]  }
0x255: {  	v25 =	vld [tilespmem:$0x4A10]  }
0x256: {  	v26 =	vld [tilespmem:$0x4A90]  }
0x257: {  	v27 =	vld [tilespmem:$0x4B10];
	v0 =	vmax.f32 v0, v22  }
0x258: {  	v28 =	vld [tilespmem:$0x4B90];
	v0 =	vmax.f32 v0, v23  }
0x259: {  	v29 =	vld [tilespmem:$0x4C10];
	v0 =	vmax.f32 v0, v24  }
0x25a: {  	v30 =	vld [tilespmem:$0x4C90];
	v0 =	vmax.f32 v0, v25  }
0x25b: {  	v31 =	vld [tilespmem:$0x4D10];
	v0 =	vmax.f32 v0, v26  }
0x25c: {  	v32 =	vld [tilespmem:$0x4D90];
	v0 =	vmax.f32 v0, v27  }
0x25d: {  	v33 =	vld [tilespmem:$0x4E10];
	v0 =	vmax.f32 v0, v28  }
0x25e: {  	v34 =	vld [tilespmem:$0x4E90];
	v0 =	vmax.f32 v0, v29  }
0x25f: {  	v35 =	vld [tilespmem:$0x4F10];
	v0 =	vmax.f32 v0, v30  }
0x260: {  	v36 =	vld [tilespmem:$0x4F90];
	v0 =	vmax.f32 v0, v31  }
0x261: {  	v0 =	vmax.f32 v0, v32  }
0x262: {  	v0 =	vmax.f32 v0, v33  }
0x263: {  	v0 =	vmax.f32 v0, v34  }
0x264: {  	v0 =	vmax.f32 v0, v35  }
0x265: {  	v0 =	vmax.f32 v0, v36  }
0x266: {  	[tilespmem:s13+$0x90] =	vst v0  }
0x267: {  	v0 =	vld [tilespmem:$0x4820]  }
0x268: {  	v37 =	vld [tilespmem:$0x48A0]  }
0x269: {  	v38 =	vld [tilespmem:$0x4920]  }
0x26a: {  	v39 =	vld [tilespmem:$0x49A0]  }
0x26b: {  	v40 =	vld [tilespmem:$0x4A20]  }
0x26c: {  	v41 =	vld [tilespmem:$0x4AA0]  }
0x26d: {  	v42 =	vld [tilespmem:$0x4B20];
	v0 =	vmax.f32 v0, v37  }
0x26e: {  	v43 =	vld [tilespmem:$0x4BA0];
	v0 =	vmax.f32 v0, v38  }
0x26f: {  	v44 =	vld [tilespmem:$0x4C20];
	v0 =	vmax.f32 v0, v39  }
0x270: {  	v45 =	vld [tilespmem:$0x4CA0];
	v0 =	vmax.f32 v0, v40  }
0x271: {  	v46 =	vld [tilespmem:$0x4D20];
	v0 =	vmax.f32 v0, v41  }
0x272: {  	v47 =	vld [tilespmem:$0x4DA0];
	v0 =	vmax.f32 v0, v42  }
0x273: {  	v48 =	vld [tilespmem:$0x4E20];
	v0 =	vmax.f32 v0, v43  }
0x274: {  	v49 =	vld [tilespmem:$0x4EA0];
	v0 =	vmax.f32 v0, v44  }
0x275: {  	v50 =	vld [tilespmem:$0x4F20];
	v0 =	vmax.f32 v0, v45  }
0x276: {  	v51 =	vld [tilespmem:$0x4FA0];
	v0 =	vmax.f32 v0, v46  }
0x277: {  	v0 =	vmax.f32 v0, v47  }
0x278: {  	v0 =	vmax.f32 v0, v48  }
0x279: {  	v0 =	vmax.f32 v0, v49  }
0x27a: {  	v0 =	vmax.f32 v0, v50  }
0x27b: {  	v0 =	vmax.f32 v0, v51  }
0x27c: {  	[tilespmem:s13+$0xA0] =	vst v0  }
0x27d: {  	v0 =	vld [tilespmem:$0x4830]  }
0x27e: {  	v52 =	vld [tilespmem:$0x48B0]  }
0x27f: {  	v53 =	vld [tilespmem:$0x4930]  }
0x280: {  	v54 =	vld [tilespmem:$0x49B0]  }
0x281: {  	v55 =	vld [tilespmem:$0x4A30]  }
0x282: {  	v56 =	vld [tilespmem:$0x4AB0]  }
0x283: {  	v57 =	vld [tilespmem:$0x4B30];
	v0 =	vmax.f32 v0, v52  }
0x284: {  	v58 =	vld [tilespmem:$0x4BB0];
	v0 =	vmax.f32 v0, v53  }
0x285: {  	v59 =	vld [tilespmem:$0x4C30];
	v0 =	vmax.f32 v0, v54  }
0x286: {  	v60 =	vld [tilespmem:$0x4CB0];
	v0 =	vmax.f32 v0, v55  }
0x287: {  	v61 =	vld [tilespmem:$0x4D30];
	v0 =	vmax.f32 v0, v56  }
0x288: {  	v62 =	vld [tilespmem:$0x4DB0];
	v0 =	vmax.f32 v0, v57  }
0x289: {  	v63 =	vld [tilespmem:$0x4E30];
	v0 =	vmax.f32 v0, v58  }
0x28a: {  	v8 =	vld [tilespmem:$0x4EB0];
	v0 =	vmax.f32 v0, v59  }
0x28b: {  	v9 =	vld [tilespmem:$0x4F30];
	v0 =	vmax.f32 v0, v60  }
0x28c: {  	v10 =	vld [tilespmem:$0x4FB0];
	v0 =	vmax.f32 v0, v61  }
0x28d: {  	v0 =	vmax.f32 v0, v62  }
0x28e: {  	v0 =	vmax.f32 v0, v63  }
0x28f: {  	v0 =	vmax.f32 v0, v8  }
0x290: {  	v0 =	vmax.f32 v0, v9  }
0x291: {  	v0 =	vmax.f32 v0, v10  }
0x292: {  	[tilespmem:s13+$0xB0] =	vst v0  }
0x293: {  	v0 =	vld [tilespmem:$0x4840]  }
0x294: {  	v11 =	vld [tilespmem:$0x48C0]  }
0x295: {  	v12 =	vld [tilespmem:$0x4940]  }
0x296: {  	v13 =	vld [tilespmem:$0x49C0]  }
0x297: {  	v14 =	vld [tilespmem:$0x4A40]  }
0x298: {  	v15 =	vld [tilespmem:$0x4AC0]  }
0x299: {  	v16 =	vld [tilespmem:$0x4B40];
	v0 =	vmax.f32 v0, v11  }
0x29a: {  	v17 =	vld [tilespmem:$0x4BC0];
	v0 =	vmax.f32 v0, v12  }
0x29b: {  	v18 =	vld [tilespmem:$0x4C40];
	v0 =	vmax.f32 v0, v13  }
0x29c: {  	v19 =	vld [tilespmem:$0x4CC0];
	v0 =	vmax.f32 v0, v14  }
0x29d: {  	v20 =	vld [tilespmem:$0x4D40];
	v0 =	vmax.f32 v0, v15  }
0x29e: {  	v21 =	vld [tilespmem:$0x4DC0];
	v0 =	vmax.f32 v0, v16  }
0x29f: {  	v22 =	vld [tilespmem:$0x4E40];
	v0 =	vmax.f32 v0, v17  }
0x2a0: {  	v23 =	vld [tilespmem:$0x4EC0];
	v0 =	vmax.f32 v0, v18  }
0x2a1: {  	v24 =	vld [tilespmem:$0x4F40];
	v0 =	vmax.f32 v0, v19  }
0x2a2: {  	v25 =	vld [tilespmem:$0x4FC0];
	v0 =	vmax.f32 v0, v20  }
0x2a3: {  	v0 =	vmax.f32 v0, v21  }
0x2a4: {  	v0 =	vmax.f32 v0, v22  }
0x2a5: {  	v0 =	vmax.f32 v0, v23  }
0x2a6: {  	v0 =	vmax.f32 v0, v24  }
0x2a7: {  	v0 =	vmax.f32 v0, v25  }
0x2a8: {  	[tilespmem:s13+$0xC0] =	vst v0  }
0x2a9: {  	v0 =	vld [tilespmem:$0x5000]  }
0x2aa: {  	v26 =	vld [tilespmem:$0x5080]  }
0x2ab: {  	v27 =	vld [tilespmem:$0x5100]  }
0x2ac: {  	v28 =	vld [tilespmem:$0x5180]  }
0x2ad: {  	v29 =	vld [tilespmem:$0x5200]  }
0x2ae: {  	v30 =	vld [tilespmem:$0x5280]  }
0x2af: {  	v31 =	vld [tilespmem:$0x5300];
	v0 =	vmax.f32 v0, v26  }
0x2b0: {  	v32 =	vld [tilespmem:$0x5380];
	v0 =	vmax.f32 v0, v27  }
0x2b1: {  	v33 =	vld [tilespmem:$0x5400];
	v0 =	vmax.f32 v0, v28  }
0x2b2: {  	v34 =	vld [tilespmem:$0x5480];
	v0 =	vmax.f32 v0, v29  }
0x2b3: {  	v35 =	vld [tilespmem:$0x5500];
	v0 =	vmax.f32 v0, v30  }
0x2b4: {  	v36 =	vld [tilespmem:$0x5580];
	v0 =	vmax.f32 v0, v31  }
0x2b5: {  	v37 =	vld [tilespmem:$0x5600];
	v0 =	vmax.f32 v0, v32  }
0x2b6: {  	v38 =	vld [tilespmem:$0x5680];
	v0 =	vmax.f32 v0, v33  }
0x2b7: {  	v39 =	vld [tilespmem:$0x5700];
	v0 =	vmax.f32 v0, v34  }
0x2b8: {  	v40 =	vld [tilespmem:$0x5780];
	v0 =	vmax.f32 v0, v35  }
0x2b9: {  	v0 =	vmax.f32 v0, v36  }
0x2ba: {  	v0 =	vmax.f32 v0, v37  }
0x2bb: {  	v0 =	vmax.f32 v0, v38  }
0x2bc: {  	v0 =	vmax.f32 v0, v39  }
0x2bd: {  	v0 =	vmax.f32 v0, v40  }
0x2be: {  	[tilespmem:s13+$0x100] =	vst v0  }
0x2bf: {  	v0 =	vld [tilespmem:$0x5010]  }
0x2c0: {  	v41 =	vld [tilespmem:$0x5090]  }
0x2c1: {  	v42 =	vld [tilespmem:$0x5110]  }
0x2c2: {  	v43 =	vld [tilespmem:$0x5190]  }
0x2c3: {  	v44 =	vld [tilespmem:$0x5210]  }
0x2c4: {  	v45 =	vld [tilespmem:$0x5290]  }
0x2c5: {  	v46 =	vld [tilespmem:$0x5310];
	v0 =	vmax.f32 v0, v41  }
0x2c6: {  	v47 =	vld [tilespmem:$0x5390];
	v0 =	vmax.f32 v0, v42  }
0x2c7: {  	v48 =	vld [tilespmem:$0x5410];
	v0 =	vmax.f32 v0, v43  }
0x2c8: {  	v49 =	vld [tilespmem:$0x5490];
	v0 =	vmax.f32 v0, v44  }
0x2c9: {  	v50 =	vld [tilespmem:$0x5510];
	v0 =	vmax.f32 v0, v45  }
0x2ca: {  	v51 =	vld [tilespmem:$0x5590];
	v0 =	vmax.f32 v0, v46  }
0x2cb: {  	v52 =	vld [tilespmem:$0x5610];
	v0 =	vmax.f32 v0, v47  }
0x2cc: {  	v53 =	vld [tilespmem:$0x5690];
	v0 =	vmax.f32 v0, v48  }
0x2cd: {  	v54 =	vld [tilespmem:$0x5710];
	v0 =	vmax.f32 v0, v49  }
0x2ce: {  	v55 =	vld [tilespmem:$0x5790];
	v0 =	vmax.f32 v0, v50  }
0x2cf: {  	v0 =	vmax.f32 v0, v51  }
0x2d0: {  	v0 =	vmax.f32 v0, v52  }
0x2d1: {  	v0 =	vmax.f32 v0, v53  }
0x2d2: {  	v0 =	vmax.f32 v0, v54  }
0x2d3: {  	v0 =	vmax.f32 v0, v55  }
0x2d4: {  	[tilespmem:s13+$0x110] =	vst v0  }
0x2d5: {  	v0 =	vld [tilespmem:$0x5020]  }
0x2d6: {  	v56 =	vld [tilespmem:$0x50A0]  }
0x2d7: {  	v57 =	vld [tilespmem:$0x5120]  }
0x2d8: {  	v58 =	vld [tilespmem:$0x51A0]  }
0x2d9: {  	v59 =	vld [tilespmem:$0x5220]  }
0x2da: {  	v60 =	vld [tilespmem:$0x52A0]  }
0x2db: {  	v61 =	vld [tilespmem:$0x5320];
	v0 =	vmax.f32 v0, v56  }
0x2dc: {  	v62 =	vld [tilespmem:$0x53A0];
	v0 =	vmax.f32 v0, v57  }
0x2dd: {  	v63 =	vld [tilespmem:$0x5420];
	v0 =	vmax.f32 v0, v58  }
0x2de: {  	v8 =	vld [tilespmem:$0x54A0];
	v0 =	vmax.f32 v0, v59  }
0x2df: {  	v9 =	vld [tilespmem:$0x5520];
	v0 =	vmax.f32 v0, v60  }
0x2e0: {  	v10 =	vld [tilespmem:$0x55A0];
	v0 =	vmax.f32 v0, v61  }
0x2e1: {  	v11 =	vld [tilespmem:$0x5620];
	v0 =	vmax.f32 v0, v62  }
0x2e2: {  	v12 =	vld [tilespmem:$0x56A0];
	v0 =	vmax.f32 v0, v63  }
0x2e3: {  	v13 =	vld [tilespmem:$0x5720];
	v0 =	vmax.f32 v0, v8  }
0x2e4: {  	v14 =	vld [tilespmem:$0x57A0];
	v0 =	vmax.f32 v0, v9  }
0x2e5: {  	v0 =	vmax.f32 v0, v10  }
0x2e6: {  	v0 =	vmax.f32 v0, v11  }
0x2e7: {  	v0 =	vmax.f32 v0, v12  }
0x2e8: {  	v0 =	vmax.f32 v0, v13  }
0x2e9: {  	v0 =	vmax.f32 v0, v14  }
0x2ea: {  	[tilespmem:s13+$0x120] =	vst v0  }
0x2eb: {  	v0 =	vld [tilespmem:$0x5030]  }
0x2ec: {  	v15 =	vld [tilespmem:$0x50B0]  }
0x2ed: {  	v16 =	vld [tilespmem:$0x5130]  }
0x2ee: {  	v17 =	vld [tilespmem:$0x51B0]  }
0x2ef: {  	v18 =	vld [tilespmem:$0x5230]  }
0x2f0: {  	v19 =	vld [tilespmem:$0x52B0]  }
0x2f1: {  	v20 =	vld [tilespmem:$0x5330];
	v0 =	vmax.f32 v0, v15  }
0x2f2: {  	v21 =	vld [tilespmem:$0x53B0];
	v0 =	vmax.f32 v0, v16  }
0x2f3: {  	v22 =	vld [tilespmem:$0x5430];
	v0 =	vmax.f32 v0, v17  }
0x2f4: {  	v23 =	vld [tilespmem:$0x54B0];
	v0 =	vmax.f32 v0, v18  }
0x2f5: {  	v24 =	vld [tilespmem:$0x5530];
	v0 =	vmax.f32 v0, v19  }
0x2f6: {  	v25 =	vld [tilespmem:$0x55B0];
	v0 =	vmax.f32 v0, v20  }
0x2f7: {  	v26 =	vld [tilespmem:$0x5630];
	v0 =	vmax.f32 v0, v21  }
0x2f8: {  	v27 =	vld [tilespmem:$0x56B0];
	v0 =	vmax.f32 v0, v22  }
0x2f9: {  	v28 =	vld [tilespmem:$0x5730];
	v0 =	vmax.f32 v0, v23  }
0x2fa: {  	v29 =	vld [tilespmem:$0x57B0];
	v0 =	vmax.f32 v0, v24  }
0x2fb: {  	v0 =	vmax.f32 v0, v25  }
0x2fc: {  	v0 =	vmax.f32 v0, v26  }
0x2fd: {  	v0 =	vmax.f32 v0, v27  }
0x2fe: {  	v0 =	vmax.f32 v0, v28  }
0x2ff: {  	v0 =	vmax.f32 v0, v29  }
0x300: {  	[tilespmem:s13+$0x130] =	vst v0  }
0x301: {  	v0 =	vld [tilespmem:$0x5040]  }
0x302: {  	v30 =	vld [tilespmem:$0x50C0]  }
0x303: {  	v31 =	vld [tilespmem:$0x5140]  }
0x304: {  	v32 =	vld [tilespmem:$0x51C0]  }
0x305: {  	v33 =	vld [tilespmem:$0x5240]  }
0x306: {  	v34 =	vld [tilespmem:$0x52C0]  }
0x307: {  	v35 =	vld [tilespmem:$0x5340];
	v0 =	vmax.f32 v0, v30  }
0x308: {  	v36 =	vld [tilespmem:$0x53C0];
	v0 =	vmax.f32 v0, v31  }
0x309: {  	v37 =	vld [tilespmem:$0x5440];
	v0 =	vmax.f32 v0, v32  }
0x30a: {  	v38 =	vld [tilespmem:$0x54C0];
	v0 =	vmax.f32 v0, v33  }
0x30b: {  	v39 =	vld [tilespmem:$0x5540];
	v0 =	vmax.f32 v0, v34  }
0x30c: {  	v40 =	vld [tilespmem:$0x55C0];
	v0 =	vmax.f32 v0, v35  }
0x30d: {  	v41 =	vld [tilespmem:$0x5640];
	v0 =	vmax.f32 v0, v36  }
0x30e: {  	v42 =	vld [tilespmem:$0x56C0];
	v0 =	vmax.f32 v0, v37  }
0x30f: {  	v43 =	vld [tilespmem:$0x5740];
	v0 =	vmax.f32 v0, v38  }
0x310: {  	v44 =	vld [tilespmem:$0x57C0];
	v0 =	vmax.f32 v0, v39  }
0x311: {  	v0 =	vmax.f32 v0, v40  }
0x312: {  	v0 =	vmax.f32 v0, v41  }
0x313: {  	v0 =	vmax.f32 v0, v42  }
0x314: {  	v0 =	vmax.f32 v0, v43  }
0x315: {  	v0 =	vmax.f32 v0, v44  }
0x316: {  	[tilespmem:s13+$0x140] =	vst v0  }
0x317: {  	v0 =	vld [tilespmem:$0x5800]  }
0x318: {  	v45 =	vld [tilespmem:$0x5880]  }
0x319: {  	v46 =	vld [tilespmem:$0x5900]  }
0x31a: {  	v47 =	vld [tilespmem:$0x5980]  }
0x31b: {  	v48 =	vld [tilespmem:$0x5A00]  }
0x31c: {  	v49 =	vld [tilespmem:$0x5A80]  }
0x31d: {  	v50 =	vld [tilespmem:$0x5B00];
	v0 =	vmax.f32 v0, v45  }
0x31e: {  	v51 =	vld [tilespmem:$0x5B80];
	v0 =	vmax.f32 v0, v46  }
0x31f: {  	v52 =	vld [tilespmem:$0x5C00];
	v0 =	vmax.f32 v0, v47  }
0x320: {  	v53 =	vld [tilespmem:$0x5C80];
	v0 =	vmax.f32 v0, v48  }
0x321: {  	v54 =	vld [tilespmem:$0x5D00];
	v0 =	vmax.f32 v0, v49  }
0x322: {  	v55 =	vld [tilespmem:$0x5D80];
	v0 =	vmax.f32 v0, v50  }
0x323: {  	v56 =	vld [tilespmem:$0x5E00];
	v0 =	vmax.f32 v0, v51  }
0x324: {  	v57 =	vld [tilespmem:$0x5E80];
	v0 =	vmax.f32 v0, v52  }
0x325: {  	v58 =	vld [tilespmem:$0x5F00];
	v0 =	vmax.f32 v0, v53  }
0x326: {  	v59 =	vld [tilespmem:$0x5F80];
	v0 =	vmax.f32 v0, v54  }
0x327: {  	v0 =	vmax.f32 v0, v55  }
0x328: {  	v0 =	vmax.f32 v0, v56  }
0x329: {  	v0 =	vmax.f32 v0, v57  }
0x32a: {  	v0 =	vmax.f32 v0, v58  }
0x32b: {  	v0 =	vmax.f32 v0, v59  }
0x32c: {  	[tilespmem:s13+$0x180] =	vst v0  }
0x32d: {  	v0 =	vld [tilespmem:$0x5810]  }
0x32e: {  	v60 =	vld [tilespmem:$0x5890]  }
0x32f: {  	v61 =	vld [tilespmem:$0x5910]  }
0x330: {  	v62 =	vld [tilespmem:$0x5990]  }
0x331: {  	v63 =	vld [tilespmem:$0x5A10]  }
0x332: {  	v8 =	vld [tilespmem:$0x5A90]  }
0x333: {  	v9 =	vld [tilespmem:$0x5B10];
	v0 =	vmax.f32 v0, v60  }
0x334: {  	v10 =	vld [tilespmem:$0x5B90];
	v0 =	vmax.f32 v0, v61  }
0x335: {  	v11 =	vld [tilespmem:$0x5C10];
	v0 =	vmax.f32 v0, v62  }
0x336: {  	v12 =	vld [tilespmem:$0x5C90];
	v0 =	vmax.f32 v0, v63  }
0x337: {  	v13 =	vld [tilespmem:$0x5D10];
	v0 =	vmax.f32 v0, v8  }
0x338: {  	v14 =	vld [tilespmem:$0x5D90];
	v0 =	vmax.f32 v0, v9  }
0x339: {  	v15 =	vld [tilespmem:$0x5E10];
	v0 =	vmax.f32 v0, v10  }
0x33a: {  	v16 =	vld [tilespmem:$0x5E90];
	v0 =	vmax.f32 v0, v11  }
0x33b: {  	v17 =	vld [tilespmem:$0x5F10];
	v0 =	vmax.f32 v0, v12  }
0x33c: {  	v18 =	vld [tilespmem:$0x5F90];
	v0 =	vmax.f32 v0, v13  }
0x33d: {  	v0 =	vmax.f32 v0, v14  }
0x33e: {  	v0 =	vmax.f32 v0, v15  }
0x33f: {  	v0 =	vmax.f32 v0, v16  }
0x340: {  	v0 =	vmax.f32 v0, v17  }
0x341: {  	v0 =	vmax.f32 v0, v18  }
0x342: {  	[tilespmem:s13+$0x190] =	vst v0  }
0x343: {  	v0 =	vld [tilespmem:$0x5820]  }
0x344: {  	v19 =	vld [tilespmem:$0x58A0]  }
0x345: {  	v20 =	vld [tilespmem:$0x5920]  }
0x346: {  	v21 =	vld [tilespmem:$0x59A0]  }
0x347: {  	v22 =	vld [tilespmem:$0x5A20]  }
0x348: {  	v23 =	vld [tilespmem:$0x5AA0]  }
0x349: {  	v24 =	vld [tilespmem:$0x5B20];
	v0 =	vmax.f32 v0, v19  }
0x34a: {  	v25 =	vld [tilespmem:$0x5BA0];
	v0 =	vmax.f32 v0, v20  }
0x34b: {  	v26 =	vld [tilespmem:$0x5C20];
	v0 =	vmax.f32 v0, v21  }
0x34c: {  	v27 =	vld [tilespmem:$0x5CA0];
	v0 =	vmax.f32 v0, v22  }
0x34d: {  	v28 =	vld [tilespmem:$0x5D20];
	v0 =	vmax.f32 v0, v23  }
0x34e: {  	v29 =	vld [tilespmem:$0x5DA0];
	v0 =	vmax.f32 v0, v24  }
0x34f: {  	v30 =	vld [tilespmem:$0x5E20];
	v0 =	vmax.f32 v0, v25  }
0x350: {  	v31 =	vld [tilespmem:$0x5EA0];
	v0 =	vmax.f32 v0, v26  }
0x351: {  	v32 =	vld [tilespmem:$0x5F20];
	v0 =	vmax.f32 v0, v27  }
0x352: {  	v33 =	vld [tilespmem:$0x5FA0];
	v0 =	vmax.f32 v0, v28  }
0x353: {  	v0 =	vmax.f32 v0, v29  }
0x354: {  	v0 =	vmax.f32 v0, v30  }
0x355: {  	v0 =	vmax.f32 v0, v31  }
0x356: {  	v0 =	vmax.f32 v0, v32  }
0x357: {  	v0 =	vmax.f32 v0, v33  }
0x358: {  	[tilespmem:s13+$0x1A0] =	vst v0  }
0x359: {  	v0 =	vld [tilespmem:$0x5830]  }
0x35a: {  	v34 =	vld [tilespmem:$0x58B0]  }
0x35b: {  	v35 =	vld [tilespmem:$0x5930]  }
0x35c: {  	v36 =	vld [tilespmem:$0x59B0]  }
0x35d: {  	v37 =	vld [tilespmem:$0x5A30]  }
0x35e: {  	v38 =	vld [tilespmem:$0x5AB0]  }
0x35f: {  	v39 =	vld [tilespmem:$0x5B30];
	v0 =	vmax.f32 v0, v34  }
0x360: {  	v40 =	vld [tilespmem:$0x5BB0];
	v0 =	vmax.f32 v0, v35  }
0x361: {  	v41 =	vld [tilespmem:$0x5C30];
	v0 =	vmax.f32 v0, v36  }
0x362: {  	v42 =	vld [tilespmem:$0x5CB0];
	v0 =	vmax.f32 v0, v37  }
0x363: {  	v43 =	vld [tilespmem:$0x5D30];
	v0 =	vmax.f32 v0, v38  }
0x364: {  	v44 =	vld [tilespmem:$0x5DB0];
	v0 =	vmax.f32 v0, v39  }
0x365: {  	v45 =	vld [tilespmem:$0x5E30];
	v0 =	vmax.f32 v0, v40  }
0x366: {  	v46 =	vld [tilespmem:$0x5EB0];
	v0 =	vmax.f32 v0, v41  }
0x367: {  	v47 =	vld [tilespmem:$0x5F30];
	v0 =	vmax.f32 v0, v42  }
0x368: {  	v48 =	vld [tilespmem:$0x5FB0];
	v0 =	vmax.f32 v0, v43  }
0x369: {  	v0 =	vmax.f32 v0, v44  }
0x36a: {  	v0 =	vmax.f32 v0, v45  }
0x36b: {  	v0 =	vmax.f32 v0, v46  }
0x36c: {  	v0 =	vmax.f32 v0, v47  }
0x36d: {  	v0 =	vmax.f32 v0, v48  }
0x36e: {  	[tilespmem:s13+$0x1B0] =	vst v0  }
0x36f: {  	v0 =	vld [tilespmem:$0x5840]  }
0x370: {  	v49 =	vld [tilespmem:$0x58C0]  }
0x371: {  	v50 =	vld [tilespmem:$0x5940]  }
0x372: {  	v51 =	vld [tilespmem:$0x59C0]  }
0x373: {  	v52 =	vld [tilespmem:$0x5A40]  }
0x374: {  	v53 =	vld [tilespmem:$0x5AC0]  }
0x375: {  	v54 =	vld [tilespmem:$0x5B40];
	v0 =	vmax.f32 v0, v49  }
0x376: {  	v55 =	vld [tilespmem:$0x5BC0];
	v0 =	vmax.f32 v0, v50  }
0x377: {  	v56 =	vld [tilespmem:$0x5C40];
	v0 =	vmax.f32 v0, v51  }
0x378: {  	v57 =	vld [tilespmem:$0x5CC0];
	v0 =	vmax.f32 v0, v52  }
0x379: {  	v58 =	vld [tilespmem:$0x5D40];
	v0 =	vmax.f32 v0, v53  }
0x37a: {  	v59 =	vld [tilespmem:$0x5DC0];
	v0 =	vmax.f32 v0, v54  }
0x37b: {  	v60 =	vld [tilespmem:$0x5E40];
	v0 =	vmax.f32 v0, v55  }
0x37c: {  	v61 =	vld [tilespmem:$0x5EC0];
	v0 =	vmax.f32 v0, v56  }
0x37d: {  	v62 =	vld [tilespmem:$0x5F40];
	v0 =	vmax.f32 v0, v57  }
0x37e: {  	v63 =	vld [tilespmem:$0x5FC0];
	v0 =	vmax.f32 v0, v58  }
0x37f: {  	p0 =	sne.s32 s14, $0x7E00;
	v0 =	vmax.f32 v0, v59  }
.Ltmp0:
0x380: {  	v0 =	vmax.f32 v0, v60;
	(pc) =	sbr.rel @p0 .LBB2_2-.Ltmp0, $4  }
0x381: {  	v0 =	vmax.f32 v0, v61  }
0x382: {  	v0 =	vmax.f32 v0, v62  }
0x383: {  	v0 =	vmax.f32 v0, v63  }
0x384: {  	s14 =	sadd.s32 $0x200, s14;
	[tilespmem:s13+$0x1C0] =	vst v0;
	s13 =	sadd.s32 $0x400, s13  }
0x385: {  	s12 =	sadd.s32 $0x1, s12  }
0x386: {  	p0 =	sne.s32 s12, s6  }
.Ltmp1:
0x387: {  	_ = 	snop;
	(pc) =	sbr.rel @p0 .LBB2_1-.Ltmp1, $4  }
0x388: {  	[hbm4b:s5+s2] =	stream.linear.scatter [tilespmem:s11], [sflag:$0x2], $0x10000, $0x38;
	[tilespmem:$0x16000] =	vst v63  }
0x389: {  	_ =	swait.ge [sflag:s7], $0x10000  }
0x38a: {  	[sflag:s7] =	ssyncset.done $0x0  }
0x38b: {  	[sflag:s7] =	ssyncadd.s32 $0xFFFF0000  }
0x38c: {  	_ =	sfence.sel $0x180000  }
0x38d: {  	[bflag:$0x0] =	sbarrier.arrive $0xFFFF  }
0x38e: {  	p0 =	sne.s32 s1, $0x0;
	_ =	strace $0x90000047  }
0x38f: {  	s0 =	sadd.s32 @!p0 $0x100000, s0;
	[bflag:$0x2] =	sbarrier.arrive $0xFFFF  }
0x390: {  	[sflag:s0] =	ssyncadd.tile.s32 @!p0 $0x1;
	_ =	shalt  }
.Lfunc_end2:
_tile_overlayer_lowered:
.L_overlay_start_2:
0x391: {  	(tag) =	ssettag $0x2  }
0x392: {  	s0 =	rddreg [dreg:$0x0];
	s2 =	stileid.u32  }
0x393: {  	s1 =	rddreg [dreg:$0x1];
	p0 =	sne.s32 s2, $0x0  }
0x394: {  	s3 =	rddreg [dreg:$0x2];
	[bflag:$0x3] =	sbarrier.arrive $0xFFFF;
	s2 =	simm.s32 @!p0 $0x1C02  }
0x395: {  	[timem:s3], [sflag:s2] =	dma.local @!p0 [hbm:s0], s1  }
0x396: {  	s0 =	simm.s32 @!p0 $0x2  }
0x397: {  	_ =	swait.ge @!p0 [sflag:s0], s1  }
0x398: {  	s1 =	ssub.s32 @!p0 $0x0, s1;
	[sflag:s0] =	ssyncset.done @!p0 $0x0  }
0x399: {  	[sflag:s0] =	ssyncadd.s32 @!p0 s1  }
0x39a: {  	[bflag:$0x3] =	sbarrier.arrive $0xFFFF  }
0x39b: {  	_ =	shalt  }

</sc_bundles>
